<compile_context>
chip_gen: v7x
topology: tpu7x:2x2x1
jax: 0.10.2.dev20260603
libtpu: 0.0.44.dev20260713+nightly
codegen_flags: <defaults>
</compile_context>

<pallas_src>
import jax
import jax.numpy as jnp
from jax import lax
from jax.experimental import pallas as pl
from jax.experimental.pallas import tpu as pltpu
from jax.experimental.pallas import tpu_sc as plsc

N_NODES = 10000
N_EDGES = 320000
D_FEAT = 128
EMBED_DIM = 128
NUM_CLASSES = 40
BATCH = 1024

NC = 2
NS = 16
NW = NC * NS
EPW = N_EDGES // NW
NSEG = 5
SEGE = EPW // NSEG
SVECS = SEGE // 16
CHUNK = 128
PROWS = SEGE // CHUNK + 2
ACC_ROWS = BATCH + CHUNK
ZROWS = ACC_ROWS // NS
XROWS = 632
XTAIL = N_NODES - (NS - 1) * XROWS
DROWS = 8
DCOLS = 128
BPS = BATCH // NS
PACK = 2048


def _sc_body(x_hbm, src_hbm, dst_hbm, nodes_hbm, mneg_hbm, zacc_hbm,
             zdeg_hbm, accpos_hbm, degpos_hbm, xg_hbm,
             map_v, nodes_v, dst_v, src_v, pair_v, rows_v, srcidx_v,
             slotidx_v, deg_v, degtmp_v, degfin_v, degall_v, slotsel_v,
             degsel_v, x_sh, acc_sh, degstage_sh, degfinal_sh, dsem):
    c = lax.axis_index("c")
    s = lax.axis_index("s")
    w = s * NC + c
    iota16 = lax.iota(jnp.int32, 16)

    pltpu.sync_copy(nodes_hbm, nodes_v)
    pltpu.sync_copy(mneg_hbm, map_v)
    pltpu.sync_copy(zdeg_hbm, deg_v)

    pltpu.sync_copy(zacc_hbm.at[pl.ds(s * ZROWS, ZROWS)],
                    acc_sh.at[pl.ds(s * ZROWS, ZROWS)])
    @pl.when(s < NS - 1)
    def _xstage():
        pltpu.sync_copy(x_hbm.at[pl.ds(s * XROWS, XROWS)],
                        x_sh.at[pl.ds(s * XROWS, XROWS)])

    @pl.when(s == NS - 1)
    def _xstage_tail():
        pltpu.sync_copy(x_hbm.at[pl.ds((NS - 1) * XROWS, XTAIL)],
                        x_sh.at[pl.ds((NS - 1) * XROWS, XTAIL)])

    def _mapbuild(i, carry):
        nd = nodes_v[pl.ds(i * 16, 16)]
        plsc.store_scatter(map_v, [nd], i * 16 + iota16)
        return carry

    lax.fori_loop(0, BATCH // 16, _mapbuild, 0)

    plsc.subcore_barrier()

    ones16 = jnp.ones((16,), jnp.float32)
    dummy_pair = jnp.full((16,), BATCH, jnp.int32)

    def _chunk(j, carry):
        for k in range(CHUNK // 16):
            pv = pair_v[j, pl.ds(k * 16, 16)]
            srcidx_v[0, pl.ds(k * 16, 16)] = lax.shift_right_logical(pv, 11)
            slotidx_v[0, pl.ds(k * 16, 16)] = lax.bitwise_and(
                pv, PACK - 1)
        pltpu.async_copy(x_sh.at[srcidx_v.at[0]], rows_v, dsem).wait()
        pltpu.sync_copy(rows_v, acc_sh.at[slotidx_v.at[0]], add=True)
        return carry

    tail = jnp.int32(0)
    for seg in range(NSEG):
        base = w * EPW + seg * SEGE
        pltpu.sync_copy(dst_hbm.at[pl.ds(base, SEGE)], dst_v)
        pltpu.sync_copy(src_hbm.at[pl.ds(base, SEGE)], src_v)

        def _scan(i, nvec):
            d = dst_v[pl.ds(i * 16, 16)]
            sv = src_v[pl.ds(i * 16, 16)]
            slot = plsc.load_gather(map_v, [d])
            m = slot >= 0
            plsc.addupdate_scatter(
                deg_v,
                [lax.shift_right_logical(slot, 7),
                 lax.bitwise_and(slot, 127)],
                ones16, mask=m)
            inc = jnp.where(m, 1, 0).astype(jnp.int32)
            pos = nvec + plsc.cumsum(inc) - 1
            r = lax.shift_right_logical(pos, 7)
            cc = lax.bitwise_and(pos, 127)
            plsc.store_scatter(pair_v, [r, cc], sv * PACK + slot, mask=m)
            return nvec + plsc.all_reduce_population_count(m)

        nvec = lax.fori_loop(
            0, SVECS, _scan, jnp.full((16,), tail, jnp.int32))
        n_valid = jnp.max(nvec)

        nfull = lax.shift_right_logical(n_valid, 7)
        lax.fori_loop(0, nfull, _chunk, 0)
        tail = lax.bitwise_and(n_valid, 127)

        @pl.when(nfull > 0)
        def _movetail():
            for k in range(CHUNK // 16):
                pv = pair_v[nfull, pl.ds(k * 16, 16)]
                pair_v[0, pl.ds(k * 16, 16)] = pv

    for k in range(CHUNK // 16):
        p = tail + k * 16 + iota16
        r = lax.shift_right_logical(p, 7)
        cc = lax.bitwise_and(p, 127)
        plsc.store_scatter(pair_v, [r, cc], dummy_pair)

    @pl.when(tail > 0)
    def _lastchunk():
        _chunk(0, 0)

    pltpu.sync_copy(deg_v, degstage_sh.at[s])

    pltpu.async_copy(
        x_sh.at[nodes_v.at[pl.ds(w * 32, 32)]],
        rows_v.at[pl.ds(0, 32)], dsem).wait()
    pltpu.sync_copy(rows_v.at[pl.ds(0, 32)], xg_hbm.at[pl.ds(w * 32, 32)])

    plsc.subcore_barrier()

    r0 = lax.shift_right_logical(s, 1)
    cb = lax.bitwise_and(s, 1) * 64
    pltpu.sync_copy(degstage_sh.at[:, r0, :], degtmp_v)

    def _red(t, a):
        return (a[0] + degtmp_v[t, pl.ds(cb, 16)],
                a[1] + degtmp_v[t, pl.ds(cb + 16, 16)],
                a[2] + degtmp_v[t, pl.ds(cb + 32, 16)],
                a[3] + degtmp_v[t, pl.ds(cb + 48, 16)])

    z16 = jnp.zeros((16,), jnp.float32)
    a = lax.fori_loop(0, NS, _red, (z16, z16, z16, z16))
    for k in range(4):
        degfin_v[pl.ds(k * 16, 16)] = a[k]
    pltpu.sync_copy(degfin_v, degfinal_sh.at[r0, pl.ds(cb, 64)])

    plsc.subcore_barrier()

    pltpu.sync_copy(degfinal_sh, degall_v)

    def _slots(k, carry):
        nd = nodes_v[pl.ds(s * BPS + k * 16, 16)]
        sl = plsc.load_gather(map_v, [nd])
        slotsel_v[pl.ds(k * 16, 16)] = sl
        degsel_v[pl.ds(k * 16, 16)] = plsc.load_gather(
            degall_v,
            [lax.shift_right_logical(sl, 7), lax.bitwise_and(sl, 127)])
        return carry

    lax.fori_loop(0, BPS // 16, _slots, 0)

    pltpu.async_copy(acc_sh.at[slotsel_v], rows_v.at[pl.ds(0, BPS)],
                     dsem).wait()
    pltpu.sync_copy(rows_v.at[pl.ds(0, BPS)],
                    accpos_hbm.at[c, pl.ds(s * BPS, BPS)])
    pltpu.sync_copy(degsel_v, degpos_hbm.at[c, pl.ds(s * BPS, BPS)])


def _sc_stage(x, src, dst, nodes32):
    mneg = jnp.full((N_NODES,), -1, jnp.int32)
    zacc = jnp.zeros((ACC_ROWS, D_FEAT), jnp.float32)
    zdeg = jnp.zeros((DROWS, DCOLS), jnp.float32)
    mesh = plsc.VectorSubcoreMesh(
        core_axis_name="c", subcore_axis_name="s",
        num_cores=NC, num_subcores=NS)
    return pl.kernel(
        _sc_body,
        out_type=[
            jax.ShapeDtypeStruct((NC, BATCH, D_FEAT), jnp.float32),
            jax.ShapeDtypeStruct((NC, BATCH), jnp.float32),
            jax.ShapeDtypeStruct((BATCH, D_FEAT), jnp.float32),
        ],
        mesh=mesh,
        compiler_params=pltpu.CompilerParams(needs_layout_passes=False),
        scratch_types=[
            pltpu.VMEM((N_NODES,), jnp.int32),
            pltpu.VMEM((BATCH,), jnp.int32),
            pltpu.VMEM((SEGE,), jnp.int32),
            pltpu.VMEM((SEGE,), jnp.int32),
            pltpu.VMEM((PROWS, CHUNK), jnp.int32),
            pltpu.VMEM((CHUNK, D_FEAT), jnp.float32),
            pltpu.VMEM((1, CHUNK), jnp.int32),
            pltpu.VMEM((1, CHUNK), jnp.int32),
            pltpu.VMEM((DROWS, DCOLS), jnp.float32),
            pltpu.VMEM((NS, DCOLS), jnp.float32),
            pltpu.VMEM((64,), jnp.float32),
            pltpu.VMEM((DROWS, DCOLS), jnp.float32),
            pltpu.VMEM((BPS,), jnp.int32),
            pltpu.VMEM((BPS,), jnp.float32),
            pltpu.VMEM_SHARED((N_NODES, D_FEAT), jnp.float32),
            pltpu.VMEM_SHARED((ACC_ROWS, D_FEAT), jnp.float32),
            pltpu.VMEM_SHARED((NS, DROWS, DCOLS), jnp.float32),
            pltpu.VMEM_SHARED((DROWS, DCOLS), jnp.float32),
            pltpu.SemaphoreType.DMA,
        ],
    )(x, src, dst, nodes32, mneg, zacc, zdeg)


def _tc_body(accpos_ref, degpos_ref, xg_ref, wenc_ref, wcls_ref, b_ref,
             out_ref):
    acc = accpos_ref[0] + accpos_ref[1]
    deg = degpos_ref[0] + degpos_ref[1]
    neigh = acc / jnp.maximum(deg, 1.0)[:, None]
    w_self = wenc_ref[:, :D_FEAT]
    w_neigh = wenc_ref[:, D_FEAT:]
    dn = (((1,), (1,)), ((), ()))
    h = lax.dot_general(xg_ref[...], w_self, dn,
                        preferred_element_type=jnp.float32)
    h += lax.dot_general(neigh, w_neigh, dn,
                         preferred_element_type=jnp.float32)
    h = jnp.maximum(h, 0.0)
    out_ref[...] = lax.dot_general(h, wcls_ref[...], dn,
                                   preferred_element_type=jnp.float32) + b_ref[...]


def _tc_stage(accpos, degpos, xg, W_enc, W_cls, b2):
    return pl.pallas_call(
        _tc_body,
        out_shape=jax.ShapeDtypeStruct((BATCH, NUM_CLASSES), jnp.float32),
    )(accpos, degpos, xg, W_enc, W_cls, b2)


def kernel(x, edge_index, nodes, W_enc, W_cls, b_cls):
    src = edge_index[0].astype(jnp.int32)
    dst = edge_index[1].astype(jnp.int32)
    nodes32 = nodes.astype(jnp.int32)
    accpos, degpos, xg = _sc_stage(x, src, dst, nodes32)
    b2 = b_cls.reshape(1, NUM_CLASSES)
    return _tc_stage(accpos, degpos, xg, W_enc, W_cls, b2)

# --- scband reference (transcript-rebuilt; emitter-appended) ---
"""Pipeline reference for scband-supervised-graph-sage-49598282334815 (READ-ONLY COPY).

The authoritative reference and input builder live on the scoring server;
editing this copy changes nothing except your own understanding.
"""

import jax, jax.numpy as jnp
import numpy as np

N_NODES = 10000
N_EDGES = 320000
D_FEAT = 128
EMBED_DIM = 128
NUM_CLASSES = 40
BATCH = 1024


def setup_inputs(seed: int = 0) -> dict:
    key = jax.random.key(seed)
    k1, k2, k3, k4, k5 = jax.random.split(key, 5)
    x = jax.random.normal(k1, (N_NODES, D_FEAT), dtype=jnp.float32)
    edge_index = jax.random.randint(k2, (2, N_EDGES), 0, N_NODES, dtype=jnp.int64)
    nodes = jax.random.randint(k3, (BATCH,), 0, N_NODES, dtype=jnp.int64)
    # GraphSAGE mean-aggregator encoder weight: maps concat(self, neigh_mean) -> embed
    W_enc = jax.random.normal(k4, (EMBED_DIM, 2 * D_FEAT), dtype=jnp.float32) * (1.0 / np.sqrt(2 * D_FEAT))
    # Final classification head (nn.Linear(embed_dim, num_classes))
    W_cls = jax.random.normal(k5, (NUM_CLASSES, EMBED_DIM), dtype=jnp.float32) * (1.0 / np.sqrt(EMBED_DIM))
    b_cls = jnp.zeros((NUM_CLASSES,), dtype=jnp.float32)
    return {"x": x, "edge_index": edge_index, "nodes": nodes, "W_enc": W_enc, "W_cls": W_cls, "b_cls": b_cls}


def reference(x, edge_index, nodes, W_enc, W_cls, b_cls):
    n = x.shape[0]
    src = edge_index[0]
    dst = edge_index[1]
    # mean aggregation of neighbor features onto dst nodes (scatter-add + degree normalize)
    gathered = jnp.take(x, src, axis=0)                      # [E, d] gather
    neigh_sum = jax.ops.segment_sum(gathered, dst, num_segments=n)  # [N, d] scatter-add
    deg = jax.ops.segment_sum(jnp.ones((src.shape[0],), dtype=jnp.float32), dst, num_segments=n)
    neigh_mean = neigh_sum / jnp.maximum(deg, 1.0)[:, None]
    # enc: embeds = ReLU(W_enc @ concat(self, neigh_mean))
    combined = jnp.concatenate([x, neigh_mean], axis=1)      # [N, 2d]
    h = jax.nn.relu(combined @ W_enc.T)                      # [N, embed_dim]
    embeds = jnp.take(h, nodes, axis=0)                      # [B, embed_dim] gather
    # self.weight(embeds)
    logits = embeds @ W_cls.T + b_cls                        # [B, num_classes]
    return logits

if __name__ == "__main__":
    import jax
    _d = setup_inputs()
    print(jax.jit(kernel)(*tuple(_d.values())))

</pallas_src>

<mosaic_0001>
#map = affine_map<(d0, d1) -> (0, 0)>
#map1 = affine_map<(d0, d1) -> (0)>
#map2 = affine_map<(d0, d1) -> (0, 0, 0)>
module attributes {stable_mosaic.version = 14 : i64} {
  func.func @_sc_body(%arg0: i32, %arg1: i32, %arg2: memref<10000x128xf32, #tpu.memory_space<hbm>>, %arg3: memref<320000xi32, #tpu.memory_space<hbm>>, %arg4: memref<320000xi32, #tpu.memory_space<hbm>>, %arg5: memref<1024xi32, #tpu.memory_space<hbm>>, %arg6: memref<10000xi32, #tpu.memory_space<hbm>>, %arg7: memref<1152x128xf32, #tpu.memory_space<hbm>>, %arg8: memref<8x128xf32, #tpu.memory_space<hbm>>, %arg9: memref<2x1024x128xf32, #tpu.memory_space<hbm>>, %arg10: memref<2x1024xf32, #tpu.memory_space<hbm>>, %arg11: memref<1024x128xf32, #tpu.memory_space<hbm>>, %arg12: memref<10000xi32, #tpu.memory_space<vmem>>, %arg13: memref<1024xi32, #tpu.memory_space<vmem>>, %arg14: memref<2000xi32, #tpu.memory_space<vmem>>, %arg15: memref<2000xi32, #tpu.memory_space<vmem>>, %arg16: memref<17x128xi32, #tpu.memory_space<vmem>>, %arg17: memref<128x128xf32, #tpu.memory_space<vmem>>, %arg18: memref<1x128xi32, #tpu.memory_space<vmem>>, %arg19: memref<1x128xi32, #tpu.memory_space<vmem>>, %arg20: memref<8x128xf32, #tpu.memory_space<vmem>>, %arg21: memref<16x128xf32, #tpu.memory_space<vmem>>, %arg22: memref<64xf32, #tpu.memory_space<vmem>>, %arg23: memref<8x128xf32, #tpu.memory_space<vmem>>, %arg24: memref<64xi32, #tpu.memory_space<vmem>>, %arg25: memref<64xf32, #tpu.memory_space<vmem>>, %arg26: memref<10000x128xf32, #tpu.memory_space<vmem_shared>>, %arg27: memref<1152x128xf32, #tpu.memory_space<vmem_shared>>, %arg28: memref<16x8x128xf32, #tpu.memory_space<vmem_shared>>, %arg29: memref<8x128xf32, #tpu.memory_space<vmem_shared>>, %arg30: memref<!tpu.dma_semaphore, #tpu.memory_space<semaphore_mem>>) attributes {dimension_semantics = [#tpu.dimension_semantics<core_parallel>, #tpu.dimension_semantics<subcore_parallel>], iteration_bounds = array<i64: 2, 16>, scalar_prefetch = 0 : i64, scratch_operands = 19 : i64, tpu.core_type = #tpu.core_type<sc_vector_subcore>, window_params = [{transform_indices = #map}, {transform_indices = #map1}, {transform_indices = #map1}, {transform_indices = #map1}, {transform_indices = #map1}, {transform_indices = #map}, {transform_indices = #map}, {transform_indices = #map2}, {transform_indices = #map}, {transform_indices = #map}]} {
    %mul3A = arith.constant 2 : i32
    %mul3A_0 = arith.muli %arg1, %mul3A : i32
    %add3A = arith.addi %mul3A_0, %arg0 : i32
    %iota3A = tpu.iota {dimensions = array<i32: 0>} : vector<16xi32>
    "tpu.region"() ({
      %run_scoped3A = tpu.sem_alloc : memref<!tpu.dma_semaphore, #tpu.memory_space<semaphore_mem>>
      tpu.enqueue_dma source(%arg5 : memref<1024xi32, #tpu.memory_space<hbm>>) target(%arg13 : memref<1024xi32, #tpu.memory_space<vmem>>) target_semaphore(%run_scoped3A : memref<!tpu.dma_semaphore, #tpu.memory_space<semaphore_mem>>)
      tpu.wait_dma2 semaphore(%run_scoped3A : memref<!tpu.dma_semaphore, #tpu.memory_space<semaphore_mem>>) src(%arg5 : memref<1024xi32, #tpu.memory_space<hbm>>) dst(%arg13 : memref<1024xi32, #tpu.memory_space<vmem>>)
      tpu.yield
    }) : () -> ()
    "tpu.region"() ({
      %run_scoped3A = tpu.sem_alloc : memref<!tpu.dma_semaphore, #tpu.memory_space<semaphore_mem>>
      tpu.enqueue_dma source(%arg6 : memref<10000xi32, #tpu.memory_space<hbm>>) target(%arg12 : memref<10000xi32, #tpu.memory_space<vmem>>) target_semaphore(%run_scoped3A : memref<!tpu.dma_semaphore, #tpu.memory_space<semaphore_mem>>)
      tpu.wait_dma2 semaphore(%run_scoped3A : memref<!tpu.dma_semaphore, #tpu.memory_space<semaphore_mem>>) src(%arg6 : memref<10000xi32, #tpu.memory_space<hbm>>) dst(%arg12 : memref<10000xi32, #tpu.memory_space<vmem>>)
      tpu.yield
    }) : () -> ()
    "tpu.region"() ({
      %run_scoped3A = tpu.sem_alloc : memref<!tpu.dma_semaphore, #tpu.memory_space<semaphore_mem>>
      tpu.enqueue_dma source(%arg8 : memref<8x128xf32, #tpu.memory_space<hbm>>) target(%arg20 : memref<8x128xf32, #tpu.memory_space<vmem>>) target_semaphore(%run_scoped3A : memref<!tpu.dma_semaphore, #tpu.memory_space<semaphore_mem>>)
      tpu.wait_dma2 semaphore(%run_scoped3A : memref<!tpu.dma_semaphore, #tpu.memory_space<semaphore_mem>>) src(%arg8 : memref<8x128xf32, #tpu.memory_space<hbm>>) dst(%arg20 : memref<8x128xf32, #tpu.memory_space<vmem>>)
      tpu.yield
    }) : () -> ()
    %mul3A_1 = arith.constant 72 : i32
    %mul3A_2 = arith.muli %arg1, %mul3A_1 : i32
    %mul3A_3 = arith.constant 72 : i32
    %mul3A_4 = arith.muli %arg1, %mul3A_3 : i32
    "tpu.region"() ({
      %run_scoped3A = tpu.sem_alloc : memref<!tpu.dma_semaphore, #tpu.memory_space<semaphore_mem>>
      %dma_start3A_351 = arith.constant 0 : i32
      %dma_start3A_352 = tpu.memref_slice %arg27[%mul3A_4, %dma_start3A_351] : memref<1152x128xf32, #tpu.memory_space<vmem_shared>> -> memref<72x128xf32, #tpu.memory_space<vmem_shared>>
      %dma_start3A_353 = arith.constant 0 : i32
      %dma_start3A_354 = tpu.memref_slice %arg7[%mul3A_2, %dma_start3A_353] : memref<1152x128xf32, #tpu.memory_space<hbm>> -> memref<72x128xf32, #tpu.memory_space<hbm>>
      tpu.enqueue_dma source(%dma_start3A_354 : memref<72x128xf32, #tpu.memory_space<hbm>>) target(%dma_start3A_352 : memref<72x128xf32, #tpu.memory_space<vmem_shared>>) target_semaphore(%run_scoped3A : memref<!tpu.dma_semaphore, #tpu.memory_space<semaphore_mem>>)
      %dma_wait3A_355 = arith.constant 0 : i32
      %dma_wait3A_356 = tpu.memref_slice %arg27[%mul3A_4, %dma_wait3A_355] : memref<1152x128xf32, #tpu.memory_space<vmem_shared>> -> memref<72x128xf32, #tpu.memory_space<vmem_shared>>
      %dma_wait3A_357 = arith.constant 0 : i32
      %dma_wait3A_358 = tpu.memref_slice %arg7[%mul3A_2, %dma_wait3A_357] : memref<1152x128xf32, #tpu.memory_space<hbm>> -> memref<72x128xf32, #tpu.memory_space<hbm>>
      tpu.wait_dma2 semaphore(%run_scoped3A : memref<!tpu.dma_semaphore, #tpu.memory_space<semaphore_mem>>) src(%dma_wait3A_358 : memref<72x128xf32, #tpu.memory_space<hbm>>) dst(%dma_wait3A_356 : memref<72x128xf32, #tpu.memory_space<vmem_shared>>)
      tpu.yield
    }) : () -> ()
    %lt3A = arith.constant 15 : i32
    %lt3A_5 = arith.cmpi slt, %arg1, %lt3A : i32
    %convert_element_type3A = arith.extui %lt3A_5 : i1 to i32
    %cond3A = arith.constant 0 : i32
    %cond3A_6 = arith.cmpi ne, %convert_element_type3A, %cond3A : i32
    scf.if %cond3A_6 {
      %mul3A_351 = arith.constant 632 : i32
      %mul3A_352 = arith.muli %arg1, %mul3A_351 : i32
      %mul3A_353 = arith.constant 632 : i32
      %mul3A_354 = arith.muli %arg1, %mul3A_353 : i32
      "tpu.region"() ({
        %run_scoped3A = tpu.sem_alloc : memref<!tpu.dma_semaphore, #tpu.memory_space<semaphore_mem>>
        %dma_start3A_355 = arith.constant 0 : i32
        %dma_start3A_356 = tpu.memref_slice %arg26[%mul3A_354, %dma_start3A_355] : memref<10000x128xf32, #tpu.memory_space<vmem_shared>> -> memref<632x128xf32, #tpu.memory_space<vmem_shared>>
        %dma_start3A_357 = arith.constant 0 : i32
        %dma_start3A_358 = tpu.memref_slice %arg2[%mul3A_352, %dma_start3A_357] : memref<10000x128xf32, #tpu.memory_space<hbm>> -> memref<632x128xf32, #tpu.memory_space<hbm>>
        tpu.enqueue_dma source(%dma_start3A_358 : memref<632x128xf32, #tpu.memory_space<hbm>>) target(%dma_start3A_356 : memref<632x128xf32, #tpu.memory_space<vmem_shared>>) target_semaphore(%run_scoped3A : memref<!tpu.dma_semaphore, #tpu.memory_space<semaphore_mem>>)
        %dma_wait3A_359 = arith.constant 0 : i32
        %dma_wait3A_360 = tpu.memref_slice %arg26[%mul3A_354, %dma_wait3A_359] : memref<10000x128xf32, #tpu.memory_space<vmem_shared>> -> memref<632x128xf32, #tpu.memory_space<vmem_shared>>
        %dma_wait3A_361 = arith.constant 0 : i32
        %dma_wait3A_362 = tpu.memref_slice %arg2[%mul3A_352, %dma_wait3A_361] : memref<10000x128xf32, #tpu.memory_space<hbm>> -> memref<632x128xf32, #tpu.memory_space<hbm>>
        tpu.wait_dma2 semaphore(%run_scoped3A : memref<!tpu.dma_semaphore, #tpu.memory_space<semaphore_mem>>) src(%dma_wait3A_362 : memref<632x128xf32, #tpu.memory_space<hbm>>) dst(%dma_wait3A_360 : memref<632x128xf32, #tpu.memory_space<vmem_shared>>)
        tpu.yield
      }) : () -> ()
    } else {
    }
    %eq3A = arith.constant 15 : i32
    %eq3A_7 = arith.cmpi eq, %arg1, %eq3A : i32
    %convert_element_type3A_8 = arith.extui %eq3A_7 : i1 to i32
    %cond3A_9 = arith.constant 0 : i32
    %cond3A_10 = arith.cmpi ne, %convert_element_type3A_8, %cond3A_9 : i32
    scf.if %cond3A_10 {
      "tpu.region"() ({
        %run_scoped3A = tpu.sem_alloc : memref<!tpu.dma_semaphore, #tpu.memory_space<semaphore_mem>>
        %dma_start3A_351 = arith.constant 9480 : i32
        %dma_start3A_352 = arith.constant 0 : i32
        %dma_start3A_353 = tpu.memref_slice %arg26[%dma_start3A_351, %dma_start3A_352] : memref<10000x128xf32, #tpu.memory_space<vmem_shared>> -> memref<520x128xf32, #tpu.memory_space<vmem_shared>>
        %dma_start3A_354 = arith.constant 9480 : i32
        %dma_start3A_355 = arith.constant 0 : i32
        %dma_start3A_356 = tpu.memref_slice %arg2[%dma_start3A_354, %dma_start3A_355] : memref<10000x128xf32, #tpu.memory_space<hbm>> -> memref<520x128xf32, #tpu.memory_space<hbm>>
        tpu.enqueue_dma source(%dma_start3A_356 : memref<520x128xf32, #tpu.memory_space<hbm>>) target(%dma_start3A_353 : memref<520x128xf32, #tpu.memory_space<vmem_shared>>) target_semaphore(%run_scoped3A : memref<!tpu.dma_semaphore, #tpu.memory_space<semaphore_mem>>)
        %dma_wait3A_357 = arith.constant 9480 : i32
        %dma_wait3A_358 = arith.constant 0 : i32
        %dma_wait3A_359 = tpu.memref_slice %arg26[%dma_wait3A_357, %dma_wait3A_358] : memref<10000x128xf32, #tpu.memory_space<vmem_shared>> -> memref<520x128xf32, #tpu.memory_space<vmem_shared>>
        %dma_wait3A_360 = arith.constant 9480 : i32
        %dma_wait3A_361 = arith.constant 0 : i32
        %dma_wait3A_362 = tpu.memref_slice %arg2[%dma_wait3A_360, %dma_wait3A_361] : memref<10000x128xf32, #tpu.memory_space<hbm>> -> memref<520x128xf32, #tpu.memory_space<hbm>>
        tpu.wait_dma2 semaphore(%run_scoped3A : memref<!tpu.dma_semaphore, #tpu.memory_space<semaphore_mem>>) src(%dma_wait3A_362 : memref<520x128xf32, #tpu.memory_space<hbm>>) dst(%dma_wait3A_359 : memref<520x128xf32, #tpu.memory_space<vmem_shared>>)
        tpu.yield
      }) : () -> ()
    } else {
    }
    %scan3A = arith.constant 0 : i32
    %scan3A_11 = arith.constant 0 : i32
    %scan3A_12 = arith.constant 64 : i32
    %scan3A_13 = arith.addi %scan3A_11, %scan3A_12 : i32
    %scan3A_14 = arith.constant 1 : i32
    scf.for %scan3A_351 = %scan3A_11 to %scan3A_13 step %scan3A_14  : i32 {
      %mul3A_352 = arith.constant 16 : i32
      %mul3A_353 = arith.muli %scan3A_351, %mul3A_352 : i32
      %get3A = arith.index_cast %mul3A_353 : i32 to index
      %get3A_354 = tpu.vector_load %arg13[%get3A] {strides = array<i32>} : memref<1024xi32, #tpu.memory_space<vmem>>, vector<16xi32>,
      %mul3A_355 = arith.constant 16 : i32
      %mul3A_356 = arith.muli %scan3A_351, %mul3A_355 : i32
      %add3A_357 = vector.broadcast %mul3A_356 : i32 to vector<16xi32>
      %add3A_358 = arith.addi %add3A_357, %iota3A : vector<16xi32>
      tpu.vector_store_idx %arg12[%get3A_354], %add3A_358 : memref<10000xi32, #tpu.memory_space<vmem>>[vector<16xi32>], vector<16xi32>,
    }
    %scan3A_15 = arith.constant 64 : i32
    %barrier3A = arith.constant 0 : index
    tpu.barrier barrier_id(%barrier3A)
    %broadcast_in_dim3A = arith.constant 1.000000e+00 : f32
    %broadcast_in_dim3A_16 = vector.broadcast %broadcast_in_dim3A : f32 to vector<16xf32>
    %broadcast_in_dim3A_17 = arith.constant 1024 : i32
    %broadcast_in_dim3A_18 = vector.broadcast %broadcast_in_dim3A_17 : i32 to vector<16xi32>
    %mul3A_19 = arith.constant 10000 : i32
    %mul3A_20 = arith.muli %add3A, %mul3A_19 : i32
    %add3A_21 = arith.constant 0 : i32
    %add3A_22 = arith.addi %mul3A_20, %add3A_21 : i32
    "tpu.region"() ({
      %run_scoped3A = tpu.sem_alloc : memref<!tpu.dma_semaphore, #tpu.memory_space<semaphore_mem>>
      %dma_start3A_351 = tpu.memref_slice %arg4[%add3A_22] : memref<320000xi32, #tpu.memory_space<hbm>> -> memref<2000xi32, #tpu.memory_space<hbm>>
      %dma_start3A_352 = tpu.memref_slice %arg4[%add3A_22] : memref<320000xi32, #tpu.memory_space<hbm>> -> memref<2000xi32, #tpu.memory_space<hbm>>
      tpu.enqueue_dma source(%dma_start3A_352 : memref<2000xi32, #tpu.memory_space<hbm>>) target(%arg14 : memref<2000xi32, #tpu.memory_space<vmem>>) target_semaphore(%run_scoped3A : memref<!tpu.dma_semaphore, #tpu.memory_space<semaphore_mem>>)
      %dma_wait3A_353 = tpu.memref_slice %arg4[%add3A_22] : memref<320000xi32, #tpu.memory_space<hbm>> -> memref<2000xi32, #tpu.memory_space<hbm>>
      %dma_wait3A_354 = tpu.memref_slice %arg4[%add3A_22] : memref<320000xi32, #tpu.memory_space<hbm>> -> memref<2000xi32, #tpu.memory_space<hbm>>
      tpu.wait_dma2 semaphore(%run_scoped3A : memref<!tpu.dma_semaphore, #tpu.memory_space<semaphore_mem>>) src(%dma_wait3A_354 : memref<2000xi32, #tpu.memory_space<hbm>>) dst(%arg14 : memref<2000xi32, #tpu.memory_space<vmem>>)
      tpu.yield
    }) : () -> ()
    "tpu.region"() ({
      %run_scoped3A = tpu.sem_alloc : memref<!tpu.dma_semaphore, #tpu.memory_space<semaphore_mem>>
      %dma_start3A_351 = tpu.memref_slice %arg3[%add3A_22] : memref<320000xi32, #tpu.memory_space<hbm>> -> memref<2000xi32, #tpu.memory_space<hbm>>
      %dma_start3A_352 = tpu.memref_slice %arg3[%add3A_22] : memref<320000xi32, #tpu.memory_space<hbm>> -> memref<2000xi32, #tpu.memory_space<hbm>>
      tpu.enqueue_dma source(%dma_start3A_352 : memref<2000xi32, #tpu.memory_space<hbm>>) target(%arg15 : memref<2000xi32, #tpu.memory_space<vmem>>) target_semaphore(%run_scoped3A : memref<!tpu.dma_semaphore, #tpu.memory_space<semaphore_mem>>)
      %dma_wait3A_353 = tpu.memref_slice %arg3[%add3A_22] : memref<320000xi32, #tpu.memory_space<hbm>> -> memref<2000xi32, #tpu.memory_space<hbm>>
      %dma_wait3A_354 = tpu.memref_slice %arg3[%add3A_22] : memref<320000xi32, #tpu.memory_space<hbm>> -> memref<2000xi32, #tpu.memory_space<hbm>>
      tpu.wait_dma2 semaphore(%run_scoped3A : memref<!tpu.dma_semaphore, #tpu.memory_space<semaphore_mem>>) src(%dma_wait3A_354 : memref<2000xi32, #tpu.memory_space<hbm>>) dst(%arg15 : memref<2000xi32, #tpu.memory_space<vmem>>)
      tpu.yield
    }) : () -> ()
    %broadcast_in_dim3A_23 = arith.constant 0 : i32
    %broadcast_in_dim3A_24 = vector.broadcast %broadcast_in_dim3A_23 : i32 to vector<16xi32>
    %scan3A_25 = arith.constant 0 : i32
    %scan3A_26 = arith.constant 125 : i32
    %scan3A_27 = arith.addi %scan3A_25, %scan3A_26 : i32
    %scan3A_28 = arith.constant 1 : i32
    %scan3A_29 = scf.for %scan3A_351 = %scan3A_25 to %scan3A_27 step %scan3A_28 iter_args(%scan3A_352 = %broadcast_in_dim3A_24) -> (vector<16xi32>)  : i32 {
      %mul3A_353 = arith.constant 16 : i32
      %mul3A_354 = arith.muli %scan3A_351, %mul3A_353 : i32
      %get3A = arith.index_cast %mul3A_354 : i32 to index
      %get3A_355 = tpu.vector_load %arg14[%get3A] {strides = array<i32>} : memref<2000xi32, #tpu.memory_space<vmem>>, vector<16xi32>,
      %mul3A_356 = arith.constant 16 : i32
      %mul3A_357 = arith.muli %scan3A_351, %mul3A_356 : i32
      %get3A_358 = arith.index_cast %mul3A_357 : i32 to index
      %get3A_359 = tpu.vector_load %arg15[%get3A_358] {strides = array<i32>} : memref<2000xi32, #tpu.memory_space<vmem>>, vector<16xi32>,
      %gather3A = tpu.vector_load_idx %arg12[%get3A_355] : memref<10000xi32, #tpu.memory_space<vmem>>[vector<16xi32>], vector<16xi32>,
      %ge3A = arith.constant 0 : i32
      %ge3A_360 = vector.broadcast %ge3A : i32 to vector<16xi32>
      %ge3A_361 = arith.cmpi sge, %gather3A, %ge3A_360 : vector<16xi32>
      %shift_right_logical3A_362 = arith.constant 7 : i32
      %shift_right_logical3A_363 = vector.broadcast %shift_right_logical3A_362 : i32 to vector<16xi32>
      %shift_right_logical3A_364 = arith.shrui %gather3A, %shift_right_logical3A_363 : vector<16xi32>
      %and3A_365 = arith.constant 127 : i32
      %and3A_366 = vector.broadcast %and3A_365 : i32 to vector<16xi32>
      %and3A_367 = arith.andi %gather3A, %and3A_366 : vector<16xi32>
      tpu.vector_store_idx %arg20[%shift_right_logical3A_364, %and3A_367], %broadcast_in_dim3A_16 masked %ge3A_361 {add = true} : memref<8x128xf32, #tpu.memory_space<vmem>>[vector<16xi32>, vector<16xi32>], vector<16xf32>, vector<16xi1>
      %jit3A = arith.constant 1 : i32
      %jit3A_368 = arith.constant 0 : i32
      %broadcast_in_dim3A_369 = vector.broadcast %jit3A : i32 to vector<16xi32>
      %broadcast_in_dim3A_370 = vector.broadcast %jit3A_368 : i32 to vector<16xi32>
      %select_n3A = arith.select %ge3A_361, %broadcast_in_dim3A_369, %broadcast_in_dim3A_370 : vector<16xi1>, vector<16xi32>
      %broadcast_in_dim3A_371 = arith.constant true
      %broadcast_in_dim3A_372 = vector.broadcast %broadcast_in_dim3A_371 : i1 to vector<16xi1>
      %masked_cumsum3A = tpu.scan <sum>, %select_n3A masked %broadcast_in_dim3A_372 : vector<16xi32>, vector<16xi1> -> vector<16xi32>
      %add3A_373 = arith.addi %scan3A_352, %masked_cumsum3A : vector<16xi32>
      %sub3A = arith.constant 1 : i32
      %sub3A_374 = vector.broadcast %sub3A : i32 to vector<16xi32>
      %sub3A_375 = arith.subi %add3A_373, %sub3A_374 : vector<16xi32>
      %shift_right_logical3A_376 = arith.constant 7 : i32
      %shift_right_logical3A_377 = vector.broadcast %shift_right_logical3A_376 : i32 to vector<16xi32>
      %shift_right_logical3A_378 = arith.shrui %sub3A_375, %shift_right_logical3A_377 : vector<16xi32>
      %and3A_379 = arith.constant 127 : i32
      %and3A_380 = vector.broadcast %and3A_379 : i32 to vector<16xi32>
      %and3A_381 = arith.andi %sub3A_375, %and3A_380 : vector<16xi32>
      %mul3A_382 = arith.constant 2048 : i32
      %mul3A_383 = vector.broadcast %mul3A_382 : i32 to vector<16xi32>
      %mul3A_384 = arith.muli %get3A_359, %mul3A_383 : vector<16xi32>
      %add3A_385 = arith.addi %mul3A_384, %gather3A : vector<16xi32>
      tpu.vector_store_idx %arg16[%shift_right_logical3A_378, %and3A_381], %add3A_385 masked %ge3A_361 : memref<17x128xi32, #tpu.memory_space<vmem>>[vector<16xi32>, vector<16xi32>], vector<16xi32>, vector<16xi1>
      %all_reduce_population_count3A = tpu.all_reduce %ge3A_361 {dim = 0 : i64, kind = #tpu.reduction_kind<sum>} : vector<16xi1> -> vector<16xi32>
      %add3A_386 = arith.addi %scan3A_352, %all_reduce_population_count3A : vector<16xi32>
      scf.yield %add3A_386 : vector<16xi32>
    }
    %scan3A_30 = arith.constant 125 : i32
    %reduce_max3A = arith.constant true
    %reduce_max3A_31 = vector.broadcast %reduce_max3A : i1 to vector<16xi1>
    %reduce_max3A_32 = arith.constant -2147483648 : i32
    %reduce_max3A_33 = vector.broadcast %reduce_max3A_32 : i32 to vector<16xi32>
    %reduce_max3A_34 = arith.xori %scan3A_29, %reduce_max3A_33 : vector<16xi32>
    %reduce_max3A_35 = tpu.scan <max>, %reduce_max3A_34 masked %reduce_max3A_31 : vector<16xi32>, vector<16xi1> -> vector<16xi32>
    %reduce_max3A_36 = arith.xori %reduce_max3A_35, %reduce_max3A_33 : vector<16xi32>
    %reduce_max3A_37 = vector.extract %reduce_max3A_36[15] : i32 from vector<16xi32>
    %shift_right_logical3A = arith.constant 7 : i32
    %shift_right_logical3A_38 = arith.shrui %reduce_max3A_37, %shift_right_logical3A : i32
    %while3A = arith.constant 0 : i32
    %while3A_39 = arith.constant 0 : i32
    %while3A_40 = arith.subi %shift_right_logical3A_38, %while3A_39 : i32
    %while3A_41 = arith.addi %while3A_39, %while3A_40 : i32
    %while3A_42 = arith.constant 1 : i32
    %while3A_43 = arith.divsi %while3A_40, %while3A_42 : i32
    %while3A_44 = arith.muli %while3A_43, %while3A_42 : i32
    %while3A_45 = arith.addi %while3A_39, %while3A_44 : i32
    %while3A_46 = arith.constant 1 : i32
    scf.for %while3A_351 = %while3A_39 to %while3A_45 step %while3A_46  : i32 {
      %get3A = arith.index_cast %while3A_351 : i32 to index
      %get3A_352 = arith.constant 0 : index
      %get3A_353 = tpu.vector_load %arg16[%get3A, %get3A_352] {strides = array<i32>} : memref<17x128xi32, #tpu.memory_space<vmem>>, vector<16xi32>,
      %shift_right_logical3A_354 = arith.constant 11 : i32
      %shift_right_logical3A_355 = vector.broadcast %shift_right_logical3A_354 : i32 to vector<16xi32>
      %shift_right_logical3A_356 = arith.shrui %get3A_353, %shift_right_logical3A_355 : vector<16xi32>
      %swap3A_357 = arith.constant 0 : i32
      %swap3A_358 = arith.index_cast %swap3A_357 : i32 to index
      %swap3A_359 = arith.constant 0 : index
      %swap3A_360 = tpu.vector_load %arg18[%swap3A_358, %swap3A_359] {strides = array<i32>} : memref<1x128xi32, #tpu.memory_space<vmem>>, vector<16xi32>,
      tpu.vector_store %arg18[%swap3A_358, %swap3A_359], %shift_right_logical3A_356 {strides = array<i32>} : memref<1x128xi32, #tpu.memory_space<vmem>>, vector<16xi32>,
      %and3A_361 = arith.constant 2047 : i32
      %and3A_362 = vector.broadcast %and3A_361 : i32 to vector<16xi32>
      %and3A_363 = arith.andi %get3A_353, %and3A_362 : vector<16xi32>
      %swap3A_364 = arith.constant 0 : i32
      %swap3A_365 = arith.index_cast %swap3A_364 : i32 to index
      %swap3A_366 = arith.constant 0 : index
      %swap3A_367 = tpu.vector_load %arg19[%swap3A_365, %swap3A_366] {strides = array<i32>} : memref<1x128xi32, #tpu.memory_space<vmem>>, vector<16xi32>,
      tpu.vector_store %arg19[%swap3A_365, %swap3A_366], %and3A_363 {strides = array<i32>} : memref<1x128xi32, #tpu.memory_space<vmem>>, vector<16xi32>,
      %get3A_368 = arith.index_cast %while3A_351 : i32 to index
      %get3A_369 = arith.constant 16 : index
      %get3A_370 = tpu.vector_load %arg16[%get3A_368, %get3A_369] {strides = array<i32>} : memref<17x128xi32, #tpu.memory_space<vmem>>, vector<16xi32>,
      %shift_right_logical3A_371 = arith.constant 11 : i32
      %shift_right_logical3A_372 = vector.broadcast %shift_right_logical3A_371 : i32 to vector<16xi32>
      %shift_right_logical3A_373 = arith.shrui %get3A_370, %shift_right_logical3A_372 : vector<16xi32>
      %swap3A_374 = arith.constant 0 : i32
      %swap3A_375 = arith.index_cast %swap3A_374 : i32 to index
      %swap3A_376 = arith.constant 16 : index
      %swap3A_377 = tpu.vector_load %arg18[%swap3A_375, %swap3A_376] {strides = array<i32>} : memref<1x128xi32, #tpu.memory_space<vmem>>, vector<16xi32>,
      tpu.vector_store %arg18[%swap3A_375, %swap3A_376], %shift_right_logical3A_373 {strides = array<i32>} : memref<1x128xi32, #tpu.memory_space<vmem>>, vector<16xi32>,
      %and3A_378 = arith.constant 2047 : i32
      %and3A_379 = vector.broadcast %and3A_378 : i32 to vector<16xi32>
      %and3A_380 = arith.andi %get3A_370, %and3A_379 : vector<16xi32>
      %swap3A_381 = arith.constant 0 : i32
      %swap3A_382 = arith.index_cast %swap3A_381 : i32 to index
      %swap3A_383 = arith.constant 16 : index
      %swap3A_384 = tpu.vector_load %arg19[%swap3A_382, %swap3A_383] {strides = array<i32>} : memref<1x128xi32, #tpu.memory_space<vmem>>, vector<16xi32>,
      tpu.vector_store %arg19[%swap3A_382, %swap3A_383], %and3A_380 {strides = array<i32>} : memref<1x128xi32, #tpu.memory_space<vmem>>, vector<16xi32>,
      %get3A_385 = arith.index_cast %while3A_351 : i32 to index
      %get3A_386 = arith.constant 32 : index
      %get3A_387 = tpu.vector_load %arg16[%get3A_385, %get3A_386] {strides = array<i32>} : memref<17x128xi32, #tpu.memory_space<vmem>>, vector<16xi32>,
      %shift_right_logical3A_388 = arith.constant 11 : i32
      %shift_right_logical3A_389 = vector.broadcast %shift_right_logical3A_388 : i32 to vector<16xi32>
      %shift_right_logical3A_390 = arith.shrui %get3A_387, %shift_right_logical3A_389 : vector<16xi32>
      %swap3A_391 = arith.constant 0 : i32
      %swap3A_392 = arith.index_cast %swap3A_391 : i32 to index
      %swap3A_393 = arith.constant 32 : index
      %swap3A_394 = tpu.vector_load %arg18[%swap3A_392, %swap3A_393] {strides = array<i32>} : memref<1x128xi32, #tpu.memory_space<vmem>>, vector<16xi32>,
      tpu.vector_store %arg18[%swap3A_392, %swap3A_393], %shift_right_logical3A_390 {strides = array<i32>} : memref<1x128xi32, #tpu.memory_space<vmem>>, vector<16xi32>,
      %and3A_395 = arith.constant 2047 : i32
      %and3A_396 = vector.broadcast %and3A_395 : i32 to vector<16xi32>
      %and3A_397 = arith.andi %get3A_387, %and3A_396 : vector<16xi32>
      %swap3A_398 = arith.constant 0 : i32
      %swap3A_399 = arith.index_cast %swap3A_398 : i32 to index
      %swap3A_400 = arith.constant 32 : index
      %swap3A_401 = tpu.vector_load %arg19[%swap3A_399, %swap3A_400] {strides = array<i32>} : memref<1x128xi32, #tpu.memory_space<vmem>>, vector<16xi32>,
      tpu.vector_store %arg19[%swap3A_399, %swap3A_400], %and3A_397 {strides = array<i32>} : memref<1x128xi32, #tpu.memory_space<vmem>>, vector<16xi32>,
      %get3A_402 = arith.index_cast %while3A_351 : i32 to index
      %get3A_403 = arith.constant 48 : index
      %get3A_404 = tpu.vector_load %arg16[%get3A_402, %get3A_403] {strides = array<i32>} : memref<17x128xi32, #tpu.memory_space<vmem>>, vector<16xi32>,
      %shift_right_logical3A_405 = arith.constant 11 : i32
      %shift_right_logical3A_406 = vector.broadcast %shift_right_logical3A_405 : i32 to vector<16xi32>
      %shift_right_logical3A_407 = arith.shrui %get3A_404, %shift_right_logical3A_406 : vector<16xi32>
      %swap3A_408 = arith.constant 0 : i32
      %swap3A_409 = arith.index_cast %swap3A_408 : i32 to index
      %swap3A_410 = arith.constant 48 : index
      %swap3A_411 = tpu.vector_load %arg18[%swap3A_409, %swap3A_410] {strides = array<i32>} : memref<1x128xi32, #tpu.memory_space<vmem>>, vector<16xi32>,
      tpu.vector_store %arg18[%swap3A_409, %swap3A_410], %shift_right_logical3A_407 {strides = array<i32>} : memref<1x128xi32, #tpu.memory_space<vmem>>, vector<16xi32>,
      %and3A_412 = arith.constant 2047 : i32
      %and3A_413 = vector.broadcast %and3A_412 : i32 to vector<16xi32>
      %and3A_414 = arith.andi %get3A_404, %and3A_413 : vector<16xi32>
      %swap3A_415 = arith.constant 0 : i32
      %swap3A_416 = arith.index_cast %swap3A_415 : i32 to index
      %swap3A_417 = arith.constant 48 : index
      %swap3A_418 = tpu.vector_load %arg19[%swap3A_416, %swap3A_417] {strides = array<i32>} : memref<1x128xi32, #tpu.memory_space<vmem>>, vector<16xi32>,
      tpu.vector_store %arg19[%swap3A_416, %swap3A_417], %and3A_414 {strides = array<i32>} : memref<1x128xi32, #tpu.memory_space<vmem>>, vector<16xi32>,
      %get3A_419 = arith.index_cast %while3A_351 : i32 to index
      %get3A_420 = arith.constant 64 : index
      %get3A_421 = tpu.vector_load %arg16[%get3A_419, %get3A_420] {strides = array<i32>} : memref<17x128xi32, #tpu.memory_space<vmem>>, vector<16xi32>,
      %shift_right_logical3A_422 = arith.constant 11 : i32
      %shift_right_logical3A_423 = vector.broadcast %shift_right_logical3A_422 : i32 to vector<16xi32>
      %shift_right_logical3A_424 = arith.shrui %get3A_421, %shift_right_logical3A_423 : vector<16xi32>
      %swap3A_425 = arith.constant 0 : i32
      %swap3A_426 = arith.index_cast %swap3A_425 : i32 to index
      %swap3A_427 = arith.constant 64 : index
      %swap3A_428 = tpu.vector_load %arg18[%swap3A_426, %swap3A_427] {strides = array<i32>} : memref<1x128xi32, #tpu.memory_space<vmem>>, vector<16xi32>,
      tpu.vector_store %arg18[%swap3A_426, %swap3A_427], %shift_right_logical3A_424 {strides = array<i32>} : memref<1x128xi32, #tpu.memory_space<vmem>>, vector<16xi32>,
      %and3A_429 = arith.constant 2047 : i32
      %and3A_430 = vector.broadcast %and3A_429 : i32 to vector<16xi32>
      %and3A_431 = arith.andi %get3A_421, %and3A_430 : vector<16xi32>
      %swap3A_432 = arith.constant 0 : i32
      %swap3A_433 = arith.index_cast %swap3A_432 : i32 to index
      %swap3A_434 = arith.constant 64 : index
      %swap3A_435 = tpu.vector_load %arg19[%swap3A_433, %swap3A_434] {strides = array<i32>} : memref<1x128xi32, #tpu.memory_space<vmem>>, vector<16xi32>,
      tpu.vector_store %arg19[%swap3A_433, %swap3A_434], %and3A_431 {strides = array<i32>} : memref<1x128xi32, #tpu.memory_space<vmem>>, vector<16xi32>,
      %get3A_436 = arith.index_cast %while3A_351 : i32 to index
      %get3A_437 = arith.constant 80 : index
      %get3A_438 = tpu.vector_load %arg16[%get3A_436, %get3A_437] {strides = array<i32>} : memref<17x128xi32, #tpu.memory_space<vmem>>, vector<16xi32>,
      %shift_right_logical3A_439 = arith.constant 11 : i32
      %shift_right_logical3A_440 = vector.broadcast %shift_right_logical3A_439 : i32 to vector<16xi32>
      %shift_right_logical3A_441 = arith.shrui %get3A_438, %shift_right_logical3A_440 : vector<16xi32>
      %swap3A_442 = arith.constant 0 : i32
      %swap3A_443 = arith.index_cast %swap3A_442 : i32 to index
      %swap3A_444 = arith.constant 80 : index
      %swap3A_445 = tpu.vector_load %arg18[%swap3A_443, %swap3A_444] {strides = array<i32>} : memref<1x128xi32, #tpu.memory_space<vmem>>, vector<16xi32>,
      tpu.vector_store %arg18[%swap3A_443, %swap3A_444], %shift_right_logical3A_441 {strides = array<i32>} : memref<1x128xi32, #tpu.memory_space<vmem>>, vector<16xi32>,
      %and3A_446 = arith.constant 2047 : i32
      %and3A_447 = vector.broadcast %and3A_446 : i32 to vector<16xi32>
      %and3A_448 = arith.andi %get3A_438, %and3A_447 : vector<16xi32>
      %swap3A_449 = arith.constant 0 : i32
      %swap3A_450 = arith.index_cast %swap3A_449 : i32 to index
      %swap3A_451 = arith.constant 80 : index
      %swap3A_452 = tpu.vector_load %arg19[%swap3A_450, %swap3A_451] {strides = array<i32>} : memref<1x128xi32, #tpu.memory_space<vmem>>, vector<16xi32>,
      tpu.vector_store %arg19[%swap3A_450, %swap3A_451], %and3A_448 {strides = array<i32>} : memref<1x128xi32, #tpu.memory_space<vmem>>, vector<16xi32>,
      %get3A_453 = arith.index_cast %while3A_351 : i32 to index
      %get3A_454 = arith.constant 96 : index
      %get3A_455 = tpu.vector_load %arg16[%get3A_453, %get3A_454] {strides = array<i32>} : memref<17x128xi32, #tpu.memory_space<vmem>>, vector<16xi32>,
      %shift_right_logical3A_456 = arith.constant 11 : i32
      %shift_right_logical3A_457 = vector.broadcast %shift_right_logical3A_456 : i32 to vector<16xi32>
      %shift_right_logical3A_458 = arith.shrui %get3A_455, %shift_right_logical3A_457 : vector<16xi32>
      %swap3A_459 = arith.constant 0 : i32
      %swap3A_460 = arith.index_cast %swap3A_459 : i32 to index
      %swap3A_461 = arith.constant 96 : index
      %swap3A_462 = tpu.vector_load %arg18[%swap3A_460, %swap3A_461] {strides = array<i32>} : memref<1x128xi32, #tpu.memory_space<vmem>>, vector<16xi32>,
      tpu.vector_store %arg18[%swap3A_460, %swap3A_461], %shift_right_logical3A_458 {strides = array<i32>} : memref<1x128xi32, #tpu.memory_space<vmem>>, vector<16xi32>,
      %and3A_463 = arith.constant 2047 : i32
      %and3A_464 = vector.broadcast %and3A_463 : i32 to vector<16xi32>
      %and3A_465 = arith.andi %get3A_455, %and3A_464 : vector<16xi32>
      %swap3A_466 = arith.constant 0 : i32
      %swap3A_467 = arith.index_cast %swap3A_466 : i32 to index
      %swap3A_468 = arith.constant 96 : index
      %swap3A_469 = tpu.vector_load %arg19[%swap3A_467, %swap3A_468] {strides = array<i32>} : memref<1x128xi32, #tpu.memory_space<vmem>>, vector<16xi32>,
      tpu.vector_store %arg19[%swap3A_467, %swap3A_468], %and3A_465 {strides = array<i32>} : memref<1x128xi32, #tpu.memory_space<vmem>>, vector<16xi32>,
      %get3A_470 = arith.index_cast %while3A_351 : i32 to index
      %get3A_471 = arith.constant 112 : index
      %get3A_472 = tpu.vector_load %arg16[%get3A_470, %get3A_471] {strides = array<i32>} : memref<17x128xi32, #tpu.memory_space<vmem>>, vector<16xi32>,
      %shift_right_logical3A_473 = arith.constant 11 : i32
      %shift_right_logical3A_474 = vector.broadcast %shift_right_logical3A_473 : i32 to vector<16xi32>
      %shift_right_logical3A_475 = arith.shrui %get3A_472, %shift_right_logical3A_474 : vector<16xi32>
      %swap3A_476 = arith.constant 0 : i32
      %swap3A_477 = arith.index_cast %swap3A_476 : i32 to index
      %swap3A_478 = arith.constant 112 : index
      %swap3A_479 = tpu.vector_load %arg18[%swap3A_477, %swap3A_478] {strides = array<i32>} : memref<1x128xi32, #tpu.memory_space<vmem>>, vector<16xi32>,
      tpu.vector_store %arg18[%swap3A_477, %swap3A_478], %shift_right_logical3A_475 {strides = array<i32>} : memref<1x128xi32, #tpu.memory_space<vmem>>, vector<16xi32>,
      %and3A_480 = arith.constant 2047 : i32
      %and3A_481 = vector.broadcast %and3A_480 : i32 to vector<16xi32>
      %and3A_482 = arith.andi %get3A_472, %and3A_481 : vector<16xi32>
      %swap3A_483 = arith.constant 0 : i32
      %swap3A_484 = arith.index_cast %swap3A_483 : i32 to index
      %swap3A_485 = arith.constant 112 : index
      %swap3A_486 = tpu.vector_load %arg19[%swap3A_484, %swap3A_485] {strides = array<i32>} : memref<1x128xi32, #tpu.memory_space<vmem>>, vector<16xi32>,
      tpu.vector_store %arg19[%swap3A_484, %swap3A_485], %and3A_482 {strides = array<i32>} : memref<1x128xi32, #tpu.memory_space<vmem>>, vector<16xi32>,
      %dma_start3A_487 = arith.constant 0 : i32
      %dma_start3A_488 = arith.constant 0 : i32
      %dma_start3A_489 = tpu.memref_slice %arg18[%dma_start3A_487, %dma_start3A_488] : memref<1x128xi32, #tpu.memory_space<vmem>> -> memref<1x128xi32, #tpu.memory_space<vmem>>
      %dma_start3A_490 = tpu.memref_squeeze %dma_start3A_489 : memref<1x128xi32, #tpu.memory_space<vmem>> -> memref<128xi32, #tpu.memory_space<vmem>>
      %dma_start3A_491 = arith.constant 0 : i32
      %dma_start3A_492 = arith.constant 0 : i32
      %dma_start3A_493 = tpu.memref_slice %arg26[%dma_start3A_491, %dma_start3A_492] : memref<10000x128xf32, #tpu.memory_space<vmem_shared>> -> memref<10000x128xf32, #tpu.memory_space<vmem_shared>>
      tpu.enqueue_indirect_dma source(%dma_start3A_493 : memref<10000x128xf32, #tpu.memory_space<vmem_shared>>) target(%arg17 : memref<128x128xf32, #tpu.memory_space<vmem>>) offsets(%dma_start3A_490 : memref<128xi32, #tpu.memory_space<vmem>>) semaphore(%arg30 : memref<!tpu.dma_semaphore, #tpu.memory_space<semaphore_mem>>)
      %dma_wait3A_494 = arith.constant 0 : i32
      %dma_wait3A_495 = arith.constant 0 : i32
      %dma_wait3A_496 = tpu.memref_slice %arg18[%dma_wait3A_494, %dma_wait3A_495] : memref<1x128xi32, #tpu.memory_space<vmem>> -> memref<1x128xi32, #tpu.memory_space<vmem>>
      %dma_wait3A_497 = tpu.memref_squeeze %dma_wait3A_496 : memref<1x128xi32, #tpu.memory_space<vmem>> -> memref<128xi32, #tpu.memory_space<vmem>>
      %dma_wait3A_498 = arith.constant 0 : i32
      %dma_wait3A_499 = arith.constant 0 : i32
      %dma_wait3A_500 = tpu.memref_slice %arg26[%dma_wait3A_498, %dma_wait3A_499] : memref<10000x128xf32, #tpu.memory_space<vmem_shared>> -> memref<10000x128xf32, #tpu.memory_space<vmem_shared>>
      tpu.wait_indirect_dma semaphore(%arg30 : memref<!tpu.dma_semaphore, #tpu.memory_space<semaphore_mem>>) src(%dma_wait3A_500 : memref<10000x128xf32, #tpu.memory_space<vmem_shared>>) dst(%arg17 : memref<128x128xf32, #tpu.memory_space<vmem>>)
      %run_scoped3A = arith.constant 0 : i32
      "tpu.region"() ({
        %run_scoped3A_501 = tpu.sem_alloc : memref<!tpu.dma_semaphore, #tpu.memory_space<semaphore_mem>>
        %dma_start3A_502 = arith.constant 0 : i32
        %dma_start3A_503 = tpu.memref_slice %arg19[%run_scoped3A, %dma_start3A_502] : memref<1x128xi32, #tpu.memory_space<vmem>> -> memref<1x128xi32, #tpu.memory_space<vmem>>
        %dma_start3A_504 = tpu.memref_squeeze %dma_start3A_503 : memref<1x128xi32, #tpu.memory_space<vmem>> -> memref<128xi32, #tpu.memory_space<vmem>>
        %dma_start3A_505 = arith.constant 0 : i32
        %dma_start3A_506 = arith.constant 0 : i32
        %dma_start3A_507 = tpu.memref_slice %arg27[%dma_start3A_505, %dma_start3A_506] : memref<1152x128xf32, #tpu.memory_space<vmem_shared>> -> memref<1152x128xf32, #tpu.memory_space<vmem_shared>>
        tpu.enqueue_indirect_dma source(%arg17 : memref<128x128xf32, #tpu.memory_space<vmem>>) target(%dma_start3A_507 : memref<1152x128xf32, #tpu.memory_space<vmem_shared>>) offsets(%dma_start3A_504 : memref<128xi32, #tpu.memory_space<vmem>>) semaphore(%run_scoped3A_501 : memref<!tpu.dma_semaphore, #tpu.memory_space<semaphore_mem>>) {add = true}
        %dma_wait3A_508 = arith.constant 0 : i32
        %dma_wait3A_509 = tpu.memref_slice %arg19[%run_scoped3A, %dma_wait3A_508] : memref<1x128xi32, #tpu.memory_space<vmem>> -> memref<1x128xi32, #tpu.memory_space<vmem>>
        %dma_wait3A_510 = tpu.memref_squeeze %dma_wait3A_509 : memref<1x128xi32, #tpu.memory_space<vmem>> -> memref<128xi32, #tpu.memory_space<vmem>>
        %dma_wait3A_511 = arith.constant 0 : i32
        %dma_wait3A_512 = arith.constant 0 : i32
        %dma_wait3A_513 = tpu.memref_slice %arg27[%dma_wait3A_511, %dma_wait3A_512] : memref<1152x128xf32, #tpu.memory_space<vmem_shared>> -> memref<1152x128xf32, #tpu.memory_space<vmem_shared>>
        tpu.wait_indirect_dma semaphore(%run_scoped3A_501 : memref<!tpu.dma_semaphore, #tpu.memory_space<semaphore_mem>>) src(%arg17 : memref<128x128xf32, #tpu.memory_space<vmem>>) dst(%dma_wait3A_513 : memref<1152x128xf32, #tpu.memory_space<vmem_shared>>)
        tpu.yield
      }) : () -> ()
    }
    %while3A_47 = arith.constant 1 : i32
    scf.for %while3A_351 = %while3A_45 to %while3A_41 step %while3A_47  : i32 {
      %get3A = arith.index_cast %while3A_351 : i32 to index
      %get3A_352 = arith.constant 0 : index
      %get3A_353 = tpu.vector_load %arg16[%get3A, %get3A_352] {strides = array<i32>} : memref<17x128xi32, #tpu.memory_space<vmem>>, vector<16xi32>,
      %shift_right_logical3A_354 = arith.constant 11 : i32
      %shift_right_logical3A_355 = vector.broadcast %shift_right_logical3A_354 : i32 to vector<16xi32>
      %shift_right_logical3A_356 = arith.shrui %get3A_353, %shift_right_logical3A_355 : vector<16xi32>
      %swap3A_357 = arith.constant 0 : i32
      %swap3A_358 = arith.index_cast %swap3A_357 : i32 to index
      %swap3A_359 = arith.constant 0 : index
      %swap3A_360 = tpu.vector_load %arg18[%swap3A_358, %swap3A_359] {strides = array<i32>} : memref<1x128xi32, #tpu.memory_space<vmem>>, vector<16xi32>,
      tpu.vector_store %arg18[%swap3A_358, %swap3A_359], %shift_right_logical3A_356 {strides = array<i32>} : memref<1x128xi32, #tpu.memory_space<vmem>>, vector<16xi32>,
      %and3A_361 = arith.constant 2047 : i32
      %and3A_362 = vector.broadcast %and3A_361 : i32 to vector<16xi32>
      %and3A_363 = arith.andi %get3A_353, %and3A_362 : vector<16xi32>
      %swap3A_364 = arith.constant 0 : i32
      %swap3A_365 = arith.index_cast %swap3A_364 : i32 to index
      %swap3A_366 = arith.constant 0 : index
      %swap3A_367 = tpu.vector_load %arg19[%swap3A_365, %swap3A_366] {strides = array<i32>} : memref<1x128xi32, #tpu.memory_space<vmem>>, vector<16xi32>,
      tpu.vector_store %arg19[%swap3A_365, %swap3A_366], %and3A_363 {strides = array<i32>} : memref<1x128xi32, #tpu.memory_space<vmem>>, vector<16xi32>,
      %get3A_368 = arith.index_cast %while3A_351 : i32 to index
      %get3A_369 = arith.constant 16 : index
      %get3A_370 = tpu.vector_load %arg16[%get3A_368, %get3A_369] {strides = array<i32>} : memref<17x128xi32, #tpu.memory_space<vmem>>, vector<16xi32>,
      %shift_right_logical3A_371 = arith.constant 11 : i32
      %shift_right_logical3A_372 = vector.broadcast %shift_right_logical3A_371 : i32 to vector<16xi32>
      %shift_right_logical3A_373 = arith.shrui %get3A_370, %shift_right_logical3A_372 : vector<16xi32>
      %swap3A_374 = arith.constant 0 : i32
      %swap3A_375 = arith.index_cast %swap3A_374 : i32 to index
      %swap3A_376 = arith.constant 16 : index
      %swap3A_377 = tpu.vector_load %arg18[%swap3A_375, %swap3A_376] {strides = array<i32>} : memref<1x128xi32, #tpu.memory_space<vmem>>, vector<16xi32>,
      tpu.vector_store %arg18[%swap3A_375, %swap3A_376], %shift_right_logical3A_373 {strides = array<i32>} : memref<1x128xi32, #tpu.memory_space<vmem>>, vector<16xi32>,
      %and3A_378 = arith.constant 2047 : i32
      %and3A_379 = vector.broadcast %and3A_378 : i32 to vector<16xi32>
      %and3A_380 = arith.andi %get3A_370, %and3A_379 : vector<16xi32>
      %swap3A_381 = arith.constant 0 : i32
      %swap3A_382 = arith.index_cast %swap3A_381 : i32 to index
      %swap3A_383 = arith.constant 16 : index
      %swap3A_384 = tpu.vector_load %arg19[%swap3A_382, %swap3A_383] {strides = array<i32>} : memref<1x128xi32, #tpu.memory_space<vmem>>, vector<16xi32>,
      tpu.vector_store %arg19[%swap3A_382, %swap3A_383], %and3A_380 {strides = array<i32>} : memref<1x128xi32, #tpu.memory_space<vmem>>, vector<16xi32>,
      %get3A_385 = arith.index_cast %while3A_351 : i32 to index
      %get3A_386 = arith.constant 32 : index
      %get3A_387 = tpu.vector_load %arg16[%get3A_385, %get3A_386] {strides = array<i32>} : memref<17x128xi32, #tpu.memory_space<vmem>>, vector<16xi32>,
      %shift_right_logical3A_388 = arith.constant 11 : i32
      %shift_right_logical3A_389 = vector.broadcast %shift_right_logical3A_388 : i32 to vector<16xi32>
      %shift_right_logical3A_390 = arith.shrui %get3A_387, %shift_right_logical3A_389 : vector<16xi32>
      %swap3A_391 = arith.constant 0 : i32
      %swap3A_392 = arith.index_cast %swap3A_391 : i32 to index
      %swap3A_393 = arith.constant 32 : index
      %swap3A_394 = tpu.vector_load %arg18[%swap3A_392, %swap3A_393] {strides = array<i32>} : memref<1x128xi32, #tpu.memory_space<vmem>>, vector<16xi32>,
      tpu.vector_store %arg18[%swap3A_392, %swap3A_393], %shift_right_logical3A_390 {strides = array<i32>} : memref<1x128xi32, #tpu.memory_space<vmem>>, vector<16xi32>,
      %and3A_395 = arith.constant 2047 : i32
      %and3A_396 = vector.broadcast %and3A_395 : i32 to vector<16xi32>
      %and3A_397 = arith.andi %get3A_387, %and3A_396 : vector<16xi32>
      %swap3A_398 = arith.constant 0 : i32
      %swap3A_399 = arith.index_cast %swap3A_398 : i32 to index
      %swap3A_400 = arith.constant 32 : index
      %swap3A_401 = tpu.vector_load %arg19[%swap3A_399, %swap3A_400] {strides = array<i32>} : memref<1x128xi32, #tpu.memory_space<vmem>>, vector<16xi32>,
      tpu.vector_store %arg19[%swap3A_399, %swap3A_400], %and3A_397 {strides = array<i32>} : memref<1x128xi32, #tpu.memory_space<vmem>>, vector<16xi32>,
      %get3A_402 = arith.index_cast %while3A_351 : i32 to index
      %get3A_403 = arith.constant 48 : index
      %get3A_404 = tpu.vector_load %arg16[%get3A_402, %get3A_403] {strides = array<i32>} : memref<17x128xi32, #tpu.memory_space<vmem>>, vector<16xi32>,
      %shift_right_logical3A_405 = arith.constant 11 : i32
      %shift_right_logical3A_406 = vector.broadcast %shift_right_logical3A_405 : i32 to vector<16xi32>
      %shift_right_logical3A_407 = arith.shrui %get3A_404, %shift_right_logical3A_406 : vector<16xi32>
      %swap3A_408 = arith.constant 0 : i32
      %swap3A_409 = arith.index_cast %swap3A_408 : i32 to index
      %swap3A_410 = arith.constant 48 : index
      %swap3A_411 = tpu.vector_load %arg18[%swap3A_409, %swap3A_410] {strides = array<i32>} : memref<1x128xi32, #tpu.memory_space<vmem>>, vector<16xi32>,
      tpu.vector_store %arg18[%swap3A_409, %swap3A_410], %shift_right_logical3A_407 {strides = array<i32>} : memref<1x128xi32, #tpu.memory_space<vmem>>, vector<16xi32>,
      %and3A_412 = arith.constant 2047 : i32
      %and3A_413 = vector.broadcast %and3A_412 : i32 to vector<16xi32>
      %and3A_414 = arith.andi %get3A_404, %and3A_413 : vector<16xi32>
      %swap3A_415 = arith.constant 0 : i32
      %swap3A_416 = arith.index_cast %swap3A_415 : i32 to index
      %swap3A_417 = arith.constant 48 : index
      %swap3A_418 = tpu.vector_load %arg19[%swap3A_416, %swap3A_417] {strides = array<i32>} : memref<1x128xi32, #tpu.memory_space<vmem>>, vector<16xi32>,
      tpu.vector_store %arg19[%swap3A_416, %swap3A_417], %and3A_414 {strides = array<i32>} : memref<1x128xi32, #tpu.memory_space<vmem>>, vector<16xi32>,
      %get3A_419 = arith.index_cast %while3A_351 : i32 to index
      %get3A_420 = arith.constant 64 : index
      %get3A_421 = tpu.vector_load %arg16[%get3A_419, %get3A_420] {strides = array<i32>} : memref<17x128xi32, #tpu.memory_space<vmem>>, vector<16xi32>,
      %shift_right_logical3A_422 = arith.constant 11 : i32
      %shift_right_logical3A_423 = vector.broadcast %shift_right_logical3A_422 : i32 to vector<16xi32>
      %shift_right_logical3A_424 = arith.shrui %get3A_421, %shift_right_logical3A_423 : vector<16xi32>
      %swap3A_425 = arith.constant 0 : i32
      %swap3A_426 = arith.index_cast %swap3A_425 : i32 to index
      %swap3A_427 = arith.constant 64 : index
      %swap3A_428 = tpu.vector_load %arg18[%swap3A_426, %swap3A_427] {strides = array<i32>} : memref<1x128xi32, #tpu.memory_space<vmem>>, vector<16xi32>,
      tpu.vector_store %arg18[%swap3A_426, %swap3A_427], %shift_right_logical3A_424 {strides = array<i32>} : memref<1x128xi32, #tpu.memory_space<vmem>>, vector<16xi32>,
      %and3A_429 = arith.constant 2047 : i32
      %and3A_430 = vector.broadcast %and3A_429 : i32 to vector<16xi32>
      %and3A_431 = arith.andi %get3A_421, %and3A_430 : vector<16xi32>
      %swap3A_432 = arith.constant 0 : i32
      %swap3A_433 = arith.index_cast %swap3A_432 : i32 to index
      %swap3A_434 = arith.constant 64 : index
      %swap3A_435 = tpu.vector_load %arg19[%swap3A_433, %swap3A_434] {strides = array<i32>} : memref<1x128xi32, #tpu.memory_space<vmem>>, vector<16xi32>,
      tpu.vector_store %arg19[%swap3A_433, %swap3A_434], %and3A_431 {strides = array<i32>} : memref<1x128xi32, #tpu.memory_space<vmem>>, vector<16xi32>,
      %get3A_436 = arith.index_cast %while3A_351 : i32 to index
      %get3A_437 = arith.constant 80 : index
      %get3A_438 = tpu.vector_load %arg16[%get3A_436, %get3A_437] {strides = array<i32>} : memref<17x128xi32, #tpu.memory_space<vmem>>, vector<16xi32>,
      %shift_right_logical3A_439 = arith.constant 11 : i32
      %shift_right_logical3A_440 = vector.broadcast %shift_right_logical3A_439 : i32 to vector<16xi32>
      %shift_right_logical3A_441 = arith.shrui %get3A_438, %shift_right_logical3A_440 : vector<16xi32>
      %swap3A_442 = arith.constant 0 : i32
      %swap3A_443 = arith.index_cast %swap3A_442 : i32 to index
      %swap3A_444 = arith.constant 80 : index
      %swap3A_445 = tpu.vector_load %arg18[%swap3A_443, %swap3A_444] {strides = array<i32>} : memref<1x128xi32, #tpu.memory_space<vmem>>, vector<16xi32>,
      tpu.vector_store %arg18[%swap3A_443, %swap3A_444], %shift_right_logical3A_441 {strides = array<i32>} : memref<1x128xi32, #tpu.memory_space<vmem>>, vector<16xi32>,
      %and3A_446 = arith.constant 2047 : i32
      %and3A_447 = vector.broadcast %and3A_446 : i32 to vector<16xi32>
      %and3A_448 = arith.andi %get3A_438, %and3A_447 : vector<16xi32>
      %swap3A_449 = arith.constant 0 : i32
      %swap3A_450 = arith.index_cast %swap3A_449 : i32 to index
      %swap3A_451 = arith.constant 80 : index
      %swap3A_452 = tpu.vector_load %arg19[%swap3A_450, %swap3A_451] {strides = array<i32>} : memref<1x128xi32, #tpu.memory_space<vmem>>, vector<16xi32>,
      tpu.vector_store %arg19[%swap3A_450, %swap3A_451], %and3A_448 {strides = array<i32>} : memref<1x128xi32, #tpu.memory_space<vmem>>, vector<16xi32>,
      %get3A_453 = arith.index_cast %while3A_351 : i32 to index
      %get3A_454 = arith.constant 96 : index
      %get3A_455 = tpu.vector_load %arg16[%get3A_453, %get3A_454] {strides = array<i32>} : memref<17x128xi32, #tpu.memory_space<vmem>>, vector<16xi32>,
      %shift_right_logical3A_456 = arith.constant 11 : i32
      %shift_right_logical3A_457 = vector.broadcast %shift_right_logical3A_456 : i32 to vector<16xi32>
      %shift_right_logical3A_458 = arith.shrui %get3A_455, %shift_right_logical3A_457 : vector<16xi32>
      %swap3A_459 = arith.constant 0 : i32
      %swap3A_460 = arith.index_cast %swap3A_459 : i32 to index
      %swap3A_461 = arith.constant 96 : index
      %swap3A_462 = tpu.vector_load %arg18[%swap3A_460, %swap3A_461] {strides = array<i32>} : memref<1x128xi32, #tpu.memory_space<vmem>>, vector<16xi32>,
      tpu.vector_store %arg18[%swap3A_460, %swap3A_461], %shift_right_logical3A_458 {strides = array<i32>} : memref<1x128xi32, #tpu.memory_space<vmem>>, vector<16xi32>,
      %and3A_463 = arith.constant 2047 : i32
      %and3A_464 = vector.broadcast %and3A_463 : i32 to vector<16xi32>
      %and3A_465 = arith.andi %get3A_455, %and3A_464 : vector<16xi32>
      %swap3A_466 = arith.constant 0 : i32
      %swap3A_467 = arith.index_cast %swap3A_466 : i32 to index
      %swap3A_468 = arith.constant 96 : index
      %swap3A_469 = tpu.vector_load %arg19[%swap3A_467, %swap3A_468] {strides = array<i32>} : memref<1x128xi32, #tpu.memory_space<vmem>>, vector<16xi32>,
      tpu.vector_store %arg19[%swap3A_467, %swap3A_468], %and3A_465 {strides = array<i32>} : memref<1x128xi32, #tpu.memory_space<vmem>>, vector<16xi32>,
      %get3A_470 = arith.index_cast %while3A_351 : i32 to index
      %get3A_471 = arith.constant 112 : index
      %get3A_472 = tpu.vector_load %arg16[%get3A_470, %get3A_471] {strides = array<i32>} : memref<17x128xi32, #tpu.memory_space<vmem>>, vector<16xi32>,
      %shift_right_logical3A_473 = arith.constant 11 : i32
      %shift_right_logical3A_474 = vector.broadcast %shift_right_logical3A_473 : i32 to vector<16xi32>
      %shift_right_logical3A_475 = arith.shrui %get3A_472, %shift_right_logical3A_474 : vector<16xi32>
      %swap3A_476 = arith.constant 0 : i32
      %swap3A_477 = arith.index_cast %swap3A_476 : i32 to index
      %swap3A_478 = arith.constant 112 : index
      %swap3A_479 = tpu.vector_load %arg18[%swap3A_477, %swap3A_478] {strides = array<i32>} : memref<1x128xi32, #tpu.memory_space<vmem>>, vector<16xi32>,
      tpu.vector_store %arg18[%swap3A_477, %swap3A_478], %shift_right_logical3A_475 {strides = array<i32>} : memref<1x128xi32, #tpu.memory_space<vmem>>, vector<16xi32>,
      %and3A_480 = arith.constant 2047 : i32
      %and3A_481 = vector.broadcast %and3A_480 : i32 to vector<16xi32>
      %and3A_482 = arith.andi %get3A_472, %and3A_481 : vector<16xi32>
      %swap3A_483 = arith.constant 0 : i32
      %swap3A_484 = arith.index_cast %swap3A_483 : i32 to index
      %swap3A_485 = arith.constant 112 : index
      %swap3A_486 = tpu.vector_load %arg19[%swap3A_484, %swap3A_485] {strides = array<i32>} : memref<1x128xi32, #tpu.memory_space<vmem>>, vector<16xi32>,
      tpu.vector_store %arg19[%swap3A_484, %swap3A_485], %and3A_482 {strides = array<i32>} : memref<1x128xi32, #tpu.memory_space<vmem>>, vector<16xi32>,
      %dma_start3A_487 = arith.constant 0 : i32
      %dma_start3A_488 = arith.constant 0 : i32
      %dma_start3A_489 = tpu.memref_slice %arg18[%dma_start3A_487, %dma_start3A_488] : memref<1x128xi32, #tpu.memory_space<vmem>> -> memref<1x128xi32, #tpu.memory_space<vmem>>
      %dma_start3A_490 = tpu.memref_squeeze %dma_start3A_489 : memref<1x128xi32, #tpu.memory_space<vmem>> -> memref<128xi32, #tpu.memory_space<vmem>>
      %dma_start3A_491 = arith.constant 0 : i32
      %dma_start3A_492 = arith.constant 0 : i32
      %dma_start3A_493 = tpu.memref_slice %arg26[%dma_start3A_491, %dma_start3A_492] : memref<10000x128xf32, #tpu.memory_space<vmem_shared>> -> memref<10000x128xf32, #tpu.memory_space<vmem_shared>>
      tpu.enqueue_indirect_dma source(%dma_start3A_493 : memref<10000x128xf32, #tpu.memory_space<vmem_shared>>) target(%arg17 : memref<128x128xf32, #tpu.memory_space<vmem>>) offsets(%dma_start3A_490 : memref<128xi32, #tpu.memory_space<vmem>>) semaphore(%arg30 : memref<!tpu.dma_semaphore, #tpu.memory_space<semaphore_mem>>)
      %dma_wait3A_494 = arith.constant 0 : i32
      %dma_wait3A_495 = arith.constant 0 : i32
      %dma_wait3A_496 = tpu.memref_slice %arg18[%dma_wait3A_494, %dma_wait3A_495] : memref<1x128xi32, #tpu.memory_space<vmem>> -> memref<1x128xi32, #tpu.memory_space<vmem>>
      %dma_wait3A_497 = tpu.memref_squeeze %dma_wait3A_496 : memref<1x128xi32, #tpu.memory_space<vmem>> -> memref<128xi32, #tpu.memory_space<vmem>>
      %dma_wait3A_498 = arith.constant 0 : i32
      %dma_wait3A_499 = arith.constant 0 : i32
      %dma_wait3A_500 = tpu.memref_slice %arg26[%dma_wait3A_498, %dma_wait3A_499] : memref<10000x128xf32, #tpu.memory_space<vmem_shared>> -> memref<10000x128xf32, #tpu.memory_space<vmem_shared>>
      tpu.wait_indirect_dma semaphore(%arg30 : memref<!tpu.dma_semaphore, #tpu.memory_space<semaphore_mem>>) src(%dma_wait3A_500 : memref<10000x128xf32, #tpu.memory_space<vmem_shared>>) dst(%arg17 : memref<128x128xf32, #tpu.memory_space<vmem>>)
      %run_scoped3A = arith.constant 0 : i32
      "tpu.region"() ({
        %run_scoped3A_501 = tpu.sem_alloc : memref<!tpu.dma_semaphore, #tpu.memory_space<semaphore_mem>>
        %dma_start3A_502 = arith.constant 0 : i32
        %dma_start3A_503 = tpu.memref_slice %arg19[%run_scoped3A, %dma_start3A_502] : memref<1x128xi32, #tpu.memory_space<vmem>> -> memref<1x128xi32, #tpu.memory_space<vmem>>
        %dma_start3A_504 = tpu.memref_squeeze %dma_start3A_503 : memref<1x128xi32, #tpu.memory_space<vmem>> -> memref<128xi32, #tpu.memory_space<vmem>>
        %dma_start3A_505 = arith.constant 0 : i32
        %dma_start3A_506 = arith.constant 0 : i32
        %dma_start3A_507 = tpu.memref_slice %arg27[%dma_start3A_505, %dma_start3A_506] : memref<1152x128xf32, #tpu.memory_space<vmem_shared>> -> memref<1152x128xf32, #tpu.memory_space<vmem_shared>>
        tpu.enqueue_indirect_dma source(%arg17 : memref<128x128xf32, #tpu.memory_space<vmem>>) target(%dma_start3A_507 : memref<1152x128xf32, #tpu.memory_space<vmem_shared>>) offsets(%dma_start3A_504 : memref<128xi32, #tpu.memory_space<vmem>>) semaphore(%run_scoped3A_501 : memref<!tpu.dma_semaphore, #tpu.memory_space<semaphore_mem>>) {add = true}
        %dma_wait3A_508 = arith.constant 0 : i32
        %dma_wait3A_509 = tpu.memref_slice %arg19[%run_scoped3A, %dma_wait3A_508] : memref<1x128xi32, #tpu.memory_space<vmem>> -> memref<1x128xi32, #tpu.memory_space<vmem>>
        %dma_wait3A_510 = tpu.memref_squeeze %dma_wait3A_509 : memref<1x128xi32, #tpu.memory_space<vmem>> -> memref<128xi32, #tpu.memory_space<vmem>>
        %dma_wait3A_511 = arith.constant 0 : i32
        %dma_wait3A_512 = arith.constant 0 : i32
        %dma_wait3A_513 = tpu.memref_slice %arg27[%dma_wait3A_511, %dma_wait3A_512] : memref<1152x128xf32, #tpu.memory_space<vmem_shared>> -> memref<1152x128xf32, #tpu.memory_space<vmem_shared>>
        tpu.wait_indirect_dma semaphore(%run_scoped3A_501 : memref<!tpu.dma_semaphore, #tpu.memory_space<semaphore_mem>>) src(%arg17 : memref<128x128xf32, #tpu.memory_space<vmem>>) dst(%dma_wait3A_513 : memref<1152x128xf32, #tpu.memory_space<vmem_shared>>)
        tpu.yield
      }) : () -> ()
    }
    %and3A = arith.constant 127 : i32
    %and3A_48 = arith.andi %reduce_max3A_37, %and3A : i32
    %gt3A = arith.constant 0 : i32
    %gt3A_49 = arith.cmpi sgt, %shift_right_logical3A_38, %gt3A : i32
    %convert_element_type3A_50 = arith.extui %gt3A_49 : i1 to i32
    %cond3A_51 = arith.constant 0 : i32
    %cond3A_52 = arith.cmpi ne, %convert_element_type3A_50, %cond3A_51 : i32
    scf.if %cond3A_52 {
      %get3A = arith.index_cast %shift_right_logical3A_38 : i32 to index
      %get3A_351 = arith.constant 0 : index
      %get3A_352 = tpu.vector_load %arg16[%get3A, %get3A_351] {strides = array<i32>} : memref<17x128xi32, #tpu.memory_space<vmem>>, vector<16xi32>,
      %swap3A_353 = arith.constant 0 : i32
      %swap3A_354 = arith.index_cast %swap3A_353 : i32 to index
      %swap3A_355 = arith.constant 0 : index
      %swap3A_356 = tpu.vector_load %arg16[%swap3A_354, %swap3A_355] {strides = array<i32>} : memref<17x128xi32, #tpu.memory_space<vmem>>, vector<16xi32>,
      tpu.vector_store %arg16[%swap3A_354, %swap3A_355], %get3A_352 {strides = array<i32>} : memref<17x128xi32, #tpu.memory_space<vmem>>, vector<16xi32>,
      %get3A_357 = arith.index_cast %shift_right_logical3A_38 : i32 to index
      %get3A_358 = arith.constant 16 : index
      %get3A_359 = tpu.vector_load %arg16[%get3A_357, %get3A_358] {strides = array<i32>} : memref<17x128xi32, #tpu.memory_space<vmem>>, vector<16xi32>,
      %swap3A_360 = arith.constant 0 : i32
      %swap3A_361 = arith.index_cast %swap3A_360 : i32 to index
      %swap3A_362 = arith.constant 16 : index
      %swap3A_363 = tpu.vector_load %arg16[%swap3A_361, %swap3A_362] {strides = array<i32>} : memref<17x128xi32, #tpu.memory_space<vmem>>, vector<16xi32>,
      tpu.vector_store %arg16[%swap3A_361, %swap3A_362], %get3A_359 {strides = array<i32>} : memref<17x128xi32, #tpu.memory_space<vmem>>, vector<16xi32>,
      %get3A_364 = arith.index_cast %shift_right_logical3A_38 : i32 to index
      %get3A_365 = arith.constant 32 : index
      %get3A_366 = tpu.vector_load %arg16[%get3A_364, %get3A_365] {strides = array<i32>} : memref<17x128xi32, #tpu.memory_space<vmem>>, vector<16xi32>,
      %swap3A_367 = arith.constant 0 : i32
      %swap3A_368 = arith.index_cast %swap3A_367 : i32 to index
      %swap3A_369 = arith.constant 32 : index
      %swap3A_370 = tpu.vector_load %arg16[%swap3A_368, %swap3A_369] {strides = array<i32>} : memref<17x128xi32, #tpu.memory_space<vmem>>, vector<16xi32>,
      tpu.vector_store %arg16[%swap3A_368, %swap3A_369], %get3A_366 {strides = array<i32>} : memref<17x128xi32, #tpu.memory_space<vmem>>, vector<16xi32>,
      %get3A_371 = arith.index_cast %shift_right_logical3A_38 : i32 to index
      %get3A_372 = arith.constant 48 : index
      %get3A_373 = tpu.vector_load %arg16[%get3A_371, %get3A_372] {strides = array<i32>} : memref<17x128xi32, #tpu.memory_space<vmem>>, vector<16xi32>,
      %swap3A_374 = arith.constant 0 : i32
      %swap3A_375 = arith.index_cast %swap3A_374 : i32 to index
      %swap3A_376 = arith.constant 48 : index
      %swap3A_377 = tpu.vector_load %arg16[%swap3A_375, %swap3A_376] {strides = array<i32>} : memref<17x128xi32, #tpu.memory_space<vmem>>, vector<16xi32>,
      tpu.vector_store %arg16[%swap3A_375, %swap3A_376], %get3A_373 {strides = array<i32>} : memref<17x128xi32, #tpu.memory_space<vmem>>, vector<16xi32>,
      %get3A_378 = arith.index_cast %shift_right_logical3A_38 : i32 to index
      %get3A_379 = arith.constant 64 : index
      %get3A_380 = tpu.vector_load %arg16[%get3A_378, %get3A_379] {strides = array<i32>} : memref<17x128xi32, #tpu.memory_space<vmem>>, vector<16xi32>,
      %swap3A_381 = arith.constant 0 : i32
      %swap3A_382 = arith.index_cast %swap3A_381 : i32 to index
      %swap3A_383 = arith.constant 64 : index
      %swap3A_384 = tpu.vector_load %arg16[%swap3A_382, %swap3A_383] {strides = array<i32>} : memref<17x128xi32, #tpu.memory_space<vmem>>, vector<16xi32>,
      tpu.vector_store %arg16[%swap3A_382, %swap3A_383], %get3A_380 {strides = array<i32>} : memref<17x128xi32, #tpu.memory_space<vmem>>, vector<16xi32>,
      %get3A_385 = arith.index_cast %shift_right_logical3A_38 : i32 to index
      %get3A_386 = arith.constant 80 : index
      %get3A_387 = tpu.vector_load %arg16[%get3A_385, %get3A_386] {strides = array<i32>} : memref<17x128xi32, #tpu.memory_space<vmem>>, vector<16xi32>,
      %swap3A_388 = arith.constant 0 : i32
      %swap3A_389 = arith.index_cast %swap3A_388 : i32 to index
      %swap3A_390 = arith.constant 80 : index
      %swap3A_391 = tpu.vector_load %arg16[%swap3A_389, %swap3A_390] {strides = array<i32>} : memref<17x128xi32, #tpu.memory_space<vmem>>, vector<16xi32>,
      tpu.vector_store %arg16[%swap3A_389, %swap3A_390], %get3A_387 {strides = array<i32>} : memref<17x128xi32, #tpu.memory_space<vmem>>, vector<16xi32>,
      %get3A_392 = arith.index_cast %shift_right_logical3A_38 : i32 to index
      %get3A_393 = arith.constant 96 : index
      %get3A_394 = tpu.vector_load %arg16[%get3A_392, %get3A_393] {strides = array<i32>} : memref<17x128xi32, #tpu.memory_space<vmem>>, vector<16xi32>,
      %swap3A_395 = arith.constant 0 : i32
      %swap3A_396 = arith.index_cast %swap3A_395 : i32 to index
      %swap3A_397 = arith.constant 96 : index
      %swap3A_398 = tpu.vector_load %arg16[%swap3A_396, %swap3A_397] {strides = array<i32>} : memref<17x128xi32, #tpu.memory_space<vmem>>, vector<16xi32>,
      tpu.vector_store %arg16[%swap3A_396, %swap3A_397], %get3A_394 {strides = array<i32>} : memref<17x128xi32, #tpu.memory_space<vmem>>, vector<16xi32>,
      %get3A_399 = arith.index_cast %shift_right_logical3A_38 : i32 to index
      %get3A_400 = arith.constant 112 : index
      %get3A_401 = tpu.vector_load %arg16[%get3A_399, %get3A_400] {strides = array<i32>} : memref<17x128xi32, #tpu.memory_space<vmem>>, vector<16xi32>,
      %swap3A_402 = arith.constant 0 : i32
      %swap3A_403 = arith.index_cast %swap3A_402 : i32 to index
      %swap3A_404 = arith.constant 112 : index
      %swap3A_405 = tpu.vector_load %arg16[%swap3A_403, %swap3A_404] {strides = array<i32>} : memref<17x128xi32, #tpu.memory_space<vmem>>, vector<16xi32>,
      tpu.vector_store %arg16[%swap3A_403, %swap3A_404], %get3A_401 {strides = array<i32>} : memref<17x128xi32, #tpu.memory_space<vmem>>, vector<16xi32>,
    } else {
    }
    %mul3A_53 = arith.constant 10000 : i32
    %mul3A_54 = arith.muli %add3A, %mul3A_53 : i32
    %add3A_55 = arith.constant 2000 : i32
    %add3A_56 = arith.addi %mul3A_54, %add3A_55 : i32
    "tpu.region"() ({
      %run_scoped3A = tpu.sem_alloc : memref<!tpu.dma_semaphore, #tpu.memory_space<semaphore_mem>>
      %dma_start3A_351 = tpu.memref_slice %arg4[%add3A_56] : memref<320000xi32, #tpu.memory_space<hbm>> -> memref<2000xi32, #tpu.memory_space<hbm>>
      %dma_start3A_352 = tpu.memref_slice %arg4[%add3A_56] : memref<320000xi32, #tpu.memory_space<hbm>> -> memref<2000xi32, #tpu.memory_space<hbm>>
      tpu.enqueue_dma source(%dma_start3A_352 : memref<2000xi32, #tpu.memory_space<hbm>>) target(%arg14 : memref<2000xi32, #tpu.memory_space<vmem>>) target_semaphore(%run_scoped3A : memref<!tpu.dma_semaphore, #tpu.memory_space<semaphore_mem>>)
      %dma_wait3A_353 = tpu.memref_slice %arg4[%add3A_56] : memref<320000xi32, #tpu.memory_space<hbm>> -> memref<2000xi32, #tpu.memory_space<hbm>>
      %dma_wait3A_354 = tpu.memref_slice %arg4[%add3A_56] : memref<320000xi32, #tpu.memory_space<hbm>> -> memref<2000xi32, #tpu.memory_space<hbm>>
      tpu.wait_dma2 semaphore(%run_scoped3A : memref<!tpu.dma_semaphore, #tpu.memory_space<semaphore_mem>>) src(%dma_wait3A_354 : memref<2000xi32, #tpu.memory_space<hbm>>) dst(%arg14 : memref<2000xi32, #tpu.memory_space<vmem>>)
      tpu.yield
    }) : () -> ()
    "tpu.region"() ({
      %run_scoped3A = tpu.sem_alloc : memref<!tpu.dma_semaphore, #tpu.memory_space<semaphore_mem>>
      %dma_start3A_351 = tpu.memref_slice %arg3[%add3A_56] : memref<320000xi32, #tpu.memory_space<hbm>> -> memref<2000xi32, #tpu.memory_space<hbm>>
      %dma_start3A_352 = tpu.memref_slice %arg3[%add3A_56] : memref<320000xi32, #tpu.memory_space<hbm>> -> memref<2000xi32, #tpu.memory_space<hbm>>
      tpu.enqueue_dma source(%dma_start3A_352 : memref<2000xi32, #tpu.memory_space<hbm>>) target(%arg15 : memref<2000xi32, #tpu.memory_space<vmem>>) target_semaphore(%run_scoped3A : memref<!tpu.dma_semaphore, #tpu.memory_space<semaphore_mem>>)
      %dma_wait3A_353 = tpu.memref_slice %arg3[%add3A_56] : memref<320000xi32, #tpu.memory_space<hbm>> -> memref<2000xi32, #tpu.memory_space<hbm>>
      %dma_wait3A_354 = tpu.memref_slice %arg3[%add3A_56] : memref<320000xi32, #tpu.memory_space<hbm>> -> memref<2000xi32, #tpu.memory_space<hbm>>
      tpu.wait_dma2 semaphore(%run_scoped3A : memref<!tpu.dma_semaphore, #tpu.memory_space<semaphore_mem>>) src(%dma_wait3A_354 : memref<2000xi32, #tpu.memory_space<hbm>>) dst(%arg15 : memref<2000xi32, #tpu.memory_space<vmem>>)
      tpu.yield
    }) : () -> ()
    %broadcast_in_dim3A_57 = vector.broadcast %and3A_48 : i32 to vector<16xi32>
    %scan3A_58 = arith.constant 0 : i32
    %scan3A_59 = arith.constant 125 : i32
    %scan3A_60 = arith.addi %scan3A_58, %scan3A_59 : i32
    %scan3A_61 = arith.constant 1 : i32
    %scan3A_62 = scf.for %scan3A_351 = %scan3A_58 to %scan3A_60 step %scan3A_61 iter_args(%scan3A_352 = %broadcast_in_dim3A_57) -> (vector<16xi32>)  : i32 {
      %mul3A_353 = arith.constant 16 : i32
      %mul3A_354 = arith.muli %scan3A_351, %mul3A_353 : i32
      %get3A = arith.index_cast %mul3A_354 : i32 to index
      %get3A_355 = tpu.vector_load %arg14[%get3A] {strides = array<i32>} : memref<2000xi32, #tpu.memory_space<vmem>>, vector<16xi32>,
      %mul3A_356 = arith.constant 16 : i32
      %mul3A_357 = arith.muli %scan3A_351, %mul3A_356 : i32
      %get3A_358 = arith.index_cast %mul3A_357 : i32 to index
      %get3A_359 = tpu.vector_load %arg15[%get3A_358] {strides = array<i32>} : memref<2000xi32, #tpu.memory_space<vmem>>, vector<16xi32>,
      %gather3A = tpu.vector_load_idx %arg12[%get3A_355] : memref<10000xi32, #tpu.memory_space<vmem>>[vector<16xi32>], vector<16xi32>,
      %ge3A = arith.constant 0 : i32
      %ge3A_360 = vector.broadcast %ge3A : i32 to vector<16xi32>
      %ge3A_361 = arith.cmpi sge, %gather3A, %ge3A_360 : vector<16xi32>
      %shift_right_logical3A_362 = arith.constant 7 : i32
      %shift_right_logical3A_363 = vector.broadcast %shift_right_logical3A_362 : i32 to vector<16xi32>
      %shift_right_logical3A_364 = arith.shrui %gather3A, %shift_right_logical3A_363 : vector<16xi32>
      %and3A_365 = arith.constant 127 : i32
      %and3A_366 = vector.broadcast %and3A_365 : i32 to vector<16xi32>
      %and3A_367 = arith.andi %gather3A, %and3A_366 : vector<16xi32>
      tpu.vector_store_idx %arg20[%shift_right_logical3A_364, %and3A_367], %broadcast_in_dim3A_16 masked %ge3A_361 {add = true} : memref<8x128xf32, #tpu.memory_space<vmem>>[vector<16xi32>, vector<16xi32>], vector<16xf32>, vector<16xi1>
      %jit3A = arith.constant 1 : i32
      %jit3A_368 = arith.constant 0 : i32
      %broadcast_in_dim3A_369 = vector.broadcast %jit3A : i32 to vector<16xi32>
      %broadcast_in_dim3A_370 = vector.broadcast %jit3A_368 : i32 to vector<16xi32>
      %select_n3A = arith.select %ge3A_361, %broadcast_in_dim3A_369, %broadcast_in_dim3A_370 : vector<16xi1>, vector<16xi32>
      %broadcast_in_dim3A_371 = arith.constant true
      %broadcast_in_dim3A_372 = vector.broadcast %broadcast_in_dim3A_371 : i1 to vector<16xi1>
      %masked_cumsum3A = tpu.scan <sum>, %select_n3A masked %broadcast_in_dim3A_372 : vector<16xi32>, vector<16xi1> -> vector<16xi32>
      %add3A_373 = arith.addi %scan3A_352, %masked_cumsum3A : vector<16xi32>
      %sub3A = arith.constant 1 : i32
      %sub3A_374 = vector.broadcast %sub3A : i32 to vector<16xi32>
      %sub3A_375 = arith.subi %add3A_373, %sub3A_374 : vector<16xi32>
      %shift_right_logical3A_376 = arith.constant 7 : i32
      %shift_right_logical3A_377 = vector.broadcast %shift_right_logical3A_376 : i32 to vector<16xi32>
      %shift_right_logical3A_378 = arith.shrui %sub3A_375, %shift_right_logical3A_377 : vector<16xi32>
      %and3A_379 = arith.constant 127 : i32
      %and3A_380 = vector.broadcast %and3A_379 : i32 to vector<16xi32>
      %and3A_381 = arith.andi %sub3A_375, %and3A_380 : vector<16xi32>
      %mul3A_382 = arith.constant 2048 : i32
      %mul3A_383 = vector.broadcast %mul3A_382 : i32 to vector<16xi32>
      %mul3A_384 = arith.muli %get3A_359, %mul3A_383 : vector<16xi32>
      %add3A_385 = arith.addi %mul3A_384, %gather3A : vector<16xi32>
      tpu.vector_store_idx %arg16[%shift_right_logical3A_378, %and3A_381], %add3A_385 masked %ge3A_361 : memref<17x128xi32, #tpu.memory_space<vmem>>[vector<16xi32>, vector<16xi32>], vector<16xi32>, vector<16xi1>
      %all_reduce_population_count3A = tpu.all_reduce %ge3A_361 {dim = 0 : i64, kind = #tpu.reduction_kind<sum>} : vector<16xi1> -> vector<16xi32>
      %add3A_386 = arith.addi %scan3A_352, %all_reduce_population_count3A : vector<16xi32>
      scf.yield %add3A_386 : vector<16xi32>
    }
    %scan3A_63 = arith.constant 125 : i32
    %reduce_max3A_64 = arith.constant true
    %reduce_max3A_65 = vector.broadcast %reduce_max3A_64 : i1 to vector<16xi1>
    %reduce_max3A_66 = arith.constant -2147483648 : i32
    %reduce_max3A_67 = vector.broadcast %reduce_max3A_66 : i32 to vector<16xi32>
    %reduce_max3A_68 = arith.xori %scan3A_62, %reduce_max3A_67 : vector<16xi32>
    %reduce_max3A_69 = tpu.scan <max>, %reduce_max3A_68 masked %reduce_max3A_65 : vector<16xi32>, vector<16xi1> -> vector<16xi32>
    %reduce_max3A_70 = arith.xori %reduce_max3A_69, %reduce_max3A_67 : vector<16xi32>
    %reduce_max3A_71 = vector.extract %reduce_max3A_70[15] : i32 from vector<16xi32>
    %shift_right_logical3A_72 = arith.constant 7 : i32
    %shift_right_logical3A_73 = arith.shrui %reduce_max3A_71, %shift_right_logical3A_72 : i32
    %while3A_74 = arith.constant 0 : i32
    %while3A_75 = arith.constant 0 : i32
    %while3A_76 = arith.subi %shift_right_logical3A_73, %while3A_75 : i32
    %while3A_77 = arith.addi %while3A_75, %while3A_76 : i32
    %while3A_78 = arith.constant 1 : i32
    %while3A_79 = arith.divsi %while3A_76, %while3A_78 : i32
    %while3A_80 = arith.muli %while3A_79, %while3A_78 : i32
    %while3A_81 = arith.addi %while3A_75, %while3A_80 : i32
    %while3A_82 = arith.constant 1 : i32
    scf.for %while3A_351 = %while3A_75 to %while3A_81 step %while3A_82  : i32 {
      %get3A = arith.index_cast %while3A_351 : i32 to index
      %get3A_352 = arith.constant 0 : index
      %get3A_353 = tpu.vector_load %arg16[%get3A, %get3A_352] {strides = array<i32>} : memref<17x128xi32, #tpu.memory_space<vmem>>, vector<16xi32>,
      %shift_right_logical3A_354 = arith.constant 11 : i32
      %shift_right_logical3A_355 = vector.broadcast %shift_right_logical3A_354 : i32 to vector<16xi32>
      %shift_right_logical3A_356 = arith.shrui %get3A_353, %shift_right_logical3A_355 : vector<16xi32>
      %swap3A_357 = arith.constant 0 : i32
      %swap3A_358 = arith.index_cast %swap3A_357 : i32 to index
      %swap3A_359 = arith.constant 0 : index
      %swap3A_360 = tpu.vector_load %arg18[%swap3A_358, %swap3A_359] {strides = array<i32>} : memref<1x128xi32, #tpu.memory_space<vmem>>, vector<16xi32>,
      tpu.vector_store %arg18[%swap3A_358, %swap3A_359], %shift_right_logical3A_356 {strides = array<i32>} : memref<1x128xi32, #tpu.memory_space<vmem>>, vector<16xi32>,
      %and3A_361 = arith.constant 2047 : i32
      %and3A_362 = vector.broadcast %and3A_361 : i32 to vector<16xi32>
      %and3A_363 = arith.andi %get3A_353, %and3A_362 : vector<16xi32>
      %swap3A_364 = arith.constant 0 : i32
      %swap3A_365 = arith.index_cast %swap3A_364 : i32 to index
      %swap3A_366 = arith.constant 0 : index
      %swap3A_367 = tpu.vector_load %arg19[%swap3A_365, %swap3A_366] {strides = array<i32>} : memref<1x128xi32, #tpu.memory_space<vmem>>, vector<16xi32>,
      tpu.vector_store %arg19[%swap3A_365, %swap3A_366], %and3A_363 {strides = array<i32>} : memref<1x128xi32, #tpu.memory_space<vmem>>, vector<16xi32>,
      %get3A_368 = arith.index_cast %while3A_351 : i32 to index
      %get3A_369 = arith.constant 16 : index
      %get3A_370 = tpu.vector_load %arg16[%get3A_368, %get3A_369] {strides = array<i32>} : memref<17x128xi32, #tpu.memory_space<vmem>>, vector<16xi32>,
      %shift_right_logical3A_371 = arith.constant 11 : i32
      %shift_right_logical3A_372 = vector.broadcast %shift_right_logical3A_371 : i32 to vector<16xi32>
      %shift_right_logical3A_373 = arith.shrui %get3A_370, %shift_right_logical3A_372 : vector<16xi32>
      %swap3A_374 = arith.constant 0 : i32
      %swap3A_375 = arith.index_cast %swap3A_374 : i32 to index
      %swap3A_376 = arith.constant 16 : index
      %swap3A_377 = tpu.vector_load %arg18[%swap3A_375, %swap3A_376] {strides = array<i32>} : memref<1x128xi32, #tpu.memory_space<vmem>>, vector<16xi32>,
      tpu.vector_store %arg18[%swap3A_375, %swap3A_376], %shift_right_logical3A_373 {strides = array<i32>} : memref<1x128xi32, #tpu.memory_space<vmem>>, vector<16xi32>,
      %and3A_378 = arith.constant 2047 : i32
      %and3A_379 = vector.broadcast %and3A_378 : i32 to vector<16xi32>
      %and3A_380 = arith.andi %get3A_370, %and3A_379 : vector<16xi32>
      %swap3A_381 = arith.constant 0 : i32
      %swap3A_382 = arith.index_cast %swap3A_381 : i32 to index
      %swap3A_383 = arith.constant 16 : index
      %swap3A_384 = tpu.vector_load %arg19[%swap3A_382, %swap3A_383] {strides = array<i32>} : memref<1x128xi32, #tpu.memory_space<vmem>>, vector<16xi32>,
      tpu.vector_store %arg19[%swap3A_382, %swap3A_383], %and3A_380 {strides = array<i32>} : memref<1x128xi32, #tpu.memory_space<vmem>>, vector<16xi32>,
      %get3A_385 = arith.index_cast %while3A_351 : i32 to index
      %get3A_386 = arith.constant 32 : index
      %get3A_387 = tpu.vector_load %arg16[%get3A_385, %get3A_386] {strides = array<i32>} : memref<17x128xi32, #tpu.memory_space<vmem>>, vector<16xi32>,
      %shift_right_logical3A_388 = arith.constant 11 : i32
      %shift_right_logical3A_389 = vector.broadcast %shift_right_logical3A_388 : i32 to vector<16xi32>
      %shift_right_logical3A_390 = arith.shrui %get3A_387, %shift_right_logical3A_389 : vector<16xi32>
      %swap3A_391 = arith.constant 0 : i32
      %swap3A_392 = arith.index_cast %swap3A_391 : i32 to index
      %swap3A_393 = arith.constant 32 : index
      %swap3A_394 = tpu.vector_load %arg18[%swap3A_392, %swap3A_393] {strides = array<i32>} : memref<1x128xi32, #tpu.memory_space<vmem>>, vector<16xi32>,
      tpu.vector_store %arg18[%swap3A_392, %swap3A_393], %shift_right_logical3A_390 {strides = array<i32>} : memref<1x128xi32, #tpu.memory_space<vmem>>, vector<16xi32>,
      %and3A_395 = arith.constant 2047 : i32
      %and3A_396 = vector.broadcast %and3A_395 : i32 to vector<16xi32>
      %and3A_397 = arith.andi %get3A_387, %and3A_396 : vector<16xi32>
      %swap3A_398 = arith.constant 0 : i32
      %swap3A_399 = arith.index_cast %swap3A_398 : i32 to index
      %swap3A_400 = arith.constant 32 : index
      %swap3A_401 = tpu.vector_load %arg19[%swap3A_399, %swap3A_400] {strides = array<i32>} : memref<1x128xi32, #tpu.memory_space<vmem>>, vector<16xi32>,
      tpu.vector_store %arg19[%swap3A_399, %swap3A_400], %and3A_397 {strides = array<i32>} : memref<1x128xi32, #tpu.memory_space<vmem>>, vector<16xi32>,
      %get3A_402 = arith.index_cast %while3A_351 : i32 to index
      %get3A_403 = arith.constant 48 : index
      %get3A_404 = tpu.vector_load %arg16[%get3A_402, %get3A_403] {strides = array<i32>} : memref<17x128xi32, #tpu.memory_space<vmem>>, vector<16xi32>,
      %shift_right_logical3A_405 = arith.constant 11 : i32
      %shift_right_logical3A_406 = vector.broadcast %shift_right_logical3A_405 : i32 to vector<16xi32>
      %shift_right_logical3A_407 = arith.shrui %get3A_404, %shift_right_logical3A_406 : vector<16xi32>
      %swap3A_408 = arith.constant 0 : i32
      %swap3A_409 = arith.index_cast %swap3A_408 : i32 to index
      %swap3A_410 = arith.constant 48 : index
      %swap3A_411 = tpu.vector_load %arg18[%swap3A_409, %swap3A_410] {strides = array<i32>} : memref<1x128xi32, #tpu.memory_space<vmem>>, vector<16xi32>,
      tpu.vector_store %arg18[%swap3A_409, %swap3A_410], %shift_right_logical3A_407 {strides = array<i32>} : memref<1x128xi32, #tpu.memory_space<vmem>>, vector<16xi32>,
      %and3A_412 = arith.constant 2047 : i32
      %and3A_413 = vector.broadcast %and3A_412 : i32 to vector<16xi32>
      %and3A_414 = arith.andi %get3A_404, %and3A_413 : vector<16xi32>
      %swap3A_415 = arith.constant 0 : i32
      %swap3A_416 = arith.index_cast %swap3A_415 : i32 to index
      %swap3A_417 = arith.constant 48 : index
      %swap3A_418 = tpu.vector_load %arg19[%swap3A_416, %swap3A_417] {strides = array<i32>} : memref<1x128xi32, #tpu.memory_space<vmem>>, vector<16xi32>,
      tpu.vector_store %arg19[%swap3A_416, %swap3A_417], %and3A_414 {strides = array<i32>} : memref<1x128xi32, #tpu.memory_space<vmem>>, vector<16xi32>,
      %get3A_419 = arith.index_cast %while3A_351 : i32 to index
      %get3A_420 = arith.constant 64 : index
      %get3A_421 = tpu.vector_load %arg16[%get3A_419, %get3A_420] {strides = array<i32>} : memref<17x128xi32, #tpu.memory_space<vmem>>, vector<16xi32>,
      %shift_right_logical3A_422 = arith.constant 11 : i32
      %shift_right_logical3A_423 = vector.broadcast %shift_right_logical3A_422 : i32 to vector<16xi32>
      %shift_right_logical3A_424 = arith.shrui %get3A_421, %shift_right_logical3A_423 : vector<16xi32>
      %swap3A_425 = arith.constant 0 : i32
      %swap3A_426 = arith.index_cast %swap3A_425 : i32 to index
      %swap3A_427 = arith.constant 64 : index
      %swap3A_428 = tpu.vector_load %arg18[%swap3A_426, %swap3A_427] {strides = array<i32>} : memref<1x128xi32, #tpu.memory_space<vmem>>, vector<16xi32>,
      tpu.vector_store %arg18[%swap3A_426, %swap3A_427], %shift_right_logical3A_424 {strides = array<i32>} : memref<1x128xi32, #tpu.memory_space<vmem>>, vector<16xi32>,
      %and3A_429 = arith.constant 2047 : i32
      %and3A_430 = vector.broadcast %and3A_429 : i32 to vector<16xi32>
      %and3A_431 = arith.andi %get3A_421, %and3A_430 : vector<16xi32>
      %swap3A_432 = arith.constant 0 : i32
      %swap3A_433 = arith.index_cast %swap3A_432 : i32 to index
      %swap3A_434 = arith.constant 64 : index
      %swap3A_435 = tpu.vector_load %arg19[%swap3A_433, %swap3A_434] {strides = array<i32>} : memref<1x128xi32, #tpu.memory_space<vmem>>, vector<16xi32>,
      tpu.vector_store %arg19[%swap3A_433, %swap3A_434], %and3A_431 {strides = array<i32>} : memref<1x128xi32, #tpu.memory_space<vmem>>, vector<16xi32>,
      %get3A_436 = arith.index_cast %while3A_351 : i32 to index
      %get3A_437 = arith.constant 80 : index
      %get3A_438 = tpu.vector_load %arg16[%get3A_436, %get3A_437] {strides = array<i32>} : memref<17x128xi32, #tpu.memory_space<vmem>>, vector<16xi32>,
      %shift_right_logical3A_439 = arith.constant 11 : i32
      %shift_right_logical3A_440 = vector.broadcast %shift_right_logical3A_439 : i32 to vector<16xi32>
      %shift_right_logical3A_441 = arith.shrui %get3A_438, %shift_right_logical3A_440 : vector<16xi32>
      %swap3A_442 = arith.constant 0 : i32
      %swap3A_443 = arith.index_cast %swap3A_442 : i32 to index
      %swap3A_444 = arith.constant 80 : index
      %swap3A_445 = tpu.vector_load %arg18[%swap3A_443, %swap3A_444] {strides = array<i32>} : memref<1x128xi32, #tpu.memory_space<vmem>>, vector<16xi32>,
      tpu.vector_store %arg18[%swap3A_443, %swap3A_444], %shift_right_logical3A_441 {strides = array<i32>} : memref<1x128xi32, #tpu.memory_space<vmem>>, vector<16xi32>,
      %and3A_446 = arith.constant 2047 : i32
      %and3A_447 = vector.broadcast %and3A_446 : i32 to vector<16xi32>
      %and3A_448 = arith.andi %get3A_438, %and3A_447 : vector<16xi32>
      %swap3A_449 = arith.constant 0 : i32
      %swap3A_450 = arith.index_cast %swap3A_449 : i32 to index
      %swap3A_451 = arith.constant 80 : index
      %swap3A_452 = tpu.vector_load %arg19[%swap3A_450, %swap3A_451] {strides = array<i32>} : memref<1x128xi32, #tpu.memory_space<vmem>>, vector<16xi32>,
      tpu.vector_store %arg19[%swap3A_450, %swap3A_451], %and3A_448 {strides = array<i32>} : memref<1x128xi32, #tpu.memory_space<vmem>>, vector<16xi32>,
      %get3A_453 = arith.index_cast %while3A_351 : i32 to index
      %get3A_454 = arith.constant 96 : index
      %get3A_455 = tpu.vector_load %arg16[%get3A_453, %get3A_454] {strides = array<i32>} : memref<17x128xi32, #tpu.memory_space<vmem>>, vector<16xi32>,
      %shift_right_logical3A_456 = arith.constant 11 : i32
      %shift_right_logical3A_457 = vector.broadcast %shift_right_logical3A_456 : i32 to vector<16xi32>
      %shift_right_logical3A_458 = arith.shrui %get3A_455, %shift_right_logical3A_457 : vector<16xi32>
      %swap3A_459 = arith.constant 0 : i32
      %swap3A_460 = arith.index_cast %swap3A_459 : i32 to index
      %swap3A_461 = arith.constant 96 : index
      %swap3A_462 = tpu.vector_load %arg18[%swap3A_460, %swap3A_461] {strides = array<i32>} : memref<1x128xi32, #tpu.memory_space<vmem>>, vector<16xi32>,
      tpu.vector_store %arg18[%swap3A_460, %swap3A_461], %shift_right_logical3A_458 {strides = array<i32>} : memref<1x128xi32, #tpu.memory_space<vmem>>, vector<16xi32>,
      %and3A_463 = arith.constant 2047 : i32
      %and3A_464 = vector.broadcast %and3A_463 : i32 to vector<16xi32>
      %and3A_465 = arith.andi %get3A_455, %and3A_464 : vector<16xi32>
      %swap3A_466 = arith.constant 0 : i32
      %swap3A_467 = arith.index_cast %swap3A_466 : i32 to index
      %swap3A_468 = arith.constant 96 : index
      %swap3A_469 = tpu.vector_load %arg19[%swap3A_467, %swap3A_468] {strides = array<i32>} : memref<1x128xi32, #tpu.memory_space<vmem>>, vector<16xi32>,
      tpu.vector_store %arg19[%swap3A_467, %swap3A_468], %and3A_465 {strides = array<i32>} : memref<1x128xi32, #tpu.memory_space<vmem>>, vector<16xi32>,
      %get3A_470 = arith.index_cast %while3A_351 : i32 to index
      %get3A_471 = arith.constant 112 : index
      %get3A_472 = tpu.vector_load %arg16[%get3A_470, %get3A_471] {strides = array<i32>} : memref<17x128xi32, #tpu.memory_space<vmem>>, vector<16xi32>,
      %shift_right_logical3A_473 = arith.constant 11 : i32
      %shift_right_logical3A_474 = vector.broadcast %shift_right_logical3A_473 : i32 to vector<16xi32>
      %shift_right_logical3A_475 = arith.shrui %get3A_472, %shift_right_logical3A_474 : vector<16xi32>
      %swap3A_476 = arith.constant 0 : i32
      %swap3A_477 = arith.index_cast %swap3A_476 : i32 to index
      %swap3A_478 = arith.constant 112 : index
      %swap3A_479 = tpu.vector_load %arg18[%swap3A_477, %swap3A_478] {strides = array<i32>} : memref<1x128xi32, #tpu.memory_space<vmem>>, vector<16xi32>,
      tpu.vector_store %arg18[%swap3A_477, %swap3A_478], %shift_right_logical3A_475 {strides = array<i32>} : memref<1x128xi32, #tpu.memory_space<vmem>>, vector<16xi32>,
      %and3A_480 = arith.constant 2047 : i32
      %and3A_481 = vector.broadcast %and3A_480 : i32 to vector<16xi32>
      %and3A_482 = arith.andi %get3A_472, %and3A_481 : vector<16xi32>
      %swap3A_483 = arith.constant 0 : i32
      %swap3A_484 = arith.index_cast %swap3A_483 : i32 to index
      %swap3A_485 = arith.constant 112 : index
      %swap3A_486 = tpu.vector_load %arg19[%swap3A_484, %swap3A_485] {strides = array<i32>} : memref<1x128xi32, #tpu.memory_space<vmem>>, vector<16xi32>,
      tpu.vector_store %arg19[%swap3A_484, %swap3A_485], %and3A_482 {strides = array<i32>} : memref<1x128xi32, #tpu.memory_space<vmem>>, vector<16xi32>,
      %dma_start3A_487 = arith.constant 0 : i32
      %dma_start3A_488 = arith.constant 0 : i32
      %dma_start3A_489 = tpu.memref_slice %arg18[%dma_start3A_487, %dma_start3A_488] : memref<1x128xi32, #tpu.memory_space<vmem>> -> memref<1x128xi32, #tpu.memory_space<vmem>>
      %dma_start3A_490 = tpu.memref_squeeze %dma_start3A_489 : memref<1x128xi32, #tpu.memory_space<vmem>> -> memref<128xi32, #tpu.memory_space<vmem>>
      %dma_start3A_491 = arith.constant 0 : i32
      %dma_start3A_492 = arith.constant 0 : i32
      %dma_start3A_493 = tpu.memref_slice %arg26[%dma_start3A_491, %dma_start3A_492] : memref<10000x128xf32, #tpu.memory_space<vmem_shared>> -> memref<10000x128xf32, #tpu.memory_space<vmem_shared>>
      tpu.enqueue_indirect_dma source(%dma_start3A_493 : memref<10000x128xf32, #tpu.memory_space<vmem_shared>>) target(%arg17 : memref<128x128xf32, #tpu.memory_space<vmem>>) offsets(%dma_start3A_490 : memref<128xi32, #tpu.memory_space<vmem>>) semaphore(%arg30 : memref<!tpu.dma_semaphore, #tpu.memory_space<semaphore_mem>>)
      %dma_wait3A_494 = arith.constant 0 : i32
      %dma_wait3A_495 = arith.constant 0 : i32
      %dma_wait3A_496 = tpu.memref_slice %arg18[%dma_wait3A_494, %dma_wait3A_495] : memref<1x128xi32, #tpu.memory_space<vmem>> -> memref<1x128xi32, #tpu.memory_space<vmem>>
      %dma_wait3A_497 = tpu.memref_squeeze %dma_wait3A_496 : memref<1x128xi32, #tpu.memory_space<vmem>> -> memref<128xi32, #tpu.memory_space<vmem>>
      %dma_wait3A_498 = arith.constant 0 : i32
      %dma_wait3A_499 = arith.constant 0 : i32
      %dma_wait3A_500 = tpu.memref_slice %arg26[%dma_wait3A_498, %dma_wait3A_499] : memref<10000x128xf32, #tpu.memory_space<vmem_shared>> -> memref<10000x128xf32, #tpu.memory_space<vmem_shared>>
      tpu.wait_indirect_dma semaphore(%arg30 : memref<!tpu.dma_semaphore, #tpu.memory_space<semaphore_mem>>) src(%dma_wait3A_500 : memref<10000x128xf32, #tpu.memory_space<vmem_shared>>) dst(%arg17 : memref<128x128xf32, #tpu.memory_space<vmem>>)
      %run_scoped3A = arith.constant 0 : i32
      "tpu.region"() ({
        %run_scoped3A_501 = tpu.sem_alloc : memref<!tpu.dma_semaphore, #tpu.memory_space<semaphore_mem>>
        %dma_start3A_502 = arith.constant 0 : i32
        %dma_start3A_503 = tpu.memref_slice %arg19[%run_scoped3A, %dma_start3A_502] : memref<1x128xi32, #tpu.memory_space<vmem>> -> memref<1x128xi32, #tpu.memory_space<vmem>>
        %dma_start3A_504 = tpu.memref_squeeze %dma_start3A_503 : memref<1x128xi32, #tpu.memory_space<vmem>> -> memref<128xi32, #tpu.memory_space<vmem>>
        %dma_start3A_505 = arith.constant 0 : i32
        %dma_start3A_506 = arith.constant 0 : i32
        %dma_start3A_507 = tpu.memref_slice %arg27[%dma_start3A_505, %dma_start3A_506] : memref<1152x128xf32, #tpu.memory_space<vmem_shared>> -> memref<1152x128xf32, #tpu.memory_space<vmem_shared>>
        tpu.enqueue_indirect_dma source(%arg17 : memref<128x128xf32, #tpu.memory_space<vmem>>) target(%dma_start3A_507 : memref<1152x128xf32, #tpu.memory_space<vmem_shared>>) offsets(%dma_start3A_504 : memref<128xi32, #tpu.memory_space<vmem>>) semaphore(%run_scoped3A_501 : memref<!tpu.dma_semaphore, #tpu.memory_space<semaphore_mem>>) {add = true}
        %dma_wait3A_508 = arith.constant 0 : i32
        %dma_wait3A_509 = tpu.memref_slice %arg19[%run_scoped3A, %dma_wait3A_508] : memref<1x128xi32, #tpu.memory_space<vmem>> -> memref<1x128xi32, #tpu.memory_space<vmem>>
        %dma_wait3A_510 = tpu.memref_squeeze %dma_wait3A_509 : memref<1x128xi32, #tpu.memory_space<vmem>> -> memref<128xi32, #tpu.memory_space<vmem>>
        %dma_wait3A_511 = arith.constant 0 : i32
        %dma_wait3A_512 = arith.constant 0 : i32
        %dma_wait3A_513 = tpu.memref_slice %arg27[%dma_wait3A_511, %dma_wait3A_512] : memref<1152x128xf32, #tpu.memory_space<vmem_shared>> -> memref<1152x128xf32, #tpu.memory_space<vmem_shared>>
        tpu.wait_indirect_dma semaphore(%run_scoped3A_501 : memref<!tpu.dma_semaphore, #tpu.memory_space<semaphore_mem>>) src(%arg17 : memref<128x128xf32, #tpu.memory_space<vmem>>) dst(%dma_wait3A_513 : memref<1152x128xf32, #tpu.memory_space<vmem_shared>>)
        tpu.yield
      }) : () -> ()
    }
    %while3A_83 = arith.constant 1 : i32
    scf.for %while3A_351 = %while3A_81 to %while3A_77 step %while3A_83  : i32 {
      %get3A = arith.index_cast %while3A_351 : i32 to index
      %get3A_352 = arith.constant 0 : index
      %get3A_353 = tpu.vector_load %arg16[%get3A, %get3A_352] {strides = array<i32>} : memref<17x128xi32, #tpu.memory_space<vmem>>, vector<16xi32>,
      %shift_right_logical3A_354 = arith.constant 11 : i32
      %shift_right_logical3A_355 = vector.broadcast %shift_right_logical3A_354 : i32 to vector<16xi32>
      %shift_right_logical3A_356 = arith.shrui %get3A_353, %shift_right_logical3A_355 : vector<16xi32>
      %swap3A_357 = arith.constant 0 : i32
      %swap3A_358 = arith.index_cast %swap3A_357 : i32 to index
      %swap3A_359 = arith.constant 0 : index
      %swap3A_360 = tpu.vector_load %arg18[%swap3A_358, %swap3A_359] {strides = array<i32>} : memref<1x128xi32, #tpu.memory_space<vmem>>, vector<16xi32>,
      tpu.vector_store %arg18[%swap3A_358, %swap3A_359], %shift_right_logical3A_356 {strides = array<i32>} : memref<1x128xi32, #tpu.memory_space<vmem>>, vector<16xi32>,
      %and3A_361 = arith.constant 2047 : i32
      %and3A_362 = vector.broadcast %and3A_361 : i32 to vector<16xi32>
      %and3A_363 = arith.andi %get3A_353, %and3A_362 : vector<16xi32>
      %swap3A_364 = arith.constant 0 : i32
      %swap3A_365 = arith.index_cast %swap3A_364 : i32 to index
      %swap3A_366 = arith.constant 0 : index
      %swap3A_367 = tpu.vector_load %arg19[%swap3A_365, %swap3A_366] {strides = array<i32>} : memref<1x128xi32, #tpu.memory_space<vmem>>, vector<16xi32>,
      tpu.vector_store %arg19[%swap3A_365, %swap3A_366], %and3A_363 {strides = array<i32>} : memref<1x128xi32, #tpu.memory_space<vmem>>, vector<16xi32>,
      %get3A_368 = arith.index_cast %while3A_351 : i32 to index
      %get3A_369 = arith.constant 16 : index
      %get3A_370 = tpu.vector_load %arg16[%get3A_368, %get3A_369] {strides = array<i32>} : memref<17x128xi32, #tpu.memory_space<vmem>>, vector<16xi32>,
      %shift_right_logical3A_371 = arith.constant 11 : i32
      %shift_right_logical3A_372 = vector.broadcast %shift_right_logical3A_371 : i32 to vector<16xi32>
      %shift_right_logical3A_373 = arith.shrui %get3A_370, %shift_right_logical3A_372 : vector<16xi32>
      %swap3A_374 = arith.constant 0 : i32
      %swap3A_375 = arith.index_cast %swap3A_374 : i32 to index
      %swap3A_376 = arith.constant 16 : index
      %swap3A_377 = tpu.vector_load %arg18[%swap3A_375, %swap3A_376] {strides = array<i32>} : memref<1x128xi32, #tpu.memory_space<vmem>>, vector<16xi32>,
      tpu.vector_store %arg18[%swap3A_375, %swap3A_376], %shift_right_logical3A_373 {strides = array<i32>} : memref<1x128xi32, #tpu.memory_space<vmem>>, vector<16xi32>,
      %and3A_378 = arith.constant 2047 : i32
      %and3A_379 = vector.broadcast %and3A_378 : i32 to vector<16xi32>
      %and3A_380 = arith.andi %get3A_370, %and3A_379 : vector<16xi32>
      %swap3A_381 = arith.constant 0 : i32
      %swap3A_382 = arith.index_cast %swap3A_381 : i32 to index
      %swap3A_383 = arith.constant 16 : index
      %swap3A_384 = tpu.vector_load %arg19[%swap3A_382, %swap3A_383] {strides = array<i32>} : memref<1x128xi32, #tpu.memory_space<vmem>>, vector<16xi32>,
      tpu.vector_store %arg19[%swap3A_382, %swap3A_383], %and3A_380 {strides = array<i32>} : memref<1x128xi32, #tpu.memory_space<vmem>>, vector<16xi32>,
      %get3A_385 = arith.index_cast %while3A_351 : i32 to index
      %get3A_386 = arith.constant 32 : index
      %get3A_387 = tpu.vector_load %arg16[%get3A_385, %get3A_386] {strides = array<i32>} : memref<17x128xi32, #tpu.memory_space<vmem>>, vector<16xi32>,
      %shift_right_logical3A_388 = arith.constant 11 : i32
      %shift_right_logical3A_389 = vector.broadcast %shift_right_logical3A_388 : i32 to vector<16xi32>
      %shift_right_logical3A_390 = arith.shrui %get3A_387, %shift_right_logical3A_389 : vector<16xi32>
      %swap3A_391 = arith.constant 0 : i32
      %swap3A_392 = arith.index_cast %swap3A_391 : i32 to index
      %swap3A_393 = arith.constant 32 : index
      %swap3A_394 = tpu.vector_load %arg18[%swap3A_392, %swap3A_393] {strides = array<i32>} : memref<1x128xi32, #tpu.memory_space<vmem>>, vector<16xi32>,
      tpu.vector_store %arg18[%swap3A_392, %swap3A_393], %shift_right_logical3A_390 {strides = array<i32>} : memref<1x128xi32, #tpu.memory_space<vmem>>, vector<16xi32>,
      %and3A_395 = arith.constant 2047 : i32
      %and3A_396 = vector.broadcast %and3A_395 : i32 to vector<16xi32>
      %and3A_397 = arith.andi %get3A_387, %and3A_396 : vector<16xi32>
      %swap3A_398 = arith.constant 0 : i32
      %swap3A_399 = arith.index_cast %swap3A_398 : i32 to index
      %swap3A_400 = arith.constant 32 : index
      %swap3A_401 = tpu.vector_load %arg19[%swap3A_399, %swap3A_400] {strides = array<i32>} : memref<1x128xi32, #tpu.memory_space<vmem>>, vector<16xi32>,
      tpu.vector_store %arg19[%swap3A_399, %swap3A_400], %and3A_397 {strides = array<i32>} : memref<1x128xi32, #tpu.memory_space<vmem>>, vector<16xi32>,
      %get3A_402 = arith.index_cast %while3A_351 : i32 to index
      %get3A_403 = arith.constant 48 : index
      %get3A_404 = tpu.vector_load %arg16[%get3A_402, %get3A_403] {strides = array<i32>} : memref<17x128xi32, #tpu.memory_space<vmem>>, vector<16xi32>,
      %shift_right_logical3A_405 = arith.constant 11 : i32
      %shift_right_logical3A_406 = vector.broadcast %shift_right_logical3A_405 : i32 to vector<16xi32>
      %shift_right_logical3A_407 = arith.shrui %get3A_404, %shift_right_logical3A_406 : vector<16xi32>
      %swap3A_408 = arith.constant 0 : i32
      %swap3A_409 = arith.index_cast %swap3A_408 : i32 to index
      %swap3A_410 = arith.constant 48 : index
      %swap3A_411 = tpu.vector_load %arg18[%swap3A_409, %swap3A_410] {strides = array<i32>} : memref<1x128xi32, #tpu.memory_space<vmem>>, vector<16xi32>,
      tpu.vector_store %arg18[%swap3A_409, %swap3A_410], %shift_right_logical3A_407 {strides = array<i32>} : memref<1x128xi32, #tpu.memory_space<vmem>>, vector<16xi32>,
      %and3A_412 = arith.constant 2047 : i32
      %and3A_413 = vector.broadcast %and3A_412 : i32 to vector<16xi32>
      %and3A_414 = arith.andi %get3A_404, %and3A_413 : vector<16xi32>
      %swap3A_415 = arith.constant 0 : i32
      %swap3A_416 = arith.index_cast %swap3A_415 : i32 to index
      %swap3A_417 = arith.constant 48 : index
      %swap3A_418 = tpu.vector_load %arg19[%swap3A_416, %swap3A_417] {strides = array<i32>} : memref<1x128xi32, #tpu.memory_space<vmem>>, vector<16xi32>,
      tpu.vector_store %arg19[%swap3A_416, %swap3A_417], %and3A_414 {strides = array<i32>} : memref<1x128xi32, #tpu.memory_space<vmem>>, vector<16xi32>,
      %get3A_419 = arith.index_cast %while3A_351 : i32 to index
      %get3A_420 = arith.constant 64 : index
      %get3A_421 = tpu.vector_load %arg16[%get3A_419, %get3A_420] {strides = array<i32>} : memref<17x128xi32, #tpu.memory_space<vmem>>, vector<16xi32>,
      %shift_right_logical3A_422 = arith.constant 11 : i32
      %shift_right_logical3A_423 = vector.broadcast %shift_right_logical3A_422 : i32 to vector<16xi32>
      %shift_right_logical3A_424 = arith.shrui %get3A_421, %shift_right_logical3A_423 : vector<16xi32>
      %swap3A_425 = arith.constant 0 : i32
      %swap3A_426 = arith.index_cast %swap3A_425 : i32 to index
      %swap3A_427 = arith.constant 64 : index
      %swap3A_428 = tpu.vector_load %arg18[%swap3A_426, %swap3A_427] {strides = array<i32>} : memref<1x128xi32, #tpu.memory_space<vmem>>, vector<16xi32>,
      tpu.vector_store %arg18[%swap3A_426, %swap3A_427], %shift_right_logical3A_424 {strides = array<i32>} : memref<1x128xi32, #tpu.memory_space<vmem>>, vector<16xi32>,
      %and3A_429 = arith.constant 2047 : i32
      %and3A_430 = vector.broadcast %and3A_429 : i32 to vector<16xi32>
      %and3A_431 = arith.andi %get3A_421, %and3A_430 : vector<16xi32>
      %swap3A_432 = arith.constant 0 : i32
      %swap3A_433 = arith.index_cast %swap3A_432 : i32 to index
      %swap3A_434 = arith.constant 64 : index
      %swap3A_435 = tpu.vector_load %arg19[%swap3A_433, %swap3A_434] {strides = array<i32>} : memref<1x128xi32, #tpu.memory_space<vmem>>, vector<16xi32>,
      tpu.vector_store %arg19[%swap3A_433, %swap3A_434], %and3A_431 {strides = array<i32>} : memref<1x128xi32, #tpu.memory_space<vmem>>, vector<16xi32>,
      %get3A_436 = arith.index_cast %while3A_351 : i32 to index
      %get3A_437 = arith.constant 80 : index
      %get3A_438 = tpu.vector_load %arg16[%get3A_436, %get3A_437] {strides = array<i32>} : memref<17x128xi32, #tpu.memory_space<vmem>>, vector<16xi32>,
      %shift_right_logical3A_439 = arith.constant 11 : i32
      %shift_right_logical3A_440 = vector.broadcast %shift_right_logical3A_439 : i32 to vector<16xi32>
      %shift_right_logical3A_441 = arith.shrui %get3A_438, %shift_right_logical3A_440 : vector<16xi32>
      %swap3A_442 = arith.constant 0 : i32
      %swap3A_443 = arith.index_cast %swap3A_442 : i32 to index
      %swap3A_444 = arith.constant 80 : index
      %swap3A_445 = tpu.vector_load %arg18[%swap3A_443, %swap3A_444] {strides = array<i32>} : memref<1x128xi32, #tpu.memory_space<vmem>>, vector<16xi32>,
      tpu.vector_store %arg18[%swap3A_443, %swap3A_444], %shift_right_logical3A_441 {strides = array<i32>} : memref<1x128xi32, #tpu.memory_space<vmem>>, vector<16xi32>,
      %and3A_446 = arith.constant 2047 : i32
      %and3A_447 = vector.broadcast %and3A_446 : i32 to vector<16xi32>
      %and3A_448 = arith.andi %get3A_438, %and3A_447 : vector<16xi32>
      %swap3A_449 = arith.constant 0 : i32
      %swap3A_450 = arith.index_cast %swap3A_449 : i32 to index
      %swap3A_451 = arith.constant 80 : index
      %swap3A_452 = tpu.vector_load %arg19[%swap3A_450, %swap3A_451] {strides = array<i32>} : memref<1x128xi32, #tpu.memory_space<vmem>>, vector<16xi32>,
      tpu.vector_store %arg19[%swap3A_450, %swap3A_451], %and3A_448 {strides = array<i32>} : memref<1x128xi32, #tpu.memory_space<vmem>>, vector<16xi32>,
      %get3A_453 = arith.index_cast %while3A_351 : i32 to index
      %get3A_454 = arith.constant 96 : index
      %get3A_455 = tpu.vector_load %arg16[%get3A_453, %get3A_454] {strides = array<i32>} : memref<17x128xi32, #tpu.memory_space<vmem>>, vector<16xi32>,
      %shift_right_logical3A_456 = arith.constant 11 : i32
      %shift_right_logical3A_457 = vector.broadcast %shift_right_logical3A_456 : i32 to vector<16xi32>
      %shift_right_logical3A_458 = arith.shrui %get3A_455, %shift_right_logical3A_457 : vector<16xi32>
      %swap3A_459 = arith.constant 0 : i32
      %swap3A_460 = arith.index_cast %swap3A_459 : i32 to index
      %swap3A_461 = arith.constant 96 : index
      %swap3A_462 = tpu.vector_load %arg18[%swap3A_460, %swap3A_461] {strides = array<i32>} : memref<1x128xi32, #tpu.memory_space<vmem>>, vector<16xi32>,
      tpu.vector_store %arg18[%swap3A_460, %swap3A_461], %shift_right_logical3A_458 {strides = array<i32>} : memref<1x128xi32, #tpu.memory_space<vmem>>, vector<16xi32>,
      %and3A_463 = arith.constant 2047 : i32
      %and3A_464 = vector.broadcast %and3A_463 : i32 to vector<16xi32>
      %and3A_465 = arith.andi %get3A_455, %and3A_464 : vector<16xi32>
      %swap3A_466 = arith.constant 0 : i32
      %swap3A_467 = arith.index_cast %swap3A_466 : i32 to index
      %swap3A_468 = arith.constant 96 : index
      %swap3A_469 = tpu.vector_load %arg19[%swap3A_467, %swap3A_468] {strides = array<i32>} : memref<1x128xi32, #tpu.memory_space<vmem>>, vector<16xi32>,
      tpu.vector_store %arg19[%swap3A_467, %swap3A_468], %and3A_465 {strides = array<i32>} : memref<1x128xi32, #tpu.memory_space<vmem>>, vector<16xi32>,
      %get3A_470 = arith.index_cast %while3A_351 : i32 to index
      %get3A_471 = arith.constant 112 : index
      %get3A_472 = tpu.vector_load %arg16[%get3A_470, %get3A_471] {strides = array<i32>} : memref<17x128xi32, #tpu.memory_space<vmem>>, vector<16xi32>,
      %shift_right_logical3A_473 = arith.constant 11 : i32
      %shift_right_logical3A_474 = vector.broadcast %shift_right_logical3A_473 : i32 to vector<16xi32>
      %shift_right_logical3A_475 = arith.shrui %get3A_472, %shift_right_logical3A_474 : vector<16xi32>
      %swap3A_476 = arith.constant 0 : i32
      %swap3A_477 = arith.index_cast %swap3A_476 : i32 to index
      %swap3A_478 = arith.constant 112 : index
      %swap3A_479 = tpu.vector_load %arg18[%swap3A_477, %swap3A_478] {strides = array<i32>} : memref<1x128xi32, #tpu.memory_space<vmem>>, vector<16xi32>,
      tpu.vector_store %arg18[%swap3A_477, %swap3A_478], %shift_right_logical3A_475 {strides = array<i32>} : memref<1x128xi32, #tpu.memory_space<vmem>>, vector<16xi32>,
      %and3A_480 = arith.constant 2047 : i32
      %and3A_481 = vector.broadcast %and3A_480 : i32 to vector<16xi32>
      %and3A_482 = arith.andi %get3A_472, %and3A_481 : vector<16xi32>
      %swap3A_483 = arith.constant 0 : i32
      %swap3A_484 = arith.index_cast %swap3A_483 : i32 to index
      %swap3A_485 = arith.constant 112 : index
      %swap3A_486 = tpu.vector_load %arg19[%swap3A_484, %swap3A_485] {strides = array<i32>} : memref<1x128xi32, #tpu.memory_space<vmem>>, vector<16xi32>,
      tpu.vector_store %arg19[%swap3A_484, %swap3A_485], %and3A_482 {strides = array<i32>} : memref<1x128xi32, #tpu.memory_space<vmem>>, vector<16xi32>,
      %dma_start3A_487 = arith.constant 0 : i32
      %dma_start3A_488 = arith.constant 0 : i32
      %dma_start3A_489 = tpu.memref_slice %arg18[%dma_start3A_487, %dma_start3A_488] : memref<1x128xi32, #tpu.memory_space<vmem>> -> memref<1x128xi32, #tpu.memory_space<vmem>>
      %dma_start3A_490 = tpu.memref_squeeze %dma_start3A_489 : memref<1x128xi32, #tpu.memory_space<vmem>> -> memref<128xi32, #tpu.memory_space<vmem>>
      %dma_start3A_491 = arith.constant 0 : i32
      %dma_start3A_492 = arith.constant 0 : i32
      %dma_start3A_493 = tpu.memref_slice %arg26[%dma_start3A_491, %dma_start3A_492] : memref<10000x128xf32, #tpu.memory_space<vmem_shared>> -> memref<10000x128xf32, #tpu.memory_space<vmem_shared>>
      tpu.enqueue_indirect_dma source(%dma_start3A_493 : memref<10000x128xf32, #tpu.memory_space<vmem_shared>>) target(%arg17 : memref<128x128xf32, #tpu.memory_space<vmem>>) offsets(%dma_start3A_490 : memref<128xi32, #tpu.memory_space<vmem>>) semaphore(%arg30 : memref<!tpu.dma_semaphore, #tpu.memory_space<semaphore_mem>>)
      %dma_wait3A_494 = arith.constant 0 : i32
      %dma_wait3A_495 = arith.constant 0 : i32
      %dma_wait3A_496 = tpu.memref_slice %arg18[%dma_wait3A_494, %dma_wait3A_495] : memref<1x128xi32, #tpu.memory_space<vmem>> -> memref<1x128xi32, #tpu.memory_space<vmem>>
      %dma_wait3A_497 = tpu.memref_squeeze %dma_wait3A_496 : memref<1x128xi32, #tpu.memory_space<vmem>> -> memref<128xi32, #tpu.memory_space<vmem>>
      %dma_wait3A_498 = arith.constant 0 : i32
      %dma_wait3A_499 = arith.constant 0 : i32
      %dma_wait3A_500 = tpu.memref_slice %arg26[%dma_wait3A_498, %dma_wait3A_499] : memref<10000x128xf32, #tpu.memory_space<vmem_shared>> -> memref<10000x128xf32, #tpu.memory_space<vmem_shared>>
      tpu.wait_indirect_dma semaphore(%arg30 : memref<!tpu.dma_semaphore, #tpu.memory_space<semaphore_mem>>) src(%dma_wait3A_500 : memref<10000x128xf32, #tpu.memory_space<vmem_shared>>) dst(%arg17 : memref<128x128xf32, #tpu.memory_space<vmem>>)
      %run_scoped3A = arith.constant 0 : i32
      "tpu.region"() ({
        %run_scoped3A_501 = tpu.sem_alloc : memref<!tpu.dma_semaphore, #tpu.memory_space<semaphore_mem>>
        %dma_start3A_502 = arith.constant 0 : i32
        %dma_start3A_503 = tpu.memref_slice %arg19[%run_scoped3A, %dma_start3A_502] : memref<1x128xi32, #tpu.memory_space<vmem>> -> memref<1x128xi32, #tpu.memory_space<vmem>>
        %dma_start3A_504 = tpu.memref_squeeze %dma_start3A_503 : memref<1x128xi32, #tpu.memory_space<vmem>> -> memref<128xi32, #tpu.memory_space<vmem>>
        %dma_start3A_505 = arith.constant 0 : i32
        %dma_start3A_506 = arith.constant 0 : i32
        %dma_start3A_507 = tpu.memref_slice %arg27[%dma_start3A_505, %dma_start3A_506] : memref<1152x128xf32, #tpu.memory_space<vmem_shared>> -> memref<1152x128xf32, #tpu.memory_space<vmem_shared>>
        tpu.enqueue_indirect_dma source(%arg17 : memref<128x128xf32, #tpu.memory_space<vmem>>) target(%dma_start3A_507 : memref<1152x128xf32, #tpu.memory_space<vmem_shared>>) offsets(%dma_start3A_504 : memref<128xi32, #tpu.memory_space<vmem>>) semaphore(%run_scoped3A_501 : memref<!tpu.dma_semaphore, #tpu.memory_space<semaphore_mem>>) {add = true}
        %dma_wait3A_508 = arith.constant 0 : i32
        %dma_wait3A_509 = tpu.memref_slice %arg19[%run_scoped3A, %dma_wait3A_508] : memref<1x128xi32, #tpu.memory_space<vmem>> -> memref<1x128xi32, #tpu.memory_space<vmem>>
        %dma_wait3A_510 = tpu.memref_squeeze %dma_wait3A_509 : memref<1x128xi32, #tpu.memory_space<vmem>> -> memref<128xi32, #tpu.memory_space<vmem>>
        %dma_wait3A_511 = arith.constant 0 : i32
        %dma_wait3A_512 = arith.constant 0 : i32
        %dma_wait3A_513 = tpu.memref_slice %arg27[%dma_wait3A_511, %dma_wait3A_512] : memref<1152x128xf32, #tpu.memory_space<vmem_shared>> -> memref<1152x128xf32, #tpu.memory_space<vmem_shared>>
        tpu.wait_indirect_dma semaphore(%run_scoped3A_501 : memref<!tpu.dma_semaphore, #tpu.memory_space<semaphore_mem>>) src(%arg17 : memref<128x128xf32, #tpu.memory_space<vmem>>) dst(%dma_wait3A_513 : memref<1152x128xf32, #tpu.memory_space<vmem_shared>>)
        tpu.yield
      }) : () -> ()
    }
    %and3A_84 = arith.constant 127 : i32
    %and3A_85 = arith.andi %reduce_max3A_71, %and3A_84 : i32
    %gt3A_86 = arith.constant 0 : i32
    %gt3A_87 = arith.cmpi sgt, %shift_right_logical3A_73, %gt3A_86 : i32
    %convert_element_type3A_88 = arith.extui %gt3A_87 : i1 to i32
    %cond3A_89 = arith.constant 0 : i32
    %cond3A_90 = arith.cmpi ne, %convert_element_type3A_88, %cond3A_89 : i32
    scf.if %cond3A_90 {
      %get3A = arith.index_cast %shift_right_logical3A_73 : i32 to index
      %get3A_351 = arith.constant 0 : index
      %get3A_352 = tpu.vector_load %arg16[%get3A, %get3A_351] {strides = array<i32>} : memref<17x128xi32, #tpu.memory_space<vmem>>, vector<16xi32>,
      %swap3A_353 = arith.constant 0 : i32
      %swap3A_354 = arith.index_cast %swap3A_353 : i32 to index
      %swap3A_355 = arith.constant 0 : index
      %swap3A_356 = tpu.vector_load %arg16[%swap3A_354, %swap3A_355] {strides = array<i32>} : memref<17x128xi32, #tpu.memory_space<vmem>>, vector<16xi32>,
      tpu.vector_store %arg16[%swap3A_354, %swap3A_355], %get3A_352 {strides = array<i32>} : memref<17x128xi32, #tpu.memory_space<vmem>>, vector<16xi32>,
      %get3A_357 = arith.index_cast %shift_right_logical3A_73 : i32 to index
      %get3A_358 = arith.constant 16 : index
      %get3A_359 = tpu.vector_load %arg16[%get3A_357, %get3A_358] {strides = array<i32>} : memref<17x128xi32, #tpu.memory_space<vmem>>, vector<16xi32>,
      %swap3A_360 = arith.constant 0 : i32
      %swap3A_361 = arith.index_cast %swap3A_360 : i32 to index
      %swap3A_362 = arith.constant 16 : index
      %swap3A_363 = tpu.vector_load %arg16[%swap3A_361, %swap3A_362] {strides = array<i32>} : memref<17x128xi32, #tpu.memory_space<vmem>>, vector<16xi32>,
      tpu.vector_store %arg16[%swap3A_361, %swap3A_362], %get3A_359 {strides = array<i32>} : memref<17x128xi32, #tpu.memory_space<vmem>>, vector<16xi32>,
      %get3A_364 = arith.index_cast %shift_right_logical3A_73 : i32 to index
      %get3A_365 = arith.constant 32 : index
      %get3A_366 = tpu.vector_load %arg16[%get3A_364, %get3A_365] {strides = array<i32>} : memref<17x128xi32, #tpu.memory_space<vmem>>, vector<16xi32>,
      %swap3A_367 = arith.constant 0 : i32
      %swap3A_368 = arith.index_cast %swap3A_367 : i32 to index
      %swap3A_369 = arith.constant 32 : index
      %swap3A_370 = tpu.vector_load %arg16[%swap3A_368, %swap3A_369] {strides = array<i32>} : memref<17x128xi32, #tpu.memory_space<vmem>>, vector<16xi32>,
      tpu.vector_store %arg16[%swap3A_368, %swap3A_369], %get3A_366 {strides = array<i32>} : memref<17x128xi32, #tpu.memory_space<vmem>>, vector<16xi32>,
      %get3A_371 = arith.index_cast %shift_right_logical3A_73 : i32 to index
      %get3A_372 = arith.constant 48 : index
      %get3A_373 = tpu.vector_load %arg16[%get3A_371, %get3A_372] {strides = array<i32>} : memref<17x128xi32, #tpu.memory_space<vmem>>, vector<16xi32>,
      %swap3A_374 = arith.constant 0 : i32
      %swap3A_375 = arith.index_cast %swap3A_374 : i32 to index
      %swap3A_376 = arith.constant 48 : index
      %swap3A_377 = tpu.vector_load %arg16[%swap3A_375, %swap3A_376] {strides = array<i32>} : memref<17x128xi32, #tpu.memory_space<vmem>>, vector<16xi32>,
      tpu.vector_store %arg16[%swap3A_375, %swap3A_376], %get3A_373 {strides = array<i32>} : memref<17x128xi32, #tpu.memory_space<vmem>>, vector<16xi32>,
      %get3A_378 = arith.index_cast %shift_right_logical3A_73 : i32 to index
      %get3A_379 = arith.constant 64 : index
      %get3A_380 = tpu.vector_load %arg16[%get3A_378, %get3A_379] {strides = array<i32>} : memref<17x128xi32, #tpu.memory_space<vmem>>, vector<16xi32>,
      %swap3A_381 = arith.constant 0 : i32
      %swap3A_382 = arith.index_cast %swap3A_381 : i32 to index
      %swap3A_383 = arith.constant 64 : index
      %swap3A_384 = tpu.vector_load %arg16[%swap3A_382, %swap3A_383] {strides = array<i32>} : memref<17x128xi32, #tpu.memory_space<vmem>>, vector<16xi32>,
      tpu.vector_store %arg16[%swap3A_382, %swap3A_383], %get3A_380 {strides = array<i32>} : memref<17x128xi32, #tpu.memory_space<vmem>>, vector<16xi32>,
      %get3A_385 = arith.index_cast %shift_right_logical3A_73 : i32 to index
      %get3A_386 = arith.constant 80 : index
      %get3A_387 = tpu.vector_load %arg16[%get3A_385, %get3A_386] {strides = array<i32>} : memref<17x128xi32, #tpu.memory_space<vmem>>, vector<16xi32>,
      %swap3A_388 = arith.constant 0 : i32
      %swap3A_389 = arith.index_cast %swap3A_388 : i32 to index
      %swap3A_390 = arith.constant 80 : index
      %swap3A_391 = tpu.vector_load %arg16[%swap3A_389, %swap3A_390] {strides = array<i32>} : memref<17x128xi32, #tpu.memory_space<vmem>>, vector<16xi32>,
      tpu.vector_store %arg16[%swap3A_389, %swap3A_390], %get3A_387 {strides = array<i32>} : memref<17x128xi32, #tpu.memory_space<vmem>>, vector<16xi32>,
      %get3A_392 = arith.index_cast %shift_right_logical3A_73 : i32 to index
      %get3A_393 = arith.constant 96 : index
      %get3A_394 = tpu.vector_load %arg16[%get3A_392, %get3A_393] {strides = array<i32>} : memref<17x128xi32, #tpu.memory_space<vmem>>, vector<16xi32>,
      %swap3A_395 = arith.constant 0 : i32
      %swap3A_396 = arith.index_cast %swap3A_395 : i32 to index
      %swap3A_397 = arith.constant 96 : index
      %swap3A_398 = tpu.vector_load %arg16[%swap3A_396, %swap3A_397] {strides = array<i32>} : memref<17x128xi32, #tpu.memory_space<vmem>>, vector<16xi32>,
      tpu.vector_store %arg16[%swap3A_396, %swap3A_397], %get3A_394 {strides = array<i32>} : memref<17x128xi32, #tpu.memory_space<vmem>>, vector<16xi32>,
      %get3A_399 = arith.index_cast %shift_right_logical3A_73 : i32 to index
      %get3A_400 = arith.constant 112 : index
      %get3A_401 = tpu.vector_load %arg16[%get3A_399, %get3A_400] {strides = array<i32>} : memref<17x128xi32, #tpu.memory_space<vmem>>, vector<16xi32>,
      %swap3A_402 = arith.constant 0 : i32
      %swap3A_403 = arith.index_cast %swap3A_402 : i32 to index
      %swap3A_404 = arith.constant 112 : index
      %swap3A_405 = tpu.vector_load %arg16[%swap3A_403, %swap3A_404] {strides = array<i32>} : memref<17x128xi32, #tpu.memory_space<vmem>>, vector<16xi32>,
      tpu.vector_store %arg16[%swap3A_403, %swap3A_404], %get3A_401 {strides = array<i32>} : memref<17x128xi32, #tpu.memory_space<vmem>>, vector<16xi32>,
    } else {
    }
    %mul3A_91 = arith.constant 10000 : i32
    %mul3A_92 = arith.muli %add3A, %mul3A_91 : i32
    %add3A_93 = arith.constant 4000 : i32
    %add3A_94 = arith.addi %mul3A_92, %add3A_93 : i32
    "tpu.region"() ({
      %run_scoped3A = tpu.sem_alloc : memref<!tpu.dma_semaphore, #tpu.memory_space<semaphore_mem>>
      %dma_start3A_351 = tpu.memref_slice %arg4[%add3A_94] : memref<320000xi32, #tpu.memory_space<hbm>> -> memref<2000xi32, #tpu.memory_space<hbm>>
      %dma_start3A_352 = tpu.memref_slice %arg4[%add3A_94] : memref<320000xi32, #tpu.memory_space<hbm>> -> memref<2000xi32, #tpu.memory_space<hbm>>
      tpu.enqueue_dma source(%dma_start3A_352 : memref<2000xi32, #tpu.memory_space<hbm>>) target(%arg14 : memref<2000xi32, #tpu.memory_space<vmem>>) target_semaphore(%run_scoped3A : memref<!tpu.dma_semaphore, #tpu.memory_space<semaphore_mem>>)
      %dma_wait3A_353 = tpu.memref_slice %arg4[%add3A_94] : memref<320000xi32, #tpu.memory_space<hbm>> -> memref<2000xi32, #tpu.memory_space<hbm>>
      %dma_wait3A_354 = tpu.memref_slice %arg4[%add3A_94] : memref<320000xi32, #tpu.memory_space<hbm>> -> memref<2000xi32, #tpu.memory_space<hbm>>
      tpu.wait_dma2 semaphore(%run_scoped3A : memref<!tpu.dma_semaphore, #tpu.memory_space<semaphore_mem>>) src(%dma_wait3A_354 : memref<2000xi32, #tpu.memory_space<hbm>>) dst(%arg14 : memref<2000xi32, #tpu.memory_space<vmem>>)
      tpu.yield
    }) : () -> ()
    "tpu.region"() ({
      %run_scoped3A = tpu.sem_alloc : memref<!tpu.dma_semaphore, #tpu.memory_space<semaphore_mem>>
      %dma_start3A_351 = tpu.memref_slice %arg3[%add3A_94] : memref<320000xi32, #tpu.memory_space<hbm>> -> memref<2000xi32, #tpu.memory_space<hbm>>
      %dma_start3A_352 = tpu.memref_slice %arg3[%add3A_94] : memref<320000xi32, #tpu.memory_space<hbm>> -> memref<2000xi32, #tpu.memory_space<hbm>>
      tpu.enqueue_dma source(%dma_start3A_352 : memref<2000xi32, #tpu.memory_space<hbm>>) target(%arg15 : memref<2000xi32, #tpu.memory_space<vmem>>) target_semaphore(%run_scoped3A : memref<!tpu.dma_semaphore, #tpu.memory_space<semaphore_mem>>)
      %dma_wait3A_353 = tpu.memref_slice %arg3[%add3A_94] : memref<320000xi32, #tpu.memory_space<hbm>> -> memref<2000xi32, #tpu.memory_space<hbm>>
      %dma_wait3A_354 = tpu.memref_slice %arg3[%add3A_94] : memref<320000xi32, #tpu.memory_space<hbm>> -> memref<2000xi32, #tpu.memory_space<hbm>>
      tpu.wait_dma2 semaphore(%run_scoped3A : memref<!tpu.dma_semaphore, #tpu.memory_space<semaphore_mem>>) src(%dma_wait3A_354 : memref<2000xi32, #tpu.memory_space<hbm>>) dst(%arg15 : memref<2000xi32, #tpu.memory_space<vmem>>)
      tpu.yield
    }) : () -> ()
    %broadcast_in_dim3A_95 = vector.broadcast %and3A_85 : i32 to vector<16xi32>
    %scan3A_96 = arith.constant 0 : i32
    %scan3A_97 = arith.constant 125 : i32
    %scan3A_98 = arith.addi %scan3A_96, %scan3A_97 : i32
    %scan3A_99 = arith.constant 1 : i32
    %scan3A_100 = scf.for %scan3A_351 = %scan3A_96 to %scan3A_98 step %scan3A_99 iter_args(%scan3A_352 = %broadcast_in_dim3A_95) -> (vector<16xi32>)  : i32 {
      %mul3A_353 = arith.constant 16 : i32
      %mul3A_354 = arith.muli %scan3A_351, %mul3A_353 : i32
      %get3A = arith.index_cast %mul3A_354 : i32 to index
      %get3A_355 = tpu.vector_load %arg14[%get3A] {strides = array<i32>} : memref<2000xi32, #tpu.memory_space<vmem>>, vector<16xi32>,
      %mul3A_356 = arith.constant 16 : i32
      %mul3A_357 = arith.muli %scan3A_351, %mul3A_356 : i32
      %get3A_358 = arith.index_cast %mul3A_357 : i32 to index
      %get3A_359 = tpu.vector_load %arg15[%get3A_358] {strides = array<i32>} : memref<2000xi32, #tpu.memory_space<vmem>>, vector<16xi32>,
      %gather3A = tpu.vector_load_idx %arg12[%get3A_355] : memref<10000xi32, #tpu.memory_space<vmem>>[vector<16xi32>], vector<16xi32>,
      %ge3A = arith.constant 0 : i32
      %ge3A_360 = vector.broadcast %ge3A : i32 to vector<16xi32>
      %ge3A_361 = arith.cmpi sge, %gather3A, %ge3A_360 : vector<16xi32>
      %shift_right_logical3A_362 = arith.constant 7 : i32
      %shift_right_logical3A_363 = vector.broadcast %shift_right_logical3A_362 : i32 to vector<16xi32>
      %shift_right_logical3A_364 = arith.shrui %gather3A, %shift_right_logical3A_363 : vector<16xi32>
      %and3A_365 = arith.constant 127 : i32
      %and3A_366 = vector.broadcast %and3A_365 : i32 to vector<16xi32>
      %and3A_367 = arith.andi %gather3A, %and3A_366 : vector<16xi32>
      tpu.vector_store_idx %arg20[%shift_right_logical3A_364, %and3A_367], %broadcast_in_dim3A_16 masked %ge3A_361 {add = true} : memref<8x128xf32, #tpu.memory_space<vmem>>[vector<16xi32>, vector<16xi32>], vector<16xf32>, vector<16xi1>
      %jit3A = arith.constant 1 : i32
      %jit3A_368 = arith.constant 0 : i32
      %broadcast_in_dim3A_369 = vector.broadcast %jit3A : i32 to vector<16xi32>
      %broadcast_in_dim3A_370 = vector.broadcast %jit3A_368 : i32 to vector<16xi32>
      %select_n3A = arith.select %ge3A_361, %broadcast_in_dim3A_369, %broadcast_in_dim3A_370 : vector<16xi1>, vector<16xi32>
      %broadcast_in_dim3A_371 = arith.constant true
      %broadcast_in_dim3A_372 = vector.broadcast %broadcast_in_dim3A_371 : i1 to vector<16xi1>
      %masked_cumsum3A = tpu.scan <sum>, %select_n3A masked %broadcast_in_dim3A_372 : vector<16xi32>, vector<16xi1> -> vector<16xi32>
      %add3A_373 = arith.addi %scan3A_352, %masked_cumsum3A : vector<16xi32>
      %sub3A = arith.constant 1 : i32
      %sub3A_374 = vector.broadcast %sub3A : i32 to vector<16xi32>
      %sub3A_375 = arith.subi %add3A_373, %sub3A_374 : vector<16xi32>
      %shift_right_logical3A_376 = arith.constant 7 : i32
      %shift_right_logical3A_377 = vector.broadcast %shift_right_logical3A_376 : i32 to vector<16xi32>
      %shift_right_logical3A_378 = arith.shrui %sub3A_375, %shift_right_logical3A_377 : vector<16xi32>
      %and3A_379 = arith.constant 127 : i32
      %and3A_380 = vector.broadcast %and3A_379 : i32 to vector<16xi32>
      %and3A_381 = arith.andi %sub3A_375, %and3A_380 : vector<16xi32>
      %mul3A_382 = arith.constant 2048 : i32
      %mul3A_383 = vector.broadcast %mul3A_382 : i32 to vector<16xi32>
      %mul3A_384 = arith.muli %get3A_359, %mul3A_383 : vector<16xi32>
      %add3A_385 = arith.addi %mul3A_384, %gather3A : vector<16xi32>
      tpu.vector_store_idx %arg16[%shift_right_logical3A_378, %and3A_381], %add3A_385 masked %ge3A_361 : memref<17x128xi32, #tpu.memory_space<vmem>>[vector<16xi32>, vector<16xi32>], vector<16xi32>, vector<16xi1>
      %all_reduce_population_count3A = tpu.all_reduce %ge3A_361 {dim = 0 : i64, kind = #tpu.reduction_kind<sum>} : vector<16xi1> -> vector<16xi32>
      %add3A_386 = arith.addi %scan3A_352, %all_reduce_population_count3A : vector<16xi32>
      scf.yield %add3A_386 : vector<16xi32>
    }
    %scan3A_101 = arith.constant 125 : i32
    %reduce_max3A_102 = arith.constant true
    %reduce_max3A_103 = vector.broadcast %reduce_max3A_102 : i1 to vector<16xi1>
    %reduce_max3A_104 = arith.constant -2147483648 : i32
    %reduce_max3A_105 = vector.broadcast %reduce_max3A_104 : i32 to vector<16xi32>
    %reduce_max3A_106 = arith.xori %scan3A_100, %reduce_max3A_105 : vector<16xi32>
    %reduce_max3A_107 = tpu.scan <max>, %reduce_max3A_106 masked %reduce_max3A_103 : vector<16xi32>, vector<16xi1> -> vector<16xi32>
    %reduce_max3A_108 = arith.xori %reduce_max3A_107, %reduce_max3A_105 : vector<16xi32>
    %reduce_max3A_109 = vector.extract %reduce_max3A_108[15] : i32 from vector<16xi32>
    %shift_right_logical3A_110 = arith.constant 7 : i32
    %shift_right_logical3A_111 = arith.shrui %reduce_max3A_109, %shift_right_logical3A_110 : i32
    %while3A_112 = arith.constant 0 : i32
    %while3A_113 = arith.constant 0 : i32
    %while3A_114 = arith.subi %shift_right_logical3A_111, %while3A_113 : i32
    %while3A_115 = arith.addi %while3A_113, %while3A_114 : i32
    %while3A_116 = arith.constant 1 : i32
    %while3A_117 = arith.divsi %while3A_114, %while3A_116 : i32
    %while3A_118 = arith.muli %while3A_117, %while3A_116 : i32
    %while3A_119 = arith.addi %while3A_113, %while3A_118 : i32
    %while3A_120 = arith.constant 1 : i32
    scf.for %while3A_351 = %while3A_113 to %while3A_119 step %while3A_120  : i32 {
      %get3A = arith.index_cast %while3A_351 : i32 to index
      %get3A_352 = arith.constant 0 : index
      %get3A_353 = tpu.vector_load %arg16[%get3A, %get3A_352] {strides = array<i32>} : memref<17x128xi32, #tpu.memory_space<vmem>>, vector<16xi32>,
      %shift_right_logical3A_354 = arith.constant 11 : i32
      %shift_right_logical3A_355 = vector.broadcast %shift_right_logical3A_354 : i32 to vector<16xi32>
      %shift_right_logical3A_356 = arith.shrui %get3A_353, %shift_right_logical3A_355 : vector<16xi32>
      %swap3A_357 = arith.constant 0 : i32
      %swap3A_358 = arith.index_cast %swap3A_357 : i32 to index
      %swap3A_359 = arith.constant 0 : index
      %swap3A_360 = tpu.vector_load %arg18[%swap3A_358, %swap3A_359] {strides = array<i32>} : memref<1x128xi32, #tpu.memory_space<vmem>>, vector<16xi32>,
      tpu.vector_store %arg18[%swap3A_358, %swap3A_359], %shift_right_logical3A_356 {strides = array<i32>} : memref<1x128xi32, #tpu.memory_space<vmem>>, vector<16xi32>,
      %and3A_361 = arith.constant 2047 : i32
      %and3A_362 = vector.broadcast %and3A_361 : i32 to vector<16xi32>
      %and3A_363 = arith.andi %get3A_353, %and3A_362 : vector<16xi32>
      %swap3A_364 = arith.constant 0 : i32
      %swap3A_365 = arith.index_cast %swap3A_364 : i32 to index
      %swap3A_366 = arith.constant 0 : index
      %swap3A_367 = tpu.vector_load %arg19[%swap3A_365, %swap3A_366] {strides = array<i32>} : memref<1x128xi32, #tpu.memory_space<vmem>>, vector<16xi32>,
      tpu.vector_store %arg19[%swap3A_365, %swap3A_366], %and3A_363 {strides = array<i32>} : memref<1x128xi32, #tpu.memory_space<vmem>>, vector<16xi32>,
      %get3A_368 = arith.index_cast %while3A_351 : i32 to index
      %get3A_369 = arith.constant 16 : index
      %get3A_370 = tpu.vector_load %arg16[%get3A_368, %get3A_369] {strides = array<i32>} : memref<17x128xi32, #tpu.memory_space<vmem>>, vector<16xi32>,
      %shift_right_logical3A_371 = arith.constant 11 : i32
      %shift_right_logical3A_372 = vector.broadcast %shift_right_logical3A_371 : i32 to vector<16xi32>
      %shift_right_logical3A_373 = arith.shrui %get3A_370, %shift_right_logical3A_372 : vector<16xi32>
      %swap3A_374 = arith.constant 0 : i32
      %swap3A_375 = arith.index_cast %swap3A_374 : i32 to index
      %swap3A_376 = arith.constant 16 : index
      %swap3A_377 = tpu.vector_load %arg18[%swap3A_375, %swap3A_376] {strides = array<i32>} : memref<1x128xi32, #tpu.memory_space<vmem>>, vector<16xi32>,
      tpu.vector_store %arg18[%swap3A_375, %swap3A_376], %shift_right_logical3A_373 {strides = array<i32>} : memref<1x128xi32, #tpu.memory_space<vmem>>, vector<16xi32>,
      %and3A_378 = arith.constant 2047 : i32
      %and3A_379 = vector.broadcast %and3A_378 : i32 to vector<16xi32>
      %and3A_380 = arith.andi %get3A_370, %and3A_379 : vector<16xi32>
      %swap3A_381 = arith.constant 0 : i32
      %swap3A_382 = arith.index_cast %swap3A_381 : i32 to index
      %swap3A_383 = arith.constant 16 : index
      %swap3A_384 = tpu.vector_load %arg19[%swap3A_382, %swap3A_383] {strides = array<i32>} : memref<1x128xi32, #tpu.memory_space<vmem>>, vector<16xi32>,
      tpu.vector_store %arg19[%swap3A_382, %swap3A_383], %and3A_380 {strides = array<i32>} : memref<1x128xi32, #tpu.memory_space<vmem>>, vector<16xi32>,
      %get3A_385 = arith.index_cast %while3A_351 : i32 to index
      %get3A_386 = arith.constant 32 : index
      %get3A_387 = tpu.vector_load %arg16[%get3A_385, %get3A_386] {strides = array<i32>} : memref<17x128xi32, #tpu.memory_space<vmem>>, vector<16xi32>,
      %shift_right_logical3A_388 = arith.constant 11 : i32
      %shift_right_logical3A_389 = vector.broadcast %shift_right_logical3A_388 : i32 to vector<16xi32>
      %shift_right_logical3A_390 = arith.shrui %get3A_387, %shift_right_logical3A_389 : vector<16xi32>
      %swap3A_391 = arith.constant 0 : i32
      %swap3A_392 = arith.index_cast %swap3A_391 : i32 to index
      %swap3A_393 = arith.constant 32 : index
      %swap3A_394 = tpu.vector_load %arg18[%swap3A_392, %swap3A_393] {strides = array<i32>} : memref<1x128xi32, #tpu.memory_space<vmem>>, vector<16xi32>,
      tpu.vector_store %arg18[%swap3A_392, %swap3A_393], %shift_right_logical3A_390 {strides = array<i32>} : memref<1x128xi32, #tpu.memory_space<vmem>>, vector<16xi32>,
      %and3A_395 = arith.constant 2047 : i32
      %and3A_396 = vector.broadcast %and3A_395 : i32 to vector<16xi32>
      %and3A_397 = arith.andi %get3A_387, %and3A_396 : vector<16xi32>
      %swap3A_398 = arith.constant 0 : i32
      %swap3A_399 = arith.index_cast %swap3A_398 : i32 to index
      %swap3A_400 = arith.constant 32 : index
      %swap3A_401 = tpu.vector_load %arg19[%swap3A_399, %swap3A_400] {strides = array<i32>} : memref<1x128xi32, #tpu.memory_space<vmem>>, vector<16xi32>,
      tpu.vector_store %arg19[%swap3A_399, %swap3A_400], %and3A_397 {strides = array<i32>} : memref<1x128xi32, #tpu.memory_space<vmem>>, vector<16xi32>,
      %get3A_402 = arith.index_cast %while3A_351 : i32 to index
      %get3A_403 = arith.constant 48 : index
      %get3A_404 = tpu.vector_load %arg16[%get3A_402, %get3A_403] {strides = array<i32>} : memref<17x128xi32, #tpu.memory_space<vmem>>, vector<16xi32>,
      %shift_right_logical3A_405 = arith.constant 11 : i32
      %shift_right_logical3A_406 = vector.broadcast %shift_right_logical3A_405 : i32 to vector<16xi32>
      %shift_right_logical3A_407 = arith.shrui %get3A_404, %shift_right_logical3A_406 : vector<16xi32>
      %swap3A_408 = arith.constant 0 : i32
      %swap3A_409 = arith.index_cast %swap3A_408 : i32 to index
      %swap3A_410 = arith.constant 48 : index
      %swap3A_411 = tpu.vector_load %arg18[%swap3A_409, %swap3A_410] {strides = array<i32>} : memref<1x128xi32, #tpu.memory_space<vmem>>, vector<16xi32>,
      tpu.vector_store %arg18[%swap3A_409, %swap3A_410], %shift_right_logical3A_407 {strides = array<i32>} : memref<1x128xi32, #tpu.memory_space<vmem>>, vector<16xi32>,
      %and3A_412 = arith.constant 2047 : i32
      %and3A_413 = vector.broadcast %and3A_412 : i32 to vector<16xi32>
      %and3A_414 = arith.andi %get3A_404, %and3A_413 : vector<16xi32>
      %swap3A_415 = arith.constant 0 : i32
      %swap3A_416 = arith.index_cast %swap3A_415 : i32 to index
      %swap3A_417 = arith.constant 48 : index
      %swap3A_418 = tpu.vector_load %arg19[%swap3A_416, %swap3A_417] {strides = array<i32>} : memref<1x128xi32, #tpu.memory_space<vmem>>, vector<16xi32>,
      tpu.vector_store %arg19[%swap3A_416, %swap3A_417], %and3A_414 {strides = array<i32>} : memref<1x128xi32, #tpu.memory_space<vmem>>, vector<16xi32>,
      %get3A_419 = arith.index_cast %while3A_351 : i32 to index
      %get3A_420 = arith.constant 64 : index
      %get3A_421 = tpu.vector_load %arg16[%get3A_419, %get3A_420] {strides = array<i32>} : memref<17x128xi32, #tpu.memory_space<vmem>>, vector<16xi32>,
      %shift_right_logical3A_422 = arith.constant 11 : i32
      %shift_right_logical3A_423 = vector.broadcast %shift_right_logical3A_422 : i32 to vector<16xi32>
      %shift_right_logical3A_424 = arith.shrui %get3A_421, %shift_right_logical3A_423 : vector<16xi32>
      %swap3A_425 = arith.constant 0 : i32
      %swap3A_426 = arith.index_cast %swap3A_425 : i32 to index
      %swap3A_427 = arith.constant 64 : index
      %swap3A_428 = tpu.vector_load %arg18[%swap3A_426, %swap3A_427] {strides = array<i32>} : memref<1x128xi32, #tpu.memory_space<vmem>>, vector<16xi32>,
      tpu.vector_store %arg18[%swap3A_426, %swap3A_427], %shift_right_logical3A_424 {strides = array<i32>} : memref<1x128xi32, #tpu.memory_space<vmem>>, vector<16xi32>,
      %and3A_429 = arith.constant 2047 : i32
      %and3A_430 = vector.broadcast %and3A_429 : i32 to vector<16xi32>
      %and3A_431 = arith.andi %get3A_421, %and3A_430 : vector<16xi32>
      %swap3A_432 = arith.constant 0 : i32
      %swap3A_433 = arith.index_cast %swap3A_432 : i32 to index
      %swap3A_434 = arith.constant 64 : index
      %swap3A_435 = tpu.vector_load %arg19[%swap3A_433, %swap3A_434] {strides = array<i32>} : memref<1x128xi32, #tpu.memory_space<vmem>>, vector<16xi32>,
      tpu.vector_store %arg19[%swap3A_433, %swap3A_434], %and3A_431 {strides = array<i32>} : memref<1x128xi32, #tpu.memory_space<vmem>>, vector<16xi32>,
      %get3A_436 = arith.index_cast %while3A_351 : i32 to index
      %get3A_437 = arith.constant 80 : index
      %get3A_438 = tpu.vector_load %arg16[%get3A_436, %get3A_437] {strides = array<i32>} : memref<17x128xi32, #tpu.memory_space<vmem>>, vector<16xi32>,
      %shift_right_logical3A_439 = arith.constant 11 : i32
      %shift_right_logical3A_440 = vector.broadcast %shift_right_logical3A_439 : i32 to vector<16xi32>
      %shift_right_logical3A_441 = arith.shrui %get3A_438, %shift_right_logical3A_440 : vector<16xi32>
      %swap3A_442 = arith.constant 0 : i32
      %swap3A_443 = arith.index_cast %swap3A_442 : i32 to index
      %swap3A_444 = arith.constant 80 : index
      %swap3A_445 = tpu.vector_load %arg18[%swap3A_443, %swap3A_444] {strides = array<i32>} : memref<1x128xi32, #tpu.memory_space<vmem>>, vector<16xi32>,
      tpu.vector_store %arg18[%swap3A_443, %swap3A_444], %shift_right_logical3A_441 {strides = array<i32>} : memref<1x128xi32, #tpu.memory_space<vmem>>, vector<16xi32>,
      %and3A_446 = arith.constant 2047 : i32
      %and3A_447 = vector.broadcast %and3A_446 : i32 to vector<16xi32>
      %and3A_448 = arith.andi %get3A_438, %and3A_447 : vector<16xi32>
      %swap3A_449 = arith.constant 0 : i32
      %swap3A_450 = arith.index_cast %swap3A_449 : i32 to index
      %swap3A_451 = arith.constant 80 : index
      %swap3A_452 = tpu.vector_load %arg19[%swap3A_450, %swap3A_451] {strides = array<i32>} : memref<1x128xi32, #tpu.memory_space<vmem>>, vector<16xi32>,
      tpu.vector_store %arg19[%swap3A_450, %swap3A_451], %and3A_448 {strides = array<i32>} : memref<1x128xi32, #tpu.memory_space<vmem>>, vector<16xi32>,
      %get3A_453 = arith.index_cast %while3A_351 : i32 to index
      %get3A_454 = arith.constant 96 : index
      %get3A_455 = tpu.vector_load %arg16[%get3A_453, %get3A_454] {strides = array<i32>} : memref<17x128xi32, #tpu.memory_space<vmem>>, vector<16xi32>,
      %shift_right_logical3A_456 = arith.constant 11 : i32
      %shift_right_logical3A_457 = vector.broadcast %shift_right_logical3A_456 : i32 to vector<16xi32>
      %shift_right_logical3A_458 = arith.shrui %get3A_455, %shift_right_logical3A_457 : vector<16xi32>
      %swap3A_459 = arith.constant 0 : i32
      %swap3A_460 = arith.index_cast %swap3A_459 : i32 to index
      %swap3A_461 = arith.constant 96 : index
      %swap3A_462 = tpu.vector_load %arg18[%swap3A_460, %swap3A_461] {strides = array<i32>} : memref<1x128xi32, #tpu.memory_space<vmem>>, vector<16xi32>,
      tpu.vector_store %arg18[%swap3A_460, %swap3A_461], %shift_right_logical3A_458 {strides = array<i32>} : memref<1x128xi32, #tpu.memory_space<vmem>>, vector<16xi32>,
      %and3A_463 = arith.constant 2047 : i32
      %and3A_464 = vector.broadcast %and3A_463 : i32 to vector<16xi32>
      %and3A_465 = arith.andi %get3A_455, %and3A_464 : vector<16xi32>
      %swap3A_466 = arith.constant 0 : i32
      %swap3A_467 = arith.index_cast %swap3A_466 : i32 to index
      %swap3A_468 = arith.constant 96 : index
      %swap3A_469 = tpu.vector_load %arg19[%swap3A_467, %swap3A_468] {strides = array<i32>} : memref<1x128xi32, #tpu.memory_space<vmem>>, vector<16xi32>,
      tpu.vector_store %arg19[%swap3A_467, %swap3A_468], %and3A_465 {strides = array<i32>} : memref<1x128xi32, #tpu.memory_space<vmem>>, vector<16xi32>,
      %get3A_470 = arith.index_cast %while3A_351 : i32 to index
      %get3A_471 = arith.constant 112 : index
      %get3A_472 = tpu.vector_load %arg16[%get3A_470, %get3A_471] {strides = array<i32>} : memref<17x128xi32, #tpu.memory_space<vmem>>, vector<16xi32>,
      %shift_right_logical3A_473 = arith.constant 11 : i32
      %shift_right_logical3A_474 = vector.broadcast %shift_right_logical3A_473 : i32 to vector<16xi32>
      %shift_right_logical3A_475 = arith.shrui %get3A_472, %shift_right_logical3A_474 : vector<16xi32>
      %swap3A_476 = arith.constant 0 : i32
      %swap3A_477 = arith.index_cast %swap3A_476 : i32 to index
      %swap3A_478 = arith.constant 112 : index
      %swap3A_479 = tpu.vector_load %arg18[%swap3A_477, %swap3A_478] {strides = array<i32>} : memref<1x128xi32, #tpu.memory_space<vmem>>, vector<16xi32>,
      tpu.vector_store %arg18[%swap3A_477, %swap3A_478], %shift_right_logical3A_475 {strides = array<i32>} : memref<1x128xi32, #tpu.memory_space<vmem>>, vector<16xi32>,
      %and3A_480 = arith.constant 2047 : i32
      %and3A_481 = vector.broadcast %and3A_480 : i32 to vector<16xi32>
      %and3A_482 = arith.andi %get3A_472, %and3A_481 : vector<16xi32>
      %swap3A_483 = arith.constant 0 : i32
      %swap3A_484 = arith.index_cast %swap3A_483 : i32 to index
      %swap3A_485 = arith.constant 112 : index
      %swap3A_486 = tpu.vector_load %arg19[%swap3A_484, %swap3A_485] {strides = array<i32>} : memref<1x128xi32, #tpu.memory_space<vmem>>, vector<16xi32>,
      tpu.vector_store %arg19[%swap3A_484, %swap3A_485], %and3A_482 {strides = array<i32>} : memref<1x128xi32, #tpu.memory_space<vmem>>, vector<16xi32>,
      %dma_start3A_487 = arith.constant 0 : i32
      %dma_start3A_488 = arith.constant 0 : i32
      %dma_start3A_489 = tpu.memref_slice %arg18[%dma_start3A_487, %dma_start3A_488] : memref<1x128xi32, #tpu.memory_space<vmem>> -> memref<1x128xi32, #tpu.memory_space<vmem>>
      %dma_start3A_490 = tpu.memref_squeeze %dma_start3A_489 : memref<1x128xi32, #tpu.memory_space<vmem>> -> memref<128xi32, #tpu.memory_space<vmem>>
      %dma_start3A_491 = arith.constant 0 : i32
      %dma_start3A_492 = arith.constant 0 : i32
      %dma_start3A_493 = tpu.memref_slice %arg26[%dma_start3A_491, %dma_start3A_492] : memref<10000x128xf32, #tpu.memory_space<vmem_shared>> -> memref<10000x128xf32, #tpu.memory_space<vmem_shared>>
      tpu.enqueue_indirect_dma source(%dma_start3A_493 : memref<10000x128xf32, #tpu.memory_space<vmem_shared>>) target(%arg17 : memref<128x128xf32, #tpu.memory_space<vmem>>) offsets(%dma_start3A_490 : memref<128xi32, #tpu.memory_space<vmem>>) semaphore(%arg30 : memref<!tpu.dma_semaphore, #tpu.memory_space<semaphore_mem>>)
      %dma_wait3A_494 = arith.constant 0 : i32
      %dma_wait3A_495 = arith.constant 0 : i32
      %dma_wait3A_496 = tpu.memref_slice %arg18[%dma_wait3A_494, %dma_wait3A_495] : memref<1x128xi32, #tpu.memory_space<vmem>> -> memref<1x128xi32, #tpu.memory_space<vmem>>
      %dma_wait3A_497 = tpu.memref_squeeze %dma_wait3A_496 : memref<1x128xi32, #tpu.memory_space<vmem>> -> memref<128xi32, #tpu.memory_space<vmem>>
      %dma_wait3A_498 = arith.constant 0 : i32
      %dma_wait3A_499 = arith.constant 0 : i32
      %dma_wait3A_500 = tpu.memref_slice %arg26[%dma_wait3A_498, %dma_wait3A_499] : memref<10000x128xf32, #tpu.memory_space<vmem_shared>> -> memref<10000x128xf32, #tpu.memory_space<vmem_shared>>
      tpu.wait_indirect_dma semaphore(%arg30 : memref<!tpu.dma_semaphore, #tpu.memory_space<semaphore_mem>>) src(%dma_wait3A_500 : memref<10000x128xf32, #tpu.memory_space<vmem_shared>>) dst(%arg17 : memref<128x128xf32, #tpu.memory_space<vmem>>)
      %run_scoped3A = arith.constant 0 : i32
      "tpu.region"() ({
        %run_scoped3A_501 = tpu.sem_alloc : memref<!tpu.dma_semaphore, #tpu.memory_space<semaphore_mem>>
        %dma_start3A_502 = arith.constant 0 : i32
        %dma_start3A_503 = tpu.memref_slice %arg19[%run_scoped3A, %dma_start3A_502] : memref<1x128xi32, #tpu.memory_space<vmem>> -> memref<1x128xi32, #tpu.memory_space<vmem>>
        %dma_start3A_504 = tpu.memref_squeeze %dma_start3A_503 : memref<1x128xi32, #tpu.memory_space<vmem>> -> memref<128xi32, #tpu.memory_space<vmem>>
        %dma_start3A_505 = arith.constant 0 : i32
        %dma_start3A_506 = arith.constant 0 : i32
        %dma_start3A_507 = tpu.memref_slice %arg27[%dma_start3A_505, %dma_start3A_506] : memref<1152x128xf32, #tpu.memory_space<vmem_shared>> -> memref<1152x128xf32, #tpu.memory_space<vmem_shared>>
        tpu.enqueue_indirect_dma source(%arg17 : memref<128x128xf32, #tpu.memory_space<vmem>>) target(%dma_start3A_507 : memref<1152x128xf32, #tpu.memory_space<vmem_shared>>) offsets(%dma_start3A_504 : memref<128xi32, #tpu.memory_space<vmem>>) semaphore(%run_scoped3A_501 : memref<!tpu.dma_semaphore, #tpu.memory_space<semaphore_mem>>) {add = true}
        %dma_wait3A_508 = arith.constant 0 : i32
        %dma_wait3A_509 = tpu.memref_slice %arg19[%run_scoped3A, %dma_wait3A_508] : memref<1x128xi32, #tpu.memory_space<vmem>> -> memref<1x128xi32, #tpu.memory_space<vmem>>
        %dma_wait3A_510 = tpu.memref_squeeze %dma_wait3A_509 : memref<1x128xi32, #tpu.memory_space<vmem>> -> memref<128xi32, #tpu.memory_space<vmem>>
        %dma_wait3A_511 = arith.constant 0 : i32
        %dma_wait3A_512 = arith.constant 0 : i32
        %dma_wait3A_513 = tpu.memref_slice %arg27[%dma_wait3A_511, %dma_wait3A_512] : memref<1152x128xf32, #tpu.memory_space<vmem_shared>> -> memref<1152x128xf32, #tpu.memory_space<vmem_shared>>
        tpu.wait_indirect_dma semaphore(%run_scoped3A_501 : memref<!tpu.dma_semaphore, #tpu.memory_space<semaphore_mem>>) src(%arg17 : memref<128x128xf32, #tpu.memory_space<vmem>>) dst(%dma_wait3A_513 : memref<1152x128xf32, #tpu.memory_space<vmem_shared>>)
        tpu.yield
      }) : () -> ()
    }
    %while3A_121 = arith.constant 1 : i32
    scf.for %while3A_351 = %while3A_119 to %while3A_115 step %while3A_121  : i32 {
      %get3A = arith.index_cast %while3A_351 : i32 to index
      %get3A_352 = arith.constant 0 : index
      %get3A_353 = tpu.vector_load %arg16[%get3A, %get3A_352] {strides = array<i32>} : memref<17x128xi32, #tpu.memory_space<vmem>>, vector<16xi32>,
      %shift_right_logical3A_354 = arith.constant 11 : i32
      %shift_right_logical3A_355 = vector.broadcast %shift_right_logical3A_354 : i32 to vector<16xi32>
      %shift_right_logical3A_356 = arith.shrui %get3A_353, %shift_right_logical3A_355 : vector<16xi32>
      %swap3A_357 = arith.constant 0 : i32
      %swap3A_358 = arith.index_cast %swap3A_357 : i32 to index
      %swap3A_359 = arith.constant 0 : index
      %swap3A_360 = tpu.vector_load %arg18[%swap3A_358, %swap3A_359] {strides = array<i32>} : memref<1x128xi32, #tpu.memory_space<vmem>>, vector<16xi32>,
      tpu.vector_store %arg18[%swap3A_358, %swap3A_359], %shift_right_logical3A_356 {strides = array<i32>} : memref<1x128xi32, #tpu.memory_space<vmem>>, vector<16xi32>,
      %and3A_361 = arith.constant 2047 : i32
      %and3A_362 = vector.broadcast %and3A_361 : i32 to vector<16xi32>
      %and3A_363 = arith.andi %get3A_353, %and3A_362 : vector<16xi32>
      %swap3A_364 = arith.constant 0 : i32
      %swap3A_365 = arith.index_cast %swap3A_364 : i32 to index
      %swap3A_366 = arith.constant 0 : index
      %swap3A_367 = tpu.vector_load %arg19[%swap3A_365, %swap3A_366] {strides = array<i32>} : memref<1x128xi32, #tpu.memory_space<vmem>>, vector<16xi32>,
      tpu.vector_store %arg19[%swap3A_365, %swap3A_366], %and3A_363 {strides = array<i32>} : memref<1x128xi32, #tpu.memory_space<vmem>>, vector<16xi32>,
      %get3A_368 = arith.index_cast %while3A_351 : i32 to index
      %get3A_369 = arith.constant 16 : index
      %get3A_370 = tpu.vector_load %arg16[%get3A_368, %get3A_369] {strides = array<i32>} : memref<17x128xi32, #tpu.memory_space<vmem>>, vector<16xi32>,
      %shift_right_logical3A_371 = arith.constant 11 : i32
      %shift_right_logical3A_372 = vector.broadcast %shift_right_logical3A_371 : i32 to vector<16xi32>
      %shift_right_logical3A_373 = arith.shrui %get3A_370, %shift_right_logical3A_372 : vector<16xi32>
      %swap3A_374 = arith.constant 0 : i32
      %swap3A_375 = arith.index_cast %swap3A_374 : i32 to index
      %swap3A_376 = arith.constant 16 : index
      %swap3A_377 = tpu.vector_load %arg18[%swap3A_375, %swap3A_376] {strides = array<i32>} : memref<1x128xi32, #tpu.memory_space<vmem>>, vector<16xi32>,
      tpu.vector_store %arg18[%swap3A_375, %swap3A_376], %shift_right_logical3A_373 {strides = array<i32>} : memref<1x128xi32, #tpu.memory_space<vmem>>, vector<16xi32>,
      %and3A_378 = arith.constant 2047 : i32
      %and3A_379 = vector.broadcast %and3A_378 : i32 to vector<16xi32>
      %and3A_380 = arith.andi %get3A_370, %and3A_379 : vector<16xi32>
      %swap3A_381 = arith.constant 0 : i32
      %swap3A_382 = arith.index_cast %swap3A_381 : i32 to index
      %swap3A_383 = arith.constant 16 : index
      %swap3A_384 = tpu.vector_load %arg19[%swap3A_382, %swap3A_383] {strides = array<i32>} : memref<1x128xi32, #tpu.memory_space<vmem>>, vector<16xi32>,
      tpu.vector_store %arg19[%swap3A_382, %swap3A_383], %and3A_380 {strides = array<i32>} : memref<1x128xi32, #tpu.memory_space<vmem>>, vector<16xi32>,
      %get3A_385 = arith.index_cast %while3A_351 : i32 to index
      %get3A_386 = arith.constant 32 : index
      %get3A_387 = tpu.vector_load %arg16[%get3A_385, %get3A_386] {strides = array<i32>} : memref<17x128xi32, #tpu.memory_space<vmem>>, vector<16xi32>,
      %shift_right_logical3A_388 = arith.constant 11 : i32
      %shift_right_logical3A_389 = vector.broadcast %shift_right_logical3A_388 : i32 to vector<16xi32>
      %shift_right_logical3A_390 = arith.shrui %get3A_387, %shift_right_logical3A_389 : vector<16xi32>
      %swap3A_391 = arith.constant 0 : i32
      %swap3A_392 = arith.index_cast %swap3A_391 : i32 to index
      %swap3A_393 = arith.constant 32 : index
      %swap3A_394 = tpu.vector_load %arg18[%swap3A_392, %swap3A_393] {strides = array<i32>} : memref<1x128xi32, #tpu.memory_space<vmem>>, vector<16xi32>,
      tpu.vector_store %arg18[%swap3A_392, %swap3A_393], %shift_right_logical3A_390 {strides = array<i32>} : memref<1x128xi32, #tpu.memory_space<vmem>>, vector<16xi32>,
      %and3A_395 = arith.constant 2047 : i32
      %and3A_396 = vector.broadcast %and3A_395 : i32 to vector<16xi32>
      %and3A_397 = arith.andi %get3A_387, %and3A_396 : vector<16xi32>
      %swap3A_398 = arith.constant 0 : i32
      %swap3A_399 = arith.index_cast %swap3A_398 : i32 to index
      %swap3A_400 = arith.constant 32 : index
      %swap3A_401 = tpu.vector_load %arg19[%swap3A_399, %swap3A_400] {strides = array<i32>} : memref<1x128xi32, #tpu.memory_space<vmem>>, vector<16xi32>,
      tpu.vector_store %arg19[%swap3A_399, %swap3A_400], %and3A_397 {strides = array<i32>} : memref<1x128xi32, #tpu.memory_space<vmem>>, vector<16xi32>,
      %get3A_402 = arith.index_cast %while3A_351 : i32 to index
      %get3A_403 = arith.constant 48 : index
      %get3A_404 = tpu.vector_load %arg16[%get3A_402, %get3A_403] {strides = array<i32>} : memref<17x128xi32, #tpu.memory_space<vmem>>, vector<16xi32>,
      %shift_right_logical3A_405 = arith.constant 11 : i32
      %shift_right_logical3A_406 = vector.broadcast %shift_right_logical3A_405 : i32 to vector<16xi32>
      %shift_right_logical3A_407 = arith.shrui %get3A_404, %shift_right_logical3A_406 : vector<16xi32>
      %swap3A_408 = arith.constant 0 : i32
      %swap3A_409 = arith.index_cast %swap3A_408 : i32 to index
      %swap3A_410 = arith.constant 48 : index
      %swap3A_411 = tpu.vector_load %arg18[%swap3A_409, %swap3A_410] {strides = array<i32>} : memref<1x128xi32, #tpu.memory_space<vmem>>, vector<16xi32>,
      tpu.vector_store %arg18[%swap3A_409, %swap3A_410], %shift_right_logical3A_407 {strides = array<i32>} : memref<1x128xi32, #tpu.memory_space<vmem>>, vector<16xi32>,
      %and3A_412 = arith.constant 2047 : i32
      %and3A_413 = vector.broadcast %and3A_412 : i32 to vector<16xi32>
      %and3A_414 = arith.andi %get3A_404, %and3A_413 : vector<16xi32>
      %swap3A_415 = arith.constant 0 : i32
      %swap3A_416 = arith.index_cast %swap3A_415 : i32 to index
      %swap3A_417 = arith.constant 48 : index
      %swap3A_418 = tpu.vector_load %arg19[%swap3A_416, %swap3A_417] {strides = array<i32>} : memref<1x128xi32, #tpu.memory_space<vmem>>, vector<16xi32>,
      tpu.vector_store %arg19[%swap3A_416, %swap3A_417], %and3A_414 {strides = array<i32>} : memref<1x128xi32, #tpu.memory_space<vmem>>, vector<16xi32>,
      %get3A_419 = arith.index_cast %while3A_351 : i32 to index
      %get3A_420 = arith.constant 64 : index
      %get3A_421 = tpu.vector_load %arg16[%get3A_419, %get3A_420] {strides = array<i32>} : memref<17x128xi32, #tpu.memory_space<vmem>>, vector<16xi32>,
      %shift_right_logical3A_422 = arith.constant 11 : i32
      %shift_right_logical3A_423 = vector.broadcast %shift_right_logical3A_422 : i32 to vector<16xi32>
      %shift_right_logical3A_424 = arith.shrui %get3A_421, %shift_right_logical3A_423 : vector<16xi32>
      %swap3A_425 = arith.constant 0 : i32
      %swap3A_426 = arith.index_cast %swap3A_425 : i32 to index
      %swap3A_427 = arith.constant 64 : index
      %swap3A_428 = tpu.vector_load %arg18[%swap3A_426, %swap3A_427] {strides = array<i32>} : memref<1x128xi32, #tpu.memory_space<vmem>>, vector<16xi32>,
      tpu.vector_store %arg18[%swap3A_426, %swap3A_427], %shift_right_logical3A_424 {strides = array<i32>} : memref<1x128xi32, #tpu.memory_space<vmem>>, vector<16xi32>,
      %and3A_429 = arith.constant 2047 : i32
      %and3A_430 = vector.broadcast %and3A_429 : i32 to vector<16xi32>
      %and3A_431 = arith.andi %get3A_421, %and3A_430 : vector<16xi32>
      %swap3A_432 = arith.constant 0 : i32
      %swap3A_433 = arith.index_cast %swap3A_432 : i32 to index
      %swap3A_434 = arith.constant 64 : index
      %swap3A_435 = tpu.vector_load %arg19[%swap3A_433, %swap3A_434] {strides = array<i32>} : memref<1x128xi32, #tpu.memory_space<vmem>>, vector<16xi32>,
      tpu.vector_store %arg19[%swap3A_433, %swap3A_434], %and3A_431 {strides = array<i32>} : memref<1x128xi32, #tpu.memory_space<vmem>>, vector<16xi32>,
      %get3A_436 = arith.index_cast %while3A_351 : i32 to index
      %get3A_437 = arith.constant 80 : index
      %get3A_438 = tpu.vector_load %arg16[%get3A_436, %get3A_437] {strides = array<i32>} : memref<17x128xi32, #tpu.memory_space<vmem>>, vector<16xi32>,
      %shift_right_logical3A_439 = arith.constant 11 : i32
      %shift_right_logical3A_440 = vector.broadcast %shift_right_logical3A_439 : i32 to vector<16xi32>
      %shift_right_logical3A_441 = arith.shrui %get3A_438, %shift_right_logical3A_440 : vector<16xi32>
      %swap3A_442 = arith.constant 0 : i32
      %swap3A_443 = arith.index_cast %swap3A_442 : i32 to index
      %swap3A_444 = arith.constant 80 : index
      %swap3A_445 = tpu.vector_load %arg18[%swap3A_443, %swap3A_444] {strides = array<i32>} : memref<1x128xi32, #tpu.memory_space<vmem>>, vector<16xi32>,
      tpu.vector_store %arg18[%swap3A_443, %swap3A_444], %shift_right_logical3A_441 {strides = array<i32>} : memref<1x128xi32, #tpu.memory_space<vmem>>, vector<16xi32>,
      %and3A_446 = arith.constant 2047 : i32
      %and3A_447 = vector.broadcast %and3A_446 : i32 to vector<16xi32>
      %and3A_448 = arith.andi %get3A_438, %and3A_447 : vector<16xi32>
      %swap3A_449 = arith.constant 0 : i32
      %swap3A_450 = arith.index_cast %swap3A_449 : i32 to index
      %swap3A_451 = arith.constant 80 : index
      %swap3A_452 = tpu.vector_load %arg19[%swap3A_450, %swap3A_451] {strides = array<i32>} : memref<1x128xi32, #tpu.memory_space<vmem>>, vector<16xi32>,
      tpu.vector_store %arg19[%swap3A_450, %swap3A_451], %and3A_448 {strides = array<i32>} : memref<1x128xi32, #tpu.memory_space<vmem>>, vector<16xi32>,
      %get3A_453 = arith.index_cast %while3A_351 : i32 to index
      %get3A_454 = arith.constant 96 : index
      %get3A_455 = tpu.vector_load %arg16[%get3A_453, %get3A_454] {strides = array<i32>} : memref<17x128xi32, #tpu.memory_space<vmem>>, vector<16xi32>,
      %shift_right_logical3A_456 = arith.constant 11 : i32
      %shift_right_logical3A_457 = vector.broadcast %shift_right_logical3A_456 : i32 to vector<16xi32>
      %shift_right_logical3A_458 = arith.shrui %get3A_455, %shift_right_logical3A_457 : vector<16xi32>
      %swap3A_459 = arith.constant 0 : i32
      %swap3A_460 = arith.index_cast %swap3A_459 : i32 to index
      %swap3A_461 = arith.constant 96 : index
      %swap3A_462 = tpu.vector_load %arg18[%swap3A_460, %swap3A_461] {strides = array<i32>} : memref<1x128xi32, #tpu.memory_space<vmem>>, vector<16xi32>,
      tpu.vector_store %arg18[%swap3A_460, %swap3A_461], %shift_right_logical3A_458 {strides = array<i32>} : memref<1x128xi32, #tpu.memory_space<vmem>>, vector<16xi32>,
      %and3A_463 = arith.constant 2047 : i32
      %and3A_464 = vector.broadcast %and3A_463 : i32 to vector<16xi32>
      %and3A_465 = arith.andi %get3A_455, %and3A_464 : vector<16xi32>
      %swap3A_466 = arith.constant 0 : i32
      %swap3A_467 = arith.index_cast %swap3A_466 : i32 to index
      %swap3A_468 = arith.constant 96 : index
      %swap3A_469 = tpu.vector_load %arg19[%swap3A_467, %swap3A_468] {strides = array<i32>} : memref<1x128xi32, #tpu.memory_space<vmem>>, vector<16xi32>,
      tpu.vector_store %arg19[%swap3A_467, %swap3A_468], %and3A_465 {strides = array<i32>} : memref<1x128xi32, #tpu.memory_space<vmem>>, vector<16xi32>,
      %get3A_470 = arith.index_cast %while3A_351 : i32 to index
      %get3A_471 = arith.constant 112 : index
      %get3A_472 = tpu.vector_load %arg16[%get3A_470, %get3A_471] {strides = array<i32>} : memref<17x128xi32, #tpu.memory_space<vmem>>, vector<16xi32>,
      %shift_right_logical3A_473 = arith.constant 11 : i32
      %shift_right_logical3A_474 = vector.broadcast %shift_right_logical3A_473 : i32 to vector<16xi32>
      %shift_right_logical3A_475 = arith.shrui %get3A_472, %shift_right_logical3A_474 : vector<16xi32>
      %swap3A_476 = arith.constant 0 : i32
      %swap3A_477 = arith.index_cast %swap3A_476 : i32 to index
      %swap3A_478 = arith.constant 112 : index
      %swap3A_479 = tpu.vector_load %arg18[%swap3A_477, %swap3A_478] {strides = array<i32>} : memref<1x128xi32, #tpu.memory_space<vmem>>, vector<16xi32>,
      tpu.vector_store %arg18[%swap3A_477, %swap3A_478], %shift_right_logical3A_475 {strides = array<i32>} : memref<1x128xi32, #tpu.memory_space<vmem>>, vector<16xi32>,
      %and3A_480 = arith.constant 2047 : i32
      %and3A_481 = vector.broadcast %and3A_480 : i32 to vector<16xi32>
      %and3A_482 = arith.andi %get3A_472, %and3A_481 : vector<16xi32>
      %swap3A_483 = arith.constant 0 : i32
      %swap3A_484 = arith.index_cast %swap3A_483 : i32 to index
      %swap3A_485 = arith.constant 112 : index
      %swap3A_486 = tpu.vector_load %arg19[%swap3A_484, %swap3A_485] {strides = array<i32>} : memref<1x128xi32, #tpu.memory_space<vmem>>, vector<16xi32>,
      tpu.vector_store %arg19[%swap3A_484, %swap3A_485], %and3A_482 {strides = array<i32>} : memref<1x128xi32, #tpu.memory_space<vmem>>, vector<16xi32>,
      %dma_start3A_487 = arith.constant 0 : i32
      %dma_start3A_488 = arith.constant 0 : i32
      %dma_start3A_489 = tpu.memref_slice %arg18[%dma_start3A_487, %dma_start3A_488] : memref<1x128xi32, #tpu.memory_space<vmem>> -> memref<1x128xi32, #tpu.memory_space<vmem>>
      %dma_start3A_490 = tpu.memref_squeeze %dma_start3A_489 : memref<1x128xi32, #tpu.memory_space<vmem>> -> memref<128xi32, #tpu.memory_space<vmem>>
      %dma_start3A_491 = arith.constant 0 : i32
      %dma_start3A_492 = arith.constant 0 : i32
      %dma_start3A_493 = tpu.memref_slice %arg26[%dma_start3A_491, %dma_start3A_492] : memref<10000x128xf32, #tpu.memory_space<vmem_shared>> -> memref<10000x128xf32, #tpu.memory_space<vmem_shared>>
      tpu.enqueue_indirect_dma source(%dma_start3A_493 : memref<10000x128xf32, #tpu.memory_space<vmem_shared>>) target(%arg17 : memref<128x128xf32, #tpu.memory_space<vmem>>) offsets(%dma_start3A_490 : memref<128xi32, #tpu.memory_space<vmem>>) semaphore(%arg30 : memref<!tpu.dma_semaphore, #tpu.memory_space<semaphore_mem>>)
      %dma_wait3A_494 = arith.constant 0 : i32
      %dma_wait3A_495 = arith.constant 0 : i32
      %dma_wait3A_496 = tpu.memref_slice %arg18[%dma_wait3A_494, %dma_wait3A_495] : memref<1x128xi32, #tpu.memory_space<vmem>> -> memref<1x128xi32, #tpu.memory_space<vmem>>
      %dma_wait3A_497 = tpu.memref_squeeze %dma_wait3A_496 : memref<1x128xi32, #tpu.memory_space<vmem>> -> memref<128xi32, #tpu.memory_space<vmem>>
      %dma_wait3A_498 = arith.constant 0 : i32
      %dma_wait3A_499 = arith.constant 0 : i32
      %dma_wait3A_500 = tpu.memref_slice %arg26[%dma_wait3A_498, %dma_wait3A_499] : memref<10000x128xf32, #tpu.memory_space<vmem_shared>> -> memref<10000x128xf32, #tpu.memory_space<vmem_shared>>
      tpu.wait_indirect_dma semaphore(%arg30 : memref<!tpu.dma_semaphore, #tpu.memory_space<semaphore_mem>>) src(%dma_wait3A_500 : memref<10000x128xf32, #tpu.memory_space<vmem_shared>>) dst(%arg17 : memref<128x128xf32, #tpu.memory_space<vmem>>)
      %run_scoped3A = arith.constant 0 : i32
      "tpu.region"() ({
        %run_scoped3A_501 = tpu.sem_alloc : memref<!tpu.dma_semaphore, #tpu.memory_space<semaphore_mem>>
        %dma_start3A_502 = arith.constant 0 : i32
        %dma_start3A_503 = tpu.memref_slice %arg19[%run_scoped3A, %dma_start3A_502] : memref<1x128xi32, #tpu.memory_space<vmem>> -> memref<1x128xi32, #tpu.memory_space<vmem>>
        %dma_start3A_504 = tpu.memref_squeeze %dma_start3A_503 : memref<1x128xi32, #tpu.memory_space<vmem>> -> memref<128xi32, #tpu.memory_space<vmem>>
        %dma_start3A_505 = arith.constant 0 : i32
        %dma_start3A_506 = arith.constant 0 : i32
        %dma_start3A_507 = tpu.memref_slice %arg27[%dma_start3A_505, %dma_start3A_506] : memref<1152x128xf32, #tpu.memory_space<vmem_shared>> -> memref<1152x128xf32, #tpu.memory_space<vmem_shared>>
        tpu.enqueue_indirect_dma source(%arg17 : memref<128x128xf32, #tpu.memory_space<vmem>>) target(%dma_start3A_507 : memref<1152x128xf32, #tpu.memory_space<vmem_shared>>) offsets(%dma_start3A_504 : memref<128xi32, #tpu.memory_space<vmem>>) semaphore(%run_scoped3A_501 : memref<!tpu.dma_semaphore, #tpu.memory_space<semaphore_mem>>) {add = true}
        %dma_wait3A_508 = arith.constant 0 : i32
        %dma_wait3A_509 = tpu.memref_slice %arg19[%run_scoped3A, %dma_wait3A_508] : memref<1x128xi32, #tpu.memory_space<vmem>> -> memref<1x128xi32, #tpu.memory_space<vmem>>
        %dma_wait3A_510 = tpu.memref_squeeze %dma_wait3A_509 : memref<1x128xi32, #tpu.memory_space<vmem>> -> memref<128xi32, #tpu.memory_space<vmem>>
        %dma_wait3A_511 = arith.constant 0 : i32
        %dma_wait3A_512 = arith.constant 0 : i32
        %dma_wait3A_513 = tpu.memref_slice %arg27[%dma_wait3A_511, %dma_wait3A_512] : memref<1152x128xf32, #tpu.memory_space<vmem_shared>> -> memref<1152x128xf32, #tpu.memory_space<vmem_shared>>
        tpu.wait_indirect_dma semaphore(%run_scoped3A_501 : memref<!tpu.dma_semaphore, #tpu.memory_space<semaphore_mem>>) src(%arg17 : memref<128x128xf32, #tpu.memory_space<vmem>>) dst(%dma_wait3A_513 : memref<1152x128xf32, #tpu.memory_space<vmem_shared>>)
        tpu.yield
      }) : () -> ()
    }
    %and3A_122 = arith.constant 127 : i32
    %and3A_123 = arith.andi %reduce_max3A_109, %and3A_122 : i32
    %gt3A_124 = arith.constant 0 : i32
    %gt3A_125 = arith.cmpi sgt, %shift_right_logical3A_111, %gt3A_124 : i32
    %convert_element_type3A_126 = arith.extui %gt3A_125 : i1 to i32
    %cond3A_127 = arith.constant 0 : i32
    %cond3A_128 = arith.cmpi ne, %convert_element_type3A_126, %cond3A_127 : i32
    scf.if %cond3A_128 {
      %get3A = arith.index_cast %shift_right_logical3A_111 : i32 to index
      %get3A_351 = arith.constant 0 : index
      %get3A_352 = tpu.vector_load %arg16[%get3A, %get3A_351] {strides = array<i32>} : memref<17x128xi32, #tpu.memory_space<vmem>>, vector<16xi32>,
      %swap3A_353 = arith.constant 0 : i32
      %swap3A_354 = arith.index_cast %swap3A_353 : i32 to index
      %swap3A_355 = arith.constant 0 : index
      %swap3A_356 = tpu.vector_load %arg16[%swap3A_354, %swap3A_355] {strides = array<i32>} : memref<17x128xi32, #tpu.memory_space<vmem>>, vector<16xi32>,
      tpu.vector_store %arg16[%swap3A_354, %swap3A_355], %get3A_352 {strides = array<i32>} : memref<17x128xi32, #tpu.memory_space<vmem>>, vector<16xi32>,
      %get3A_357 = arith.index_cast %shift_right_logical3A_111 : i32 to index
      %get3A_358 = arith.constant 16 : index
      %get3A_359 = tpu.vector_load %arg16[%get3A_357, %get3A_358] {strides = array<i32>} : memref<17x128xi32, #tpu.memory_space<vmem>>, vector<16xi32>,
      %swap3A_360 = arith.constant 0 : i32
      %swap3A_361 = arith.index_cast %swap3A_360 : i32 to index
      %swap3A_362 = arith.constant 16 : index
      %swap3A_363 = tpu.vector_load %arg16[%swap3A_361, %swap3A_362] {strides = array<i32>} : memref<17x128xi32, #tpu.memory_space<vmem>>, vector<16xi32>,
      tpu.vector_store %arg16[%swap3A_361, %swap3A_362], %get3A_359 {strides = array<i32>} : memref<17x128xi32, #tpu.memory_space<vmem>>, vector<16xi32>,
      %get3A_364 = arith.index_cast %shift_right_logical3A_111 : i32 to index
      %get3A_365 = arith.constant 32 : index
      %get3A_366 = tpu.vector_load %arg16[%get3A_364, %get3A_365] {strides = array<i32>} : memref<17x128xi32, #tpu.memory_space<vmem>>, vector<16xi32>,
      %swap3A_367 = arith.constant 0 : i32
      %swap3A_368 = arith.index_cast %swap3A_367 : i32 to index
      %swap3A_369 = arith.constant 32 : index
      %swap3A_370 = tpu.vector_load %arg16[%swap3A_368, %swap3A_369] {strides = array<i32>} : memref<17x128xi32, #tpu.memory_space<vmem>>, vector<16xi32>,
      tpu.vector_store %arg16[%swap3A_368, %swap3A_369], %get3A_366 {strides = array<i32>} : memref<17x128xi32, #tpu.memory_space<vmem>>, vector<16xi32>,
      %get3A_371 = arith.index_cast %shift_right_logical3A_111 : i32 to index
      %get3A_372 = arith.constant 48 : index
      %get3A_373 = tpu.vector_load %arg16[%get3A_371, %get3A_372] {strides = array<i32>} : memref<17x128xi32, #tpu.memory_space<vmem>>, vector<16xi32>,
      %swap3A_374 = arith.constant 0 : i32
      %swap3A_375 = arith.index_cast %swap3A_374 : i32 to index
      %swap3A_376 = arith.constant 48 : index
      %swap3A_377 = tpu.vector_load %arg16[%swap3A_375, %swap3A_376] {strides = array<i32>} : memref<17x128xi32, #tpu.memory_space<vmem>>, vector<16xi32>,
      tpu.vector_store %arg16[%swap3A_375, %swap3A_376], %get3A_373 {strides = array<i32>} : memref<17x128xi32, #tpu.memory_space<vmem>>, vector<16xi32>,
      %get3A_378 = arith.index_cast %shift_right_logical3A_111 : i32 to index
      %get3A_379 = arith.constant 64 : index
      %get3A_380 = tpu.vector_load %arg16[%get3A_378, %get3A_379] {strides = array<i32>} : memref<17x128xi32, #tpu.memory_space<vmem>>, vector<16xi32>,
      %swap3A_381 = arith.constant 0 : i32
      %swap3A_382 = arith.index_cast %swap3A_381 : i32 to index
      %swap3A_383 = arith.constant 64 : index
      %swap3A_384 = tpu.vector_load %arg16[%swap3A_382, %swap3A_383] {strides = array<i32>} : memref<17x128xi32, #tpu.memory_space<vmem>>, vector<16xi32>,
      tpu.vector_store %arg16[%swap3A_382, %swap3A_383], %get3A_380 {strides = array<i32>} : memref<17x128xi32, #tpu.memory_space<vmem>>, vector<16xi32>,
      %get3A_385 = arith.index_cast %shift_right_logical3A_111 : i32 to index
      %get3A_386 = arith.constant 80 : index
      %get3A_387 = tpu.vector_load %arg16[%get3A_385, %get3A_386] {strides = array<i32>} : memref<17x128xi32, #tpu.memory_space<vmem>>, vector<16xi32>,
      %swap3A_388 = arith.constant 0 : i32
      %swap3A_389 = arith.index_cast %swap3A_388 : i32 to index
      %swap3A_390 = arith.constant 80 : index
      %swap3A_391 = tpu.vector_load %arg16[%swap3A_389, %swap3A_390] {strides = array<i32>} : memref<17x128xi32, #tpu.memory_space<vmem>>, vector<16xi32>,
      tpu.vector_store %arg16[%swap3A_389, %swap3A_390], %get3A_387 {strides = array<i32>} : memref<17x128xi32, #tpu.memory_space<vmem>>, vector<16xi32>,
      %get3A_392 = arith.index_cast %shift_right_logical3A_111 : i32 to index
      %get3A_393 = arith.constant 96 : index
      %get3A_394 = tpu.vector_load %arg16[%get3A_392, %get3A_393] {strides = array<i32>} : memref<17x128xi32, #tpu.memory_space<vmem>>, vector<16xi32>,
      %swap3A_395 = arith.constant 0 : i32
      %swap3A_396 = arith.index_cast %swap3A_395 : i32 to index
      %swap3A_397 = arith.constant 96 : index
      %swap3A_398 = tpu.vector_load %arg16[%swap3A_396, %swap3A_397] {strides = array<i32>} : memref<17x128xi32, #tpu.memory_space<vmem>>, vector<16xi32>,
      tpu.vector_store %arg16[%swap3A_396, %swap3A_397], %get3A_394 {strides = array<i32>} : memref<17x128xi32, #tpu.memory_space<vmem>>, vector<16xi32>,
      %get3A_399 = arith.index_cast %shift_right_logical3A_111 : i32 to index
      %get3A_400 = arith.constant 112 : index
      %get3A_401 = tpu.vector_load %arg16[%get3A_399, %get3A_400] {strides = array<i32>} : memref<17x128xi32, #tpu.memory_space<vmem>>, vector<16xi32>,
      %swap3A_402 = arith.constant 0 : i32
      %swap3A_403 = arith.index_cast %swap3A_402 : i32 to index
      %swap3A_404 = arith.constant 112 : index
      %swap3A_405 = tpu.vector_load %arg16[%swap3A_403, %swap3A_404] {strides = array<i32>} : memref<17x128xi32, #tpu.memory_space<vmem>>, vector<16xi32>,
      tpu.vector_store %arg16[%swap3A_403, %swap3A_404], %get3A_401 {strides = array<i32>} : memref<17x128xi32, #tpu.memory_space<vmem>>, vector<16xi32>,
    } else {
    }
    %mul3A_129 = arith.constant 10000 : i32
    %mul3A_130 = arith.muli %add3A, %mul3A_129 : i32
    %add3A_131 = arith.constant 6000 : i32
    %add3A_132 = arith.addi %mul3A_130, %add3A_131 : i32
    "tpu.region"() ({
      %run_scoped3A = tpu.sem_alloc : memref<!tpu.dma_semaphore, #tpu.memory_space<semaphore_mem>>
      %dma_start3A_351 = tpu.memref_slice %arg4[%add3A_132] : memref<320000xi32, #tpu.memory_space<hbm>> -> memref<2000xi32, #tpu.memory_space<hbm>>
      %dma_start3A_352 = tpu.memref_slice %arg4[%add3A_132] : memref<320000xi32, #tpu.memory_space<hbm>> -> memref<2000xi32, #tpu.memory_space<hbm>>
      tpu.enqueue_dma source(%dma_start3A_352 : memref<2000xi32, #tpu.memory_space<hbm>>) target(%arg14 : memref<2000xi32, #tpu.memory_space<vmem>>) target_semaphore(%run_scoped3A : memref<!tpu.dma_semaphore, #tpu.memory_space<semaphore_mem>>)
      %dma_wait3A_353 = tpu.memref_slice %arg4[%add3A_132] : memref<320000xi32, #tpu.memory_space<hbm>> -> memref<2000xi32, #tpu.memory_space<hbm>>
      %dma_wait3A_354 = tpu.memref_slice %arg4[%add3A_132] : memref<320000xi32, #tpu.memory_space<hbm>> -> memref<2000xi32, #tpu.memory_space<hbm>>
      tpu.wait_dma2 semaphore(%run_scoped3A : memref<!tpu.dma_semaphore, #tpu.memory_space<semaphore_mem>>) src(%dma_wait3A_354 : memref<2000xi32, #tpu.memory_space<hbm>>) dst(%arg14 : memref<2000xi32, #tpu.memory_space<vmem>>)
      tpu.yield
    }) : () -> ()
    "tpu.region"() ({
      %run_scoped3A = tpu.sem_alloc : memref<!tpu.dma_semaphore, #tpu.memory_space<semaphore_mem>>
      %dma_start3A_351 = tpu.memref_slice %arg3[%add3A_132] : memref<320000xi32, #tpu.memory_space<hbm>> -> memref<2000xi32, #tpu.memory_space<hbm>>
      %dma_start3A_352 = tpu.memref_slice %arg3[%add3A_132] : memref<320000xi32, #tpu.memory_space<hbm>> -> memref<2000xi32, #tpu.memory_space<hbm>>
      tpu.enqueue_dma source(%dma_start3A_352 : memref<2000xi32, #tpu.memory_space<hbm>>) target(%arg15 : memref<2000xi32, #tpu.memory_space<vmem>>) target_semaphore(%run_scoped3A : memref<!tpu.dma_semaphore, #tpu.memory_space<semaphore_mem>>)
      %dma_wait3A_353 = tpu.memref_slice %arg3[%add3A_132] : memref<320000xi32, #tpu.memory_space<hbm>> -> memref<2000xi32, #tpu.memory_space<hbm>>
      %dma_wait3A_354 = tpu.memref_slice %arg3[%add3A_132] : memref<320000xi32, #tpu.memory_space<hbm>> -> memref<2000xi32, #tpu.memory_space<hbm>>
      tpu.wait_dma2 semaphore(%run_scoped3A : memref<!tpu.dma_semaphore, #tpu.memory_space<semaphore_mem>>) src(%dma_wait3A_354 : memref<2000xi32, #tpu.memory_space<hbm>>) dst(%arg15 : memref<2000xi32, #tpu.memory_space<vmem>>)
      tpu.yield
    }) : () -> ()
    %broadcast_in_dim3A_133 = vector.broadcast %and3A_123 : i32 to vector<16xi32>
    %scan3A_134 = arith.constant 0 : i32
    %scan3A_135 = arith.constant 125 : i32
    %scan3A_136 = arith.addi %scan3A_134, %scan3A_135 : i32
    %scan3A_137 = arith.constant 1 : i32
    %scan3A_138 = scf.for %scan3A_351 = %scan3A_134 to %scan3A_136 step %scan3A_137 iter_args(%scan3A_352 = %broadcast_in_dim3A_133) -> (vector<16xi32>)  : i32 {
      %mul3A_353 = arith.constant 16 : i32
      %mul3A_354 = arith.muli %scan3A_351, %mul3A_353 : i32
      %get3A = arith.index_cast %mul3A_354 : i32 to index
      %get3A_355 = tpu.vector_load %arg14[%get3A] {strides = array<i32>} : memref<2000xi32, #tpu.memory_space<vmem>>, vector<16xi32>,
      %mul3A_356 = arith.constant 16 : i32
      %mul3A_357 = arith.muli %scan3A_351, %mul3A_356 : i32
      %get3A_358 = arith.index_cast %mul3A_357 : i32 to index
      %get3A_359 = tpu.vector_load %arg15[%get3A_358] {strides = array<i32>} : memref<2000xi32, #tpu.memory_space<vmem>>, vector<16xi32>,
      %gather3A = tpu.vector_load_idx %arg12[%get3A_355] : memref<10000xi32, #tpu.memory_space<vmem>>[vector<16xi32>], vector<16xi32>,
      %ge3A = arith.constant 0 : i32
      %ge3A_360 = vector.broadcast %ge3A : i32 to vector<16xi32>
      %ge3A_361 = arith.cmpi sge, %gather3A, %ge3A_360 : vector<16xi32>
      %shift_right_logical3A_362 = arith.constant 7 : i32
      %shift_right_logical3A_363 = vector.broadcast %shift_right_logical3A_362 : i32 to vector<16xi32>
      %shift_right_logical3A_364 = arith.shrui %gather3A, %shift_right_logical3A_363 : vector<16xi32>
      %and3A_365 = arith.constant 127 : i32
      %and3A_366 = vector.broadcast %and3A_365 : i32 to vector<16xi32>
      %and3A_367 = arith.andi %gather3A, %and3A_366 : vector<16xi32>
      tpu.vector_store_idx %arg20[%shift_right_logical3A_364, %and3A_367], %broadcast_in_dim3A_16 masked %ge3A_361 {add = true} : memref<8x128xf32, #tpu.memory_space<vmem>>[vector<16xi32>, vector<16xi32>], vector<16xf32>, vector<16xi1>
      %jit3A = arith.constant 1 : i32
      %jit3A_368 = arith.constant 0 : i32
      %broadcast_in_dim3A_369 = vector.broadcast %jit3A : i32 to vector<16xi32>
      %broadcast_in_dim3A_370 = vector.broadcast %jit3A_368 : i32 to vector<16xi32>
      %select_n3A = arith.select %ge3A_361, %broadcast_in_dim3A_369, %broadcast_in_dim3A_370 : vector<16xi1>, vector<16xi32>
      %broadcast_in_dim3A_371 = arith.constant true
      %broadcast_in_dim3A_372 = vector.broadcast %broadcast_in_dim3A_371 : i1 to vector<16xi1>
      %masked_cumsum3A = tpu.scan <sum>, %select_n3A masked %broadcast_in_dim3A_372 : vector<16xi32>, vector<16xi1> -> vector<16xi32>
      %add3A_373 = arith.addi %scan3A_352, %masked_cumsum3A : vector<16xi32>
      %sub3A = arith.constant 1 : i32
      %sub3A_374 = vector.broadcast %sub3A : i32 to vector<16xi32>
      %sub3A_375 = arith.subi %add3A_373, %sub3A_374 : vector<16xi32>
      %shift_right_logical3A_376 = arith.constant 7 : i32
      %shift_right_logical3A_377 = vector.broadcast %shift_right_logical3A_376 : i32 to vector<16xi32>
      %shift_right_logical3A_378 = arith.shrui %sub3A_375, %shift_right_logical3A_377 : vector<16xi32>
      %and3A_379 = arith.constant 127 : i32
      %and3A_380 = vector.broadcast %and3A_379 : i32 to vector<16xi32>
      %and3A_381 = arith.andi %sub3A_375, %and3A_380 : vector<16xi32>
      %mul3A_382 = arith.constant 2048 : i32
      %mul3A_383 = vector.broadcast %mul3A_382 : i32 to vector<16xi32>
      %mul3A_384 = arith.muli %get3A_359, %mul3A_383 : vector<16xi32>
      %add3A_385 = arith.addi %mul3A_384, %gather3A : vector<16xi32>
      tpu.vector_store_idx %arg16[%shift_right_logical3A_378, %and3A_381], %add3A_385 masked %ge3A_361 : memref<17x128xi32, #tpu.memory_space<vmem>>[vector<16xi32>, vector<16xi32>], vector<16xi32>, vector<16xi1>
      %all_reduce_population_count3A = tpu.all_reduce %ge3A_361 {dim = 0 : i64, kind = #tpu.reduction_kind<sum>} : vector<16xi1> -> vector<16xi32>
      %add3A_386 = arith.addi %scan3A_352, %all_reduce_population_count3A : vector<16xi32>
      scf.yield %add3A_386 : vector<16xi32>
    }
    %scan3A_139 = arith.constant 125 : i32
    %reduce_max3A_140 = arith.constant true
    %reduce_max3A_141 = vector.broadcast %reduce_max3A_140 : i1 to vector<16xi1>
    %reduce_max3A_142 = arith.constant -2147483648 : i32
    %reduce_max3A_143 = vector.broadcast %reduce_max3A_142 : i32 to vector<16xi32>
    %reduce_max3A_144 = arith.xori %scan3A_138, %reduce_max3A_143 : vector<16xi32>
    %reduce_max3A_145 = tpu.scan <max>, %reduce_max3A_144 masked %reduce_max3A_141 : vector<16xi32>, vector<16xi1> -> vector<16xi32>
    %reduce_max3A_146 = arith.xori %reduce_max3A_145, %reduce_max3A_143 : vector<16xi32>
    %reduce_max3A_147 = vector.extract %reduce_max3A_146[15] : i32 from vector<16xi32>
    %shift_right_logical3A_148 = arith.constant 7 : i32
    %shift_right_logical3A_149 = arith.shrui %reduce_max3A_147, %shift_right_logical3A_148 : i32
    %while3A_150 = arith.constant 0 : i32
    %while3A_151 = arith.constant 0 : i32
    %while3A_152 = arith.subi %shift_right_logical3A_149, %while3A_151 : i32
    %while3A_153 = arith.addi %while3A_151, %while3A_152 : i32
    %while3A_154 = arith.constant 1 : i32
    %while3A_155 = arith.divsi %while3A_152, %while3A_154 : i32
    %while3A_156 = arith.muli %while3A_155, %while3A_154 : i32
    %while3A_157 = arith.addi %while3A_151, %while3A_156 : i32
    %while3A_158 = arith.constant 1 : i32
    scf.for %while3A_351 = %while3A_151 to %while3A_157 step %while3A_158  : i32 {
      %get3A = arith.index_cast %while3A_351 : i32 to index
      %get3A_352 = arith.constant 0 : index
      %get3A_353 = tpu.vector_load %arg16[%get3A, %get3A_352] {strides = array<i32>} : memref<17x128xi32, #tpu.memory_space<vmem>>, vector<16xi32>,
      %shift_right_logical3A_354 = arith.constant 11 : i32
      %shift_right_logical3A_355 = vector.broadcast %shift_right_logical3A_354 : i32 to vector<16xi32>
      %shift_right_logical3A_356 = arith.shrui %get3A_353, %shift_right_logical3A_355 : vector<16xi32>
      %swap3A_357 = arith.constant 0 : i32
      %swap3A_358 = arith.index_cast %swap3A_357 : i32 to index
      %swap3A_359 = arith.constant 0 : index
      %swap3A_360 = tpu.vector_load %arg18[%swap3A_358, %swap3A_359] {strides = array<i32>} : memref<1x128xi32, #tpu.memory_space<vmem>>, vector<16xi32>,
      tpu.vector_store %arg18[%swap3A_358, %swap3A_359], %shift_right_logical3A_356 {strides = array<i32>} : memref<1x128xi32, #tpu.memory_space<vmem>>, vector<16xi32>,
      %and3A_361 = arith.constant 2047 : i32
      %and3A_362 = vector.broadcast %and3A_361 : i32 to vector<16xi32>
      %and3A_363 = arith.andi %get3A_353, %and3A_362 : vector<16xi32>
      %swap3A_364 = arith.constant 0 : i32
      %swap3A_365 = arith.index_cast %swap3A_364 : i32 to index
      %swap3A_366 = arith.constant 0 : index
      %swap3A_367 = tpu.vector_load %arg19[%swap3A_365, %swap3A_366] {strides = array<i32>} : memref<1x128xi32, #tpu.memory_space<vmem>>, vector<16xi32>,
      tpu.vector_store %arg19[%swap3A_365, %swap3A_366], %and3A_363 {strides = array<i32>} : memref<1x128xi32, #tpu.memory_space<vmem>>, vector<16xi32>,
      %get3A_368 = arith.index_cast %while3A_351 : i32 to index
      %get3A_369 = arith.constant 16 : index
      %get3A_370 = tpu.vector_load %arg16[%get3A_368, %get3A_369] {strides = array<i32>} : memref<17x128xi32, #tpu.memory_space<vmem>>, vector<16xi32>,
      %shift_right_logical3A_371 = arith.constant 11 : i32
      %shift_right_logical3A_372 = vector.broadcast %shift_right_logical3A_371 : i32 to vector<16xi32>
      %shift_right_logical3A_373 = arith.shrui %get3A_370, %shift_right_logical3A_372 : vector<16xi32>
      %swap3A_374 = arith.constant 0 : i32
      %swap3A_375 = arith.index_cast %swap3A_374 : i32 to index
      %swap3A_376 = arith.constant 16 : index
      %swap3A_377 = tpu.vector_load %arg18[%swap3A_375, %swap3A_376] {strides = array<i32>} : memref<1x128xi32, #tpu.memory_space<vmem>>, vector<16xi32>,
      tpu.vector_store %arg18[%swap3A_375, %swap3A_376], %shift_right_logical3A_373 {strides = array<i32>} : memref<1x128xi32, #tpu.memory_space<vmem>>, vector<16xi32>,
      %and3A_378 = arith.constant 2047 : i32
      %and3A_379 = vector.broadcast %and3A_378 : i32 to vector<16xi32>
      %and3A_380 = arith.andi %get3A_370, %and3A_379 : vector<16xi32>
      %swap3A_381 = arith.constant 0 : i32
      %swap3A_382 = arith.index_cast %swap3A_381 : i32 to index
      %swap3A_383 = arith.constant 16 : index
      %swap3A_384 = tpu.vector_load %arg19[%swap3A_382, %swap3A_383] {strides = array<i32>} : memref<1x128xi32, #tpu.memory_space<vmem>>, vector<16xi32>,
      tpu.vector_store %arg19[%swap3A_382, %swap3A_383], %and3A_380 {strides = array<i32>} : memref<1x128xi32, #tpu.memory_space<vmem>>, vector<16xi32>,
      %get3A_385 = arith.index_cast %while3A_351 : i32 to index
      %get3A_386 = arith.constant 32 : index
      %get3A_387 = tpu.vector_load %arg16[%get3A_385, %get3A_386] {strides = array<i32>} : memref<17x128xi32, #tpu.memory_space<vmem>>, vector<16xi32>,
      %shift_right_logical3A_388 = arith.constant 11 : i32
      %shift_right_logical3A_389 = vector.broadcast %shift_right_logical3A_388 : i32 to vector<16xi32>
      %shift_right_logical3A_390 = arith.shrui %get3A_387, %shift_right_logical3A_389 : vector<16xi32>
      %swap3A_391 = arith.constant 0 : i32
      %swap3A_392 = arith.index_cast %swap3A_391 : i32 to index
      %swap3A_393 = arith.constant 32 : index
      %swap3A_394 = tpu.vector_load %arg18[%swap3A_392, %swap3A_393] {strides = array<i32>} : memref<1x128xi32, #tpu.memory_space<vmem>>, vector<16xi32>,
      tpu.vector_store %arg18[%swap3A_392, %swap3A_393], %shift_right_logical3A_390 {strides = array<i32>} : memref<1x128xi32, #tpu.memory_space<vmem>>, vector<16xi32>,
      %and3A_395 = arith.constant 2047 : i32
      %and3A_396 = vector.broadcast %and3A_395 : i32 to vector<16xi32>
      %and3A_397 = arith.andi %get3A_387, %and3A_396 : vector<16xi32>
      %swap3A_398 = arith.constant 0 : i32
      %swap3A_399 = arith.index_cast %swap3A_398 : i32 to index
      %swap3A_400 = arith.constant 32 : index
      %swap3A_401 = tpu.vector_load %arg19[%swap3A_399, %swap3A_400] {strides = array<i32>} : memref<1x128xi32, #tpu.memory_space<vmem>>, vector<16xi32>,
      tpu.vector_store %arg19[%swap3A_399, %swap3A_400], %and3A_397 {strides = array<i32>} : memref<1x128xi32, #tpu.memory_space<vmem>>, vector<16xi32>,
      %get3A_402 = arith.index_cast %while3A_351 : i32 to index
      %get3A_403 = arith.constant 48 : index
      %get3A_404 = tpu.vector_load %arg16[%get3A_402, %get3A_403] {strides = array<i32>} : memref<17x128xi32, #tpu.memory_space<vmem>>, vector<16xi32>,
      %shift_right_logical3A_405 = arith.constant 11 : i32
      %shift_right_logical3A_406 = vector.broadcast %shift_right_logical3A_405 : i32 to vector<16xi32>
      %shift_right_logical3A_407 = arith.shrui %get3A_404, %shift_right_logical3A_406 : vector<16xi32>
      %swap3A_408 = arith.constant 0 : i32
      %swap3A_409 = arith.index_cast %swap3A_408 : i32 to index
      %swap3A_410 = arith.constant 48 : index
      %swap3A_411 = tpu.vector_load %arg18[%swap3A_409, %swap3A_410] {strides = array<i32>} : memref<1x128xi32, #tpu.memory_space<vmem>>, vector<16xi32>,
      tpu.vector_store %arg18[%swap3A_409, %swap3A_410], %shift_right_logical3A_407 {strides = array<i32>} : memref<1x128xi32, #tpu.memory_space<vmem>>, vector<16xi32>,
      %and3A_412 = arith.constant 2047 : i32
      %and3A_413 = vector.broadcast %and3A_412 : i32 to vector<16xi32>
      %and3A_414 = arith.andi %get3A_404, %and3A_413 : vector<16xi32>
      %swap3A_415 = arith.constant 0 : i32
      %swap3A_416 = arith.index_cast %swap3A_415 : i32 to index
      %swap3A_417 = arith.constant 48 : index
      %swap3A_418 = tpu.vector_load %arg19[%swap3A_416, %swap3A_417] {strides = array<i32>} : memref<1x128xi32, #tpu.memory_space<vmem>>, vector<16xi32>,
      tpu.vector_store %arg19[%swap3A_416, %swap3A_417], %and3A_414 {strides = array<i32>} : memref<1x128xi32, #tpu.memory_space<vmem>>, vector<16xi32>,
      %get3A_419 = arith.index_cast %while3A_351 : i32 to index
      %get3A_420 = arith.constant 64 : index
      %get3A_421 = tpu.vector_load %arg16[%get3A_419, %get3A_420] {strides = array<i32>} : memref<17x128xi32, #tpu.memory_space<vmem>>, vector<16xi32>,
      %shift_right_logical3A_422 = arith.constant 11 : i32
      %shift_right_logical3A_423 = vector.broadcast %shift_right_logical3A_422 : i32 to vector<16xi32>
      %shift_right_logical3A_424 = arith.shrui %get3A_421, %shift_right_logical3A_423 : vector<16xi32>
      %swap3A_425 = arith.constant 0 : i32
      %swap3A_426 = arith.index_cast %swap3A_425 : i32 to index
      %swap3A_427 = arith.constant 64 : index
      %swap3A_428 = tpu.vector_load %arg18[%swap3A_426, %swap3A_427] {strides = array<i32>} : memref<1x128xi32, #tpu.memory_space<vmem>>, vector<16xi32>,
      tpu.vector_store %arg18[%swap3A_426, %swap3A_427], %shift_right_logical3A_424 {strides = array<i32>} : memref<1x128xi32, #tpu.memory_space<vmem>>, vector<16xi32>,
      %and3A_429 = arith.constant 2047 : i32
      %and3A_430 = vector.broadcast %and3A_429 : i32 to vector<16xi32>
      %and3A_431 = arith.andi %get3A_421, %and3A_430 : vector<16xi32>
      %swap3A_432 = arith.constant 0 : i32
      %swap3A_433 = arith.index_cast %swap3A_432 : i32 to index
      %swap3A_434 = arith.constant 64 : index
      %swap3A_435 = tpu.vector_load %arg19[%swap3A_433, %swap3A_434] {strides = array<i32>} : memref<1x128xi32, #tpu.memory_space<vmem>>, vector<16xi32>,
      tpu.vector_store %arg19[%swap3A_433, %swap3A_434], %and3A_431 {strides = array<i32>} : memref<1x128xi32, #tpu.memory_space<vmem>>, vector<16xi32>,
      %get3A_436 = arith.index_cast %while3A_351 : i32 to index
      %get3A_437 = arith.constant 80 : index
      %get3A_438 = tpu.vector_load %arg16[%get3A_436, %get3A_437] {strides = array<i32>} : memref<17x128xi32, #tpu.memory_space<vmem>>, vector<16xi32>,
      %shift_right_logical3A_439 = arith.constant 11 : i32
      %shift_right_logical3A_440 = vector.broadcast %shift_right_logical3A_439 : i32 to vector<16xi32>
      %shift_right_logical3A_441 = arith.shrui %get3A_438, %shift_right_logical3A_440 : vector<16xi32>
      %swap3A_442 = arith.constant 0 : i32
      %swap3A_443 = arith.index_cast %swap3A_442 : i32 to index
      %swap3A_444 = arith.constant 80 : index
      %swap3A_445 = tpu.vector_load %arg18[%swap3A_443, %swap3A_444] {strides = array<i32>} : memref<1x128xi32, #tpu.memory_space<vmem>>, vector<16xi32>,
      tpu.vector_store %arg18[%swap3A_443, %swap3A_444], %shift_right_logical3A_441 {strides = array<i32>} : memref<1x128xi32, #tpu.memory_space<vmem>>, vector<16xi32>,
      %and3A_446 = arith.constant 2047 : i32
      %and3A_447 = vector.broadcast %and3A_446 : i32 to vector<16xi32>
      %and3A_448 = arith.andi %get3A_438, %and3A_447 : vector<16xi32>
      %swap3A_449 = arith.constant 0 : i32
      %swap3A_450 = arith.index_cast %swap3A_449 : i32 to index
      %swap3A_451 = arith.constant 80 : index
      %swap3A_452 = tpu.vector_load %arg19[%swap3A_450, %swap3A_451] {strides = array<i32>} : memref<1x128xi32, #tpu.memory_space<vmem>>, vector<16xi32>,
      tpu.vector_store %arg19[%swap3A_450, %swap3A_451], %and3A_448 {strides = array<i32>} : memref<1x128xi32, #tpu.memory_space<vmem>>, vector<16xi32>,
      %get3A_453 = arith.index_cast %while3A_351 : i32 to index
      %get3A_454 = arith.constant 96 : index
      %get3A_455 = tpu.vector_load %arg16[%get3A_453, %get3A_454] {strides = array<i32>} : memref<17x128xi32, #tpu.memory_space<vmem>>, vector<16xi32>,
      %shift_right_logical3A_456 = arith.constant 11 : i32
      %shift_right_logical3A_457 = vector.broadcast %shift_right_logical3A_456 : i32 to vector<16xi32>
      %shift_right_logical3A_458 = arith.shrui %get3A_455, %shift_right_logical3A_457 : vector<16xi32>
      %swap3A_459 = arith.constant 0 : i32
      %swap3A_460 = arith.index_cast %swap3A_459 : i32 to index
      %swap3A_461 = arith.constant 96 : index
      %swap3A_462 = tpu.vector_load %arg18[%swap3A_460, %swap3A_461] {strides = array<i32>} : memref<1x128xi32, #tpu.memory_space<vmem>>, vector<16xi32>,
      tpu.vector_store %arg18[%swap3A_460, %swap3A_461], %shift_right_logical3A_458 {strides = array<i32>} : memref<1x128xi32, #tpu.memory_space<vmem>>, vector<16xi32>,
      %and3A_463 = arith.constant 2047 : i32
      %and3A_464 = vector.broadcast %and3A_463 : i32 to vector<16xi32>
      %and3A_465 = arith.andi %get3A_455, %and3A_464 : vector<16xi32>
      %swap3A_466 = arith.constant 0 : i32
      %swap3A_467 = arith.index_cast %swap3A_466 : i32 to index
      %swap3A_468 = arith.constant 96 : index
      %swap3A_469 = tpu.vector_load %arg19[%swap3A_467, %swap3A_468] {strides = array<i32>} : memref<1x128xi32, #tpu.memory_space<vmem>>, vector<16xi32>,
      tpu.vector_store %arg19[%swap3A_467, %swap3A_468], %and3A_465 {strides = array<i32>} : memref<1x128xi32, #tpu.memory_space<vmem>>, vector<16xi32>,
      %get3A_470 = arith.index_cast %while3A_351 : i32 to index
      %get3A_471 = arith.constant 112 : index
      %get3A_472 = tpu.vector_load %arg16[%get3A_470, %get3A_471] {strides = array<i32>} : memref<17x128xi32, #tpu.memory_space<vmem>>, vector<16xi32>,
      %shift_right_logical3A_473 = arith.constant 11 : i32
      %shift_right_logical3A_474 = vector.broadcast %shift_right_logical3A_473 : i32 to vector<16xi32>
      %shift_right_logical3A_475 = arith.shrui %get3A_472, %shift_right_logical3A_474 : vector<16xi32>
      %swap3A_476 = arith.constant 0 : i32
      %swap3A_477 = arith.index_cast %swap3A_476 : i32 to index
      %swap3A_478 = arith.constant 112 : index
      %swap3A_479 = tpu.vector_load %arg18[%swap3A_477, %swap3A_478] {strides = array<i32>} : memref<1x128xi32, #tpu.memory_space<vmem>>, vector<16xi32>,
      tpu.vector_store %arg18[%swap3A_477, %swap3A_478], %shift_right_logical3A_475 {strides = array<i32>} : memref<1x128xi32, #tpu.memory_space<vmem>>, vector<16xi32>,
      %and3A_480 = arith.constant 2047 : i32
      %and3A_481 = vector.broadcast %and3A_480 : i32 to vector<16xi32>
      %and3A_482 = arith.andi %get3A_472, %and3A_481 : vector<16xi32>
      %swap3A_483 = arith.constant 0 : i32
      %swap3A_484 = arith.index_cast %swap3A_483 : i32 to index
      %swap3A_485 = arith.constant 112 : index
      %swap3A_486 = tpu.vector_load %arg19[%swap3A_484, %swap3A_485] {strides = array<i32>} : memref<1x128xi32, #tpu.memory_space<vmem>>, vector<16xi32>,
      tpu.vector_store %arg19[%swap3A_484, %swap3A_485], %and3A_482 {strides = array<i32>} : memref<1x128xi32, #tpu.memory_space<vmem>>, vector<16xi32>,
      %dma_start3A_487 = arith.constant 0 : i32
      %dma_start3A_488 = arith.constant 0 : i32
      %dma_start3A_489 = tpu.memref_slice %arg18[%dma_start3A_487, %dma_start3A_488] : memref<1x128xi32, #tpu.memory_space<vmem>> -> memref<1x128xi32, #tpu.memory_space<vmem>>
      %dma_start3A_490 = tpu.memref_squeeze %dma_start3A_489 : memref<1x128xi32, #tpu.memory_space<vmem>> -> memref<128xi32, #tpu.memory_space<vmem>>
      %dma_start3A_491 = arith.constant 0 : i32
      %dma_start3A_492 = arith.constant 0 : i32
      %dma_start3A_493 = tpu.memref_slice %arg26[%dma_start3A_491, %dma_start3A_492] : memref<10000x128xf32, #tpu.memory_space<vmem_shared>> -> memref<10000x128xf32, #tpu.memory_space<vmem_shared>>
      tpu.enqueue_indirect_dma source(%dma_start3A_493 : memref<10000x128xf32, #tpu.memory_space<vmem_shared>>) target(%arg17 : memref<128x128xf32, #tpu.memory_space<vmem>>) offsets(%dma_start3A_490 : memref<128xi32, #tpu.memory_space<vmem>>) semaphore(%arg30 : memref<!tpu.dma_semaphore, #tpu.memory_space<semaphore_mem>>)
      %dma_wait3A_494 = arith.constant 0 : i32
      %dma_wait3A_495 = arith.constant 0 : i32
      %dma_wait3A_496 = tpu.memref_slice %arg18[%dma_wait3A_494, %dma_wait3A_495] : memref<1x128xi32, #tpu.memory_space<vmem>> -> memref<1x128xi32, #tpu.memory_space<vmem>>
      %dma_wait3A_497 = tpu.memref_squeeze %dma_wait3A_496 : memref<1x128xi32, #tpu.memory_space<vmem>> -> memref<128xi32, #tpu.memory_space<vmem>>
      %dma_wait3A_498 = arith.constant 0 : i32
      %dma_wait3A_499 = arith.constant 0 : i32
      %dma_wait3A_500 = tpu.memref_slice %arg26[%dma_wait3A_498, %dma_wait3A_499] : memref<10000x128xf32, #tpu.memory_space<vmem_shared>> -> memref<10000x128xf32, #tpu.memory_space<vmem_shared>>
      tpu.wait_indirect_dma semaphore(%arg30 : memref<!tpu.dma_semaphore, #tpu.memory_space<semaphore_mem>>) src(%dma_wait3A_500 : memref<10000x128xf32, #tpu.memory_space<vmem_shared>>) dst(%arg17 : memref<128x128xf32, #tpu.memory_space<vmem>>)
      %run_scoped3A = arith.constant 0 : i32
      "tpu.region"() ({
        %run_scoped3A_501 = tpu.sem_alloc : memref<!tpu.dma_semaphore, #tpu.memory_space<semaphore_mem>>
        %dma_start3A_502 = arith.constant 0 : i32
        %dma_start3A_503 = tpu.memref_slice %arg19[%run_scoped3A, %dma_start3A_502] : memref<1x128xi32, #tpu.memory_space<vmem>> -> memref<1x128xi32, #tpu.memory_space<vmem>>
        %dma_start3A_504 = tpu.memref_squeeze %dma_start3A_503 : memref<1x128xi32, #tpu.memory_space<vmem>> -> memref<128xi32, #tpu.memory_space<vmem>>
        %dma_start3A_505 = arith.constant 0 : i32
        %dma_start3A_506 = arith.constant 0 : i32
        %dma_start3A_507 = tpu.memref_slice %arg27[%dma_start3A_505, %dma_start3A_506] : memref<1152x128xf32, #tpu.memory_space<vmem_shared>> -> memref<1152x128xf32, #tpu.memory_space<vmem_shared>>
        tpu.enqueue_indirect_dma source(%arg17 : memref<128x128xf32, #tpu.memory_space<vmem>>) target(%dma_start3A_507 : memref<1152x128xf32, #tpu.memory_space<vmem_shared>>) offsets(%dma_start3A_504 : memref<128xi32, #tpu.memory_space<vmem>>) semaphore(%run_scoped3A_501 : memref<!tpu.dma_semaphore, #tpu.memory_space<semaphore_mem>>) {add = true}
        %dma_wait3A_508 = arith.constant 0 : i32
        %dma_wait3A_509 = tpu.memref_slice %arg19[%run_scoped3A, %dma_wait3A_508] : memref<1x128xi32, #tpu.memory_space<vmem>> -> memref<1x128xi32, #tpu.memory_space<vmem>>
        %dma_wait3A_510 = tpu.memref_squeeze %dma_wait3A_509 : memref<1x128xi32, #tpu.memory_space<vmem>> -> memref<128xi32, #tpu.memory_space<vmem>>
        %dma_wait3A_511 = arith.constant 0 : i32
        %dma_wait3A_512 = arith.constant 0 : i32
        %dma_wait3A_513 = tpu.memref_slice %arg27[%dma_wait3A_511, %dma_wait3A_512] : memref<1152x128xf32, #tpu.memory_space<vmem_shared>> -> memref<1152x128xf32, #tpu.memory_space<vmem_shared>>
        tpu.wait_indirect_dma semaphore(%run_scoped3A_501 : memref<!tpu.dma_semaphore, #tpu.memory_space<semaphore_mem>>) src(%arg17 : memref<128x128xf32, #tpu.memory_space<vmem>>) dst(%dma_wait3A_513 : memref<1152x128xf32, #tpu.memory_space<vmem_shared>>)
        tpu.yield
      }) : () -> ()
    }
    %while3A_159 = arith.constant 1 : i32
    scf.for %while3A_351 = %while3A_157 to %while3A_153 step %while3A_159  : i32 {
      %get3A = arith.index_cast %while3A_351 : i32 to index
      %get3A_352 = arith.constant 0 : index
      %get3A_353 = tpu.vector_load %arg16[%get3A, %get3A_352] {strides = array<i32>} : memref<17x128xi32, #tpu.memory_space<vmem>>, vector<16xi32>,
      %shift_right_logical3A_354 = arith.constant 11 : i32
      %shift_right_logical3A_355 = vector.broadcast %shift_right_logical3A_354 : i32 to vector<16xi32>
      %shift_right_logical3A_356 = arith.shrui %get3A_353, %shift_right_logical3A_355 : vector<16xi32>
      %swap3A_357 = arith.constant 0 : i32
      %swap3A_358 = arith.index_cast %swap3A_357 : i32 to index
      %swap3A_359 = arith.constant 0 : index
      %swap3A_360 = tpu.vector_load %arg18[%swap3A_358, %swap3A_359] {strides = array<i32>} : memref<1x128xi32, #tpu.memory_space<vmem>>, vector<16xi32>,
      tpu.vector_store %arg18[%swap3A_358, %swap3A_359], %shift_right_logical3A_356 {strides = array<i32>} : memref<1x128xi32, #tpu.memory_space<vmem>>, vector<16xi32>,
      %and3A_361 = arith.constant 2047 : i32
      %and3A_362 = vector.broadcast %and3A_361 : i32 to vector<16xi32>
      %and3A_363 = arith.andi %get3A_353, %and3A_362 : vector<16xi32>
      %swap3A_364 = arith.constant 0 : i32
      %swap3A_365 = arith.index_cast %swap3A_364 : i32 to index
      %swap3A_366 = arith.constant 0 : index
      %swap3A_367 = tpu.vector_load %arg19[%swap3A_365, %swap3A_366] {strides = array<i32>} : memref<1x128xi32, #tpu.memory_space<vmem>>, vector<16xi32>,
      tpu.vector_store %arg19[%swap3A_365, %swap3A_366], %and3A_363 {strides = array<i32>} : memref<1x128xi32, #tpu.memory_space<vmem>>, vector<16xi32>,
      %get3A_368 = arith.index_cast %while3A_351 : i32 to index
      %get3A_369 = arith.constant 16 : index
      %get3A_370 = tpu.vector_load %arg16[%get3A_368, %get3A_369] {strides = array<i32>} : memref<17x128xi32, #tpu.memory_space<vmem>>, vector<16xi32>,
      %shift_right_logical3A_371 = arith.constant 11 : i32
      %shift_right_logical3A_372 = vector.broadcast %shift_right_logical3A_371 : i32 to vector<16xi32>
      %shift_right_logical3A_373 = arith.shrui %get3A_370, %shift_right_logical3A_372 : vector<16xi32>
      %swap3A_374 = arith.constant 0 : i32
      %swap3A_375 = arith.index_cast %swap3A_374 : i32 to index
      %swap3A_376 = arith.constant 16 : index
      %swap3A_377 = tpu.vector_load %arg18[%swap3A_375, %swap3A_376] {strides = array<i32>} : memref<1x128xi32, #tpu.memory_space<vmem>>, vector<16xi32>,
      tpu.vector_store %arg18[%swap3A_375, %swap3A_376], %shift_right_logical3A_373 {strides = array<i32>} : memref<1x128xi32, #tpu.memory_space<vmem>>, vector<16xi32>,
      %and3A_378 = arith.constant 2047 : i32
      %and3A_379 = vector.broadcast %and3A_378 : i32 to vector<16xi32>
      %and3A_380 = arith.andi %get3A_370, %and3A_379 : vector<16xi32>
      %swap3A_381 = arith.constant 0 : i32
      %swap3A_382 = arith.index_cast %swap3A_381 : i32 to index
      %swap3A_383 = arith.constant 16 : index
      %swap3A_384 = tpu.vector_load %arg19[%swap3A_382, %swap3A_383] {strides = array<i32>} : memref<1x128xi32, #tpu.memory_space<vmem>>, vector<16xi32>,
      tpu.vector_store %arg19[%swap3A_382, %swap3A_383], %and3A_380 {strides = array<i32>} : memref<1x128xi32, #tpu.memory_space<vmem>>, vector<16xi32>,
      %get3A_385 = arith.index_cast %while3A_351 : i32 to index
      %get3A_386 = arith.constant 32 : index
      %get3A_387 = tpu.vector_load %arg16[%get3A_385, %get3A_386] {strides = array<i32>} : memref<17x128xi32, #tpu.memory_space<vmem>>, vector<16xi32>,
      %shift_right_logical3A_388 = arith.constant 11 : i32
      %shift_right_logical3A_389 = vector.broadcast %shift_right_logical3A_388 : i32 to vector<16xi32>
      %shift_right_logical3A_390 = arith.shrui %get3A_387, %shift_right_logical3A_389 : vector<16xi32>
      %swap3A_391 = arith.constant 0 : i32
      %swap3A_392 = arith.index_cast %swap3A_391 : i32 to index
      %swap3A_393 = arith.constant 32 : index
      %swap3A_394 = tpu.vector_load %arg18[%swap3A_392, %swap3A_393] {strides = array<i32>} : memref<1x128xi32, #tpu.memory_space<vmem>>, vector<16xi32>,
      tpu.vector_store %arg18[%swap3A_392, %swap3A_393], %shift_right_logical3A_390 {strides = array<i32>} : memref<1x128xi32, #tpu.memory_space<vmem>>, vector<16xi32>,
      %and3A_395 = arith.constant 2047 : i32
      %and3A_396 = vector.broadcast %and3A_395 : i32 to vector<16xi32>
      %and3A_397 = arith.andi %get3A_387, %and3A_396 : vector<16xi32>
      %swap3A_398 = arith.constant 0 : i32
      %swap3A_399 = arith.index_cast %swap3A_398 : i32 to index
      %swap3A_400 = arith.constant 32 : index
      %swap3A_401 = tpu.vector_load %arg19[%swap3A_399, %swap3A_400] {strides = array<i32>} : memref<1x128xi32, #tpu.memory_space<vmem>>, vector<16xi32>,
      tpu.vector_store %arg19[%swap3A_399, %swap3A_400], %and3A_397 {strides = array<i32>} : memref<1x128xi32, #tpu.memory_space<vmem>>, vector<16xi32>,
      %get3A_402 = arith.index_cast %while3A_351 : i32 to index
      %get3A_403 = arith.constant 48 : index
      %get3A_404 = tpu.vector_load %arg16[%get3A_402, %get3A_403] {strides = array<i32>} : memref<17x128xi32, #tpu.memory_space<vmem>>, vector<16xi32>,
      %shift_right_logical3A_405 = arith.constant 11 : i32
      %shift_right_logical3A_406 = vector.broadcast %shift_right_logical3A_405 : i32 to vector<16xi32>
      %shift_right_logical3A_407 = arith.shrui %get3A_404, %shift_right_logical3A_406 : vector<16xi32>
      %swap3A_408 = arith.constant 0 : i32
      %swap3A_409 = arith.index_cast %swap3A_408 : i32 to index
      %swap3A_410 = arith.constant 48 : index
      %swap3A_411 = tpu.vector_load %arg18[%swap3A_409, %swap3A_410] {strides = array<i32>} : memref<1x128xi32, #tpu.memory_space<vmem>>, vector<16xi32>,
      tpu.vector_store %arg18[%swap3A_409, %swap3A_410], %shift_right_logical3A_407 {strides = array<i32>} : memref<1x128xi32, #tpu.memory_space<vmem>>, vector<16xi32>,
      %and3A_412 = arith.constant 2047 : i32
      %and3A_413 = vector.broadcast %and3A_412 : i32 to vector<16xi32>
      %and3A_414 = arith.andi %get3A_404, %and3A_413 : vector<16xi32>
      %swap3A_415 = arith.constant 0 : i32
      %swap3A_416 = arith.index_cast %swap3A_415 : i32 to index
      %swap3A_417 = arith.constant 48 : index
      %swap3A_418 = tpu.vector_load %arg19[%swap3A_416, %swap3A_417] {strides = array<i32>} : memref<1x128xi32, #tpu.memory_space<vmem>>, vector<16xi32>,
      tpu.vector_store %arg19[%swap3A_416, %swap3A_417], %and3A_414 {strides = array<i32>} : memref<1x128xi32, #tpu.memory_space<vmem>>, vector<16xi32>,
      %get3A_419 = arith.index_cast %while3A_351 : i32 to index
      %get3A_420 = arith.constant 64 : index
      %get3A_421 = tpu.vector_load %arg16[%get3A_419, %get3A_420] {strides = array<i32>} : memref<17x128xi32, #tpu.memory_space<vmem>>, vector<16xi32>,
      %shift_right_logical3A_422 = arith.constant 11 : i32
      %shift_right_logical3A_423 = vector.broadcast %shift_right_logical3A_422 : i32 to vector<16xi32>
      %shift_right_logical3A_424 = arith.shrui %get3A_421, %shift_right_logical3A_423 : vector<16xi32>
      %swap3A_425 = arith.constant 0 : i32
      %swap3A_426 = arith.index_cast %swap3A_425 : i32 to index
      %swap3A_427 = arith.constant 64 : index
      %swap3A_428 = tpu.vector_load %arg18[%swap3A_426, %swap3A_427] {strides = array<i32>} : memref<1x128xi32, #tpu.memory_space<vmem>>, vector<16xi32>,
      tpu.vector_store %arg18[%swap3A_426, %swap3A_427], %shift_right_logical3A_424 {strides = array<i32>} : memref<1x128xi32, #tpu.memory_space<vmem>>, vector<16xi32>,
      %and3A_429 = arith.constant 2047 : i32
      %and3A_430 = vector.broadcast %and3A_429 : i32 to vector<16xi32>
      %and3A_431 = arith.andi %get3A_421, %and3A_430 : vector<16xi32>
      %swap3A_432 = arith.constant 0 : i32
      %swap3A_433 = arith.index_cast %swap3A_432 : i32 to index
      %swap3A_434 = arith.constant 64 : index
      %swap3A_435 = tpu.vector_load %arg19[%swap3A_433, %swap3A_434] {strides = array<i32>} : memref<1x128xi32, #tpu.memory_space<vmem>>, vector<16xi32>,
      tpu.vector_store %arg19[%swap3A_433, %swap3A_434], %and3A_431 {strides = array<i32>} : memref<1x128xi32, #tpu.memory_space<vmem>>, vector<16xi32>,
      %get3A_436 = arith.index_cast %while3A_351 : i32 to index
      %get3A_437 = arith.constant 80 : index
      %get3A_438 = tpu.vector_load %arg16[%get3A_436, %get3A_437] {strides = array<i32>} : memref<17x128xi32, #tpu.memory_space<vmem>>, vector<16xi32>,
      %shift_right_logical3A_439 = arith.constant 11 : i32
      %shift_right_logical3A_440 = vector.broadcast %shift_right_logical3A_439 : i32 to vector<16xi32>
      %shift_right_logical3A_441 = arith.shrui %get3A_438, %shift_right_logical3A_440 : vector<16xi32>
      %swap3A_442 = arith.constant 0 : i32
      %swap3A_443 = arith.index_cast %swap3A_442 : i32 to index
      %swap3A_444 = arith.constant 80 : index
      %swap3A_445 = tpu.vector_load %arg18[%swap3A_443, %swap3A_444] {strides = array<i32>} : memref<1x128xi32, #tpu.memory_space<vmem>>, vector<16xi32>,
      tpu.vector_store %arg18[%swap3A_443, %swap3A_444], %shift_right_logical3A_441 {strides = array<i32>} : memref<1x128xi32, #tpu.memory_space<vmem>>, vector<16xi32>,
      %and3A_446 = arith.constant 2047 : i32
      %and3A_447 = vector.broadcast %and3A_446 : i32 to vector<16xi32>
      %and3A_448 = arith.andi %get3A_438, %and3A_447 : vector<16xi32>
      %swap3A_449 = arith.constant 0 : i32
      %swap3A_450 = arith.index_cast %swap3A_449 : i32 to index
      %swap3A_451 = arith.constant 80 : index
      %swap3A_452 = tpu.vector_load %arg19[%swap3A_450, %swap3A_451] {strides = array<i32>} : memref<1x128xi32, #tpu.memory_space<vmem>>, vector<16xi32>,
      tpu.vector_store %arg19[%swap3A_450, %swap3A_451], %and3A_448 {strides = array<i32>} : memref<1x128xi32, #tpu.memory_space<vmem>>, vector<16xi32>,
      %get3A_453 = arith.index_cast %while3A_351 : i32 to index
      %get3A_454 = arith.constant 96 : index
      %get3A_455 = tpu.vector_load %arg16[%get3A_453, %get3A_454] {strides = array<i32>} : memref<17x128xi32, #tpu.memory_space<vmem>>, vector<16xi32>,
      %shift_right_logical3A_456 = arith.constant 11 : i32
      %shift_right_logical3A_457 = vector.broadcast %shift_right_logical3A_456 : i32 to vector<16xi32>
      %shift_right_logical3A_458 = arith.shrui %get3A_455, %shift_right_logical3A_457 : vector<16xi32>
      %swap3A_459 = arith.constant 0 : i32
      %swap3A_460 = arith.index_cast %swap3A_459 : i32 to index
      %swap3A_461 = arith.constant 96 : index
      %swap3A_462 = tpu.vector_load %arg18[%swap3A_460, %swap3A_461] {strides = array<i32>} : memref<1x128xi32, #tpu.memory_space<vmem>>, vector<16xi32>,
      tpu.vector_store %arg18[%swap3A_460, %swap3A_461], %shift_right_logical3A_458 {strides = array<i32>} : memref<1x128xi32, #tpu.memory_space<vmem>>, vector<16xi32>,
      %and3A_463 = arith.constant 2047 : i32
      %and3A_464 = vector.broadcast %and3A_463 : i32 to vector<16xi32>
      %and3A_465 = arith.andi %get3A_455, %and3A_464 : vector<16xi32>
      %swap3A_466 = arith.constant 0 : i32
      %swap3A_467 = arith.index_cast %swap3A_466 : i32 to index
      %swap3A_468 = arith.constant 96 : index
      %swap3A_469 = tpu.vector_load %arg19[%swap3A_467, %swap3A_468] {strides = array<i32>} : memref<1x128xi32, #tpu.memory_space<vmem>>, vector<16xi32>,
      tpu.vector_store %arg19[%swap3A_467, %swap3A_468], %and3A_465 {strides = array<i32>} : memref<1x128xi32, #tpu.memory_space<vmem>>, vector<16xi32>,
      %get3A_470 = arith.index_cast %while3A_351 : i32 to index
      %get3A_471 = arith.constant 112 : index
      %get3A_472 = tpu.vector_load %arg16[%get3A_470, %get3A_471] {strides = array<i32>} : memref<17x128xi32, #tpu.memory_space<vmem>>, vector<16xi32>,
      %shift_right_logical3A_473 = arith.constant 11 : i32
      %shift_right_logical3A_474 = vector.broadcast %shift_right_logical3A_473 : i32 to vector<16xi32>
      %shift_right_logical3A_475 = arith.shrui %get3A_472, %shift_right_logical3A_474 : vector<16xi32>
      %swap3A_476 = arith.constant 0 : i32
      %swap3A_477 = arith.index_cast %swap3A_476 : i32 to index
      %swap3A_478 = arith.constant 112 : index
      %swap3A_479 = tpu.vector_load %arg18[%swap3A_477, %swap3A_478] {strides = array<i32>} : memref<1x128xi32, #tpu.memory_space<vmem>>, vector<16xi32>,
      tpu.vector_store %arg18[%swap3A_477, %swap3A_478], %shift_right_logical3A_475 {strides = array<i32>} : memref<1x128xi32, #tpu.memory_space<vmem>>, vector<16xi32>,
      %and3A_480 = arith.constant 2047 : i32
      %and3A_481 = vector.broadcast %and3A_480 : i32 to vector<16xi32>
      %and3A_482 = arith.andi %get3A_472, %and3A_481 : vector<16xi32>
      %swap3A_483 = arith.constant 0 : i32
      %swap3A_484 = arith.index_cast %swap3A_483 : i32 to index
      %swap3A_485 = arith.constant 112 : index
      %swap3A_486 = tpu.vector_load %arg19[%swap3A_484, %swap3A_485] {strides = array<i32>} : memref<1x128xi32, #tpu.memory_space<vmem>>, vector<16xi32>,
      tpu.vector_store %arg19[%swap3A_484, %swap3A_485], %and3A_482 {strides = array<i32>} : memref<1x128xi32, #tpu.memory_space<vmem>>, vector<16xi32>,
      %dma_start3A_487 = arith.constant 0 : i32
      %dma_start3A_488 = arith.constant 0 : i32
      %dma_start3A_489 = tpu.memref_slice %arg18[%dma_start3A_487, %dma_start3A_488] : memref<1x128xi32, #tpu.memory_space<vmem>> -> memref<1x128xi32, #tpu.memory_space<vmem>>
      %dma_start3A_490 = tpu.memref_squeeze %dma_start3A_489 : memref<1x128xi32, #tpu.memory_space<vmem>> -> memref<128xi32, #tpu.memory_space<vmem>>
      %dma_start3A_491 = arith.constant 0 : i32
      %dma_start3A_492 = arith.constant 0 : i32
      %dma_start3A_493 = tpu.memref_slice %arg26[%dma_start3A_491, %dma_start3A_492] : memref<10000x128xf32, #tpu.memory_space<vmem_shared>> -> memref<10000x128xf32, #tpu.memory_space<vmem_shared>>
      tpu.enqueue_indirect_dma source(%dma_start3A_493 : memref<10000x128xf32, #tpu.memory_space<vmem_shared>>) target(%arg17 : memref<128x128xf32, #tpu.memory_space<vmem>>) offsets(%dma_start3A_490 : memref<128xi32, #tpu.memory_space<vmem>>) semaphore(%arg30 : memref<!tpu.dma_semaphore, #tpu.memory_space<semaphore_mem>>)
      %dma_wait3A_494 = arith.constant 0 : i32
      %dma_wait3A_495 = arith.constant 0 : i32
      %dma_wait3A_496 = tpu.memref_slice %arg18[%dma_wait3A_494, %dma_wait3A_495] : memref<1x128xi32, #tpu.memory_space<vmem>> -> memref<1x128xi32, #tpu.memory_space<vmem>>
      %dma_wait3A_497 = tpu.memref_squeeze %dma_wait3A_496 : memref<1x128xi32, #tpu.memory_space<vmem>> -> memref<128xi32, #tpu.memory_space<vmem>>
      %dma_wait3A_498 = arith.constant 0 : i32
      %dma_wait3A_499 = arith.constant 0 : i32
      %dma_wait3A_500 = tpu.memref_slice %arg26[%dma_wait3A_498, %dma_wait3A_499] : memref<10000x128xf32, #tpu.memory_space<vmem_shared>> -> memref<10000x128xf32, #tpu.memory_space<vmem_shared>>
      tpu.wait_indirect_dma semaphore(%arg30 : memref<!tpu.dma_semaphore, #tpu.memory_space<semaphore_mem>>) src(%dma_wait3A_500 : memref<10000x128xf32, #tpu.memory_space<vmem_shared>>) dst(%arg17 : memref<128x128xf32, #tpu.memory_space<vmem>>)
      %run_scoped3A = arith.constant 0 : i32
      "tpu.region"() ({
        %run_scoped3A_501 = tpu.sem_alloc : memref<!tpu.dma_semaphore, #tpu.memory_space<semaphore_mem>>
        %dma_start3A_502 = arith.constant 0 : i32
        %dma_start3A_503 = tpu.memref_slice %arg19[%run_scoped3A, %dma_start3A_502] : memref<1x128xi32, #tpu.memory_space<vmem>> -> memref<1x128xi32, #tpu.memory_space<vmem>>
        %dma_start3A_504 = tpu.memref_squeeze %dma_start3A_503 : memref<1x128xi32, #tpu.memory_space<vmem>> -> memref<128xi32, #tpu.memory_space<vmem>>
        %dma_start3A_505 = arith.constant 0 : i32
        %dma_start3A_506 = arith.constant 0 : i32
        %dma_start3A_507 = tpu.memref_slice %arg27[%dma_start3A_505, %dma_start3A_506] : memref<1152x128xf32, #tpu.memory_space<vmem_shared>> -> memref<1152x128xf32, #tpu.memory_space<vmem_shared>>
        tpu.enqueue_indirect_dma source(%arg17 : memref<128x128xf32, #tpu.memory_space<vmem>>) target(%dma_start3A_507 : memref<1152x128xf32, #tpu.memory_space<vmem_shared>>) offsets(%dma_start3A_504 : memref<128xi32, #tpu.memory_space<vmem>>) semaphore(%run_scoped3A_501 : memref<!tpu.dma_semaphore, #tpu.memory_space<semaphore_mem>>) {add = true}
        %dma_wait3A_508 = arith.constant 0 : i32
        %dma_wait3A_509 = tpu.memref_slice %arg19[%run_scoped3A, %dma_wait3A_508] : memref<1x128xi32, #tpu.memory_space<vmem>> -> memref<1x128xi32, #tpu.memory_space<vmem>>
        %dma_wait3A_510 = tpu.memref_squeeze %dma_wait3A_509 : memref<1x128xi32, #tpu.memory_space<vmem>> -> memref<128xi32, #tpu.memory_space<vmem>>
        %dma_wait3A_511 = arith.constant 0 : i32
        %dma_wait3A_512 = arith.constant 0 : i32
        %dma_wait3A_513 = tpu.memref_slice %arg27[%dma_wait3A_511, %dma_wait3A_512] : memref<1152x128xf32, #tpu.memory_space<vmem_shared>> -> memref<1152x128xf32, #tpu.memory_space<vmem_shared>>
        tpu.wait_indirect_dma semaphore(%run_scoped3A_501 : memref<!tpu.dma_semaphore, #tpu.memory_space<semaphore_mem>>) src(%arg17 : memref<128x128xf32, #tpu.memory_space<vmem>>) dst(%dma_wait3A_513 : memref<1152x128xf32, #tpu.memory_space<vmem_shared>>)
        tpu.yield
      }) : () -> ()
    }
    %and3A_160 = arith.constant 127 : i32
    %and3A_161 = arith.andi %reduce_max3A_147, %and3A_160 : i32
    %gt3A_162 = arith.constant 0 : i32
    %gt3A_163 = arith.cmpi sgt, %shift_right_logical3A_149, %gt3A_162 : i32
    %convert_element_type3A_164 = arith.extui %gt3A_163 : i1 to i32
    %cond3A_165 = arith.constant 0 : i32
    %cond3A_166 = arith.cmpi ne, %convert_element_type3A_164, %cond3A_165 : i32
    scf.if %cond3A_166 {
      %get3A = arith.index_cast %shift_right_logical3A_149 : i32 to index
      %get3A_351 = arith.constant 0 : index
      %get3A_352 = tpu.vector_load %arg16[%get3A, %get3A_351] {strides = array<i32>} : memref<17x128xi32, #tpu.memory_space<vmem>>, vector<16xi32>,
      %swap3A_353 = arith.constant 0 : i32
      %swap3A_354 = arith.index_cast %swap3A_353 : i32 to index
      %swap3A_355 = arith.constant 0 : index
      %swap3A_356 = tpu.vector_load %arg16[%swap3A_354, %swap3A_355] {strides = array<i32>} : memref<17x128xi32, #tpu.memory_space<vmem>>, vector<16xi32>,
      tpu.vector_store %arg16[%swap3A_354, %swap3A_355], %get3A_352 {strides = array<i32>} : memref<17x128xi32, #tpu.memory_space<vmem>>, vector<16xi32>,
      %get3A_357 = arith.index_cast %shift_right_logical3A_149 : i32 to index
      %get3A_358 = arith.constant 16 : index
      %get3A_359 = tpu.vector_load %arg16[%get3A_357, %get3A_358] {strides = array<i32>} : memref<17x128xi32, #tpu.memory_space<vmem>>, vector<16xi32>,
      %swap3A_360 = arith.constant 0 : i32
      %swap3A_361 = arith.index_cast %swap3A_360 : i32 to index
      %swap3A_362 = arith.constant 16 : index
      %swap3A_363 = tpu.vector_load %arg16[%swap3A_361, %swap3A_362] {strides = array<i32>} : memref<17x128xi32, #tpu.memory_space<vmem>>, vector<16xi32>,
      tpu.vector_store %arg16[%swap3A_361, %swap3A_362], %get3A_359 {strides = array<i32>} : memref<17x128xi32, #tpu.memory_space<vmem>>, vector<16xi32>,
      %get3A_364 = arith.index_cast %shift_right_logical3A_149 : i32 to index
      %get3A_365 = arith.constant 32 : index
      %get3A_366 = tpu.vector_load %arg16[%get3A_364, %get3A_365] {strides = array<i32>} : memref<17x128xi32, #tpu.memory_space<vmem>>, vector<16xi32>,
      %swap3A_367 = arith.constant 0 : i32
      %swap3A_368 = arith.index_cast %swap3A_367 : i32 to index
      %swap3A_369 = arith.constant 32 : index
      %swap3A_370 = tpu.vector_load %arg16[%swap3A_368, %swap3A_369] {strides = array<i32>} : memref<17x128xi32, #tpu.memory_space<vmem>>, vector<16xi32>,
      tpu.vector_store %arg16[%swap3A_368, %swap3A_369], %get3A_366 {strides = array<i32>} : memref<17x128xi32, #tpu.memory_space<vmem>>, vector<16xi32>,
      %get3A_371 = arith.index_cast %shift_right_logical3A_149 : i32 to index
      %get3A_372 = arith.constant 48 : index
      %get3A_373 = tpu.vector_load %arg16[%get3A_371, %get3A_372] {strides = array<i32>} : memref<17x128xi32, #tpu.memory_space<vmem>>, vector<16xi32>,
      %swap3A_374 = arith.constant 0 : i32
      %swap3A_375 = arith.index_cast %swap3A_374 : i32 to index
      %swap3A_376 = arith.constant 48 : index
      %swap3A_377 = tpu.vector_load %arg16[%swap3A_375, %swap3A_376] {strides = array<i32>} : memref<17x128xi32, #tpu.memory_space<vmem>>, vector<16xi32>,
      tpu.vector_store %arg16[%swap3A_375, %swap3A_376], %get3A_373 {strides = array<i32>} : memref<17x128xi32, #tpu.memory_space<vmem>>, vector<16xi32>,
      %get3A_378 = arith.index_cast %shift_right_logical3A_149 : i32 to index
      %get3A_379 = arith.constant 64 : index
      %get3A_380 = tpu.vector_load %arg16[%get3A_378, %get3A_379] {strides = array<i32>} : memref<17x128xi32, #tpu.memory_space<vmem>>, vector<16xi32>,
      %swap3A_381 = arith.constant 0 : i32
      %swap3A_382 = arith.index_cast %swap3A_381 : i32 to index
      %swap3A_383 = arith.constant 64 : index
      %swap3A_384 = tpu.vector_load %arg16[%swap3A_382, %swap3A_383] {strides = array<i32>} : memref<17x128xi32, #tpu.memory_space<vmem>>, vector<16xi32>,
      tpu.vector_store %arg16[%swap3A_382, %swap3A_383], %get3A_380 {strides = array<i32>} : memref<17x128xi32, #tpu.memory_space<vmem>>, vector<16xi32>,
      %get3A_385 = arith.index_cast %shift_right_logical3A_149 : i32 to index
      %get3A_386 = arith.constant 80 : index
      %get3A_387 = tpu.vector_load %arg16[%get3A_385, %get3A_386] {strides = array<i32>} : memref<17x128xi32, #tpu.memory_space<vmem>>, vector<16xi32>,
      %swap3A_388 = arith.constant 0 : i32
      %swap3A_389 = arith.index_cast %swap3A_388 : i32 to index
      %swap3A_390 = arith.constant 80 : index
      %swap3A_391 = tpu.vector_load %arg16[%swap3A_389, %swap3A_390] {strides = array<i32>} : memref<17x128xi32, #tpu.memory_space<vmem>>, vector<16xi32>,
      tpu.vector_store %arg16[%swap3A_389, %swap3A_390], %get3A_387 {strides = array<i32>} : memref<17x128xi32, #tpu.memory_space<vmem>>, vector<16xi32>,
      %get3A_392 = arith.index_cast %shift_right_logical3A_149 : i32 to index
      %get3A_393 = arith.constant 96 : index
      %get3A_394 = tpu.vector_load %arg16[%get3A_392, %get3A_393] {strides = array<i32>} : memref<17x128xi32, #tpu.memory_space<vmem>>, vector<16xi32>,
      %swap3A_395 = arith.constant 0 : i32
      %swap3A_396 = arith.index_cast %swap3A_395 : i32 to index
      %swap3A_397 = arith.constant 96 : index
      %swap3A_398 = tpu.vector_load %arg16[%swap3A_396, %swap3A_397] {strides = array<i32>} : memref<17x128xi32, #tpu.memory_space<vmem>>, vector<16xi32>,
      tpu.vector_store %arg16[%swap3A_396, %swap3A_397], %get3A_394 {strides = array<i32>} : memref<17x128xi32, #tpu.memory_space<vmem>>, vector<16xi32>,
      %get3A_399 = arith.index_cast %shift_right_logical3A_149 : i32 to index
      %get3A_400 = arith.constant 112 : index
      %get3A_401 = tpu.vector_load %arg16[%get3A_399, %get3A_400] {strides = array<i32>} : memref<17x128xi32, #tpu.memory_space<vmem>>, vector<16xi32>,
      %swap3A_402 = arith.constant 0 : i32
      %swap3A_403 = arith.index_cast %swap3A_402 : i32 to index
      %swap3A_404 = arith.constant 112 : index
      %swap3A_405 = tpu.vector_load %arg16[%swap3A_403, %swap3A_404] {strides = array<i32>} : memref<17x128xi32, #tpu.memory_space<vmem>>, vector<16xi32>,
      tpu.vector_store %arg16[%swap3A_403, %swap3A_404], %get3A_401 {strides = array<i32>} : memref<17x128xi32, #tpu.memory_space<vmem>>, vector<16xi32>,
    } else {
    }
    %mul3A_167 = arith.constant 10000 : i32
    %mul3A_168 = arith.muli %add3A, %mul3A_167 : i32
    %add3A_169 = arith.constant 8000 : i32
    %add3A_170 = arith.addi %mul3A_168, %add3A_169 : i32
    "tpu.region"() ({
      %run_scoped3A = tpu.sem_alloc : memref<!tpu.dma_semaphore, #tpu.memory_space<semaphore_mem>>
      %dma_start3A_351 = tpu.memref_slice %arg4[%add3A_170] : memref<320000xi32, #tpu.memory_space<hbm>> -> memref<2000xi32, #tpu.memory_space<hbm>>
      %dma_start3A_352 = tpu.memref_slice %arg4[%add3A_170] : memref<320000xi32, #tpu.memory_space<hbm>> -> memref<2000xi32, #tpu.memory_space<hbm>>
      tpu.enqueue_dma source(%dma_start3A_352 : memref<2000xi32, #tpu.memory_space<hbm>>) target(%arg14 : memref<2000xi32, #tpu.memory_space<vmem>>) target_semaphore(%run_scoped3A : memref<!tpu.dma_semaphore, #tpu.memory_space<semaphore_mem>>)
      %dma_wait3A_353 = tpu.memref_slice %arg4[%add3A_170] : memref<320000xi32, #tpu.memory_space<hbm>> -> memref<2000xi32, #tpu.memory_space<hbm>>
      %dma_wait3A_354 = tpu.memref_slice %arg4[%add3A_170] : memref<320000xi32, #tpu.memory_space<hbm>> -> memref<2000xi32, #tpu.memory_space<hbm>>
      tpu.wait_dma2 semaphore(%run_scoped3A : memref<!tpu.dma_semaphore, #tpu.memory_space<semaphore_mem>>) src(%dma_wait3A_354 : memref<2000xi32, #tpu.memory_space<hbm>>) dst(%arg14 : memref<2000xi32, #tpu.memory_space<vmem>>)
      tpu.yield
    }) : () -> ()
    "tpu.region"() ({
      %run_scoped3A = tpu.sem_alloc : memref<!tpu.dma_semaphore, #tpu.memory_space<semaphore_mem>>
      %dma_start3A_351 = tpu.memref_slice %arg3[%add3A_170] : memref<320000xi32, #tpu.memory_space<hbm>> -> memref<2000xi32, #tpu.memory_space<hbm>>
      %dma_start3A_352 = tpu.memref_slice %arg3[%add3A_170] : memref<320000xi32, #tpu.memory_space<hbm>> -> memref<2000xi32, #tpu.memory_space<hbm>>
      tpu.enqueue_dma source(%dma_start3A_352 : memref<2000xi32, #tpu.memory_space<hbm>>) target(%arg15 : memref<2000xi32, #tpu.memory_space<vmem>>) target_semaphore(%run_scoped3A : memref<!tpu.dma_semaphore, #tpu.memory_space<semaphore_mem>>)
      %dma_wait3A_353 = tpu.memref_slice %arg3[%add3A_170] : memref<320000xi32, #tpu.memory_space<hbm>> -> memref<2000xi32, #tpu.memory_space<hbm>>
      %dma_wait3A_354 = tpu.memref_slice %arg3[%add3A_170] : memref<320000xi32, #tpu.memory_space<hbm>> -> memref<2000xi32, #tpu.memory_space<hbm>>
      tpu.wait_dma2 semaphore(%run_scoped3A : memref<!tpu.dma_semaphore, #tpu.memory_space<semaphore_mem>>) src(%dma_wait3A_354 : memref<2000xi32, #tpu.memory_space<hbm>>) dst(%arg15 : memref<2000xi32, #tpu.memory_space<vmem>>)
      tpu.yield
    }) : () -> ()
    %broadcast_in_dim3A_171 = vector.broadcast %and3A_161 : i32 to vector<16xi32>
    %scan3A_172 = arith.constant 0 : i32
    %scan3A_173 = arith.constant 125 : i32
    %scan3A_174 = arith.addi %scan3A_172, %scan3A_173 : i32
    %scan3A_175 = arith.constant 1 : i32
    %scan3A_176 = scf.for %scan3A_351 = %scan3A_172 to %scan3A_174 step %scan3A_175 iter_args(%scan3A_352 = %broadcast_in_dim3A_171) -> (vector<16xi32>)  : i32 {
      %mul3A_353 = arith.constant 16 : i32
      %mul3A_354 = arith.muli %scan3A_351, %mul3A_353 : i32
      %get3A = arith.index_cast %mul3A_354 : i32 to index
      %get3A_355 = tpu.vector_load %arg14[%get3A] {strides = array<i32>} : memref<2000xi32, #tpu.memory_space<vmem>>, vector<16xi32>,
      %mul3A_356 = arith.constant 16 : i32
      %mul3A_357 = arith.muli %scan3A_351, %mul3A_356 : i32
      %get3A_358 = arith.index_cast %mul3A_357 : i32 to index
      %get3A_359 = tpu.vector_load %arg15[%get3A_358] {strides = array<i32>} : memref<2000xi32, #tpu.memory_space<vmem>>, vector<16xi32>,
      %gather3A = tpu.vector_load_idx %arg12[%get3A_355] : memref<10000xi32, #tpu.memory_space<vmem>>[vector<16xi32>], vector<16xi32>,
      %ge3A = arith.constant 0 : i32
      %ge3A_360 = vector.broadcast %ge3A : i32 to vector<16xi32>
      %ge3A_361 = arith.cmpi sge, %gather3A, %ge3A_360 : vector<16xi32>
      %shift_right_logical3A_362 = arith.constant 7 : i32
      %shift_right_logical3A_363 = vector.broadcast %shift_right_logical3A_362 : i32 to vector<16xi32>
      %shift_right_logical3A_364 = arith.shrui %gather3A, %shift_right_logical3A_363 : vector<16xi32>
      %and3A_365 = arith.constant 127 : i32
      %and3A_366 = vector.broadcast %and3A_365 : i32 to vector<16xi32>
      %and3A_367 = arith.andi %gather3A, %and3A_366 : vector<16xi32>
      tpu.vector_store_idx %arg20[%shift_right_logical3A_364, %and3A_367], %broadcast_in_dim3A_16 masked %ge3A_361 {add = true} : memref<8x128xf32, #tpu.memory_space<vmem>>[vector<16xi32>, vector<16xi32>], vector<16xf32>, vector<16xi1>
      %jit3A = arith.constant 1 : i32
      %jit3A_368 = arith.constant 0 : i32
      %broadcast_in_dim3A_369 = vector.broadcast %jit3A : i32 to vector<16xi32>
      %broadcast_in_dim3A_370 = vector.broadcast %jit3A_368 : i32 to vector<16xi32>
      %select_n3A = arith.select %ge3A_361, %broadcast_in_dim3A_369, %broadcast_in_dim3A_370 : vector<16xi1>, vector<16xi32>
      %broadcast_in_dim3A_371 = arith.constant true
      %broadcast_in_dim3A_372 = vector.broadcast %broadcast_in_dim3A_371 : i1 to vector<16xi1>
      %masked_cumsum3A = tpu.scan <sum>, %select_n3A masked %broadcast_in_dim3A_372 : vector<16xi32>, vector<16xi1> -> vector<16xi32>
      %add3A_373 = arith.addi %scan3A_352, %masked_cumsum3A : vector<16xi32>
      %sub3A = arith.constant 1 : i32
      %sub3A_374 = vector.broadcast %sub3A : i32 to vector<16xi32>
      %sub3A_375 = arith.subi %add3A_373, %sub3A_374 : vector<16xi32>
      %shift_right_logical3A_376 = arith.constant 7 : i32
      %shift_right_logical3A_377 = vector.broadcast %shift_right_logical3A_376 : i32 to vector<16xi32>
      %shift_right_logical3A_378 = arith.shrui %sub3A_375, %shift_right_logical3A_377 : vector<16xi32>
      %and3A_379 = arith.constant 127 : i32
      %and3A_380 = vector.broadcast %and3A_379 : i32 to vector<16xi32>
      %and3A_381 = arith.andi %sub3A_375, %and3A_380 : vector<16xi32>
      %mul3A_382 = arith.constant 2048 : i32
      %mul3A_383 = vector.broadcast %mul3A_382 : i32 to vector<16xi32>
      %mul3A_384 = arith.muli %get3A_359, %mul3A_383 : vector<16xi32>
      %add3A_385 = arith.addi %mul3A_384, %gather3A : vector<16xi32>
      tpu.vector_store_idx %arg16[%shift_right_logical3A_378, %and3A_381], %add3A_385 masked %ge3A_361 : memref<17x128xi32, #tpu.memory_space<vmem>>[vector<16xi32>, vector<16xi32>], vector<16xi32>, vector<16xi1>
      %all_reduce_population_count3A = tpu.all_reduce %ge3A_361 {dim = 0 : i64, kind = #tpu.reduction_kind<sum>} : vector<16xi1> -> vector<16xi32>
      %add3A_386 = arith.addi %scan3A_352, %all_reduce_population_count3A : vector<16xi32>
      scf.yield %add3A_386 : vector<16xi32>
    }
    %scan3A_177 = arith.constant 125 : i32
    %reduce_max3A_178 = arith.constant true
    %reduce_max3A_179 = vector.broadcast %reduce_max3A_178 : i1 to vector<16xi1>
    %reduce_max3A_180 = arith.constant -2147483648 : i32
    %reduce_max3A_181 = vector.broadcast %reduce_max3A_180 : i32 to vector<16xi32>
    %reduce_max3A_182 = arith.xori %scan3A_176, %reduce_max3A_181 : vector<16xi32>
    %reduce_max3A_183 = tpu.scan <max>, %reduce_max3A_182 masked %reduce_max3A_179 : vector<16xi32>, vector<16xi1> -> vector<16xi32>
    %reduce_max3A_184 = arith.xori %reduce_max3A_183, %reduce_max3A_181 : vector<16xi32>
    %reduce_max3A_185 = vector.extract %reduce_max3A_184[15] : i32 from vector<16xi32>
    %shift_right_logical3A_186 = arith.constant 7 : i32
    %shift_right_logical3A_187 = arith.shrui %reduce_max3A_185, %shift_right_logical3A_186 : i32
    %while3A_188 = arith.constant 0 : i32
    %while3A_189 = arith.constant 0 : i32
    %while3A_190 = arith.subi %shift_right_logical3A_187, %while3A_189 : i32
    %while3A_191 = arith.addi %while3A_189, %while3A_190 : i32
    %while3A_192 = arith.constant 1 : i32
    %while3A_193 = arith.divsi %while3A_190, %while3A_192 : i32
    %while3A_194 = arith.muli %while3A_193, %while3A_192 : i32
    %while3A_195 = arith.addi %while3A_189, %while3A_194 : i32
    %while3A_196 = arith.constant 1 : i32
    scf.for %while3A_351 = %while3A_189 to %while3A_195 step %while3A_196  : i32 {
      %get3A = arith.index_cast %while3A_351 : i32 to index
      %get3A_352 = arith.constant 0 : index
      %get3A_353 = tpu.vector_load %arg16[%get3A, %get3A_352] {strides = array<i32>} : memref<17x128xi32, #tpu.memory_space<vmem>>, vector<16xi32>,
      %shift_right_logical3A_354 = arith.constant 11 : i32
      %shift_right_logical3A_355 = vector.broadcast %shift_right_logical3A_354 : i32 to vector<16xi32>
      %shift_right_logical3A_356 = arith.shrui %get3A_353, %shift_right_logical3A_355 : vector<16xi32>
      %swap3A_357 = arith.constant 0 : i32
      %swap3A_358 = arith.index_cast %swap3A_357 : i32 to index
      %swap3A_359 = arith.constant 0 : index
      %swap3A_360 = tpu.vector_load %arg18[%swap3A_358, %swap3A_359] {strides = array<i32>} : memref<1x128xi32, #tpu.memory_space<vmem>>, vector<16xi32>,
      tpu.vector_store %arg18[%swap3A_358, %swap3A_359], %shift_right_logical3A_356 {strides = array<i32>} : memref<1x128xi32, #tpu.memory_space<vmem>>, vector<16xi32>,
      %and3A_361 = arith.constant 2047 : i32
      %and3A_362 = vector.broadcast %and3A_361 : i32 to vector<16xi32>
      %and3A_363 = arith.andi %get3A_353, %and3A_362 : vector<16xi32>
      %swap3A_364 = arith.constant 0 : i32
      %swap3A_365 = arith.index_cast %swap3A_364 : i32 to index
      %swap3A_366 = arith.constant 0 : index
      %swap3A_367 = tpu.vector_load %arg19[%swap3A_365, %swap3A_366] {strides = array<i32>} : memref<1x128xi32, #tpu.memory_space<vmem>>, vector<16xi32>,
      tpu.vector_store %arg19[%swap3A_365, %swap3A_366], %and3A_363 {strides = array<i32>} : memref<1x128xi32, #tpu.memory_space<vmem>>, vector<16xi32>,
      %get3A_368 = arith.index_cast %while3A_351 : i32 to index
      %get3A_369 = arith.constant 16 : index
      %get3A_370 = tpu.vector_load %arg16[%get3A_368, %get3A_369] {strides = array<i32>} : memref<17x128xi32, #tpu.memory_space<vmem>>, vector<16xi32>,
      %shift_right_logical3A_371 = arith.constant 11 : i32
      %shift_right_logical3A_372 = vector.broadcast %shift_right_logical3A_371 : i32 to vector<16xi32>
      %shift_right_logical3A_373 = arith.shrui %get3A_370, %shift_right_logical3A_372 : vector<16xi32>
      %swap3A_374 = arith.constant 0 : i32
      %swap3A_375 = arith.index_cast %swap3A_374 : i32 to index
      %swap3A_376 = arith.constant 16 : index
      %swap3A_377 = tpu.vector_load %arg18[%swap3A_375, %swap3A_376] {strides = array<i32>} : memref<1x128xi32, #tpu.memory_space<vmem>>, vector<16xi32>,
      tpu.vector_store %arg18[%swap3A_375, %swap3A_376], %shift_right_logical3A_373 {strides = array<i32>} : memref<1x128xi32, #tpu.memory_space<vmem>>, vector<16xi32>,
      %and3A_378 = arith.constant 2047 : i32
      %and3A_379 = vector.broadcast %and3A_378 : i32 to vector<16xi32>
      %and3A_380 = arith.andi %get3A_370, %and3A_379 : vector<16xi32>
      %swap3A_381 = arith.constant 0 : i32
      %swap3A_382 = arith.index_cast %swap3A_381 : i32 to index
      %swap3A_383 = arith.constant 16 : index
      %swap3A_384 = tpu.vector_load %arg19[%swap3A_382, %swap3A_383] {strides = array<i32>} : memref<1x128xi32, #tpu.memory_space<vmem>>, vector<16xi32>,
      tpu.vector_store %arg19[%swap3A_382, %swap3A_383], %and3A_380 {strides = array<i32>} : memref<1x128xi32, #tpu.memory_space<vmem>>, vector<16xi32>,
      %get3A_385 = arith.index_cast %while3A_351 : i32 to index
      %get3A_386 = arith.constant 32 : index
      %get3A_387 = tpu.vector_load %arg16[%get3A_385, %get3A_386] {strides = array<i32>} : memref<17x128xi32, #tpu.memory_space<vmem>>, vector<16xi32>,
      %shift_right_logical3A_388 = arith.constant 11 : i32
      %shift_right_logical3A_389 = vector.broadcast %shift_right_logical3A_388 : i32 to vector<16xi32>
      %shift_right_logical3A_390 = arith.shrui %get3A_387, %shift_right_logical3A_389 : vector<16xi32>
      %swap3A_391 = arith.constant 0 : i32
      %swap3A_392 = arith.index_cast %swap3A_391 : i32 to index
      %swap3A_393 = arith.constant 32 : index
      %swap3A_394 = tpu.vector_load %arg18[%swap3A_392, %swap3A_393] {strides = array<i32>} : memref<1x128xi32, #tpu.memory_space<vmem>>, vector<16xi32>,
      tpu.vector_store %arg18[%swap3A_392, %swap3A_393], %shift_right_logical3A_390 {strides = array<i32>} : memref<1x128xi32, #tpu.memory_space<vmem>>, vector<16xi32>,
      %and3A_395 = arith.constant 2047 : i32
      %and3A_396 = vector.broadcast %and3A_395 : i32 to vector<16xi32>
      %and3A_397 = arith.andi %get3A_387, %and3A_396 : vector<16xi32>
      %swap3A_398 = arith.constant 0 : i32
      %swap3A_399 = arith.index_cast %swap3A_398 : i32 to index
      %swap3A_400 = arith.constant 32 : index
      %swap3A_401 = tpu.vector_load %arg19[%swap3A_399, %swap3A_400] {strides = array<i32>} : memref<1x128xi32, #tpu.memory_space<vmem>>, vector<16xi32>,
      tpu.vector_store %arg19[%swap3A_399, %swap3A_400], %and3A_397 {strides = array<i32>} : memref<1x128xi32, #tpu.memory_space<vmem>>, vector<16xi32>,
      %get3A_402 = arith.index_cast %while3A_351 : i32 to index
      %get3A_403 = arith.constant 48 : index
      %get3A_404 = tpu.vector_load %arg16[%get3A_402, %get3A_403] {strides = array<i32>} : memref<17x128xi32, #tpu.memory_space<vmem>>, vector<16xi32>,
      %shift_right_logical3A_405 = arith.constant 11 : i32
      %shift_right_logical3A_406 = vector.broadcast %shift_right_logical3A_405 : i32 to vector<16xi32>
      %shift_right_logical3A_407 = arith.shrui %get3A_404, %shift_right_logical3A_406 : vector<16xi32>
      %swap3A_408 = arith.constant 0 : i32
      %swap3A_409 = arith.index_cast %swap3A_408 : i32 to index
      %swap3A_410 = arith.constant 48 : index
      %swap3A_411 = tpu.vector_load %arg18[%swap3A_409, %swap3A_410] {strides = array<i32>} : memref<1x128xi32, #tpu.memory_space<vmem>>, vector<16xi32>,
      tpu.vector_store %arg18[%swap3A_409, %swap3A_410], %shift_right_logical3A_407 {strides = array<i32>} : memref<1x128xi32, #tpu.memory_space<vmem>>, vector<16xi32>,
      %and3A_412 = arith.constant 2047 : i32
      %and3A_413 = vector.broadcast %and3A_412 : i32 to vector<16xi32>
      %and3A_414 = arith.andi %get3A_404, %and3A_413 : vector<16xi32>
      %swap3A_415 = arith.constant 0 : i32
      %swap3A_416 = arith.index_cast %swap3A_415 : i32 to index
      %swap3A_417 = arith.constant 48 : index
      %swap3A_418 = tpu.vector_load %arg19[%swap3A_416, %swap3A_417] {strides = array<i32>} : memref<1x128xi32, #tpu.memory_space<vmem>>, vector<16xi32>,
      tpu.vector_store %arg19[%swap3A_416, %swap3A_417], %and3A_414 {strides = array<i32>} : memref<1x128xi32, #tpu.memory_space<vmem>>, vector<16xi32>,
      %get3A_419 = arith.index_cast %while3A_351 : i32 to index
      %get3A_420 = arith.constant 64 : index
      %get3A_421 = tpu.vector_load %arg16[%get3A_419, %get3A_420] {strides = array<i32>} : memref<17x128xi32, #tpu.memory_space<vmem>>, vector<16xi32>,
      %shift_right_logical3A_422 = arith.constant 11 : i32
      %shift_right_logical3A_423 = vector.broadcast %shift_right_logical3A_422 : i32 to vector<16xi32>
      %shift_right_logical3A_424 = arith.shrui %get3A_421, %shift_right_logical3A_423 : vector<16xi32>
      %swap3A_425 = arith.constant 0 : i32
      %swap3A_426 = arith.index_cast %swap3A_425 : i32 to index
      %swap3A_427 = arith.constant 64 : index
      %swap3A_428 = tpu.vector_load %arg18[%swap3A_426, %swap3A_427] {strides = array<i32>} : memref<1x128xi32, #tpu.memory_space<vmem>>, vector<16xi32>,
      tpu.vector_store %arg18[%swap3A_426, %swap3A_427], %shift_right_logical3A_424 {strides = array<i32>} : memref<1x128xi32, #tpu.memory_space<vmem>>, vector<16xi32>,
      %and3A_429 = arith.constant 2047 : i32
      %and3A_430 = vector.broadcast %and3A_429 : i32 to vector<16xi32>
      %and3A_431 = arith.andi %get3A_421, %and3A_430 : vector<16xi32>
      %swap3A_432 = arith.constant 0 : i32
      %swap3A_433 = arith.index_cast %swap3A_432 : i32 to index
      %swap3A_434 = arith.constant 64 : index
      %swap3A_435 = tpu.vector_load %arg19[%swap3A_433, %swap3A_434] {strides = array<i32>} : memref<1x128xi32, #tpu.memory_space<vmem>>, vector<16xi32>,
      tpu.vector_store %arg19[%swap3A_433, %swap3A_434], %and3A_431 {strides = array<i32>} : memref<1x128xi32, #tpu.memory_space<vmem>>, vector<16xi32>,
      %get3A_436 = arith.index_cast %while3A_351 : i32 to index
      %get3A_437 = arith.constant 80 : index
      %get3A_438 = tpu.vector_load %arg16[%get3A_436, %get3A_437] {strides = array<i32>} : memref<17x128xi32, #tpu.memory_space<vmem>>, vector<16xi32>,
      %shift_right_logical3A_439 = arith.constant 11 : i32
      %shift_right_logical3A_440 = vector.broadcast %shift_right_logical3A_439 : i32 to vector<16xi32>
      %shift_right_logical3A_441 = arith.shrui %get3A_438, %shift_right_logical3A_440 : vector<16xi32>
      %swap3A_442 = arith.constant 0 : i32
      %swap3A_443 = arith.index_cast %swap3A_442 : i32 to index
      %swap3A_444 = arith.constant 80 : index
      %swap3A_445 = tpu.vector_load %arg18[%swap3A_443, %swap3A_444] {strides = array<i32>} : memref<1x128xi32, #tpu.memory_space<vmem>>, vector<16xi32>,
      tpu.vector_store %arg18[%swap3A_443, %swap3A_444], %shift_right_logical3A_441 {strides = array<i32>} : memref<1x128xi32, #tpu.memory_space<vmem>>, vector<16xi32>,
      %and3A_446 = arith.constant 2047 : i32
      %and3A_447 = vector.broadcast %and3A_446 : i32 to vector<16xi32>
      %and3A_448 = arith.andi %get3A_438, %and3A_447 : vector<16xi32>
      %swap3A_449 = arith.constant 0 : i32
      %swap3A_450 = arith.index_cast %swap3A_449 : i32 to index
      %swap3A_451 = arith.constant 80 : index
      %swap3A_452 = tpu.vector_load %arg19[%swap3A_450, %swap3A_451] {strides = array<i32>} : memref<1x128xi32, #tpu.memory_space<vmem>>, vector<16xi32>,
      tpu.vector_store %arg19[%swap3A_450, %swap3A_451], %and3A_448 {strides = array<i32>} : memref<1x128xi32, #tpu.memory_space<vmem>>, vector<16xi32>,
      %get3A_453 = arith.index_cast %while3A_351 : i32 to index
      %get3A_454 = arith.constant 96 : index
      %get3A_455 = tpu.vector_load %arg16[%get3A_453, %get3A_454] {strides = array<i32>} : memref<17x128xi32, #tpu.memory_space<vmem>>, vector<16xi32>,
      %shift_right_logical3A_456 = arith.constant 11 : i32
      %shift_right_logical3A_457 = vector.broadcast %shift_right_logical3A_456 : i32 to vector<16xi32>
      %shift_right_logical3A_458 = arith.shrui %get3A_455, %shift_right_logical3A_457 : vector<16xi32>
      %swap3A_459 = arith.constant 0 : i32
      %swap3A_460 = arith.index_cast %swap3A_459 : i32 to index
      %swap3A_461 = arith.constant 96 : index
      %swap3A_462 = tpu.vector_load %arg18[%swap3A_460, %swap3A_461] {strides = array<i32>} : memref<1x128xi32, #tpu.memory_space<vmem>>, vector<16xi32>,
      tpu.vector_store %arg18[%swap3A_460, %swap3A_461], %shift_right_logical3A_458 {strides = array<i32>} : memref<1x128xi32, #tpu.memory_space<vmem>>, vector<16xi32>,
      %and3A_463 = arith.constant 2047 : i32
      %and3A_464 = vector.broadcast %and3A_463 : i32 to vector<16xi32>
      %and3A_465 = arith.andi %get3A_455, %and3A_464 : vector<16xi32>
      %swap3A_466 = arith.constant 0 : i32
      %swap3A_467 = arith.index_cast %swap3A_466 : i32 to index
      %swap3A_468 = arith.constant 96 : index
      %swap3A_469 = tpu.vector_load %arg19[%swap3A_467, %swap3A_468] {strides = array<i32>} : memref<1x128xi32, #tpu.memory_space<vmem>>, vector<16xi32>,
      tpu.vector_store %arg19[%swap3A_467, %swap3A_468], %and3A_465 {strides = array<i32>} : memref<1x128xi32, #tpu.memory_space<vmem>>, vector<16xi32>,
      %get3A_470 = arith.index_cast %while3A_351 : i32 to index
      %get3A_471 = arith.constant 112 : index
      %get3A_472 = tpu.vector_load %arg16[%get3A_470, %get3A_471] {strides = array<i32>} : memref<17x128xi32, #tpu.memory_space<vmem>>, vector<16xi32>,
      %shift_right_logical3A_473 = arith.constant 11 : i32
      %shift_right_logical3A_474 = vector.broadcast %shift_right_logical3A_473 : i32 to vector<16xi32>
      %shift_right_logical3A_475 = arith.shrui %get3A_472, %shift_right_logical3A_474 : vector<16xi32>
      %swap3A_476 = arith.constant 0 : i32
      %swap3A_477 = arith.index_cast %swap3A_476 : i32 to index
      %swap3A_478 = arith.constant 112 : index
      %swap3A_479 = tpu.vector_load %arg18[%swap3A_477, %swap3A_478] {strides = array<i32>} : memref<1x128xi32, #tpu.memory_space<vmem>>, vector<16xi32>,
      tpu.vector_store %arg18[%swap3A_477, %swap3A_478], %shift_right_logical3A_475 {strides = array<i32>} : memref<1x128xi32, #tpu.memory_space<vmem>>, vector<16xi32>,
      %and3A_480 = arith.constant 2047 : i32
      %and3A_481 = vector.broadcast %and3A_480 : i32 to vector<16xi32>
      %and3A_482 = arith.andi %get3A_472, %and3A_481 : vector<16xi32>
      %swap3A_483 = arith.constant 0 : i32
      %swap3A_484 = arith.index_cast %swap3A_483 : i32 to index
      %swap3A_485 = arith.constant 112 : index
      %swap3A_486 = tpu.vector_load %arg19[%swap3A_484, %swap3A_485] {strides = array<i32>} : memref<1x128xi32, #tpu.memory_space<vmem>>, vector<16xi32>,
      tpu.vector_store %arg19[%swap3A_484, %swap3A_485], %and3A_482 {strides = array<i32>} : memref<1x128xi32, #tpu.memory_space<vmem>>, vector<16xi32>,
      %dma_start3A_487 = arith.constant 0 : i32
      %dma_start3A_488 = arith.constant 0 : i32
      %dma_start3A_489 = tpu.memref_slice %arg18[%dma_start3A_487, %dma_start3A_488] : memref<1x128xi32, #tpu.memory_space<vmem>> -> memref<1x128xi32, #tpu.memory_space<vmem>>
      %dma_start3A_490 = tpu.memref_squeeze %dma_start3A_489 : memref<1x128xi32, #tpu.memory_space<vmem>> -> memref<128xi32, #tpu.memory_space<vmem>>
      %dma_start3A_491 = arith.constant 0 : i32
      %dma_start3A_492 = arith.constant 0 : i32
      %dma_start3A_493 = tpu.memref_slice %arg26[%dma_start3A_491, %dma_start3A_492] : memref<10000x128xf32, #tpu.memory_space<vmem_shared>> -> memref<10000x128xf32, #tpu.memory_space<vmem_shared>>
      tpu.enqueue_indirect_dma source(%dma_start3A_493 : memref<10000x128xf32, #tpu.memory_space<vmem_shared>>) target(%arg17 : memref<128x128xf32, #tpu.memory_space<vmem>>) offsets(%dma_start3A_490 : memref<128xi32, #tpu.memory_space<vmem>>) semaphore(%arg30 : memref<!tpu.dma_semaphore, #tpu.memory_space<semaphore_mem>>)
      %dma_wait3A_494 = arith.constant 0 : i32
      %dma_wait3A_495 = arith.constant 0 : i32
      %dma_wait3A_496 = tpu.memref_slice %arg18[%dma_wait3A_494, %dma_wait3A_495] : memref<1x128xi32, #tpu.memory_space<vmem>> -> memref<1x128xi32, #tpu.memory_space<vmem>>
      %dma_wait3A_497 = tpu.memref_squeeze %dma_wait3A_496 : memref<1x128xi32, #tpu.memory_space<vmem>> -> memref<128xi32, #tpu.memory_space<vmem>>
      %dma_wait3A_498 = arith.constant 0 : i32
      %dma_wait3A_499 = arith.constant 0 : i32
      %dma_wait3A_500 = tpu.memref_slice %arg26[%dma_wait3A_498, %dma_wait3A_499] : memref<10000x128xf32, #tpu.memory_space<vmem_shared>> -> memref<10000x128xf32, #tpu.memory_space<vmem_shared>>
      tpu.wait_indirect_dma semaphore(%arg30 : memref<!tpu.dma_semaphore, #tpu.memory_space<semaphore_mem>>) src(%dma_wait3A_500 : memref<10000x128xf32, #tpu.memory_space<vmem_shared>>) dst(%arg17 : memref<128x128xf32, #tpu.memory_space<vmem>>)
      %run_scoped3A = arith.constant 0 : i32
      "tpu.region"() ({
        %run_scoped3A_501 = tpu.sem_alloc : memref<!tpu.dma_semaphore, #tpu.memory_space<semaphore_mem>>
        %dma_start3A_502 = arith.constant 0 : i32
        %dma_start3A_503 = tpu.memref_slice %arg19[%run_scoped3A, %dma_start3A_502] : memref<1x128xi32, #tpu.memory_space<vmem>> -> memref<1x128xi32, #tpu.memory_space<vmem>>
        %dma_start3A_504 = tpu.memref_squeeze %dma_start3A_503 : memref<1x128xi32, #tpu.memory_space<vmem>> -> memref<128xi32, #tpu.memory_space<vmem>>
        %dma_start3A_505 = arith.constant 0 : i32
        %dma_start3A_506 = arith.constant 0 : i32
        %dma_start3A_507 = tpu.memref_slice %arg27[%dma_start3A_505, %dma_start3A_506] : memref<1152x128xf32, #tpu.memory_space<vmem_shared>> -> memref<1152x128xf32, #tpu.memory_space<vmem_shared>>
        tpu.enqueue_indirect_dma source(%arg17 : memref<128x128xf32, #tpu.memory_space<vmem>>) target(%dma_start3A_507 : memref<1152x128xf32, #tpu.memory_space<vmem_shared>>) offsets(%dma_start3A_504 : memref<128xi32, #tpu.memory_space<vmem>>) semaphore(%run_scoped3A_501 : memref<!tpu.dma_semaphore, #tpu.memory_space<semaphore_mem>>) {add = true}
        %dma_wait3A_508 = arith.constant 0 : i32
        %dma_wait3A_509 = tpu.memref_slice %arg19[%run_scoped3A, %dma_wait3A_508] : memref<1x128xi32, #tpu.memory_space<vmem>> -> memref<1x128xi32, #tpu.memory_space<vmem>>
        %dma_wait3A_510 = tpu.memref_squeeze %dma_wait3A_509 : memref<1x128xi32, #tpu.memory_space<vmem>> -> memref<128xi32, #tpu.memory_space<vmem>>
        %dma_wait3A_511 = arith.constant 0 : i32
        %dma_wait3A_512 = arith.constant 0 : i32
        %dma_wait3A_513 = tpu.memref_slice %arg27[%dma_wait3A_511, %dma_wait3A_512] : memref<1152x128xf32, #tpu.memory_space<vmem_shared>> -> memref<1152x128xf32, #tpu.memory_space<vmem_shared>>
        tpu.wait_indirect_dma semaphore(%run_scoped3A_501 : memref<!tpu.dma_semaphore, #tpu.memory_space<semaphore_mem>>) src(%arg17 : memref<128x128xf32, #tpu.memory_space<vmem>>) dst(%dma_wait3A_513 : memref<1152x128xf32, #tpu.memory_space<vmem_shared>>)
        tpu.yield
      }) : () -> ()
    }
    %while3A_197 = arith.constant 1 : i32
    scf.for %while3A_351 = %while3A_195 to %while3A_191 step %while3A_197  : i32 {
      %get3A = arith.index_cast %while3A_351 : i32 to index
      %get3A_352 = arith.constant 0 : index
      %get3A_353 = tpu.vector_load %arg16[%get3A, %get3A_352] {strides = array<i32>} : memref<17x128xi32, #tpu.memory_space<vmem>>, vector<16xi32>,
      %shift_right_logical3A_354 = arith.constant 11 : i32
      %shift_right_logical3A_355 = vector.broadcast %shift_right_logical3A_354 : i32 to vector<16xi32>
      %shift_right_logical3A_356 = arith.shrui %get3A_353, %shift_right_logical3A_355 : vector<16xi32>
      %swap3A_357 = arith.constant 0 : i32
      %swap3A_358 = arith.index_cast %swap3A_357 : i32 to index
      %swap3A_359 = arith.constant 0 : index
      %swap3A_360 = tpu.vector_load %arg18[%swap3A_358, %swap3A_359] {strides = array<i32>} : memref<1x128xi32, #tpu.memory_space<vmem>>, vector<16xi32>,
      tpu.vector_store %arg18[%swap3A_358, %swap3A_359], %shift_right_logical3A_356 {strides = array<i32>} : memref<1x128xi32, #tpu.memory_space<vmem>>, vector<16xi32>,
      %and3A_361 = arith.constant 2047 : i32
      %and3A_362 = vector.broadcast %and3A_361 : i32 to vector<16xi32>
      %and3A_363 = arith.andi %get3A_353, %and3A_362 : vector<16xi32>
      %swap3A_364 = arith.constant 0 : i32
      %swap3A_365 = arith.index_cast %swap3A_364 : i32 to index
      %swap3A_366 = arith.constant 0 : index
      %swap3A_367 = tpu.vector_load %arg19[%swap3A_365, %swap3A_366] {strides = array<i32>} : memref<1x128xi32, #tpu.memory_space<vmem>>, vector<16xi32>,
      tpu.vector_store %arg19[%swap3A_365, %swap3A_366], %and3A_363 {strides = array<i32>} : memref<1x128xi32, #tpu.memory_space<vmem>>, vector<16xi32>,
      %get3A_368 = arith.index_cast %while3A_351 : i32 to index
      %get3A_369 = arith.constant 16 : index
      %get3A_370 = tpu.vector_load %arg16[%get3A_368, %get3A_369] {strides = array<i32>} : memref<17x128xi32, #tpu.memory_space<vmem>>, vector<16xi32>,
      %shift_right_logical3A_371 = arith.constant 11 : i32
      %shift_right_logical3A_372 = vector.broadcast %shift_right_logical3A_371 : i32 to vector<16xi32>
      %shift_right_logical3A_373 = arith.shrui %get3A_370, %shift_right_logical3A_372 : vector<16xi32>
      %swap3A_374 = arith.constant 0 : i32
      %swap3A_375 = arith.index_cast %swap3A_374 : i32 to index
      %swap3A_376 = arith.constant 16 : index
      %swap3A_377 = tpu.vector_load %arg18[%swap3A_375, %swap3A_376] {strides = array<i32>} : memref<1x128xi32, #tpu.memory_space<vmem>>, vector<16xi32>,
      tpu.vector_store %arg18[%swap3A_375, %swap3A_376], %shift_right_logical3A_373 {strides = array<i32>} : memref<1x128xi32, #tpu.memory_space<vmem>>, vector<16xi32>,
      %and3A_378 = arith.constant 2047 : i32
      %and3A_379 = vector.broadcast %and3A_378 : i32 to vector<16xi32>
      %and3A_380 = arith.andi %get3A_370, %and3A_379 : vector<16xi32>
      %swap3A_381 = arith.constant 0 : i32
      %swap3A_382 = arith.index_cast %swap3A_381 : i32 to index
      %swap3A_383 = arith.constant 16 : index
      %swap3A_384 = tpu.vector_load %arg19[%swap3A_382, %swap3A_383] {strides = array<i32>} : memref<1x128xi32, #tpu.memory_space<vmem>>, vector<16xi32>,
      tpu.vector_store %arg19[%swap3A_382, %swap3A_383], %and3A_380 {strides = array<i32>} : memref<1x128xi32, #tpu.memory_space<vmem>>, vector<16xi32>,
      %get3A_385 = arith.index_cast %while3A_351 : i32 to index
      %get3A_386 = arith.constant 32 : index
      %get3A_387 = tpu.vector_load %arg16[%get3A_385, %get3A_386] {strides = array<i32>} : memref<17x128xi32, #tpu.memory_space<vmem>>, vector<16xi32>,
      %shift_right_logical3A_388 = arith.constant 11 : i32
      %shift_right_logical3A_389 = vector.broadcast %shift_right_logical3A_388 : i32 to vector<16xi32>
      %shift_right_logical3A_390 = arith.shrui %get3A_387, %shift_right_logical3A_389 : vector<16xi32>
      %swap3A_391 = arith.constant 0 : i32
      %swap3A_392 = arith.index_cast %swap3A_391 : i32 to index
      %swap3A_393 = arith.constant 32 : index
      %swap3A_394 = tpu.vector_load %arg18[%swap3A_392, %swap3A_393] {strides = array<i32>} : memref<1x128xi32, #tpu.memory_space<vmem>>, vector<16xi32>,
      tpu.vector_store %arg18[%swap3A_392, %swap3A_393], %shift_right_logical3A_390 {strides = array<i32>} : memref<1x128xi32, #tpu.memory_space<vmem>>, vector<16xi32>,
      %and3A_395 = arith.constant 2047 : i32
      %and3A_396 = vector.broadcast %and3A_395 : i32 to vector<16xi32>
      %and3A_397 = arith.andi %get3A_387, %and3A_396 : vector<16xi32>
      %swap3A_398 = arith.constant 0 : i32
      %swap3A_399 = arith.index_cast %swap3A_398 : i32 to index
      %swap3A_400 = arith.constant 32 : index
      %swap3A_401 = tpu.vector_load %arg19[%swap3A_399, %swap3A_400] {strides = array<i32>} : memref<1x128xi32, #tpu.memory_space<vmem>>, vector<16xi32>,
      tpu.vector_store %arg19[%swap3A_399, %swap3A_400], %and3A_397 {strides = array<i32>} : memref<1x128xi32, #tpu.memory_space<vmem>>, vector<16xi32>,
      %get3A_402 = arith.index_cast %while3A_351 : i32 to index
      %get3A_403 = arith.constant 48 : index
      %get3A_404 = tpu.vector_load %arg16[%get3A_402, %get3A_403] {strides = array<i32>} : memref<17x128xi32, #tpu.memory_space<vmem>>, vector<16xi32>,
      %shift_right_logical3A_405 = arith.constant 11 : i32
      %shift_right_logical3A_406 = vector.broadcast %shift_right_logical3A_405 : i32 to vector<16xi32>
      %shift_right_logical3A_407 = arith.shrui %get3A_404, %shift_right_logical3A_406 : vector<16xi32>
      %swap3A_408 = arith.constant 0 : i32
      %swap3A_409 = arith.index_cast %swap3A_408 : i32 to index
      %swap3A_410 = arith.constant 48 : index
      %swap3A_411 = tpu.vector_load %arg18[%swap3A_409, %swap3A_410] {strides = array<i32>} : memref<1x128xi32, #tpu.memory_space<vmem>>, vector<16xi32>,
      tpu.vector_store %arg18[%swap3A_409, %swap3A_410], %shift_right_logical3A_407 {strides = array<i32>} : memref<1x128xi32, #tpu.memory_space<vmem>>, vector<16xi32>,
      %and3A_412 = arith.constant 2047 : i32
      %and3A_413 = vector.broadcast %and3A_412 : i32 to vector<16xi32>
      %and3A_414 = arith.andi %get3A_404, %and3A_413 : vector<16xi32>
      %swap3A_415 = arith.constant 0 : i32
      %swap3A_416 = arith.index_cast %swap3A_415 : i32 to index
      %swap3A_417 = arith.constant 48 : index
      %swap3A_418 = tpu.vector_load %arg19[%swap3A_416, %swap3A_417] {strides = array<i32>} : memref<1x128xi32, #tpu.memory_space<vmem>>, vector<16xi32>,
      tpu.vector_store %arg19[%swap3A_416, %swap3A_417], %and3A_414 {strides = array<i32>} : memref<1x128xi32, #tpu.memory_space<vmem>>, vector<16xi32>,
      %get3A_419 = arith.index_cast %while3A_351 : i32 to index
      %get3A_420 = arith.constant 64 : index
      %get3A_421 = tpu.vector_load %arg16[%get3A_419, %get3A_420] {strides = array<i32>} : memref<17x128xi32, #tpu.memory_space<vmem>>, vector<16xi32>,
      %shift_right_logical3A_422 = arith.constant 11 : i32
      %shift_right_logical3A_423 = vector.broadcast %shift_right_logical3A_422 : i32 to vector<16xi32>
      %shift_right_logical3A_424 = arith.shrui %get3A_421, %shift_right_logical3A_423 : vector<16xi32>
      %swap3A_425 = arith.constant 0 : i32
      %swap3A_426 = arith.index_cast %swap3A_425 : i32 to index
      %swap3A_427 = arith.constant 64 : index
      %swap3A_428 = tpu.vector_load %arg18[%swap3A_426, %swap3A_427] {strides = array<i32>} : memref<1x128xi32, #tpu.memory_space<vmem>>, vector<16xi32>,
      tpu.vector_store %arg18[%swap3A_426, %swap3A_427], %shift_right_logical3A_424 {strides = array<i32>} : memref<1x128xi32, #tpu.memory_space<vmem>>, vector<16xi32>,
      %and3A_429 = arith.constant 2047 : i32
      %and3A_430 = vector.broadcast %and3A_429 : i32 to vector<16xi32>
      %and3A_431 = arith.andi %get3A_421, %and3A_430 : vector<16xi32>
      %swap3A_432 = arith.constant 0 : i32
      %swap3A_433 = arith.index_cast %swap3A_432 : i32 to index
      %swap3A_434 = arith.constant 64 : index
      %swap3A_435 = tpu.vector_load %arg19[%swap3A_433, %swap3A_434] {strides = array<i32>} : memref<1x128xi32, #tpu.memory_space<vmem>>, vector<16xi32>,
      tpu.vector_store %arg19[%swap3A_433, %swap3A_434], %and3A_431 {strides = array<i32>} : memref<1x128xi32, #tpu.memory_space<vmem>>, vector<16xi32>,
      %get3A_436 = arith.index_cast %while3A_351 : i32 to index
      %get3A_437 = arith.constant 80 : index
      %get3A_438 = tpu.vector_load %arg16[%get3A_436, %get3A_437] {strides = array<i32>} : memref<17x128xi32, #tpu.memory_space<vmem>>, vector<16xi32>,
      %shift_right_logical3A_439 = arith.constant 11 : i32
      %shift_right_logical3A_440 = vector.broadcast %shift_right_logical3A_439 : i32 to vector<16xi32>
      %shift_right_logical3A_441 = arith.shrui %get3A_438, %shift_right_logical3A_440 : vector<16xi32>
      %swap3A_442 = arith.constant 0 : i32
      %swap3A_443 = arith.index_cast %swap3A_442 : i32 to index
      %swap3A_444 = arith.constant 80 : index
      %swap3A_445 = tpu.vector_load %arg18[%swap3A_443, %swap3A_444] {strides = array<i32>} : memref<1x128xi32, #tpu.memory_space<vmem>>, vector<16xi32>,
      tpu.vector_store %arg18[%swap3A_443, %swap3A_444], %shift_right_logical3A_441 {strides = array<i32>} : memref<1x128xi32, #tpu.memory_space<vmem>>, vector<16xi32>,
      %and3A_446 = arith.constant 2047 : i32
      %and3A_447 = vector.broadcast %and3A_446 : i32 to vector<16xi32>
      %and3A_448 = arith.andi %get3A_438, %and3A_447 : vector<16xi32>
      %swap3A_449 = arith.constant 0 : i32
      %swap3A_450 = arith.index_cast %swap3A_449 : i32 to index
      %swap3A_451 = arith.constant 80 : index
      %swap3A_452 = tpu.vector_load %arg19[%swap3A_450, %swap3A_451] {strides = array<i32>} : memref<1x128xi32, #tpu.memory_space<vmem>>, vector<16xi32>,
      tpu.vector_store %arg19[%swap3A_450, %swap3A_451], %and3A_448 {strides = array<i32>} : memref<1x128xi32, #tpu.memory_space<vmem>>, vector<16xi32>,
      %get3A_453 = arith.index_cast %while3A_351 : i32 to index
      %get3A_454 = arith.constant 96 : index
      %get3A_455 = tpu.vector_load %arg16[%get3A_453, %get3A_454] {strides = array<i32>} : memref<17x128xi32, #tpu.memory_space<vmem>>, vector<16xi32>,
      %shift_right_logical3A_456 = arith.constant 11 : i32
      %shift_right_logical3A_457 = vector.broadcast %shift_right_logical3A_456 : i32 to vector<16xi32>
      %shift_right_logical3A_458 = arith.shrui %get3A_455, %shift_right_logical3A_457 : vector<16xi32>
      %swap3A_459 = arith.constant 0 : i32
      %swap3A_460 = arith.index_cast %swap3A_459 : i32 to index
      %swap3A_461 = arith.constant 96 : index
      %swap3A_462 = tpu.vector_load %arg18[%swap3A_460, %swap3A_461] {strides = array<i32>} : memref<1x128xi32, #tpu.memory_space<vmem>>, vector<16xi32>,
      tpu.vector_store %arg18[%swap3A_460, %swap3A_461], %shift_right_logical3A_458 {strides = array<i32>} : memref<1x128xi32, #tpu.memory_space<vmem>>, vector<16xi32>,
      %and3A_463 = arith.constant 2047 : i32
      %and3A_464 = vector.broadcast %and3A_463 : i32 to vector<16xi32>
      %and3A_465 = arith.andi %get3A_455, %and3A_464 : vector<16xi32>
      %swap3A_466 = arith.constant 0 : i32
      %swap3A_467 = arith.index_cast %swap3A_466 : i32 to index
      %swap3A_468 = arith.constant 96 : index
      %swap3A_469 = tpu.vector_load %arg19[%swap3A_467, %swap3A_468] {strides = array<i32>} : memref<1x128xi32, #tpu.memory_space<vmem>>, vector<16xi32>,
      tpu.vector_store %arg19[%swap3A_467, %swap3A_468], %and3A_465 {strides = array<i32>} : memref<1x128xi32, #tpu.memory_space<vmem>>, vector<16xi32>,
      %get3A_470 = arith.index_cast %while3A_351 : i32 to index
      %get3A_471 = arith.constant 112 : index
      %get3A_472 = tpu.vector_load %arg16[%get3A_470, %get3A_471] {strides = array<i32>} : memref<17x128xi32, #tpu.memory_space<vmem>>, vector<16xi32>,
      %shift_right_logical3A_473 = arith.constant 11 : i32
      %shift_right_logical3A_474 = vector.broadcast %shift_right_logical3A_473 : i32 to vector<16xi32>
      %shift_right_logical3A_475 = arith.shrui %get3A_472, %shift_right_logical3A_474 : vector<16xi32>
      %swap3A_476 = arith.constant 0 : i32
      %swap3A_477 = arith.index_cast %swap3A_476 : i32 to index
      %swap3A_478 = arith.constant 112 : index
      %swap3A_479 = tpu.vector_load %arg18[%swap3A_477, %swap3A_478] {strides = array<i32>} : memref<1x128xi32, #tpu.memory_space<vmem>>, vector<16xi32>,
      tpu.vector_store %arg18[%swap3A_477, %swap3A_478], %shift_right_logical3A_475 {strides = array<i32>} : memref<1x128xi32, #tpu.memory_space<vmem>>, vector<16xi32>,
      %and3A_480 = arith.constant 2047 : i32
      %and3A_481 = vector.broadcast %and3A_480 : i32 to vector<16xi32>
      %and3A_482 = arith.andi %get3A_472, %and3A_481 : vector<16xi32>
      %swap3A_483 = arith.constant 0 : i32
      %swap3A_484 = arith.index_cast %swap3A_483 : i32 to index
      %swap3A_485 = arith.constant 112 : index
      %swap3A_486 = tpu.vector_load %arg19[%swap3A_484, %swap3A_485] {strides = array<i32>} : memref<1x128xi32, #tpu.memory_space<vmem>>, vector<16xi32>,
      tpu.vector_store %arg19[%swap3A_484, %swap3A_485], %and3A_482 {strides = array<i32>} : memref<1x128xi32, #tpu.memory_space<vmem>>, vector<16xi32>,
      %dma_start3A_487 = arith.constant 0 : i32
      %dma_start3A_488 = arith.constant 0 : i32
      %dma_start3A_489 = tpu.memref_slice %arg18[%dma_start3A_487, %dma_start3A_488] : memref<1x128xi32, #tpu.memory_space<vmem>> -> memref<1x128xi32, #tpu.memory_space<vmem>>
      %dma_start3A_490 = tpu.memref_squeeze %dma_start3A_489 : memref<1x128xi32, #tpu.memory_space<vmem>> -> memref<128xi32, #tpu.memory_space<vmem>>
      %dma_start3A_491 = arith.constant 0 : i32
      %dma_start3A_492 = arith.constant 0 : i32
      %dma_start3A_493 = tpu.memref_slice %arg26[%dma_start3A_491, %dma_start3A_492] : memref<10000x128xf32, #tpu.memory_space<vmem_shared>> -> memref<10000x128xf32, #tpu.memory_space<vmem_shared>>
      tpu.enqueue_indirect_dma source(%dma_start3A_493 : memref<10000x128xf32, #tpu.memory_space<vmem_shared>>) target(%arg17 : memref<128x128xf32, #tpu.memory_space<vmem>>) offsets(%dma_start3A_490 : memref<128xi32, #tpu.memory_space<vmem>>) semaphore(%arg30 : memref<!tpu.dma_semaphore, #tpu.memory_space<semaphore_mem>>)
      %dma_wait3A_494 = arith.constant 0 : i32
      %dma_wait3A_495 = arith.constant 0 : i32
      %dma_wait3A_496 = tpu.memref_slice %arg18[%dma_wait3A_494, %dma_wait3A_495] : memref<1x128xi32, #tpu.memory_space<vmem>> -> memref<1x128xi32, #tpu.memory_space<vmem>>
      %dma_wait3A_497 = tpu.memref_squeeze %dma_wait3A_496 : memref<1x128xi32, #tpu.memory_space<vmem>> -> memref<128xi32, #tpu.memory_space<vmem>>
      %dma_wait3A_498 = arith.constant 0 : i32
      %dma_wait3A_499 = arith.constant 0 : i32
      %dma_wait3A_500 = tpu.memref_slice %arg26[%dma_wait3A_498, %dma_wait3A_499] : memref<10000x128xf32, #tpu.memory_space<vmem_shared>> -> memref<10000x128xf32, #tpu.memory_space<vmem_shared>>
      tpu.wait_indirect_dma semaphore(%arg30 : memref<!tpu.dma_semaphore, #tpu.memory_space<semaphore_mem>>) src(%dma_wait3A_500 : memref<10000x128xf32, #tpu.memory_space<vmem_shared>>) dst(%arg17 : memref<128x128xf32, #tpu.memory_space<vmem>>)
      %run_scoped3A = arith.constant 0 : i32
      "tpu.region"() ({
        %run_scoped3A_501 = tpu.sem_alloc : memref<!tpu.dma_semaphore, #tpu.memory_space<semaphore_mem>>
        %dma_start3A_502 = arith.constant 0 : i32
        %dma_start3A_503 = tpu.memref_slice %arg19[%run_scoped3A, %dma_start3A_502] : memref<1x128xi32, #tpu.memory_space<vmem>> -> memref<1x128xi32, #tpu.memory_space<vmem>>
        %dma_start3A_504 = tpu.memref_squeeze %dma_start3A_503 : memref<1x128xi32, #tpu.memory_space<vmem>> -> memref<128xi32, #tpu.memory_space<vmem>>
        %dma_start3A_505 = arith.constant 0 : i32
        %dma_start3A_506 = arith.constant 0 : i32
        %dma_start3A_507 = tpu.memref_slice %arg27[%dma_start3A_505, %dma_start3A_506] : memref<1152x128xf32, #tpu.memory_space<vmem_shared>> -> memref<1152x128xf32, #tpu.memory_space<vmem_shared>>
        tpu.enqueue_indirect_dma source(%arg17 : memref<128x128xf32, #tpu.memory_space<vmem>>) target(%dma_start3A_507 : memref<1152x128xf32, #tpu.memory_space<vmem_shared>>) offsets(%dma_start3A_504 : memref<128xi32, #tpu.memory_space<vmem>>) semaphore(%run_scoped3A_501 : memref<!tpu.dma_semaphore, #tpu.memory_space<semaphore_mem>>) {add = true}
        %dma_wait3A_508 = arith.constant 0 : i32
        %dma_wait3A_509 = tpu.memref_slice %arg19[%run_scoped3A, %dma_wait3A_508] : memref<1x128xi32, #tpu.memory_space<vmem>> -> memref<1x128xi32, #tpu.memory_space<vmem>>
        %dma_wait3A_510 = tpu.memref_squeeze %dma_wait3A_509 : memref<1x128xi32, #tpu.memory_space<vmem>> -> memref<128xi32, #tpu.memory_space<vmem>>
        %dma_wait3A_511 = arith.constant 0 : i32
        %dma_wait3A_512 = arith.constant 0 : i32
        %dma_wait3A_513 = tpu.memref_slice %arg27[%dma_wait3A_511, %dma_wait3A_512] : memref<1152x128xf32, #tpu.memory_space<vmem_shared>> -> memref<1152x128xf32, #tpu.memory_space<vmem_shared>>
        tpu.wait_indirect_dma semaphore(%run_scoped3A_501 : memref<!tpu.dma_semaphore, #tpu.memory_space<semaphore_mem>>) src(%arg17 : memref<128x128xf32, #tpu.memory_space<vmem>>) dst(%dma_wait3A_513 : memref<1152x128xf32, #tpu.memory_space<vmem_shared>>)
        tpu.yield
      }) : () -> ()
    }
    %and3A_198 = arith.constant 127 : i32
    %and3A_199 = arith.andi %reduce_max3A_185, %and3A_198 : i32
    %gt3A_200 = arith.constant 0 : i32
    %gt3A_201 = arith.cmpi sgt, %shift_right_logical3A_187, %gt3A_200 : i32
    %convert_element_type3A_202 = arith.extui %gt3A_201 : i1 to i32
    %cond3A_203 = arith.constant 0 : i32
    %cond3A_204 = arith.cmpi ne, %convert_element_type3A_202, %cond3A_203 : i32
    scf.if %cond3A_204 {
      %get3A = arith.index_cast %shift_right_logical3A_187 : i32 to index
      %get3A_351 = arith.constant 0 : index
      %get3A_352 = tpu.vector_load %arg16[%get3A, %get3A_351] {strides = array<i32>} : memref<17x128xi32, #tpu.memory_space<vmem>>, vector<16xi32>,
      %swap3A_353 = arith.constant 0 : i32
      %swap3A_354 = arith.index_cast %swap3A_353 : i32 to index
      %swap3A_355 = arith.constant 0 : index
      %swap3A_356 = tpu.vector_load %arg16[%swap3A_354, %swap3A_355] {strides = array<i32>} : memref<17x128xi32, #tpu.memory_space<vmem>>, vector<16xi32>,
      tpu.vector_store %arg16[%swap3A_354, %swap3A_355], %get3A_352 {strides = array<i32>} : memref<17x128xi32, #tpu.memory_space<vmem>>, vector<16xi32>,
      %get3A_357 = arith.index_cast %shift_right_logical3A_187 : i32 to index
      %get3A_358 = arith.constant 16 : index
      %get3A_359 = tpu.vector_load %arg16[%get3A_357, %get3A_358] {strides = array<i32>} : memref<17x128xi32, #tpu.memory_space<vmem>>, vector<16xi32>,
      %swap3A_360 = arith.constant 0 : i32
      %swap3A_361 = arith.index_cast %swap3A_360 : i32 to index
      %swap3A_362 = arith.constant 16 : index
      %swap3A_363 = tpu.vector_load %arg16[%swap3A_361, %swap3A_362] {strides = array<i32>} : memref<17x128xi32, #tpu.memory_space<vmem>>, vector<16xi32>,
      tpu.vector_store %arg16[%swap3A_361, %swap3A_362], %get3A_359 {strides = array<i32>} : memref<17x128xi32, #tpu.memory_space<vmem>>, vector<16xi32>,
      %get3A_364 = arith.index_cast %shift_right_logical3A_187 : i32 to index
      %get3A_365 = arith.constant 32 : index
      %get3A_366 = tpu.vector_load %arg16[%get3A_364, %get3A_365] {strides = array<i32>} : memref<17x128xi32, #tpu.memory_space<vmem>>, vector<16xi32>,
      %swap3A_367 = arith.constant 0 : i32
      %swap3A_368 = arith.index_cast %swap3A_367 : i32 to index
      %swap3A_369 = arith.constant 32 : index
      %swap3A_370 = tpu.vector_load %arg16[%swap3A_368, %swap3A_369] {strides = array<i32>} : memref<17x128xi32, #tpu.memory_space<vmem>>, vector<16xi32>,
      tpu.vector_store %arg16[%swap3A_368, %swap3A_369], %get3A_366 {strides = array<i32>} : memref<17x128xi32, #tpu.memory_space<vmem>>, vector<16xi32>,
      %get3A_371 = arith.index_cast %shift_right_logical3A_187 : i32 to index
      %get3A_372 = arith.constant 48 : index
      %get3A_373 = tpu.vector_load %arg16[%get3A_371, %get3A_372] {strides = array<i32>} : memref<17x128xi32, #tpu.memory_space<vmem>>, vector<16xi32>,
      %swap3A_374 = arith.constant 0 : i32
      %swap3A_375 = arith.index_cast %swap3A_374 : i32 to index
      %swap3A_376 = arith.constant 48 : index
      %swap3A_377 = tpu.vector_load %arg16[%swap3A_375, %swap3A_376] {strides = array<i32>} : memref<17x128xi32, #tpu.memory_space<vmem>>, vector<16xi32>,
      tpu.vector_store %arg16[%swap3A_375, %swap3A_376], %get3A_373 {strides = array<i32>} : memref<17x128xi32, #tpu.memory_space<vmem>>, vector<16xi32>,
      %get3A_378 = arith.index_cast %shift_right_logical3A_187 : i32 to index
      %get3A_379 = arith.constant 64 : index
      %get3A_380 = tpu.vector_load %arg16[%get3A_378, %get3A_379] {strides = array<i32>} : memref<17x128xi32, #tpu.memory_space<vmem>>, vector<16xi32>,
      %swap3A_381 = arith.constant 0 : i32
      %swap3A_382 = arith.index_cast %swap3A_381 : i32 to index
      %swap3A_383 = arith.constant 64 : index
      %swap3A_384 = tpu.vector_load %arg16[%swap3A_382, %swap3A_383] {strides = array<i32>} : memref<17x128xi32, #tpu.memory_space<vmem>>, vector<16xi32>,
      tpu.vector_store %arg16[%swap3A_382, %swap3A_383], %get3A_380 {strides = array<i32>} : memref<17x128xi32, #tpu.memory_space<vmem>>, vector<16xi32>,
      %get3A_385 = arith.index_cast %shift_right_logical3A_187 : i32 to index
      %get3A_386 = arith.constant 80 : index
      %get3A_387 = tpu.vector_load %arg16[%get3A_385, %get3A_386] {strides = array<i32>} : memref<17x128xi32, #tpu.memory_space<vmem>>, vector<16xi32>,
      %swap3A_388 = arith.constant 0 : i32
      %swap3A_389 = arith.index_cast %swap3A_388 : i32 to index
      %swap3A_390 = arith.constant 80 : index
      %swap3A_391 = tpu.vector_load %arg16[%swap3A_389, %swap3A_390] {strides = array<i32>} : memref<17x128xi32, #tpu.memory_space<vmem>>, vector<16xi32>,
      tpu.vector_store %arg16[%swap3A_389, %swap3A_390], %get3A_387 {strides = array<i32>} : memref<17x128xi32, #tpu.memory_space<vmem>>, vector<16xi32>,
      %get3A_392 = arith.index_cast %shift_right_logical3A_187 : i32 to index
      %get3A_393 = arith.constant 96 : index
      %get3A_394 = tpu.vector_load %arg16[%get3A_392, %get3A_393] {strides = array<i32>} : memref<17x128xi32, #tpu.memory_space<vmem>>, vector<16xi32>,
      %swap3A_395 = arith.constant 0 : i32
      %swap3A_396 = arith.index_cast %swap3A_395 : i32 to index
      %swap3A_397 = arith.constant 96 : index
      %swap3A_398 = tpu.vector_load %arg16[%swap3A_396, %swap3A_397] {strides = array<i32>} : memref<17x128xi32, #tpu.memory_space<vmem>>, vector<16xi32>,
      tpu.vector_store %arg16[%swap3A_396, %swap3A_397], %get3A_394 {strides = array<i32>} : memref<17x128xi32, #tpu.memory_space<vmem>>, vector<16xi32>,
      %get3A_399 = arith.index_cast %shift_right_logical3A_187 : i32 to index
      %get3A_400 = arith.constant 112 : index
      %get3A_401 = tpu.vector_load %arg16[%get3A_399, %get3A_400] {strides = array<i32>} : memref<17x128xi32, #tpu.memory_space<vmem>>, vector<16xi32>,
      %swap3A_402 = arith.constant 0 : i32
      %swap3A_403 = arith.index_cast %swap3A_402 : i32 to index
      %swap3A_404 = arith.constant 112 : index
      %swap3A_405 = tpu.vector_load %arg16[%swap3A_403, %swap3A_404] {strides = array<i32>} : memref<17x128xi32, #tpu.memory_space<vmem>>, vector<16xi32>,
      tpu.vector_store %arg16[%swap3A_403, %swap3A_404], %get3A_401 {strides = array<i32>} : memref<17x128xi32, #tpu.memory_space<vmem>>, vector<16xi32>,
    } else {
    }
    %add3A_205 = arith.constant 0 : i32
    %add3A_206 = arith.addi %and3A_199, %add3A_205 : i32
    %add3A_207 = vector.broadcast %add3A_206 : i32 to vector<16xi32>
    %add3A_208 = arith.addi %add3A_207, %iota3A : vector<16xi32>
    %shift_right_logical3A_209 = arith.constant 7 : i32
    %shift_right_logical3A_210 = vector.broadcast %shift_right_logical3A_209 : i32 to vector<16xi32>
    %shift_right_logical3A_211 = arith.shrui %add3A_208, %shift_right_logical3A_210 : vector<16xi32>
    %and3A_212 = arith.constant 127 : i32
    %and3A_213 = vector.broadcast %and3A_212 : i32 to vector<16xi32>
    %and3A_214 = arith.andi %add3A_208, %and3A_213 : vector<16xi32>
    tpu.vector_store_idx %arg16[%shift_right_logical3A_211, %and3A_214], %broadcast_in_dim3A_18 : memref<17x128xi32, #tpu.memory_space<vmem>>[vector<16xi32>, vector<16xi32>], vector<16xi32>,
    %add3A_215 = arith.constant 16 : i32
    %add3A_216 = arith.addi %and3A_199, %add3A_215 : i32
    %add3A_217 = vector.broadcast %add3A_216 : i32 to vector<16xi32>
    %add3A_218 = arith.addi %add3A_217, %iota3A : vector<16xi32>
    %shift_right_logical3A_219 = arith.constant 7 : i32
    %shift_right_logical3A_220 = vector.broadcast %shift_right_logical3A_219 : i32 to vector<16xi32>
    %shift_right_logical3A_221 = arith.shrui %add3A_218, %shift_right_logical3A_220 : vector<16xi32>
    %and3A_222 = arith.constant 127 : i32
    %and3A_223 = vector.broadcast %and3A_222 : i32 to vector<16xi32>
    %and3A_224 = arith.andi %add3A_218, %and3A_223 : vector<16xi32>
    tpu.vector_store_idx %arg16[%shift_right_logical3A_221, %and3A_224], %broadcast_in_dim3A_18 : memref<17x128xi32, #tpu.memory_space<vmem>>[vector<16xi32>, vector<16xi32>], vector<16xi32>,
    %add3A_225 = arith.constant 32 : i32
    %add3A_226 = arith.addi %and3A_199, %add3A_225 : i32
    %add3A_227 = vector.broadcast %add3A_226 : i32 to vector<16xi32>
    %add3A_228 = arith.addi %add3A_227, %iota3A : vector<16xi32>
    %shift_right_logical3A_229 = arith.constant 7 : i32
    %shift_right_logical3A_230 = vector.broadcast %shift_right_logical3A_229 : i32 to vector<16xi32>
    %shift_right_logical3A_231 = arith.shrui %add3A_228, %shift_right_logical3A_230 : vector<16xi32>
    %and3A_232 = arith.constant 127 : i32
    %and3A_233 = vector.broadcast %and3A_232 : i32 to vector<16xi32>
    %and3A_234 = arith.andi %add3A_228, %and3A_233 : vector<16xi32>
    tpu.vector_store_idx %arg16[%shift_right_logical3A_231, %and3A_234], %broadcast_in_dim3A_18 : memref<17x128xi32, #tpu.memory_space<vmem>>[vector<16xi32>, vector<16xi32>], vector<16xi32>,
    %add3A_235 = arith.constant 48 : i32
    %add3A_236 = arith.addi %and3A_199, %add3A_235 : i32
    %add3A_237 = vector.broadcast %add3A_236 : i32 to vector<16xi32>
    %add3A_238 = arith.addi %add3A_237, %iota3A : vector<16xi32>
    %shift_right_logical3A_239 = arith.constant 7 : i32
    %shift_right_logical3A_240 = vector.broadcast %shift_right_logical3A_239 : i32 to vector<16xi32>
    %shift_right_logical3A_241 = arith.shrui %add3A_238, %shift_right_logical3A_240 : vector<16xi32>
    %and3A_242 = arith.constant 127 : i32
    %and3A_243 = vector.broadcast %and3A_242 : i32 to vector<16xi32>
    %and3A_244 = arith.andi %add3A_238, %and3A_243 : vector<16xi32>
    tpu.vector_store_idx %arg16[%shift_right_logical3A_241, %and3A_244], %broadcast_in_dim3A_18 : memref<17x128xi32, #tpu.memory_space<vmem>>[vector<16xi32>, vector<16xi32>], vector<16xi32>,
    %add3A_245 = arith.constant 64 : i32
    %add3A_246 = arith.addi %and3A_199, %add3A_245 : i32
    %add3A_247 = vector.broadcast %add3A_246 : i32 to vector<16xi32>
    %add3A_248 = arith.addi %add3A_247, %iota3A : vector<16xi32>
    %shift_right_logical3A_249 = arith.constant 7 : i32
    %shift_right_logical3A_250 = vector.broadcast %shift_right_logical3A_249 : i32 to vector<16xi32>
    %shift_right_logical3A_251 = arith.shrui %add3A_248, %shift_right_logical3A_250 : vector<16xi32>
    %and3A_252 = arith.constant 127 : i32
    %and3A_253 = vector.broadcast %and3A_252 : i32 to vector<16xi32>
    %and3A_254 = arith.andi %add3A_248, %and3A_253 : vector<16xi32>
    tpu.vector_store_idx %arg16[%shift_right_logical3A_251, %and3A_254], %broadcast_in_dim3A_18 : memref<17x128xi32, #tpu.memory_space<vmem>>[vector<16xi32>, vector<16xi32>], vector<16xi32>,
    %add3A_255 = arith.constant 80 : i32
    %add3A_256 = arith.addi %and3A_199, %add3A_255 : i32
    %add3A_257 = vector.broadcast %add3A_256 : i32 to vector<16xi32>
    %add3A_258 = arith.addi %add3A_257, %iota3A : vector<16xi32>
    %shift_right_logical3A_259 = arith.constant 7 : i32
    %shift_right_logical3A_260 = vector.broadcast %shift_right_logical3A_259 : i32 to vector<16xi32>
    %shift_right_logical3A_261 = arith.shrui %add3A_258, %shift_right_logical3A_260 : vector<16xi32>
    %and3A_262 = arith.constant 127 : i32
    %and3A_263 = vector.broadcast %and3A_262 : i32 to vector<16xi32>
    %and3A_264 = arith.andi %add3A_258, %and3A_263 : vector<16xi32>
    tpu.vector_store_idx %arg16[%shift_right_logical3A_261, %and3A_264], %broadcast_in_dim3A_18 : memref<17x128xi32, #tpu.memory_space<vmem>>[vector<16xi32>, vector<16xi32>], vector<16xi32>,
    %add3A_265 = arith.constant 96 : i32
    %add3A_266 = arith.addi %and3A_199, %add3A_265 : i32
    %add3A_267 = vector.broadcast %add3A_266 : i32 to vector<16xi32>
    %add3A_268 = arith.addi %add3A_267, %iota3A : vector<16xi32>
    %shift_right_logical3A_269 = arith.constant 7 : i32
    %shift_right_logical3A_270 = vector.broadcast %shift_right_logical3A_269 : i32 to vector<16xi32>
    %shift_right_logical3A_271 = arith.shrui %add3A_268, %shift_right_logical3A_270 : vector<16xi32>
    %and3A_272 = arith.constant 127 : i32
    %and3A_273 = vector.broadcast %and3A_272 : i32 to vector<16xi32>
    %and3A_274 = arith.andi %add3A_268, %and3A_273 : vector<16xi32>
    tpu.vector_store_idx %arg16[%shift_right_logical3A_271, %and3A_274], %broadcast_in_dim3A_18 : memref<17x128xi32, #tpu.memory_space<vmem>>[vector<16xi32>, vector<16xi32>], vector<16xi32>,
    %add3A_275 = arith.constant 112 : i32
    %add3A_276 = arith.addi %and3A_199, %add3A_275 : i32
    %add3A_277 = vector.broadcast %add3A_276 : i32 to vector<16xi32>
    %add3A_278 = arith.addi %add3A_277, %iota3A : vector<16xi32>
    %shift_right_logical3A_279 = arith.constant 7 : i32
    %shift_right_logical3A_280 = vector.broadcast %shift_right_logical3A_279 : i32 to vector<16xi32>
    %shift_right_logical3A_281 = arith.shrui %add3A_278, %shift_right_logical3A_280 : vector<16xi32>
    %and3A_282 = arith.constant 127 : i32
    %and3A_283 = vector.broadcast %and3A_282 : i32 to vector<16xi32>
    %and3A_284 = arith.andi %add3A_278, %and3A_283 : vector<16xi32>
    tpu.vector_store_idx %arg16[%shift_right_logical3A_281, %and3A_284], %broadcast_in_dim3A_18 : memref<17x128xi32, #tpu.memory_space<vmem>>[vector<16xi32>, vector<16xi32>], vector<16xi32>,
    %gt3A_285 = arith.constant 0 : i32
    %gt3A_286 = arith.cmpi sgt, %and3A_199, %gt3A_285 : i32
    %convert_element_type3A_287 = arith.extui %gt3A_286 : i1 to i32
    %cond3A_288 = arith.constant 0 : i32
    %cond3A_289 = arith.cmpi ne, %convert_element_type3A_287, %cond3A_288 : i32
    scf.if %cond3A_289 {
      %get3A = arith.constant 0 : i32
      %get3A_351 = arith.index_cast %get3A : i32 to index
      %get3A_352 = arith.constant 0 : index
      %get3A_353 = tpu.vector_load %arg16[%get3A_351, %get3A_352] {strides = array<i32>} : memref<17x128xi32, #tpu.memory_space<vmem>>, vector<16xi32>,
      %shift_right_logical3A_354 = arith.constant 11 : i32
      %shift_right_logical3A_355 = vector.broadcast %shift_right_logical3A_354 : i32 to vector<16xi32>
      %shift_right_logical3A_356 = arith.shrui %get3A_353, %shift_right_logical3A_355 : vector<16xi32>
      %swap3A_357 = arith.constant 0 : i32
      %swap3A_358 = arith.index_cast %swap3A_357 : i32 to index
      %swap3A_359 = arith.constant 0 : index
      %swap3A_360 = tpu.vector_load %arg18[%swap3A_358, %swap3A_359] {strides = array<i32>} : memref<1x128xi32, #tpu.memory_space<vmem>>, vector<16xi32>,
      tpu.vector_store %arg18[%swap3A_358, %swap3A_359], %shift_right_logical3A_356 {strides = array<i32>} : memref<1x128xi32, #tpu.memory_space<vmem>>, vector<16xi32>,
      %and3A_361 = arith.constant 2047 : i32
      %and3A_362 = vector.broadcast %and3A_361 : i32 to vector<16xi32>
      %and3A_363 = arith.andi %get3A_353, %and3A_362 : vector<16xi32>
      %swap3A_364 = arith.constant 0 : i32
      %swap3A_365 = arith.index_cast %swap3A_364 : i32 to index
      %swap3A_366 = arith.constant 0 : index
      %swap3A_367 = tpu.vector_load %arg19[%swap3A_365, %swap3A_366] {strides = array<i32>} : memref<1x128xi32, #tpu.memory_space<vmem>>, vector<16xi32>,
      tpu.vector_store %arg19[%swap3A_365, %swap3A_366], %and3A_363 {strides = array<i32>} : memref<1x128xi32, #tpu.memory_space<vmem>>, vector<16xi32>,
      %get3A_368 = arith.constant 0 : i32
      %get3A_369 = arith.index_cast %get3A_368 : i32 to index
      %get3A_370 = arith.constant 16 : index
      %get3A_371 = tpu.vector_load %arg16[%get3A_369, %get3A_370] {strides = array<i32>} : memref<17x128xi32, #tpu.memory_space<vmem>>, vector<16xi32>,
      %shift_right_logical3A_372 = arith.constant 11 : i32
      %shift_right_logical3A_373 = vector.broadcast %shift_right_logical3A_372 : i32 to vector<16xi32>
      %shift_right_logical3A_374 = arith.shrui %get3A_371, %shift_right_logical3A_373 : vector<16xi32>
      %swap3A_375 = arith.constant 0 : i32
      %swap3A_376 = arith.index_cast %swap3A_375 : i32 to index
      %swap3A_377 = arith.constant 16 : index
      %swap3A_378 = tpu.vector_load %arg18[%swap3A_376, %swap3A_377] {strides = array<i32>} : memref<1x128xi32, #tpu.memory_space<vmem>>, vector<16xi32>,
      tpu.vector_store %arg18[%swap3A_376, %swap3A_377], %shift_right_logical3A_374 {strides = array<i32>} : memref<1x128xi32, #tpu.memory_space<vmem>>, vector<16xi32>,
      %and3A_379 = arith.constant 2047 : i32
      %and3A_380 = vector.broadcast %and3A_379 : i32 to vector<16xi32>
      %and3A_381 = arith.andi %get3A_371, %and3A_380 : vector<16xi32>
      %swap3A_382 = arith.constant 0 : i32
      %swap3A_383 = arith.index_cast %swap3A_382 : i32 to index
      %swap3A_384 = arith.constant 16 : index
      %swap3A_385 = tpu.vector_load %arg19[%swap3A_383, %swap3A_384] {strides = array<i32>} : memref<1x128xi32, #tpu.memory_space<vmem>>, vector<16xi32>,
      tpu.vector_store %arg19[%swap3A_383, %swap3A_384], %and3A_381 {strides = array<i32>} : memref<1x128xi32, #tpu.memory_space<vmem>>, vector<16xi32>,
      %get3A_386 = arith.constant 0 : i32
      %get3A_387 = arith.index_cast %get3A_386 : i32 to index
      %get3A_388 = arith.constant 32 : index
      %get3A_389 = tpu.vector_load %arg16[%get3A_387, %get3A_388] {strides = array<i32>} : memref<17x128xi32, #tpu.memory_space<vmem>>, vector<16xi32>,
      %shift_right_logical3A_390 = arith.constant 11 : i32
      %shift_right_logical3A_391 = vector.broadcast %shift_right_logical3A_390 : i32 to vector<16xi32>
      %shift_right_logical3A_392 = arith.shrui %get3A_389, %shift_right_logical3A_391 : vector<16xi32>
      %swap3A_393 = arith.constant 0 : i32
      %swap3A_394 = arith.index_cast %swap3A_393 : i32 to index
      %swap3A_395 = arith.constant 32 : index
      %swap3A_396 = tpu.vector_load %arg18[%swap3A_394, %swap3A_395] {strides = array<i32>} : memref<1x128xi32, #tpu.memory_space<vmem>>, vector<16xi32>,
      tpu.vector_store %arg18[%swap3A_394, %swap3A_395], %shift_right_logical3A_392 {strides = array<i32>} : memref<1x128xi32, #tpu.memory_space<vmem>>, vector<16xi32>,
      %and3A_397 = arith.constant 2047 : i32
      %and3A_398 = vector.broadcast %and3A_397 : i32 to vector<16xi32>
      %and3A_399 = arith.andi %get3A_389, %and3A_398 : vector<16xi32>
      %swap3A_400 = arith.constant 0 : i32
      %swap3A_401 = arith.index_cast %swap3A_400 : i32 to index
      %swap3A_402 = arith.constant 32 : index
      %swap3A_403 = tpu.vector_load %arg19[%swap3A_401, %swap3A_402] {strides = array<i32>} : memref<1x128xi32, #tpu.memory_space<vmem>>, vector<16xi32>,
      tpu.vector_store %arg19[%swap3A_401, %swap3A_402], %and3A_399 {strides = array<i32>} : memref<1x128xi32, #tpu.memory_space<vmem>>, vector<16xi32>,
      %get3A_404 = arith.constant 0 : i32
      %get3A_405 = arith.index_cast %get3A_404 : i32 to index
      %get3A_406 = arith.constant 48 : index
      %get3A_407 = tpu.vector_load %arg16[%get3A_405, %get3A_406] {strides = array<i32>} : memref<17x128xi32, #tpu.memory_space<vmem>>, vector<16xi32>,
      %shift_right_logical3A_408 = arith.constant 11 : i32
      %shift_right_logical3A_409 = vector.broadcast %shift_right_logical3A_408 : i32 to vector<16xi32>
      %shift_right_logical3A_410 = arith.shrui %get3A_407, %shift_right_logical3A_409 : vector<16xi32>
      %swap3A_411 = arith.constant 0 : i32
      %swap3A_412 = arith.index_cast %swap3A_411 : i32 to index
      %swap3A_413 = arith.constant 48 : index
      %swap3A_414 = tpu.vector_load %arg18[%swap3A_412, %swap3A_413] {strides = array<i32>} : memref<1x128xi32, #tpu.memory_space<vmem>>, vector<16xi32>,
      tpu.vector_store %arg18[%swap3A_412, %swap3A_413], %shift_right_logical3A_410 {strides = array<i32>} : memref<1x128xi32, #tpu.memory_space<vmem>>, vector<16xi32>,
      %and3A_415 = arith.constant 2047 : i32
      %and3A_416 = vector.broadcast %and3A_415 : i32 to vector<16xi32>
      %and3A_417 = arith.andi %get3A_407, %and3A_416 : vector<16xi32>
      %swap3A_418 = arith.constant 0 : i32
      %swap3A_419 = arith.index_cast %swap3A_418 : i32 to index
      %swap3A_420 = arith.constant 48 : index
      %swap3A_421 = tpu.vector_load %arg19[%swap3A_419, %swap3A_420] {strides = array<i32>} : memref<1x128xi32, #tpu.memory_space<vmem>>, vector<16xi32>,
      tpu.vector_store %arg19[%swap3A_419, %swap3A_420], %and3A_417 {strides = array<i32>} : memref<1x128xi32, #tpu.memory_space<vmem>>, vector<16xi32>,
      %get3A_422 = arith.constant 0 : i32
      %get3A_423 = arith.index_cast %get3A_422 : i32 to index
      %get3A_424 = arith.constant 64 : index
      %get3A_425 = tpu.vector_load %arg16[%get3A_423, %get3A_424] {strides = array<i32>} : memref<17x128xi32, #tpu.memory_space<vmem>>, vector<16xi32>,
      %shift_right_logical3A_426 = arith.constant 11 : i32
      %shift_right_logical3A_427 = vector.broadcast %shift_right_logical3A_426 : i32 to vector<16xi32>
      %shift_right_logical3A_428 = arith.shrui %get3A_425, %shift_right_logical3A_427 : vector<16xi32>
      %swap3A_429 = arith.constant 0 : i32
      %swap3A_430 = arith.index_cast %swap3A_429 : i32 to index
      %swap3A_431 = arith.constant 64 : index
      %swap3A_432 = tpu.vector_load %arg18[%swap3A_430, %swap3A_431] {strides = array<i32>} : memref<1x128xi32, #tpu.memory_space<vmem>>, vector<16xi32>,
      tpu.vector_store %arg18[%swap3A_430, %swap3A_431], %shift_right_logical3A_428 {strides = array<i32>} : memref<1x128xi32, #tpu.memory_space<vmem>>, vector<16xi32>,
      %and3A_433 = arith.constant 2047 : i32
      %and3A_434 = vector.broadcast %and3A_433 : i32 to vector<16xi32>
      %and3A_435 = arith.andi %get3A_425, %and3A_434 : vector<16xi32>
      %swap3A_436 = arith.constant 0 : i32
      %swap3A_437 = arith.index_cast %swap3A_436 : i32 to index
      %swap3A_438 = arith.constant 64 : index
      %swap3A_439 = tpu.vector_load %arg19[%swap3A_437, %swap3A_438] {strides = array<i32>} : memref<1x128xi32, #tpu.memory_space<vmem>>, vector<16xi32>,
      tpu.vector_store %arg19[%swap3A_437, %swap3A_438], %and3A_435 {strides = array<i32>} : memref<1x128xi32, #tpu.memory_space<vmem>>, vector<16xi32>,
      %get3A_440 = arith.constant 0 : i32
      %get3A_441 = arith.index_cast %get3A_440 : i32 to index
      %get3A_442 = arith.constant 80 : index
      %get3A_443 = tpu.vector_load %arg16[%get3A_441, %get3A_442] {strides = array<i32>} : memref<17x128xi32, #tpu.memory_space<vmem>>, vector<16xi32>,
      %shift_right_logical3A_444 = arith.constant 11 : i32
      %shift_right_logical3A_445 = vector.broadcast %shift_right_logical3A_444 : i32 to vector<16xi32>
      %shift_right_logical3A_446 = arith.shrui %get3A_443, %shift_right_logical3A_445 : vector<16xi32>
      %swap3A_447 = arith.constant 0 : i32
      %swap3A_448 = arith.index_cast %swap3A_447 : i32 to index
      %swap3A_449 = arith.constant 80 : index
      %swap3A_450 = tpu.vector_load %arg18[%swap3A_448, %swap3A_449] {strides = array<i32>} : memref<1x128xi32, #tpu.memory_space<vmem>>, vector<16xi32>,
      tpu.vector_store %arg18[%swap3A_448, %swap3A_449], %shift_right_logical3A_446 {strides = array<i32>} : memref<1x128xi32, #tpu.memory_space<vmem>>, vector<16xi32>,
      %and3A_451 = arith.constant 2047 : i32
      %and3A_452 = vector.broadcast %and3A_451 : i32 to vector<16xi32>
      %and3A_453 = arith.andi %get3A_443, %and3A_452 : vector<16xi32>
      %swap3A_454 = arith.constant 0 : i32
      %swap3A_455 = arith.index_cast %swap3A_454 : i32 to index
      %swap3A_456 = arith.constant 80 : index
      %swap3A_457 = tpu.vector_load %arg19[%swap3A_455, %swap3A_456] {strides = array<i32>} : memref<1x128xi32, #tpu.memory_space<vmem>>, vector<16xi32>,
      tpu.vector_store %arg19[%swap3A_455, %swap3A_456], %and3A_453 {strides = array<i32>} : memref<1x128xi32, #tpu.memory_space<vmem>>, vector<16xi32>,
      %get3A_458 = arith.constant 0 : i32
      %get3A_459 = arith.index_cast %get3A_458 : i32 to index
      %get3A_460 = arith.constant 96 : index
      %get3A_461 = tpu.vector_load %arg16[%get3A_459, %get3A_460] {strides = array<i32>} : memref<17x128xi32, #tpu.memory_space<vmem>>, vector<16xi32>,
      %shift_right_logical3A_462 = arith.constant 11 : i32
      %shift_right_logical3A_463 = vector.broadcast %shift_right_logical3A_462 : i32 to vector<16xi32>
      %shift_right_logical3A_464 = arith.shrui %get3A_461, %shift_right_logical3A_463 : vector<16xi32>
      %swap3A_465 = arith.constant 0 : i32
      %swap3A_466 = arith.index_cast %swap3A_465 : i32 to index
      %swap3A_467 = arith.constant 96 : index
      %swap3A_468 = tpu.vector_load %arg18[%swap3A_466, %swap3A_467] {strides = array<i32>} : memref<1x128xi32, #tpu.memory_space<vmem>>, vector<16xi32>,
      tpu.vector_store %arg18[%swap3A_466, %swap3A_467], %shift_right_logical3A_464 {strides = array<i32>} : memref<1x128xi32, #tpu.memory_space<vmem>>, vector<16xi32>,
      %and3A_469 = arith.constant 2047 : i32
      %and3A_470 = vector.broadcast %and3A_469 : i32 to vector<16xi32>
      %and3A_471 = arith.andi %get3A_461, %and3A_470 : vector<16xi32>
      %swap3A_472 = arith.constant 0 : i32
      %swap3A_473 = arith.index_cast %swap3A_472 : i32 to index
      %swap3A_474 = arith.constant 96 : index
      %swap3A_475 = tpu.vector_load %arg19[%swap3A_473, %swap3A_474] {strides = array<i32>} : memref<1x128xi32, #tpu.memory_space<vmem>>, vector<16xi32>,
      tpu.vector_store %arg19[%swap3A_473, %swap3A_474], %and3A_471 {strides = array<i32>} : memref<1x128xi32, #tpu.memory_space<vmem>>, vector<16xi32>,
      %get3A_476 = arith.constant 0 : i32
      %get3A_477 = arith.index_cast %get3A_476 : i32 to index
      %get3A_478 = arith.constant 112 : index
      %get3A_479 = tpu.vector_load %arg16[%get3A_477, %get3A_478] {strides = array<i32>} : memref<17x128xi32, #tpu.memory_space<vmem>>, vector<16xi32>,
      %shift_right_logical3A_480 = arith.constant 11 : i32
      %shift_right_logical3A_481 = vector.broadcast %shift_right_logical3A_480 : i32 to vector<16xi32>
      %shift_right_logical3A_482 = arith.shrui %get3A_479, %shift_right_logical3A_481 : vector<16xi32>
      %swap3A_483 = arith.constant 0 : i32
      %swap3A_484 = arith.index_cast %swap3A_483 : i32 to index
      %swap3A_485 = arith.constant 112 : index
      %swap3A_486 = tpu.vector_load %arg18[%swap3A_484, %swap3A_485] {strides = array<i32>} : memref<1x128xi32, #tpu.memory_space<vmem>>, vector<16xi32>,
      tpu.vector_store %arg18[%swap3A_484, %swap3A_485], %shift_right_logical3A_482 {strides = array<i32>} : memref<1x128xi32, #tpu.memory_space<vmem>>, vector<16xi32>,
      %and3A_487 = arith.constant 2047 : i32
      %and3A_488 = vector.broadcast %and3A_487 : i32 to vector<16xi32>
      %and3A_489 = arith.andi %get3A_479, %and3A_488 : vector<16xi32>
      %swap3A_490 = arith.constant 0 : i32
      %swap3A_491 = arith.index_cast %swap3A_490 : i32 to index
      %swap3A_492 = arith.constant 112 : index
      %swap3A_493 = tpu.vector_load %arg19[%swap3A_491, %swap3A_492] {strides = array<i32>} : memref<1x128xi32, #tpu.memory_space<vmem>>, vector<16xi32>,
      tpu.vector_store %arg19[%swap3A_491, %swap3A_492], %and3A_489 {strides = array<i32>} : memref<1x128xi32, #tpu.memory_space<vmem>>, vector<16xi32>,
      %dma_start3A_494 = arith.constant 0 : i32
      %dma_start3A_495 = arith.constant 0 : i32
      %dma_start3A_496 = tpu.memref_slice %arg18[%dma_start3A_494, %dma_start3A_495] : memref<1x128xi32, #tpu.memory_space<vmem>> -> memref<1x128xi32, #tpu.memory_space<vmem>>
      %dma_start3A_497 = tpu.memref_squeeze %dma_start3A_496 : memref<1x128xi32, #tpu.memory_space<vmem>> -> memref<128xi32, #tpu.memory_space<vmem>>
      %dma_start3A_498 = arith.constant 0 : i32
      %dma_start3A_499 = arith.constant 0 : i32
      %dma_start3A_500 = tpu.memref_slice %arg26[%dma_start3A_498, %dma_start3A_499] : memref<10000x128xf32, #tpu.memory_space<vmem_shared>> -> memref<10000x128xf32, #tpu.memory_space<vmem_shared>>
      tpu.enqueue_indirect_dma source(%dma_start3A_500 : memref<10000x128xf32, #tpu.memory_space<vmem_shared>>) target(%arg17 : memref<128x128xf32, #tpu.memory_space<vmem>>) offsets(%dma_start3A_497 : memref<128xi32, #tpu.memory_space<vmem>>) semaphore(%arg30 : memref<!tpu.dma_semaphore, #tpu.memory_space<semaphore_mem>>)
      %dma_wait3A_501 = arith.constant 0 : i32
      %dma_wait3A_502 = arith.constant 0 : i32
      %dma_wait3A_503 = tpu.memref_slice %arg18[%dma_wait3A_501, %dma_wait3A_502] : memref<1x128xi32, #tpu.memory_space<vmem>> -> memref<1x128xi32, #tpu.memory_space<vmem>>
      %dma_wait3A_504 = tpu.memref_squeeze %dma_wait3A_503 : memref<1x128xi32, #tpu.memory_space<vmem>> -> memref<128xi32, #tpu.memory_space<vmem>>
      %dma_wait3A_505 = arith.constant 0 : i32
      %dma_wait3A_506 = arith.constant 0 : i32
      %dma_wait3A_507 = tpu.memref_slice %arg26[%dma_wait3A_505, %dma_wait3A_506] : memref<10000x128xf32, #tpu.memory_space<vmem_shared>> -> memref<10000x128xf32, #tpu.memory_space<vmem_shared>>
      tpu.wait_indirect_dma semaphore(%arg30 : memref<!tpu.dma_semaphore, #tpu.memory_space<semaphore_mem>>) src(%dma_wait3A_507 : memref<10000x128xf32, #tpu.memory_space<vmem_shared>>) dst(%arg17 : memref<128x128xf32, #tpu.memory_space<vmem>>)
      %run_scoped3A = arith.constant 0 : i32
      "tpu.region"() ({
        %run_scoped3A_508 = tpu.sem_alloc : memref<!tpu.dma_semaphore, #tpu.memory_space<semaphore_mem>>
        %dma_start3A_509 = arith.constant 0 : i32
        %dma_start3A_510 = tpu.memref_slice %arg19[%run_scoped3A, %dma_start3A_509] : memref<1x128xi32, #tpu.memory_space<vmem>> -> memref<1x128xi32, #tpu.memory_space<vmem>>
        %dma_start3A_511 = tpu.memref_squeeze %dma_start3A_510 : memref<1x128xi32, #tpu.memory_space<vmem>> -> memref<128xi32, #tpu.memory_space<vmem>>
        %dma_start3A_512 = arith.constant 0 : i32
        %dma_start3A_513 = arith.constant 0 : i32
        %dma_start3A_514 = tpu.memref_slice %arg27[%dma_start3A_512, %dma_start3A_513] : memref<1152x128xf32, #tpu.memory_space<vmem_shared>> -> memref<1152x128xf32, #tpu.memory_space<vmem_shared>>
        tpu.enqueue_indirect_dma source(%arg17 : memref<128x128xf32, #tpu.memory_space<vmem>>) target(%dma_start3A_514 : memref<1152x128xf32, #tpu.memory_space<vmem_shared>>) offsets(%dma_start3A_511 : memref<128xi32, #tpu.memory_space<vmem>>) semaphore(%run_scoped3A_508 : memref<!tpu.dma_semaphore, #tpu.memory_space<semaphore_mem>>) {add = true}
        %dma_wait3A_515 = arith.constant 0 : i32
        %dma_wait3A_516 = tpu.memref_slice %arg19[%run_scoped3A, %dma_wait3A_515] : memref<1x128xi32, #tpu.memory_space<vmem>> -> memref<1x128xi32, #tpu.memory_space<vmem>>
        %dma_wait3A_517 = tpu.memref_squeeze %dma_wait3A_516 : memref<1x128xi32, #tpu.memory_space<vmem>> -> memref<128xi32, #tpu.memory_space<vmem>>
        %dma_wait3A_518 = arith.constant 0 : i32
        %dma_wait3A_519 = arith.constant 0 : i32
        %dma_wait3A_520 = tpu.memref_slice %arg27[%dma_wait3A_518, %dma_wait3A_519] : memref<1152x128xf32, #tpu.memory_space<vmem_shared>> -> memref<1152x128xf32, #tpu.memory_space<vmem_shared>>
        tpu.wait_indirect_dma semaphore(%run_scoped3A_508 : memref<!tpu.dma_semaphore, #tpu.memory_space<semaphore_mem>>) src(%arg17 : memref<128x128xf32, #tpu.memory_space<vmem>>) dst(%dma_wait3A_520 : memref<1152x128xf32, #tpu.memory_space<vmem_shared>>)
        tpu.yield
      }) : () -> ()
    } else {
    }
    "tpu.region"() ({
      %run_scoped3A = tpu.sem_alloc : memref<!tpu.dma_semaphore, #tpu.memory_space<semaphore_mem>>
      %dma_start3A_351 = arith.constant 0 : i32
      %dma_start3A_352 = arith.constant 0 : i32
      %dma_start3A_353 = tpu.memref_slice %arg28[%arg1, %dma_start3A_351, %dma_start3A_352] : memref<16x8x128xf32, #tpu.memory_space<vmem_shared>> -> memref<1x8x128xf32, #tpu.memory_space<vmem_shared>>
      %dma_start3A_354 = tpu.memref_squeeze %dma_start3A_353 : memref<1x8x128xf32, #tpu.memory_space<vmem_shared>> -> memref<8x128xf32, #tpu.memory_space<vmem_shared>>
      %dma_start3A_355 = arith.constant 0 : i32
      %dma_start3A_356 = arith.constant 0 : i32
      %dma_start3A_357 = tpu.memref_slice %arg28[%arg1, %dma_start3A_355, %dma_start3A_356] : memref<16x8x128xf32, #tpu.memory_space<vmem_shared>> -> memref<1x8x128xf32, #tpu.memory_space<vmem_shared>>
      %dma_start3A_358 = tpu.memref_squeeze %dma_start3A_357 : memref<1x8x128xf32, #tpu.memory_space<vmem_shared>> -> memref<8x128xf32, #tpu.memory_space<vmem_shared>>
      tpu.enqueue_dma source(%arg20 : memref<8x128xf32, #tpu.memory_space<vmem>>) target(%dma_start3A_358 : memref<8x128xf32, #tpu.memory_space<vmem_shared>>) target_semaphore(%run_scoped3A : memref<!tpu.dma_semaphore, #tpu.memory_space<semaphore_mem>>)
      %dma_wait3A_359 = arith.constant 0 : i32
      %dma_wait3A_360 = arith.constant 0 : i32
      %dma_wait3A_361 = tpu.memref_slice %arg28[%arg1, %dma_wait3A_359, %dma_wait3A_360] : memref<16x8x128xf32, #tpu.memory_space<vmem_shared>> -> memref<1x8x128xf32, #tpu.memory_space<vmem_shared>>
      %dma_wait3A_362 = tpu.memref_squeeze %dma_wait3A_361 : memref<1x8x128xf32, #tpu.memory_space<vmem_shared>> -> memref<8x128xf32, #tpu.memory_space<vmem_shared>>
      %dma_wait3A_363 = arith.constant 0 : i32
      %dma_wait3A_364 = arith.constant 0 : i32
      %dma_wait3A_365 = tpu.memref_slice %arg28[%arg1, %dma_wait3A_363, %dma_wait3A_364] : memref<16x8x128xf32, #tpu.memory_space<vmem_shared>> -> memref<1x8x128xf32, #tpu.memory_space<vmem_shared>>
      %dma_wait3A_366 = tpu.memref_squeeze %dma_wait3A_365 : memref<1x8x128xf32, #tpu.memory_space<vmem_shared>> -> memref<8x128xf32, #tpu.memory_space<vmem_shared>>
      tpu.wait_dma2 semaphore(%run_scoped3A : memref<!tpu.dma_semaphore, #tpu.memory_space<semaphore_mem>>) src(%arg20 : memref<8x128xf32, #tpu.memory_space<vmem>>) dst(%dma_wait3A_366 : memref<8x128xf32, #tpu.memory_space<vmem_shared>>)
      tpu.yield
    }) : () -> ()
    %mul3A_290 = arith.constant 32 : i32
    %mul3A_291 = arith.muli %add3A, %mul3A_290 : i32
    %dma_start3A = arith.constant 0 : i32
    %dma_start3A_292 = arith.constant 0 : i32
    %dma_start3A_293 = tpu.memref_slice %arg17[%dma_start3A, %dma_start3A_292] : memref<128x128xf32, #tpu.memory_space<vmem>> -> memref<32x128xf32, #tpu.memory_space<vmem>>
    %dma_start3A_294 = tpu.memref_slice %arg13[%mul3A_291] : memref<1024xi32, #tpu.memory_space<vmem>> -> memref<32xi32, #tpu.memory_space<vmem>>
    %dma_start3A_295 = arith.constant 0 : i32
    %dma_start3A_296 = arith.constant 0 : i32
    %dma_start3A_297 = tpu.memref_slice %arg26[%dma_start3A_295, %dma_start3A_296] : memref<10000x128xf32, #tpu.memory_space<vmem_shared>> -> memref<10000x128xf32, #tpu.memory_space<vmem_shared>>
    tpu.enqueue_indirect_dma source(%dma_start3A_297 : memref<10000x128xf32, #tpu.memory_space<vmem_shared>>) target(%dma_start3A_293 : memref<32x128xf32, #tpu.memory_space<vmem>>) offsets(%dma_start3A_294 : memref<32xi32, #tpu.memory_space<vmem>>) semaphore(%arg30 : memref<!tpu.dma_semaphore, #tpu.memory_space<semaphore_mem>>)
    %dma_wait3A = arith.constant 0 : i32
    %dma_wait3A_298 = arith.constant 0 : i32
    %dma_wait3A_299 = tpu.memref_slice %arg17[%dma_wait3A, %dma_wait3A_298] : memref<128x128xf32, #tpu.memory_space<vmem>> -> memref<32x128xf32, #tpu.memory_space<vmem>>
    %dma_wait3A_300 = tpu.memref_slice %arg13[%mul3A_291] : memref<1024xi32, #tpu.memory_space<vmem>> -> memref<32xi32, #tpu.memory_space<vmem>>
    %dma_wait3A_301 = arith.constant 0 : i32
    %dma_wait3A_302 = arith.constant 0 : i32
    %dma_wait3A_303 = tpu.memref_slice %arg26[%dma_wait3A_301, %dma_wait3A_302] : memref<10000x128xf32, #tpu.memory_space<vmem_shared>> -> memref<10000x128xf32, #tpu.memory_space<vmem_shared>>
    tpu.wait_indirect_dma semaphore(%arg30 : memref<!tpu.dma_semaphore, #tpu.memory_space<semaphore_mem>>) src(%dma_wait3A_303 : memref<10000x128xf32, #tpu.memory_space<vmem_shared>>) dst(%dma_wait3A_299 : memref<32x128xf32, #tpu.memory_space<vmem>>)
    %mul3A_304 = arith.constant 32 : i32
    %mul3A_305 = arith.muli %add3A, %mul3A_304 : i32
    "tpu.region"() ({
      %run_scoped3A = tpu.sem_alloc : memref<!tpu.dma_semaphore, #tpu.memory_space<semaphore_mem>>
      %dma_start3A_351 = arith.constant 0 : i32
      %dma_start3A_352 = arith.constant 0 : i32
      %dma_start3A_353 = tpu.memref_slice %arg17[%dma_start3A_351, %dma_start3A_352] : memref<128x128xf32, #tpu.memory_space<vmem>> -> memref<32x128xf32, #tpu.memory_space<vmem>>
      %dma_start3A_354 = arith.constant 0 : i32
      %dma_start3A_355 = tpu.memref_slice %arg11[%mul3A_305, %dma_start3A_354] : memref<1024x128xf32, #tpu.memory_space<hbm>> -> memref<32x128xf32, #tpu.memory_space<hbm>>
      %dma_start3A_356 = arith.constant 0 : i32
      %dma_start3A_357 = tpu.memref_slice %arg11[%mul3A_305, %dma_start3A_356] : memref<1024x128xf32, #tpu.memory_space<hbm>> -> memref<32x128xf32, #tpu.memory_space<hbm>>
      %dma_start3A_358 = arith.constant 0 : i32
      %dma_start3A_359 = arith.constant 0 : i32
      %dma_start3A_360 = tpu.memref_slice %arg17[%dma_start3A_358, %dma_start3A_359] : memref<128x128xf32, #tpu.memory_space<vmem>> -> memref<32x128xf32, #tpu.memory_space<vmem>>
      tpu.enqueue_dma source(%dma_start3A_360 : memref<32x128xf32, #tpu.memory_space<vmem>>) target(%dma_start3A_357 : memref<32x128xf32, #tpu.memory_space<hbm>>) target_semaphore(%run_scoped3A : memref<!tpu.dma_semaphore, #tpu.memory_space<semaphore_mem>>)
      %dma_wait3A_361 = arith.constant 0 : i32
      %dma_wait3A_362 = arith.constant 0 : i32
      %dma_wait3A_363 = tpu.memref_slice %arg17[%dma_wait3A_361, %dma_wait3A_362] : memref<128x128xf32, #tpu.memory_space<vmem>> -> memref<32x128xf32, #tpu.memory_space<vmem>>
      %dma_wait3A_364 = arith.constant 0 : i32
      %dma_wait3A_365 = tpu.memref_slice %arg11[%mul3A_305, %dma_wait3A_364] : memref<1024x128xf32, #tpu.memory_space<hbm>> -> memref<32x128xf32, #tpu.memory_space<hbm>>
      %dma_wait3A_366 = arith.constant 0 : i32
      %dma_wait3A_367 = tpu.memref_slice %arg11[%mul3A_305, %dma_wait3A_366] : memref<1024x128xf32, #tpu.memory_space<hbm>> -> memref<32x128xf32, #tpu.memory_space<hbm>>
      %dma_wait3A_368 = arith.constant 0 : i32
      %dma_wait3A_369 = arith.constant 0 : i32
      %dma_wait3A_370 = tpu.memref_slice %arg17[%dma_wait3A_368, %dma_wait3A_369] : memref<128x128xf32, #tpu.memory_space<vmem>> -> memref<32x128xf32, #tpu.memory_space<vmem>>
      tpu.wait_dma2 semaphore(%run_scoped3A : memref<!tpu.dma_semaphore, #tpu.memory_space<semaphore_mem>>) src(%dma_wait3A_370 : memref<32x128xf32, #tpu.memory_space<vmem>>) dst(%dma_wait3A_367 : memref<32x128xf32, #tpu.memory_space<hbm>>)
      tpu.yield
    }) : () -> ()
    %barrier3A_306 = arith.constant 0 : index
    tpu.barrier barrier_id(%barrier3A_306)
    %shift_right_logical3A_307 = arith.constant 1 : i32
    %shift_right_logical3A_308 = arith.shrui %arg1, %shift_right_logical3A_307 : i32
    %and3A_309 = arith.constant 1 : i32
    %and3A_310 = arith.andi %arg1, %and3A_309 : i32
    %mul3A_311 = arith.constant 64 : i32
    %mul3A_312 = arith.muli %and3A_310, %mul3A_311 : i32
    "tpu.region"() ({
      %run_scoped3A = tpu.sem_alloc : memref<!tpu.dma_semaphore, #tpu.memory_space<semaphore_mem>>
      %dma_start3A_351 = arith.constant 0 : i32
      %dma_start3A_352 = arith.constant 0 : i32
      %dma_start3A_353 = tpu.memref_slice %arg28[%dma_start3A_351, %shift_right_logical3A_308, %dma_start3A_352] : memref<16x8x128xf32, #tpu.memory_space<vmem_shared>> -> memref<16x1x128xf32, #tpu.memory_space<vmem_shared>>
      %dma_start3A_354 = tpu.memref_squeeze %dma_start3A_353 : memref<16x1x128xf32, #tpu.memory_space<vmem_shared>> -> memref<16x128xf32, #tpu.memory_space<vmem_shared>>
      %dma_start3A_355 = arith.constant 0 : i32
      %dma_start3A_356 = arith.constant 0 : i32
      %dma_start3A_357 = tpu.memref_slice %arg28[%dma_start3A_355, %shift_right_logical3A_308, %dma_start3A_356] : memref<16x8x128xf32, #tpu.memory_space<vmem_shared>> -> memref<16x1x128xf32, #tpu.memory_space<vmem_shared>>
      %dma_start3A_358 = tpu.memref_squeeze %dma_start3A_357 : memref<16x1x128xf32, #tpu.memory_space<vmem_shared>> -> memref<16x128xf32, #tpu.memory_space<vmem_shared>>
      tpu.enqueue_dma source(%dma_start3A_358 : memref<16x128xf32, #tpu.memory_space<vmem_shared>>) target(%arg21 : memref<16x128xf32, #tpu.memory_space<vmem>>) target_semaphore(%run_scoped3A : memref<!tpu.dma_semaphore, #tpu.memory_space<semaphore_mem>>)
      %dma_wait3A_359 = arith.constant 0 : i32
      %dma_wait3A_360 = arith.constant 0 : i32
      %dma_wait3A_361 = tpu.memref_slice %arg28[%dma_wait3A_359, %shift_right_logical3A_308, %dma_wait3A_360] : memref<16x8x128xf32, #tpu.memory_space<vmem_shared>> -> memref<16x1x128xf32, #tpu.memory_space<vmem_shared>>
      %dma_wait3A_362 = tpu.memref_squeeze %dma_wait3A_361 : memref<16x1x128xf32, #tpu.memory_space<vmem_shared>> -> memref<16x128xf32, #tpu.memory_space<vmem_shared>>
      %dma_wait3A_363 = arith.constant 0 : i32
      %dma_wait3A_364 = arith.constant 0 : i32
      %dma_wait3A_365 = tpu.memref_slice %arg28[%dma_wait3A_363, %shift_right_logical3A_308, %dma_wait3A_364] : memref<16x8x128xf32, #tpu.memory_space<vmem_shared>> -> memref<16x1x128xf32, #tpu.memory_space<vmem_shared>>
      %dma_wait3A_366 = tpu.memref_squeeze %dma_wait3A_365 : memref<16x1x128xf32, #tpu.memory_space<vmem_shared>> -> memref<16x128xf32, #tpu.memory_space<vmem_shared>>
      tpu.wait_dma2 semaphore(%run_scoped3A : memref<!tpu.dma_semaphore, #tpu.memory_space<semaphore_mem>>) src(%dma_wait3A_366 : memref<16x128xf32, #tpu.memory_space<vmem_shared>>) dst(%arg21 : memref<16x128xf32, #tpu.memory_space<vmem>>)
      tpu.yield
    }) : () -> ()
    %broadcast_in_dim3A_313 = arith.constant 0.000000e+00 : f32
    %broadcast_in_dim3A_314 = vector.broadcast %broadcast_in_dim3A_313 : f32 to vector<16xf32>
    %scan3A_315 = arith.constant 0 : i32
    %scan3A_316 = arith.constant 16 : i32
    %scan3A_317 = arith.addi %scan3A_315, %scan3A_316 : i32
    %scan3A_318 = arith.constant 1 : i32
    %scan3A_319:4 = scf.for %scan3A_351 = %scan3A_315 to %scan3A_317 step %scan3A_318 iter_args(%scan3A_352 = %broadcast_in_dim3A_314, %scan3A_353 = %broadcast_in_dim3A_314, %scan3A_354 = %broadcast_in_dim3A_314, %scan3A_355 = %broadcast_in_dim3A_314) -> (vector<16xf32>, vector<16xf32>, vector<16xf32>, vector<16xf32>)  : i32 {
      %get3A = arith.index_cast %scan3A_351 : i32 to index
      %get3A_356 = arith.index_cast %mul3A_312 : i32 to index
      %get3A_357 = tpu.vector_load %arg21[%get3A, %get3A_356] {strides = array<i32>} : memref<16x128xf32, #tpu.memory_space<vmem>>, vector<16xf32>,
      %add3A_358 = arith.addf %scan3A_352, %get3A_357 : vector<16xf32>
      %add3A_359 = arith.constant 16 : i32
      %add3A_360 = arith.addi %mul3A_312, %add3A_359 : i32
      %get3A_361 = arith.index_cast %scan3A_351 : i32 to index
      %get3A_362 = arith.index_cast %add3A_360 : i32 to index
      %get3A_363 = tpu.vector_load %arg21[%get3A_361, %get3A_362] {strides = array<i32>} : memref<16x128xf32, #tpu.memory_space<vmem>>, vector<16xf32>,
      %add3A_364 = arith.addf %scan3A_353, %get3A_363 : vector<16xf32>
      %add3A_365 = arith.constant 32 : i32
      %add3A_366 = arith.addi %mul3A_312, %add3A_365 : i32
      %get3A_367 = arith.index_cast %scan3A_351 : i32 to index
      %get3A_368 = arith.index_cast %add3A_366 : i32 to index
      %get3A_369 = tpu.vector_load %arg21[%get3A_367, %get3A_368] {strides = array<i32>} : memref<16x128xf32, #tpu.memory_space<vmem>>, vector<16xf32>,
      %add3A_370 = arith.addf %scan3A_354, %get3A_369 : vector<16xf32>
      %add3A_371 = arith.constant 48 : i32
      %add3A_372 = arith.addi %mul3A_312, %add3A_371 : i32
      %get3A_373 = arith.index_cast %scan3A_351 : i32 to index
      %get3A_374 = arith.index_cast %add3A_372 : i32 to index
      %get3A_375 = tpu.vector_load %arg21[%get3A_373, %get3A_374] {strides = array<i32>} : memref<16x128xf32, #tpu.memory_space<vmem>>, vector<16xf32>,
      %add3A_376 = arith.addf %scan3A_355, %get3A_375 : vector<16xf32>
      scf.yield %add3A_358, %add3A_364, %add3A_370, %add3A_376 : vector<16xf32>, vector<16xf32>, vector<16xf32>, vector<16xf32>
    }
    %scan3A_320 = arith.constant 16 : i32
    %swap3A = arith.constant 0 : index
    %swap3A_321 = tpu.vector_load %arg22[%swap3A] {strides = array<i32>} : memref<64xf32, #tpu.memory_space<vmem>>, vector<16xf32>,
    tpu.vector_store %arg22[%swap3A], %scan3A_319#0 {strides = array<i32>} : memref<64xf32, #tpu.memory_space<vmem>>, vector<16xf32>,
    %swap3A_322 = arith.constant 16 : index
    %swap3A_323 = tpu.vector_load %arg22[%swap3A_322] {strides = array<i32>} : memref<64xf32, #tpu.memory_space<vmem>>, vector<16xf32>,
    tpu.vector_store %arg22[%swap3A_322], %scan3A_319#1 {strides = array<i32>} : memref<64xf32, #tpu.memory_space<vmem>>, vector<16xf32>,
    %swap3A_324 = arith.constant 32 : index
    %swap3A_325 = tpu.vector_load %arg22[%swap3A_324] {strides = array<i32>} : memref<64xf32, #tpu.memory_space<vmem>>, vector<16xf32>,
    tpu.vector_store %arg22[%swap3A_324], %scan3A_319#2 {strides = array<i32>} : memref<64xf32, #tpu.memory_space<vmem>>, vector<16xf32>,
    %swap3A_326 = arith.constant 48 : index
    %swap3A_327 = tpu.vector_load %arg22[%swap3A_326] {strides = array<i32>} : memref<64xf32, #tpu.memory_space<vmem>>, vector<16xf32>,
    tpu.vector_store %arg22[%swap3A_326], %scan3A_319#3 {strides = array<i32>} : memref<64xf32, #tpu.memory_space<vmem>>, vector<16xf32>,
    "tpu.region"() ({
      %run_scoped3A = tpu.sem_alloc : memref<!tpu.dma_semaphore, #tpu.memory_space<semaphore_mem>>
      %dma_start3A_351 = tpu.memref_slice %arg29[%shift_right_logical3A_308, %mul3A_312] : memref<8x128xf32, #tpu.memory_space<vmem_shared>> -> memref<1x64xf32, #tpu.memory_space<vmem_shared>>
      %dma_start3A_352 = tpu.memref_squeeze %dma_start3A_351 : memref<1x64xf32, #tpu.memory_space<vmem_shared>> -> memref<64xf32, #tpu.memory_space<vmem_shared>>
      %dma_start3A_353 = tpu.memref_slice %arg29[%shift_right_logical3A_308, %mul3A_312] : memref<8x128xf32, #tpu.memory_space<vmem_shared>> -> memref<1x64xf32, #tpu.memory_space<vmem_shared>>
      %dma_start3A_354 = tpu.memref_squeeze %dma_start3A_353 : memref<1x64xf32, #tpu.memory_space<vmem_shared>> -> memref<64xf32, #tpu.memory_space<vmem_shared>>
      tpu.enqueue_dma source(%arg22 : memref<64xf32, #tpu.memory_space<vmem>>) target(%dma_start3A_354 : memref<64xf32, #tpu.memory_space<vmem_shared>>) target_semaphore(%run_scoped3A : memref<!tpu.dma_semaphore, #tpu.memory_space<semaphore_mem>>)
      %dma_wait3A_355 = tpu.memref_slice %arg29[%shift_right_logical3A_308, %mul3A_312] : memref<8x128xf32, #tpu.memory_space<vmem_shared>> -> memref<1x64xf32, #tpu.memory_space<vmem_shared>>
      %dma_wait3A_356 = tpu.memref_squeeze %dma_wait3A_355 : memref<1x64xf32, #tpu.memory_space<vmem_shared>> -> memref<64xf32, #tpu.memory_space<vmem_shared>>
      %dma_wait3A_357 = tpu.memref_slice %arg29[%shift_right_logical3A_308, %mul3A_312] : memref<8x128xf32, #tpu.memory_space<vmem_shared>> -> memref<1x64xf32, #tpu.memory_space<vmem_shared>>
      %dma_wait3A_358 = tpu.memref_squeeze %dma_wait3A_357 : memref<1x64xf32, #tpu.memory_space<vmem_shared>> -> memref<64xf32, #tpu.memory_space<vmem_shared>>
      tpu.wait_dma2 semaphore(%run_scoped3A : memref<!tpu.dma_semaphore, #tpu.memory_space<semaphore_mem>>) src(%arg22 : memref<64xf32, #tpu.memory_space<vmem>>) dst(%dma_wait3A_358 : memref<64xf32, #tpu.memory_space<vmem_shared>>)
      tpu.yield
    }) : () -> ()
    %barrier3A_328 = arith.constant 0 : index
    tpu.barrier barrier_id(%barrier3A_328)
    "tpu.region"() ({
      %run_scoped3A = tpu.sem_alloc : memref<!tpu.dma_semaphore, #tpu.memory_space<semaphore_mem>>
      tpu.enqueue_dma source(%arg29 : memref<8x128xf32, #tpu.memory_space<vmem_shared>>) target(%arg23 : memref<8x128xf32, #tpu.memory_space<vmem>>) target_semaphore(%run_scoped3A : memref<!tpu.dma_semaphore, #tpu.memory_space<semaphore_mem>>)
      tpu.wait_dma2 semaphore(%run_scoped3A : memref<!tpu.dma_semaphore, #tpu.memory_space<semaphore_mem>>) src(%arg29 : memref<8x128xf32, #tpu.memory_space<vmem_shared>>) dst(%arg23 : memref<8x128xf32, #tpu.memory_space<vmem>>)
      tpu.yield
    }) : () -> ()
    %scan3A_329 = arith.constant 0 : i32
    %scan3A_330 = arith.constant 0 : i32
    %scan3A_331 = arith.constant 4 : i32
    %scan3A_332 = arith.addi %scan3A_330, %scan3A_331 : i32
    %scan3A_333 = arith.constant 1 : i32
    scf.for %scan3A_351 = %scan3A_330 to %scan3A_332 step %scan3A_333  : i32 {
      %mul3A_352 = arith.constant 64 : i32
      %mul3A_353 = arith.muli %arg1, %mul3A_352 : i32
      %mul3A_354 = arith.constant 16 : i32
      %mul3A_355 = arith.muli %scan3A_351, %mul3A_354 : i32
      %add3A_356 = arith.addi %mul3A_353, %mul3A_355 : i32
      %get3A = arith.index_cast %add3A_356 : i32 to index
      %get3A_357 = tpu.vector_load %arg13[%get3A] {strides = array<i32>} : memref<1024xi32, #tpu.memory_space<vmem>>, vector<16xi32>,
      %gather3A = tpu.vector_load_idx %arg12[%get3A_357] : memref<10000xi32, #tpu.memory_space<vmem>>[vector<16xi32>], vector<16xi32>,
      %mul3A_358 = arith.constant 16 : i32
      %mul3A_359 = arith.muli %scan3A_351, %mul3A_358 : i32
      %swap3A_360 = arith.index_cast %mul3A_359 : i32 to index
      %swap3A_361 = tpu.vector_load %arg24[%swap3A_360] {strides = array<i32>} : memref<64xi32, #tpu.memory_space<vmem>>, vector<16xi32>,
      tpu.vector_store %arg24[%swap3A_360], %gather3A {strides = array<i32>} : memref<64xi32, #tpu.memory_space<vmem>>, vector<16xi32>,
      %shift_right_logical3A_362 = arith.constant 7 : i32
      %shift_right_logical3A_363 = vector.broadcast %shift_right_logical3A_362 : i32 to vector<16xi32>
      %shift_right_logical3A_364 = arith.shrui %gather3A, %shift_right_logical3A_363 : vector<16xi32>
      %and3A_365 = arith.constant 127 : i32
      %and3A_366 = vector.broadcast %and3A_365 : i32 to vector<16xi32>
      %and3A_367 = arith.andi %gather3A, %and3A_366 : vector<16xi32>
      %gather3A_368 = tpu.vector_load_idx %arg23[%shift_right_logical3A_364, %and3A_367] : memref<8x128xf32, #tpu.memory_space<vmem>>[vector<16xi32>, vector<16xi32>], vector<16xf32>,
      %mul3A_369 = arith.constant 16 : i32
      %mul3A_370 = arith.muli %scan3A_351, %mul3A_369 : i32
      %swap3A_371 = arith.index_cast %mul3A_370 : i32 to index
      %swap3A_372 = tpu.vector_load %arg25[%swap3A_371] {strides = array<i32>} : memref<64xf32, #tpu.memory_space<vmem>>, vector<16xf32>,
      tpu.vector_store %arg25[%swap3A_371], %gather3A_368 {strides = array<i32>} : memref<64xf32, #tpu.memory_space<vmem>>, vector<16xf32>,
    }
    %scan3A_334 = arith.constant 4 : i32
    %dma_start3A_335 = arith.constant 0 : i32
    %dma_start3A_336 = arith.constant 0 : i32
    %dma_start3A_337 = tpu.memref_slice %arg17[%dma_start3A_335, %dma_start3A_336] : memref<128x128xf32, #tpu.memory_space<vmem>> -> memref<64x128xf32, #tpu.memory_space<vmem>>
    %dma_start3A_338 = arith.constant 0 : i32
    %dma_start3A_339 = arith.constant 0 : i32
    %dma_start3A_340 = tpu.memref_slice %arg27[%dma_start3A_338, %dma_start3A_339] : memref<1152x128xf32, #tpu.memory_space<vmem_shared>> -> memref<1152x128xf32, #tpu.memory_space<vmem_shared>>
    tpu.enqueue_indirect_dma source(%dma_start3A_340 : memref<1152x128xf32, #tpu.memory_space<vmem_shared>>) target(%dma_start3A_337 : memref<64x128xf32, #tpu.memory_space<vmem>>) offsets(%arg24 : memref<64xi32, #tpu.memory_space<vmem>>) semaphore(%arg30 : memref<!tpu.dma_semaphore, #tpu.memory_space<semaphore_mem>>)
    %dma_wait3A_341 = arith.constant 0 : i32
    %dma_wait3A_342 = arith.constant 0 : i32
    %dma_wait3A_343 = tpu.memref_slice %arg17[%dma_wait3A_341, %dma_wait3A_342] : memref<128x128xf32, #tpu.memory_space<vmem>> -> memref<64x128xf32, #tpu.memory_space<vmem>>
    %dma_wait3A_344 = arith.constant 0 : i32
    %dma_wait3A_345 = arith.constant 0 : i32
    %dma_wait3A_346 = tpu.memref_slice %arg27[%dma_wait3A_344, %dma_wait3A_345] : memref<1152x128xf32, #tpu.memory_space<vmem_shared>> -> memref<1152x128xf32, #tpu.memory_space<vmem_shared>>
    tpu.wait_indirect_dma semaphore(%arg30 : memref<!tpu.dma_semaphore, #tpu.memory_space<semaphore_mem>>) src(%dma_wait3A_346 : memref<1152x128xf32, #tpu.memory_space<vmem_shared>>) dst(%dma_wait3A_343 : memref<64x128xf32, #tpu.memory_space<vmem>>)
    %mul3A_347 = arith.constant 64 : i32
    %mul3A_348 = arith.muli %arg1, %mul3A_347 : i32
    "tpu.region"() ({
      %run_scoped3A = tpu.sem_alloc : memref<!tpu.dma_semaphore, #tpu.memory_space<semaphore_mem>>
      %dma_start3A_351 = arith.constant 0 : i32
      %dma_start3A_352 = arith.constant 0 : i32
      %dma_start3A_353 = tpu.memref_slice %arg17[%dma_start3A_351, %dma_start3A_352] : memref<128x128xf32, #tpu.memory_space<vmem>> -> memref<64x128xf32, #tpu.memory_space<vmem>>
      %dma_start3A_354 = arith.constant 0 : i32
      %dma_start3A_355 = tpu.memref_slice %arg9[%arg0, %mul3A_348, %dma_start3A_354] : memref<2x1024x128xf32, #tpu.memory_space<hbm>> -> memref<1x64x128xf32, #tpu.memory_space<hbm>>
      %dma_start3A_356 = tpu.memref_squeeze %dma_start3A_355 : memref<1x64x128xf32, #tpu.memory_space<hbm>> -> memref<64x128xf32, #tpu.memory_space<hbm>>
      %dma_start3A_357 = arith.constant 0 : i32
      %dma_start3A_358 = tpu.memref_slice %arg9[%arg0, %mul3A_348, %dma_start3A_357] : memref<2x1024x128xf32, #tpu.memory_space<hbm>> -> memref<1x64x128xf32, #tpu.memory_space<hbm>>
      %dma_start3A_359 = tpu.memref_squeeze %dma_start3A_358 : memref<1x64x128xf32, #tpu.memory_space<hbm>> -> memref<64x128xf32, #tpu.memory_space<hbm>>
      %dma_start3A_360 = arith.constant 0 : i32
      %dma_start3A_361 = arith.constant 0 : i32
      %dma_start3A_362 = tpu.memref_slice %arg17[%dma_start3A_360, %dma_start3A_361] : memref<128x128xf32, #tpu.memory_space<vmem>> -> memref<64x128xf32, #tpu.memory_space<vmem>>
      tpu.enqueue_dma source(%dma_start3A_362 : memref<64x128xf32, #tpu.memory_space<vmem>>) target(%dma_start3A_359 : memref<64x128xf32, #tpu.memory_space<hbm>>) target_semaphore(%run_scoped3A : memref<!tpu.dma_semaphore, #tpu.memory_space<semaphore_mem>>)
      %dma_wait3A_363 = arith.constant 0 : i32
      %dma_wait3A_364 = arith.constant 0 : i32
      %dma_wait3A_365 = tpu.memref_slice %arg17[%dma_wait3A_363, %dma_wait3A_364] : memref<128x128xf32, #tpu.memory_space<vmem>> -> memref<64x128xf32, #tpu.memory_space<vmem>>
      %dma_wait3A_366 = arith.constant 0 : i32
      %dma_wait3A_367 = tpu.memref_slice %arg9[%arg0, %mul3A_348, %dma_wait3A_366] : memref<2x1024x128xf32, #tpu.memory_space<hbm>> -> memref<1x64x128xf32, #tpu.memory_space<hbm>>
      %dma_wait3A_368 = tpu.memref_squeeze %dma_wait3A_367 : memref<1x64x128xf32, #tpu.memory_space<hbm>> -> memref<64x128xf32, #tpu.memory_space<hbm>>
      %dma_wait3A_369 = arith.constant 0 : i32
      %dma_wait3A_370 = tpu.memref_slice %arg9[%arg0, %mul3A_348, %dma_wait3A_369] : memref<2x1024x128xf32, #tpu.memory_space<hbm>> -> memref<1x64x128xf32, #tpu.memory_space<hbm>>
      %dma_wait3A_371 = tpu.memref_squeeze %dma_wait3A_370 : memref<1x64x128xf32, #tpu.memory_space<hbm>> -> memref<64x128xf32, #tpu.memory_space<hbm>>
      %dma_wait3A_372 = arith.constant 0 : i32
      %dma_wait3A_373 = arith.constant 0 : i32
      %dma_wait3A_374 = tpu.memref_slice %arg17[%dma_wait3A_372, %dma_wait3A_373] : memref<128x128xf32, #tpu.memory_space<vmem>> -> memref<64x128xf32, #tpu.memory_space<vmem>>
      tpu.wait_dma2 semaphore(%run_scoped3A : memref<!tpu.dma_semaphore, #tpu.memory_space<semaphore_mem>>) src(%dma_wait3A_374 : memref<64x128xf32, #tpu.memory_space<vmem>>) dst(%dma_wait3A_371 : memref<64x128xf32, #tpu.memory_space<hbm>>)
      tpu.yield
    }) : () -> ()
    %mul3A_349 = arith.constant 64 : i32
    %mul3A_350 = arith.muli %arg1, %mul3A_349 : i32
    "tpu.region"() ({
      %run_scoped3A = tpu.sem_alloc : memref<!tpu.dma_semaphore, #tpu.memory_space<semaphore_mem>>
      %dma_start3A_351 = tpu.memref_slice %arg10[%arg0, %mul3A_350] : memref<2x1024xf32, #tpu.memory_space<hbm>> -> memref<1x64xf32, #tpu.memory_space<hbm>>
      %dma_start3A_352 = tpu.memref_squeeze %dma_start3A_351 : memref<1x64xf32, #tpu.memory_space<hbm>> -> memref<64xf32, #tpu.memory_space<hbm>>
      %dma_start3A_353 = tpu.memref_slice %arg10[%arg0, %mul3A_350] : memref<2x1024xf32, #tpu.memory_space<hbm>> -> memref<1x64xf32, #tpu.memory_space<hbm>>
      %dma_start3A_354 = tpu.memref_squeeze %dma_start3A_353 : memref<1x64xf32, #tpu.memory_space<hbm>> -> memref<64xf32, #tpu.memory_space<hbm>>
      tpu.enqueue_dma source(%arg25 : memref<64xf32, #tpu.memory_space<vmem>>) target(%dma_start3A_354 : memref<64xf32, #tpu.memory_space<hbm>>) target_semaphore(%run_scoped3A : memref<!tpu.dma_semaphore, #tpu.memory_space<semaphore_mem>>)
      %dma_wait3A_355 = tpu.memref_slice %arg10[%arg0, %mul3A_350] : memref<2x1024xf32, #tpu.memory_space<hbm>> -> memref<1x64xf32, #tpu.memory_space<hbm>>
      %dma_wait3A_356 = tpu.memref_squeeze %dma_wait3A_355 : memref<1x64xf32, #tpu.memory_space<hbm>> -> memref<64xf32, #tpu.memory_space<hbm>>
      %dma_wait3A_357 = tpu.memref_slice %arg10[%arg0, %mul3A_350] : memref<2x1024xf32, #tpu.memory_space<hbm>> -> memref<1x64xf32, #tpu.memory_space<hbm>>
      %dma_wait3A_358 = tpu.memref_squeeze %dma_wait3A_357 : memref<1x64xf32, #tpu.memory_space<hbm>> -> memref<64xf32, #tpu.memory_space<hbm>>
      tpu.wait_dma2 semaphore(%run_scoped3A : memref<!tpu.dma_semaphore, #tpu.memory_space<semaphore_mem>>) src(%arg25 : memref<64xf32, #tpu.memory_space<vmem>>) dst(%dma_wait3A_358 : memref<64xf32, #tpu.memory_space<hbm>>)
      tpu.yield
    }) : () -> ()
    return
  }
}

module attributes {stable_mosaic.version = 14 : i64} {
  func.func @_tc_body(%arg0: memref<2x1024x128xf32, #tpu.memory_space<vmem>>, %arg1: memref<2x1024xf32, #tpu.memory_space<vmem>>, %arg2: memref<1024x128xf32, #tpu.memory_space<vmem>>, %arg3: memref<128x256xf32, #tpu.memory_space<vmem>>, %arg4: memref<40x128xf32, #tpu.memory_space<vmem>>, %arg5: memref<1x40xf32, #tpu.memory_space<vmem>>, %arg6: memref<1024x40xf32, #tpu.memory_space<vmem>>) attributes {dimension_semantics = [], scalar_prefetch = 0 : i64, scratch_operands = 0 : i64, tpu.core_type = #tpu.core_type<tc>} {
    %get3A = arith.constant 0 : index
    %get3A_0 = arith.constant 0 : index
    %get3A_1 = arith.constant 0 : index
    %get3A_2 = vector.load %arg0[%get3A, %get3A_0, %get3A_1] : memref<2x1024x128xf32, #tpu.memory_space<vmem>>, vector<1x1024x128xf32>
    %get3A_3 = vector.shape_cast %get3A_2 : vector<1x1024x128xf32> to vector<1024x128xf32>
    %get3A_4 = arith.constant 1 : index
    %get3A_5 = arith.constant 0 : index
    %get3A_6 = arith.constant 0 : index
    %get3A_7 = vector.load %arg0[%get3A_4, %get3A_5, %get3A_6] : memref<2x1024x128xf32, #tpu.memory_space<vmem>>, vector<1x1024x128xf32>
    %get3A_8 = vector.shape_cast %get3A_7 : vector<1x1024x128xf32> to vector<1024x128xf32>
    %add3A = arith.addf %get3A_3, %get3A_8 : vector<1024x128xf32>
    %get3A_9 = arith.constant 0 : index
    %get3A_10 = arith.constant 0 : index
    %get3A_11 = vector.load %arg1[%get3A_9, %get3A_10] : memref<2x1024xf32, #tpu.memory_space<vmem>>, vector<1x1024xf32>
    %get3A_12 = vector.shape_cast %get3A_11 : vector<1x1024xf32> to vector<1024xf32>
    %get3A_13 = arith.constant 1 : index
    %get3A_14 = arith.constant 0 : index
    %get3A_15 = vector.load %arg1[%get3A_13, %get3A_14] : memref<2x1024xf32, #tpu.memory_space<vmem>>, vector<1x1024xf32>
    %get3A_16 = vector.shape_cast %get3A_15 : vector<1x1024xf32> to vector<1024xf32>
    %add3A_17 = arith.addf %get3A_12, %get3A_16 : vector<1024xf32>
    %max3A = arith.constant 1.000000e+00 : f32
    %max3A_18 = vector.broadcast %max3A : f32 to vector<1024xf32>
    %max3A_19 = arith.maximumf %add3A_17, %max3A_18 : vector<1024xf32>
    %broadcast_in_dim3A = vector.shape_cast %max3A_19 : vector<1024xf32> to vector<1024x1xf32>
    %div3A = vector.broadcast %broadcast_in_dim3A : vector<1024x1xf32> to vector<1024x128xf32>
    %div3A_20 = arith.divf %add3A, %div3A : vector<1024x128xf32>
    %get3A_21 = arith.constant 0 : index
    %get3A_22 = arith.constant 0 : index
    %get3A_23 = vector.load %arg3[%get3A_21, %get3A_22] : memref<128x256xf32, #tpu.memory_space<vmem>>, vector<128x128xf32>
    %get3A_24 = arith.constant 0 : index
    %get3A_25 = arith.constant 128 : index
    %get3A_26 = vector.load %arg3[%get3A_24, %get3A_25] : memref<128x256xf32, #tpu.memory_space<vmem>>, vector<128x128xf32>
    %get3A_27 = arith.constant 0 : index
    %get3A_28 = arith.constant 0 : index
    %get3A_29 = vector.load %arg2[%get3A_27, %get3A_28] : memref<1024x128xf32, #tpu.memory_space<vmem>>, vector<1024x128xf32>
    %dot_general3A = arith.constant dense<0.000000e+00> : vector<1024x128xf32>
    %dot_general3A_30 = tpu.matmul %get3A_29, %get3A_23, %dot_general3A {dimension_numbers = #tpu.dot_dimension_numbers<[1], [1], [0], [0], [0, 0, 1, 0], [], []>, transpose_lhs_hint = false} : vector<1024x128xf32>, vector<128x128xf32>, vector<1024x128xf32> -> vector<1024x128xf32>
    %dot_general3A_31 = arith.constant dense<0.000000e+00> : vector<1024x128xf32>
    %dot_general3A_32 = tpu.matmul %div3A_20, %get3A_26, %dot_general3A_31 {dimension_numbers = #tpu.dot_dimension_numbers<[1], [1], [0], [0], [0, 0, 1, 0], [], []>, transpose_lhs_hint = false} : vector<1024x128xf32>, vector<128x128xf32>, vector<1024x128xf32> -> vector<1024x128xf32>
    %add3A_33 = arith.addf %dot_general3A_30, %dot_general3A_32 : vector<1024x128xf32>
    %max3A_34 = arith.constant 0.000000e+00 : f32
    %max3A_35 = vector.broadcast %max3A_34 : f32 to vector<1024x128xf32>
    %max3A_36 = arith.maximumf %add3A_33, %max3A_35 : vector<1024x128xf32>
    %get3A_37 = arith.constant 0 : index
    %get3A_38 = arith.constant 0 : index
    %get3A_39 = vector.load %arg4[%get3A_37, %get3A_38] : memref<40x128xf32, #tpu.memory_space<vmem>>, vector<40x128xf32>
    %dot_general3A_40 = arith.constant dense<0.000000e+00> : vector<1024x40xf32>
    %dot_general3A_41 = tpu.matmul %max3A_36, %get3A_39, %dot_general3A_40 {dimension_numbers = #tpu.dot_dimension_numbers<[1], [1], [0], [0], [0, 0, 1, 0], [], []>, transpose_lhs_hint = false} : vector<1024x128xf32>, vector<40x128xf32>, vector<1024x40xf32> -> vector<1024x40xf32>
    %get3A_42 = arith.constant 0 : index
    %get3A_43 = arith.constant 0 : index
    %get3A_44 = vector.load %arg5[%get3A_42, %get3A_43] : memref<1x40xf32, #tpu.memory_space<vmem>>, vector<1x40xf32>
    %add3A_45 = vector.broadcast %get3A_44 : vector<1x40xf32> to vector<1024x40xf32>
    %add3A_46 = arith.addf %dot_general3A_41, %add3A_45 : vector<1024x40xf32>
    %swap3A = arith.constant 0 : index
    %swap3A_47 = arith.constant 0 : index
    %swap3A_48 = vector.load %arg6[%swap3A, %swap3A_47] : memref<1024x40xf32, #tpu.memory_space<vmem>>, vector<1024x40xf32>
    tpu.vector_store %arg6[%swap3A, %swap3A_47], %add3A_46 {strides = array<i32>} : memref<1024x40xf32, #tpu.memory_space<vmem>>, vector<1024x40xf32>,
    return
  }
}

</mosaic_0001>

<sc_bundles>
// kernel: kernel.4.cloned.1.call-start
scs
__scs_entry_jumppad:
0x0: {  	(pc) =	sbr.rel $0x88, $3  }
0x1: {  	(tag) =	ssettag $0x0;
	lr =	simm.s32 $0x1  }
0x2: {  	[smem:$0x3F9B] =	sst lr;
	_ =	strace $0xD0000000  }
0x3: {  	_ = 	snop  }
0x4: {  	_ = 	snop  }
0x5: {  	_ = 	snop  }
0x6: {  	_ = 	snop  }
0x7: {  	_ = 	snop  }
__scs_overlays_trampoline_lowered:
0x8: {  	[smem:$0x3FAA] =	sst s0  }
0x9: {  	[smem:$0x3FAB] =	sst s1  }
0xa: {  	[smem:$0x3FAC] =	sst s2  }
0xb: {  	[smem:$0x3FAD] =	sst s3  }
0xc: {  	[smem:$0x3FAE] =	sst s4  }
0xd: {  	[smem:$0x3FAF] =	sst s5  }
0xe: {  	[smem:$0x3FB0] =	sst s6  }
0xf: {  	[smem:$0x3FB1] =	sst s7  }
0x10: {  	[smem:$0x3FB2] =	sst s8  }
0x11: {  	[smem:$0x3FB3] =	sst s9;
	s0 =	simm.s32 @!p0 $0x0  }
0x12: {  	s1 =	sld [smem:$0x3F99];
	s0 =	simm.s32 @p0 $0x1  }
0x13: {  	[smem:$0x3FB4] =	sst s0;
	s0 =	simm.s32 @!p1 $0x0  }
0x14: {  	s2 =	sld [smem:$0x3F98];
	s0 =	simm.s32 @p1 $0x1  }
0x15: {  	[smem:$0x3FB5] =	sst s0;
	s0 =	simm.s32 @!p2 $0x0  }
0x16: {  	s3 =	sld [smem:$0x3FDB];
	s0 =	simm.s32 @p2 $0x1  }
0x17: {  	s4 =	simm.s32 $0x1BF5;
	[smem:$0x3FB7] =	sst s0  }
0x18: {  	s0 =	sld [smem:$0x3F9A];
	_ =	swait.ge [sflag:s4], $0x0  }
0x19: {  	s7 =	sld [smem:$0x3F9B]  }
0x1a: {  	s8 =	sadd.s32 $0xFFFFE003, lr  }
0x1b: {  	s9 =	sadd.s32 $0xFFFFFEF7, lr;
	s5 =	simm.s32 $0xFFFFFFFF;
	p2 =	slt.u32 s8, $0xFFFFF086  }
0x1c: {  	p1 =	slt.u32 s9, $0xF7A;
	s5 =	simm.s32 @!p2 $0x0  }
0x1d: {  	s5 =	simm.s32 @p1 $0x1;
	p0 =	seq.s32 s7, s2  }
0x1e: {  	s7 =	smul.u32 @!p0 $0xF7A, s2;
	p2 =	seq.s32 @!p0 s5, $0x0  }
0x1f: {  	s9 =	smul.u32 $0xF7A, s1;
	s8 =	simm.s32 @!p0 $0x1BF5;
	p2 =	por !p2, p0  }
0x20: {  	[sflag:s8] =	ssyncset.s32 @!p0 $0xFFFFF086;
	s6 =	sadd.s32 @!p0 s3, s7;
	s7 =	simm.s32 @!p0 $0x108  }
0x21: {  	s3 =	sadd.s32 s3, s9;
	s6 =	sadd.s32 @!p0 $0x88, s6;
	s7 =	simm.s32 @p2 $0x1082  }
0x22: {  	[simem:s7], [sflag:s8] =	dma.local @!p0 [hbm:s6], $0xF7A  }
0x23: {  	s9 =	sor.u32 $0xD0000000, s2;
	s6 =	simm.s32 $0x108;
	_ =	swait.ge @!p0 [sflag:s8], $0x0  }
0x24: {  	s3 =	sadd.s32 $0x88, s3;
	s6 =	simm.s32 @!p1 $0x1082;
	[sflag:s4] =	ssyncset.s32 $0xFFFFF086  }
0x25: {  	[simem:s6], [sflag:s4] =	dma.local [hbm:s3], $0xF7A  }
0x26: {  	[smem:$0x3F9B] =	sst s1;
	(tag) =	ssettag s2;
	_ =	strace s9  }
0x27: {  	s1 =	sld [smem:$0x3FAB]  }
0x28: {  	s2 =	sld [smem:$0x3FAC]  }
0x29: {  	s4 =	sld [smem:$0x3FAE]  }
0x2a: {  	p0 =	seq.s32 s5, $0x0;
	s5 =	sld [smem:$0x3FAF]  }
0x2b: {  	s6 =	sld [smem:$0x3FB0]  }
0x2c: {  	s7 =	sld [smem:$0x3FB1]  }
0x2d: {  	s3 =	simm.s32 $0x108;
	s8 =	sld [smem:$0x3FB2]  }
0x2e: {  	s3 =	simm.s32 @!p0 $0x1082;
	s9 =	sld [smem:$0x3FB3]  }
0x2f: {  	lr =	sadd.s32 s0, s3;
	s0 =	sld [smem:$0x3FAA]  }
0x30: {  	s3 =	sld [smem:$0x3FAD]  }
0x31: {  	[smem:$0x3FB6] =	sst s10  }
0x32: {  	s10 =	sld [smem:$0x3FB4];
	_ =	sdelay $0x3  }
0x33: {  	p0 =	seq.s32 s10, $0x1;
	s10 =	sld [smem:$0x3FB6];
	_ =	sdelay $0x3  }
0x34: {  	[smem:$0x3FB6] =	sst s10  }
0x35: {  	s10 =	sld [smem:$0x3FB5];
	_ =	sdelay $0x3  }
0x36: {  	p1 =	seq.s32 s10, $0x1;
	s10 =	sld [smem:$0x3FB6];
	_ =	sdelay $0x3  }
0x37: {  	[smem:$0x3FB6] =	sst s10  }
0x38: {  	s10 =	sld [smem:$0x3FB7]  }
0x39: {  	_ = 	snop;
	(pc) =	sbr.ind lr, $3  }
0x3a: {  	_ = 	snop  }
0x3b: {  	_ = 	snop  }
0x3c: {  	p2 =	seq.s32 s10, $0x1;
	s10 =	sld [smem:$0x3FB6]  }
0x3d: {  	_ =	shalt  }
0x3e: {  	_ =	shalt  }
0x3f: {  	_ =	shalt  }
0x40: {  	_ =	shalt  }
0x41: {  	_ =	shalt  }
0x42: {  	_ =	shalt  }
0x43: {  	_ =	shalt  }
0x44: {  	_ =	shalt  }
0x45: {  	_ =	shalt  }
0x46: {  	_ =	shalt  }
0x47: {  	_ =	shalt  }
0x48: {  	_ =	shalt  }
0x49: {  	_ =	shalt  }
0x4a: {  	_ =	shalt  }
0x4b: {  	_ =	shalt  }
0x4c: {  	_ =	shalt  }
0x4d: {  	_ =	shalt  }
0x4e: {  	_ =	shalt  }
0x4f: {  	_ =	shalt  }
0x50: {  	_ =	shalt  }
0x51: {  	_ =	shalt  }
0x52: {  	_ =	shalt  }
0x53: {  	_ =	shalt  }
0x54: {  	_ =	shalt  }
0x55: {  	_ =	shalt  }
0x56: {  	_ =	shalt  }
0x57: {  	_ =	shalt  }
0x58: {  	_ =	shalt  }
0x59: {  	_ =	shalt  }
0x5a: {  	_ =	shalt  }
0x5b: {  	_ =	shalt  }
0x5c: {  	_ =	shalt  }
0x5d: {  	_ =	shalt  }
0x5e: {  	_ =	shalt  }
0x5f: {  	_ =	shalt  }
0x60: {  	_ =	shalt  }
0x61: {  	_ =	shalt  }
0x62: {  	_ =	shalt  }
0x63: {  	_ =	shalt  }
0x64: {  	_ =	shalt  }
0x65: {  	_ =	shalt  }
0x66: {  	_ =	shalt  }
0x67: {  	_ =	shalt  }
0x68: {  	_ =	shalt  }
0x69: {  	_ =	shalt  }
0x6a: {  	_ =	shalt  }
0x6b: {  	_ =	shalt  }
0x6c: {  	_ =	shalt  }
0x6d: {  	_ =	shalt  }
0x6e: {  	_ =	shalt  }
0x6f: {  	_ =	shalt  }
0x70: {  	_ =	shalt  }
0x71: {  	_ =	shalt  }
0x72: {  	_ =	shalt  }
0x73: {  	_ =	shalt  }
0x74: {  	_ =	shalt  }
0x75: {  	_ =	shalt  }
0x76: {  	_ =	shalt  }
0x77: {  	_ =	shalt  }
0x78: {  	_ =	shalt  }
0x79: {  	_ =	shalt  }
0x7a: {  	_ =	shalt  }
0x7b: {  	_ =	shalt  }
0x7c: {  	_ =	shalt  }
0x7d: {  	_ =	shalt  }
0x7e: {  	_ =	shalt  }
0x7f: {  	_ =	shalt  }
0x80: {  	_ =	shalt  }
0x81: {  	_ =	shalt  }
0x82: {  	_ =	shalt  }
0x83: {  	_ =	shalt  }
0x84: {  	_ =	shalt  }
0x85: {  	_ =	shalt  }
0x86: {  	_ =	shalt  }
0x87: {  	_ =	shalt  }
.Lfunc_end0:
.L_simem_size_0:
called_computation_lowered:
.L_overlay_start_0:
0x88: {  	s2 =	sld [smem:$0x3FD9]  }
0x89: {  	s3 =	sld [smem:$0x3FFE];
	_ =	sdelay $0x1  }
0x8a: {  	s1 =	srdreg.scid  }
0x8b: {  	s0 =	sand.u32 $0x1, s1  }
0x8c: {  	s17 =	sshll.u32 s0, $0xA;
	s2 =	sadd.s32 s3, s2  }
0x8d: {  	s2 =	sadd.s32 s2, s17  }
0x8e: {  	[smem:$0x3FC2] =	sst s2  }
0x8f: {  	_ = 	snop  }
0x90: {  	s2 =	sld [smem:$0x3FC9]  }
0x91: {  	s18 =	sld [smem:$0x3FC7]  }
0x92: {  	s4 =	sld [smem:$0x3FD0];
	(tm) =	ssettm $0x1  }
0x93: {  	s5 =	sld [smem:$0x3FFB];
	_ =	sdelay $0x3  }
0x94: {  	_ =	strace s5  }
0x95: {  	s5 =	sld [smem:$0x3FFC];
	_ =	sdelay $0x3  }
0x96: {  	_ =	strace s5  }
0x97: {  	s5 =	sld [smem:$0x3FFD];
	_ =	sdelay $0x3  }
0x98: {  	_ =	strace s5  }
0x99: {  	_ =	strace $0x8FFFFFFF  }
0x9a: {  	s19 =	sld [smem:$0x3FDB];
	_ =	sdelay $0x1  }
0x9b: {  	s6 =	simm.s32 $_scs_section_size  }
0x9c: {  	s7 =	simm.s32 $_size__tile_overlayer_lowered;
	s8 =	simm.s32 $_tile_overlayer_lowered  }
0x9d: {  	s22 =	simm.s32 $0x1BFF;
	s21 =	sshll.u32 s8, $0x1;
	s5 =	sadd.s32 s6, s19  }
0x9e: {  	s9 =	simm.s32 $0x0;
	s20 =	sshll.u32 s7, $0x1;
	s7 =	sadd.s32 s21, s5  }
0x9f: {  	[timem:s9], [sflag:s22] =	dma.local [hbm:s7], s20  }
0xa0: {  	_ =	swait.ge [sflag:s22], s20  }
0xa1: {  	s6 =	ssub.s32 $0x0, s20;
	[sflag:s22] =	ssyncset.done $0x0  }
0xa2: {  	[sflag:s22] =	ssyncadd.s32 s6;
	_ =	sdelay $0x1  }
0xa3: {  	s23 =	simm.s32 $0x1B8B  }
0xa4: {  	_ =	swait.ge [sflag:s23], $0x1  }
0xa5: {  	[sflag:s23] =	ssyncset.done $0x0  }
0xa6: {  	s25 =	simm.s32 $0x1B8E;
	s24 =	sld [smem:$0x3FFE];
	[sflag:s23] =	ssyncadd.s32 $0xFFFFFFFF  }
0xa7: {  	s26 =	simm.s32 $execute0_lowered;
	[smem:$0x3FD2] =	sst s25  }
0xa8: {  	s7 =	sshll.u32 s26, $0x1;
	_ =	strace $0x80000046;
	[dreg:$0x1] =	wrdreg $0xFFFFFFFF  }
0xa9: {  	s28 =	simm.s32 $_size_execute0_lowered;
	s5 =	sadd.s32 s5, s7;
	[dreg:$0x0] =	wrdreg $0x0  }
0xaa: {  	s7 =	sshll.u32 s28, $0x1;
	[dreg:$0x2] =	wrdreg s5  }
0xab: {  	[dreg:$0x3] =	wrdreg s7  }
0xac: {  	[dreg:$0x4] =	wrdreg $0xC0  }
0xad: {  	_ =	task [dreg:s9], $0x5FFFF  }
0xae: {  	[dreg:$0x1] =	wrdreg $0xFFFFFFFF  }
0xaf: {  	[dreg:$0x0] =	wrdreg $0x60  }
0xb0: {  	[dreg:$0x2] =	wrdreg s2  }
0xb1: {  	[dreg:$0x3] =	wrdreg s24  }
0xb2: {  	[dreg:$0x4] =	wrdreg s18  }
0xb3: {  	[dreg:$0x5] =	wrdreg s4  }
0xb4: {  	[dreg:$0x6] =	wrdreg $0x9A000  }
0xb5: {  	[dreg:$0x7] =	wrdreg $0x1D2800  }
0xb6: {  	[dreg:$0x8] =	wrdreg $0x1F6800  }
0xb7: {  	[dreg:$0x9] =	wrdreg $0x1FA800  }
0xb8: {  	[dreg:$0xa] =	wrdreg $0x9  }
0xb9: {  	_ =	task.clear_ibuf [dreg:s9], $0xBFFFF;
	_ =	strace $0x90000046  }
0xba: {  	s29 =	simm.s32 $0x9;
	_ =	strace $0x80000048  }
0xbb: {  	_ =	swait.ge [sflag:s29], $0x1  }
0xbc: {  	[sflag:s29] =	ssyncadd.s32 $0xFFFFFFFF  }
0xbd: {  	_ =	strace $0x90000048  }
0xbe: {  	_ =	sfence  }
0xbf: {  	s30 =	sld [smem:$0x0];
	_ =	sdelay $0x2  }
0xc0: {  	s31 =	sshll.u32 s1, $0xD;
	s1 =	sshrl.u32 s1, $0x2  }
0xc1: {  	s3 =	sand.u32 $0x4000, s31;
	s1 =	sadd.s32 s1, s30  }
0xc2: {  	s0 =	sor.u32 s3, s0;
	s1 =	sshll.u32 s1, $0x11  }
0xc3: {  	s0 =	sor.u32 s1, s0  }
0xc4: {  	s0 =	sadd.s32 $0x8F2B, s0  }
0xc5: {  	[sflag:s0] =	ssyncadd.remote.s32 $0x1  }
0xc6: {  	_ =	sfence.sel $0xFFFF  }
0xc7: {  	[dreg:$0x0] =	wrdreg $0xFFFFFFFF;
	(pc) =	sbr.abs _section_cstart, $3  }
0xc8: {  	[dreg:$0x1] =	wrdreg $0xFFFFFFFF  }
0xc9: {  	_ =	task.clear_ibuf [dreg:s9], $0x2FFFF;
	_ =	strace $0x9FFFFFFF  }
0xca: {  	(tm) =	ssettm $0x7FFFFFFF  }
0xcb: {  	_ =	shalt  }
tec
execute0_lowered:
.L_overlay_start_1:
0x0: {  	(tag) =	ssettag $0x1  }
0x1: {  	s0 =	rddreg [dreg:$0x0]  }
0x2: {  	s1 =	rddreg [dreg:$0x1]  }
0x3: {  	s2 =	rddreg [dreg:$0x6]  }
0x4: {  	s17 =	rddreg [dreg:$0x7];
	s16 =	stileid.u32  }
0x5: {  	s3 =	srdreg.scid;
	s4 =	simm.s32 $0x0;
	s19 =	rddreg [dreg:$0x4]  }
0x6: {  	s3 =	sand.u32 $0x1, s3;
	s5 =	sshll.u32 s16, $0x1;
	[smem:$0x7FF] =	sst s4  }
0x7: {  	s6 =	sadd.s32 $0xAA00, s1;
	s8 =	sadd.s32 $0xC00, s1;
	s9 =	sshll.u32 s16, $0xA  }
0x8: {  	s13 =	sand.u32 $0xE, s16;
	p0 =	seq.s32 s16, $0xF;
	s7 =	sor.u32 s3, s5  }
0x9: {  	s11 =	sadd.s32 s9, s1;
	s5 =	sshll.u32 s16, $0x6;
	s12 =	ssub.s32 $0x2, s3  }
0xa: {  	s13 =	sor.u32 s3, s13;
	s10 =	smul.u32 $0x2710, s7;
	s14 =	sshrl.u32 s12, $0x1  }
0xb: {  	s9 =	sadd.s32 s9, s2;
	s3 =	sshll.u32 s3, $0xE;
	s12 =	ssub.s32 s12, s14  }
0xc: {  	[dreg:$0x13] =	wrdreg s9;
	s10 =	sshrl.u32 s10, $0x3;
	s31 =	smax.u32 s12, $0x1  }
0xd: {  	s12 =	simm.s32 $0x80;
	s20 =	sadd.s32 s8, s10;
	s21 =	sadd.s32 s6, s10  }
0xe: {  	s22 =	sadd.s32 $0xFA, s10;
	s15 =	sadd.s32 $0x1F4, s10;
	[dreg:$0x9] =	wrdreg s20  }
0xf: {  	s25 =	sadd.s32 $0x2EE, s10;
	[dreg:$0xa] =	wrdreg s21;
	s18 =	sadd.s32 s8, s22  }
0x10: {  	s10 =	sadd.s32 $0x3E8, s10;
	s14 =	sadd.s32 s6, s22;
	[dreg:$0xb] =	wrdreg s18  }
0x11: {  	s23 =	sadd.s32 s8, s15;
	s24 =	sadd.s32 s6, s15;
	[dreg:$0xc] =	wrdreg s14  }
0x12: {  	s26 =	sadd.s32 s8, s25;
	s8 =	sadd.s32 s8, s10;
	[dreg:$0xd] =	wrdreg s23  }
0x13: {  	s20 =	sshll.u32 s13, $0x7;
	s21 =	sand.u32 $0x380, s5;
	[dreg:$0xe] =	wrdreg s24  }
0x14: {  	s13 =	sshll.u32 s7, $0x9;
	[dreg:$0xf] =	wrdreg s26;
	s14 =	sadd.s32 s6, s25  }
0x15: {  	[dreg:$0x11] =	wrdreg s8;
	s6 =	sadd.s32 s6, s10;
	s18 =	sand.u32 $0x40, s5  }
0x16: {  	s2 =	sadd.s32 s21, s2;
	s22 =	sadd.s32 s21, s17;
	s23 =	smul.u32 $0x480, s16  }
0x17: {  	s24 =	sadd.s32 s3, s11;
	s11 =	smul.u32 $0x9000, s16;
	[dreg:$0x10] =	wrdreg s14  }
0x18: {  	s9 =	sadd.s32 s13, s1;
	s25 =	sadd.s32 $0x25080, s0;
	[dreg:$0x12] =	wrdreg s6  }
0x19: {  	s10 =	simm.s32 $0x4780;
	s13 =	simm.s32 $0x9500;
	[dreg:$0x14] =	wrdreg s2  }
0x1a: {  	s8 =	sor.u32 s18, s20;
	s20 =	rddreg [dreg:$0x5];
	s14 =	smul.u32 $0x4F000, s16  }
0x1b: {  	s2 =	sadd.s32 s18, s22;
	s18 =	smul.u32 $0x2780, s16;
	s22 =	sshll.u32 s7, $0x5  }
0x1c: {  	s28 =	sadd.s32 $0x21200, s9;
	s29 =	sadd.s32 $0x19200, s24;
	s6 =	simm.s32 $0x8880  }
0x1d: {  	s7 =	simm.s32 $0x2B80;
	s9 =	simm.s32 $0x3B80;
	[dreg:$0x15] =	wrdreg s2  }
0x1e: {  	s26 =	sadd.s32 s23, s1;
	s8 =	sshrl.u32 s8, $0x3;
	s15 =	sshrl.u32 s11, $0x2  }
0x1f: {  	s23 =	sand.u32 $0x1, s16;
	s2 =	sadd.s32 $0x128400, s19;
	s11 =	simm.s32 $0x1  }
0x20: {  	s16 =	simm.s32 $0x0;
	_ =	strace $0x80000047;
	s8 =	sadd.s32 s8, s1  }
0x21: {  	s1 =	sadd.s32 $0x14800, s1;
	s17 =	sshrl.u32 s14, $0x2;
	s3 =	sadd.s32 $0x14A00, s26  }
0x22: {  	s21 =	sadd.s32 s0, s18;
	s26 =	sadd.s32 $0x2780, s22;
	s0 =	sshll.u32 s23, $0x6  }
0x23: {  	s14 =	simm.s32 $0x8780;
	[dreg:$0x16] =	wrdreg s1;
	s1 =	sadd.s32 s15, s20  }
0x24: {  	[dreg:$0x17] =	wrdreg s3;
	s3 =	sadd.s32 s17, s19;
	s24 =	sor.u32 $0x8CA0, s0  }
0x25: {  	[dreg:$0x18] =	wrdreg s21;
	s30 =	sadd.s32 $0x25200, s8;
	s0 =	sshrl.u32 @p0 s2, $0x3;
	v0 =	vmov s24  }
0x26: {  	v1 =	vlaneseq.u32;
	s2 =	simm.s32 $0x2780;
	s8 =	simm.s32 $0x3380;
	s15 =	simm.s32 $0x8800  }
0x27: {  	v2 =	vimm.f32 $1.000000000e+00;
	v3 =	vimm.s32 $0x0;
	v4 =	vimm.s32 $0x400;
	s18 =	sshrl.u32 s1, $0x3;
	s1 =	sshrl.u32 @!p0 s3, $0x3;
	s3 =	simm.s32 $0x2  }
.LBB2_1:
0x28: {  	s17 =	rddreg [dreg:$0x2]  }
0x29: {  	[tilespmem:s2], [sflag:$0x2] =	stream.linear.gather [hbm4b:s17+s4], $0x400, $0x38;
	[tilespmem:$0x1FAC0] =	vst v63  }
0x2a: {  	_ =	swait.ge [sflag:s3], $0x400  }
0x2b: {  	[sflag:s3] =	ssyncset.done $0x0  }
0x2c: {  	[sflag:s3] =	ssyncadd.s32 $0xFFFFFC00  }
0x2d: {  	s23 =	rddreg [dreg:$0x3]  }
0x2e: {  	[tilespmem:s4], [sflag:$0x2] =	stream.linear.gather [hbm4b:s23+s4], $0x2780, $0x38;
	[tilespmem:$0x1FAC0] =	vst v63  }
0x2f: {  	_ =	swait.ge [sflag:s3], $0x2780  }
0x30: {  	[sflag:s3] =	ssyncset.done $0x0  }
0x31: {  	s24 =	rddreg [dreg:$0x16];
	[sflag:s3] =	ssyncadd.s32 $0xFFFFD880  }
0x32: {  	[tilespmem:s6], [sflag:$0x2] =	stream.linear.gather [hbm4b:s24+s4], $0x400, $0x38;
	[tilespmem:$0x1FAC0] =	vst v63  }
0x33: {  	_ =	swait.ge [sflag:s3], $0x400  }
0x34: {  	[sflag:s3] =	ssyncset.done $0x0  }
0x35: {  	s17 =	sor.u32 $0x1C02, s5;
	s21 =	rddreg [dreg:$0x17];
	[sflag:s3] =	ssyncadd.s32 $0xFFFFFC00  }
0x36: {  	[spmem:s18], [sflag:s17] =	dma.local [hbm:s21], $0x480  }
0x37: {  	_ =	swait.ge [sflag:s3], $0x480  }
0x38: {  	[sflag:s3] =	ssyncset.done $0x0  }
0x39: {  	s21 =	simm.s32 @p0 $0x2;
	[sflag:s3] =	ssyncadd.s32 $0xFFFFFB80  }
0x3a: {  	[spmem:s0], [sflag:s17] =	dma.local @p0 [hbm:s25], $0x2080  }
0x3b: {  	_ =	swait.ge @p0 [sflag:s21], $0x2080  }
0x3c: {  	[sflag:s21] =	ssyncset.done @p0 $0x0  }
0x3d: {  	[sflag:s21] =	ssyncadd.s32 @p0 $0xFFFFDF80;
	s21 =	rddreg [dreg:$0x18]  }
0x3e: {  	[spmem:s1], [sflag:s17] =	dma.local @!p0 [hbm:s21], $0x2780  }
0x3f: {  	s17 =	simm.s32 @!p0 $0x2  }
0x40: {  	_ =	swait.ge @!p0 [sflag:s17], $0x2780  }
0x41: {  	[sflag:s17] =	ssyncset.done @!p0 $0x0  }
0x42: {  	[sflag:s17] =	ssyncadd.s32 @!p0 $0xFFFFD880  }
0x43: {  	s22 =	simm.s32 $0x2780;
	s21 =	simm.s32 $0x0;
	s17 =	simm.s32 $0x10;
	v5 =	vld [tilespmem:s2+$0x0]  }
.LBB2_2:
0x44: {  	p1 =	sne.s32 s17, $0x3F0;
	_ =	sdelay $0x3  }
.Ltmp0:
0x45: {  	(pc) =	sbr.rel @p1 .LBB2_2-.Ltmp0, $4  }
0x46: {  	_ = 	snop  }
0x47: {  	v6 =	vor.u32 s21, v1;
	s21 =	smov.u32 s17  }
0x48: {  	s22 =	sadd.s32 $0x10, s22;
	[tilespmem:v5+s4+$0x0] =	vst.idx.msk $0xffff, v6  }
0x49: {  	s17 =	sadd.s32 $0x10, s17;
	v5 =	vld [tilespmem:s22+$0x0]  }
0x4a: {  	_ =	sdelay $0x6  }
0x4b: {  	v6 =	vor.u32 s21, v1  }
0x4c: {  	[tilespmem:v5+s4+$0x0] =	vst.idx.msk $0xffff, v6  }
0x4d: {  	[bflag:$0x0] =	sbarrier.arrive $0xFFFF  }
0x4e: {  	s17 =	simm.s32 $0x0;
	s23 =	rddreg [dreg:$0x9]  }
0x4f: {  	[tilespmem:s7], [sflag:$0x2] =	stream.linear.gather [hbm4b:s23+s17], $0x7D0, $0x38;
	[tilespmem:$0x1FAC0] =	vst v63  }
0x50: {  	_ =	swait.ge [sflag:s3], $0x7D0  }
0x51: {  	[sflag:s3] =	ssyncset.done $0x0  }
0x52: {  	s24 =	rddreg [dreg:$0xa];
	[sflag:s3] =	ssyncadd.s32 $0xFFFFF830  }
0x53: {  	[tilespmem:s8], [sflag:$0x2] =	stream.linear.gather [hbm4b:s24+s17], $0x7D0, $0x38;
	[tilespmem:$0x1FAC0] =	vst v63  }
0x54: {  	_ =	swait.ge [sflag:s3], $0x7D0  }
0x55: {  	[sflag:s3] =	ssyncset.done $0x0  }
0x56: {  	v5 =	vimm.s32 $0x0;
	[sflag:s3] =	ssyncadd.s32 $0xFFFFF830  }
.LBB2_4:
0x57: {  	s21 =	sshra.s32 s17, $0x2  }
0x58: {  	v6 =	vld [tilespmem:s21+$0x2B80];
	_ =	sdelay $0x7  }
0x59: {  	v6 =	vld.idx.msk [tilespmem:v6+s4+$0x0], $0xffff;
	_ =	sdelay $0x4  }
0x5a: {  	vm0 =	vgt.s32 v6, $0xFFFFFFFF  }
0x5b: {  	v7 =	vsel vm0, $0x1, v3  }
0x5c: {  	(xrf0) =	vadd.scan.msk.s32 $0xffff, v7;
	_ =	sdelay $0x5  }
0x5d: {  	v7 =	vld [tilespmem:s21+$0x3380];
	v8, _, _ =	vpop (xrf0)  }
0x5e: {  	v8 =	vadd.s32 v8, v5  }
0x5f: {  	p1 =	sne.s32 s17, $0x1F00;
	v8 =	vadd.s32 $0xFFFFFFFF, v8  }
.Ltmp1:
0x60: {  	_ = 	snop;
	(pc) =	sbr.rel @p1 .LBB2_4-.Ltmp1, $4  }
0x61: {  	_ = 	snop  }
0x62: {  	v9 =	vmpcnt.ones.xlane vm0;
	v7 =	vshll.u32 v7, $0xB  }
0x63: {  	[tilespmem:v6+s6+$0x0] =	vst.idx.add.f32.msk vm0, v2;
	v6 =	vadd.s32 v6, v7  }
0x64: {  	s17 =	sadd.s32 $0x40, s17;
	v5 =	vadd.s32 v5, v9;
	[tilespmem:v8+s9+$0x0] =	vst.idx.msk vm0, v6  }
0x65: {  	v5 =	vxor.u32 $0x80000000, v5  }
0x66: {  	(xrf0) =	vmax.scan.msk.u32 $0xffff, v5;
	_ =	sdelay $0x5  }
0x67: {  	v5, _, _ =	vpop (xrf0)  }
0x68: {  	(v2sf) =	vpush v5, $0xF;
	_ =	sdelay $0xe  }
0x69: {  	s17 =	spop (v2sf)  }
0x6a: {  	s21 =	sshrl.u32 s17, $0x7  }
0x6b: {  	p1 =	seq.s32 s21, $0x1000000  }
.Ltmp2:
0x6c: {  	_ = 	snop;
	(pc) =	sbr.rel @p1 .LBB2_9-.Ltmp2, $1  }
0x6d: {  	_ =	sdelay $0x3  }
0x6e: {  	s22 =	simm.s32 $0x1;
	s23 =	simm.s32 $0x3BC0  }
.LBB2_7:
0x6f: {  	v5 =	vld [tilespmem:s23+$0xFFFFFFC0];
	_ =	sdelay $0x4  }
0x70: {  	v6 =	vshrl.u32 v5, $0xB  }
0x71: {  	v5 =	vand.u32 $0x7FF, v5;
	[tilespmem:$0x8780] =	vst v6  }
0x72: {  	[tilespmem:$0x8800] =	vst v5  }
0x73: {  	v5 =	vld [tilespmem:s23+$0xFFFFFFD0];
	_ =	sdelay $0x4  }
0x74: {  	v6 =	vshrl.u32 v5, $0xB  }
0x75: {  	v5 =	vand.u32 $0x7FF, v5;
	[tilespmem:$0x8790] =	vst v6  }
0x76: {  	[tilespmem:$0x8810] =	vst v5  }
0x77: {  	v5 =	vld [tilespmem:s23+$0xFFFFFFE0];
	_ =	sdelay $0x4  }
0x78: {  	v6 =	vshrl.u32 v5, $0xB  }
0x79: {  	v5 =	vand.u32 $0x7FF, v5;
	[tilespmem:$0x87A0] =	vst v6  }
0x7a: {  	[tilespmem:$0x8820] =	vst v5  }
0x7b: {  	v5 =	vld [tilespmem:s23+$0xFFFFFFF0];
	_ =	sdelay $0x4  }
0x7c: {  	v6 =	vshrl.u32 v5, $0xB  }
0x7d: {  	v5 =	vand.u32 $0x7FF, v5;
	[tilespmem:$0x87B0] =	vst v6  }
0x7e: {  	[tilespmem:$0x8830] =	vst v5  }
0x7f: {  	v5 =	vld [tilespmem:s23+$0x0];
	_ =	sdelay $0x4  }
0x80: {  	v6 =	vshrl.u32 v5, $0xB  }
0x81: {  	v5 =	vand.u32 $0x7FF, v5;
	[tilespmem:$0x87C0] =	vst v6  }
0x82: {  	[tilespmem:$0x8840] =	vst v5  }
0x83: {  	v5 =	vld [tilespmem:s23+$0x10];
	_ =	sdelay $0x4  }
0x84: {  	v6 =	vshrl.u32 v5, $0xB  }
0x85: {  	v5 =	vand.u32 $0x7FF, v5;
	[tilespmem:$0x87D0] =	vst v6  }
0x86: {  	[tilespmem:$0x8850] =	vst v5  }
0x87: {  	v5 =	vld [tilespmem:s23+$0x20];
	_ =	sdelay $0x4  }
0x88: {  	v6 =	vshrl.u32 v5, $0xB  }
0x89: {  	v5 =	vand.u32 $0x7FF, v5;
	[tilespmem:$0x87E0] =	vst v6  }
0x8a: {  	[tilespmem:$0x8860] =	vst v5  }
0x8b: {  	v5 =	vld [tilespmem:s23+$0x30];
	_ =	sdelay $0x4  }
0x8c: {  	v6 =	vshrl.u32 v5, $0xB  }
0x8d: {  	v5 =	vand.u32 $0x7FF, v5;
	[tilespmem:$0x87F0] =	vst v6  }
0x8e: {  	[tilespmem:$0x8870] =	vst v5  }
0x8f: {  	[tilespmem:s10], [sflag:$0x1] =	stream.indirect.gather [spmem:s19], $0x80, s14, s12, $0xb8;
	[tilespmem:$0x1FAC0] =	vst v63  }
0x90: {  	s24 =	sxor.u32 s22, s21;
	_ =	swait.ge [sflag:s11], $0x4000  }
0x91: {  	p1 =	sne.s32 s24, $0x1000000;
	[sflag:s11] =	ssyncset.done $0x0  }
.Ltmp3:
0x92: {  	[sflag:s11] =	ssyncadd.s32 $0xFFFFC000;
	(pc) =	sbr.rel @p1 .LBB2_7-.Ltmp3, $4  }
0x93: {  	[spmem:s20] =	stream.indirect.scatter.add.f32 [tilespmem:s10], [sflag:$0x2], $0x80, s15, s12, $0xb8;
	[tilespmem:$0x1FAC0] =	vst v63  }
0x94: {  	_ =	swait.ge [sflag:s3], $0x4000  }
0x95: {  	[sflag:s3] =	ssyncset.done $0x0  }
0x96: {  	s22 =	sadd.s32 $0x1, s22;
	s23 =	sadd.s32 $0x80, s23;
	[sflag:s3] =	ssyncadd.s32 $0xFFFFC000  }
0x97: {  	s21 =	sshll.u32 s21, $0x9  }
0x98: {  	s21 =	sshra.s32 s21, $0x2  }
0x99: {  	v5 =	vld [tilespmem:s21+$0x3B80];
	_ =	sdelay $0x4  }
0x9a: {  	[tilespmem:$0x3B80] =	vst v5  }
0x9b: {  	v5 =	vld [tilespmem:s21+$0x3B90];
	_ =	sdelay $0x4  }
0x9c: {  	[tilespmem:$0x3B90] =	vst v5  }
0x9d: {  	v5 =	vld [tilespmem:s21+$0x3BA0];
	_ =	sdelay $0x4  }
0x9e: {  	[tilespmem:$0x3BA0] =	vst v5  }
0x9f: {  	v5 =	vld [tilespmem:s21+$0x3BB0];
	_ =	sdelay $0x4  }
0xa0: {  	[tilespmem:$0x3BB0] =	vst v5  }
0xa1: {  	v5 =	vld [tilespmem:s21+$0x3BC0];
	_ =	sdelay $0x4  }
0xa2: {  	[tilespmem:$0x3BC0] =	vst v5  }
0xa3: {  	v5 =	vld [tilespmem:s21+$0x3BD0];
	_ =	sdelay $0x4  }
0xa4: {  	[tilespmem:$0x3BD0] =	vst v5  }
0xa5: {  	v5 =	vld [tilespmem:s21+$0x3BE0];
	_ =	sdelay $0x4  }
0xa6: {  	[tilespmem:$0x3BE0] =	vst v5  }
0xa7: {  	v5 =	vld [tilespmem:s21+$0x3BF0];
	_ =	sdelay $0x4  }
0xa8: {  	[tilespmem:$0x3BF0] =	vst v5  }
.LBB2_9:
0xa9: {  	s21 =	simm.s32 $0x0;
	s22 =	rddreg [dreg:$0xb]  }
0xaa: {  	[tilespmem:s7], [sflag:$0x2] =	stream.linear.gather [hbm4b:s22+s21], $0x7D0, $0x38;
	[tilespmem:$0x1FAC0] =	vst v63  }
0xab: {  	_ =	swait.ge [sflag:s3], $0x7D0  }
0xac: {  	[sflag:s3] =	ssyncset.done $0x0  }
0xad: {  	s24 =	rddreg [dreg:$0xc];
	[sflag:s3] =	ssyncadd.s32 $0xFFFFF830  }
0xae: {  	[tilespmem:s8], [sflag:$0x2] =	stream.linear.gather [hbm4b:s24+s21], $0x7D0, $0x38;
	[tilespmem:$0x1FAC0] =	vst v63  }
0xaf: {  	_ =	swait.ge [sflag:s3], $0x7D0  }
0xb0: {  	s17 =	sand.u32 $0x7F, s17;
	[sflag:s3] =	ssyncset.done $0x0  }
0xb1: {  	v5 =	vmov s17;
	[sflag:s3] =	ssyncadd.s32 $0xFFFFF830  }
.LBB2_10:
0xb2: {  	s17 =	sshra.s32 s21, $0x2  }
0xb3: {  	v6 =	vld [tilespmem:s17+$0x2B80];
	_ =	sdelay $0x7  }
0xb4: {  	v6 =	vld.idx.msk [tilespmem:v6+s4+$0x0], $0xffff;
	_ =	sdelay $0x4  }
0xb5: {  	vm0 =	vgt.s32 v6, $0xFFFFFFFF  }
0xb6: {  	v7 =	vsel vm0, $0x1, v3  }
0xb7: {  	(xrf0) =	vadd.scan.msk.s32 $0xffff, v7;
	_ =	sdelay $0x5  }
0xb8: {  	v7 =	vld [tilespmem:s17+$0x3380];
	v8, _, _ =	vpop (xrf0)  }
0xb9: {  	v8 =	vadd.s32 v8, v5  }
0xba: {  	p1 =	sne.s32 s21, $0x1F00;
	v8 =	vadd.s32 $0xFFFFFFFF, v8  }
.Ltmp4:
0xbb: {  	_ = 	snop;
	(pc) =	sbr.rel @p1 .LBB2_10-.Ltmp4, $4  }
0xbc: {  	_ = 	snop  }
0xbd: {  	v9 =	vmpcnt.ones.xlane vm0;
	v7 =	vshll.u32 v7, $0xB  }
0xbe: {  	[tilespmem:v6+s6+$0x0] =	vst.idx.add.f32.msk vm0, v2;
	v6 =	vadd.s32 v6, v7  }
0xbf: {  	s21 =	sadd.s32 $0x40, s21;
	v5 =	vadd.s32 v5, v9;
	[tilespmem:v8+s9+$0x0] =	vst.idx.msk vm0, v6  }
0xc0: {  	v5 =	vxor.u32 $0x80000000, v5  }
0xc1: {  	(xrf0) =	vmax.scan.msk.u32 $0xffff, v5;
	_ =	sdelay $0x5  }
0xc2: {  	v5, _, _ =	vpop (xrf0)  }
0xc3: {  	(v2sf) =	vpush v5, $0xF;
	_ =	sdelay $0xe  }
0xc4: {  	s17 =	spop (v2sf)  }
0xc5: {  	s21 =	sshrl.u32 s17, $0x7  }
0xc6: {  	p1 =	seq.s32 s21, $0x1000000  }
.Ltmp5:
0xc7: {  	_ = 	snop;
	(pc) =	sbr.rel @p1 .LBB2_15-.Ltmp5, $1  }
0xc8: {  	_ =	sdelay $0x3  }
0xc9: {  	s22 =	simm.s32 $0x1;
	s23 =	simm.s32 $0x3BC0  }
.LBB2_13:
0xca: {  	v5 =	vld [tilespmem:s23+$0xFFFFFFC0];
	_ =	sdelay $0x4  }
0xcb: {  	v6 =	vshrl.u32 v5, $0xB  }
0xcc: {  	v5 =	vand.u32 $0x7FF, v5;
	[tilespmem:$0x8780] =	vst v6  }
0xcd: {  	[tilespmem:$0x8800] =	vst v5  }
0xce: {  	v5 =	vld [tilespmem:s23+$0xFFFFFFD0];
	_ =	sdelay $0x4  }
0xcf: {  	v6 =	vshrl.u32 v5, $0xB  }
0xd0: {  	v5 =	vand.u32 $0x7FF, v5;
	[tilespmem:$0x8790] =	vst v6  }
0xd1: {  	[tilespmem:$0x8810] =	vst v5  }
0xd2: {  	v5 =	vld [tilespmem:s23+$0xFFFFFFE0];
	_ =	sdelay $0x4  }
0xd3: {  	v6 =	vshrl.u32 v5, $0xB  }
0xd4: {  	v5 =	vand.u32 $0x7FF, v5;
	[tilespmem:$0x87A0] =	vst v6  }
0xd5: {  	[tilespmem:$0x8820] =	vst v5  }
0xd6: {  	v5 =	vld [tilespmem:s23+$0xFFFFFFF0];
	_ =	sdelay $0x4  }
0xd7: {  	v6 =	vshrl.u32 v5, $0xB  }
0xd8: {  	v5 =	vand.u32 $0x7FF, v5;
	[tilespmem:$0x87B0] =	vst v6  }
0xd9: {  	[tilespmem:$0x8830] =	vst v5  }
0xda: {  	v5 =	vld [tilespmem:s23+$0x0];
	_ =	sdelay $0x4  }
0xdb: {  	v6 =	vshrl.u32 v5, $0xB  }
0xdc: {  	v5 =	vand.u32 $0x7FF, v5;
	[tilespmem:$0x87C0] =	vst v6  }
0xdd: {  	[tilespmem:$0x8840] =	vst v5  }
0xde: {  	v5 =	vld [tilespmem:s23+$0x10];
	_ =	sdelay $0x4  }
0xdf: {  	v6 =	vshrl.u32 v5, $0xB  }
0xe0: {  	v5 =	vand.u32 $0x7FF, v5;
	[tilespmem:$0x87D0] =	vst v6  }
0xe1: {  	[tilespmem:$0x8850] =	vst v5  }
0xe2: {  	v5 =	vld [tilespmem:s23+$0x20];
	_ =	sdelay $0x4  }
0xe3: {  	v6 =	vshrl.u32 v5, $0xB  }
0xe4: {  	v5 =	vand.u32 $0x7FF, v5;
	[tilespmem:$0x87E0] =	vst v6  }
0xe5: {  	[tilespmem:$0x8860] =	vst v5  }
0xe6: {  	v5 =	vld [tilespmem:s23+$0x30];
	_ =	sdelay $0x4  }
0xe7: {  	v6 =	vshrl.u32 v5, $0xB  }
0xe8: {  	v5 =	vand.u32 $0x7FF, v5;
	[tilespmem:$0x87F0] =	vst v6  }
0xe9: {  	[tilespmem:$0x8870] =	vst v5  }
0xea: {  	[tilespmem:s10], [sflag:$0x1] =	stream.indirect.gather [spmem:s19], $0x80, s14, s12, $0xb8;
	[tilespmem:$0x1FAC0] =	vst v63  }
0xeb: {  	s24 =	sxor.u32 s22, s21;
	_ =	swait.ge [sflag:s11], $0x4000  }
0xec: {  	p1 =	sne.s32 s24, $0x1000000;
	[sflag:s11] =	ssyncset.done $0x0  }
.Ltmp6:
0xed: {  	[sflag:s11] =	ssyncadd.s32 $0xFFFFC000;
	(pc) =	sbr.rel @p1 .LBB2_13-.Ltmp6, $4  }
0xee: {  	[spmem:s20] =	stream.indirect.scatter.add.f32 [tilespmem:s10], [sflag:$0x2], $0x80, s15, s12, $0xb8;
	[tilespmem:$0x1FAC0] =	vst v63  }
0xef: {  	_ =	swait.ge [sflag:s3], $0x4000  }
0xf0: {  	[sflag:s3] =	ssyncset.done $0x0  }
0xf1: {  	s22 =	sadd.s32 $0x1, s22;
	s23 =	sadd.s32 $0x80, s23;
	[sflag:s3] =	ssyncadd.s32 $0xFFFFC000  }
0xf2: {  	s21 =	sshll.u32 s21, $0x9  }
0xf3: {  	s21 =	sshra.s32 s21, $0x2  }
0xf4: {  	v5 =	vld [tilespmem:s21+$0x3B80];
	_ =	sdelay $0x4  }
0xf5: {  	[tilespmem:$0x3B80] =	vst v5  }
0xf6: {  	v5 =	vld [tilespmem:s21+$0x3B90];
	_ =	sdelay $0x4  }
0xf7: {  	[tilespmem:$0x3B90] =	vst v5  }
0xf8: {  	v5 =	vld [tilespmem:s21+$0x3BA0];
	_ =	sdelay $0x4  }
0xf9: {  	[tilespmem:$0x3BA0] =	vst v5  }
0xfa: {  	v5 =	vld [tilespmem:s21+$0x3BB0];
	_ =	sdelay $0x4  }
0xfb: {  	[tilespmem:$0x3BB0] =	vst v5  }
0xfc: {  	v5 =	vld [tilespmem:s21+$0x3BC0];
	_ =	sdelay $0x4  }
0xfd: {  	[tilespmem:$0x3BC0] =	vst v5  }
0xfe: {  	v5 =	vld [tilespmem:s21+$0x3BD0];
	_ =	sdelay $0x4  }
0xff: {  	[tilespmem:$0x3BD0] =	vst v5  }
0x100: {  	v5 =	vld [tilespmem:s21+$0x3BE0];
	_ =	sdelay $0x4  }
0x101: {  	[tilespmem:$0x3BE0] =	vst v5  }
0x102: {  	v5 =	vld [tilespmem:s21+$0x3BF0];
	_ =	sdelay $0x4  }
0x103: {  	[tilespmem:$0x3BF0] =	vst v5  }
.LBB2_15:
0x104: {  	s21 =	simm.s32 $0x0;
	s22 =	rddreg [dreg:$0xd]  }
0x105: {  	[tilespmem:s7], [sflag:$0x2] =	stream.linear.gather [hbm4b:s22+s21], $0x7D0, $0x38;
	[tilespmem:$0x1FAC0] =	vst v63  }
0x106: {  	_ =	swait.ge [sflag:s3], $0x7D0  }
0x107: {  	[sflag:s3] =	ssyncset.done $0x0  }
0x108: {  	s24 =	rddreg [dreg:$0xe];
	[sflag:s3] =	ssyncadd.s32 $0xFFFFF830  }
0x109: {  	[tilespmem:s8], [sflag:$0x2] =	stream.linear.gather [hbm4b:s24+s21], $0x7D0, $0x38;
	[tilespmem:$0x1FAC0] =	vst v63  }
0x10a: {  	_ =	swait.ge [sflag:s3], $0x7D0  }
0x10b: {  	s17 =	sand.u32 $0x7F, s17;
	[sflag:s3] =	ssyncset.done $0x0  }
0x10c: {  	v5 =	vmov s17;
	[sflag:s3] =	ssyncadd.s32 $0xFFFFF830  }
.LBB2_16:
0x10d: {  	s17 =	sshra.s32 s21, $0x2  }
0x10e: {  	v6 =	vld [tilespmem:s17+$0x2B80];
	_ =	sdelay $0x7  }
0x10f: {  	v6 =	vld.idx.msk [tilespmem:v6+s4+$0x0], $0xffff;
	_ =	sdelay $0x4  }
0x110: {  	vm0 =	vgt.s32 v6, $0xFFFFFFFF  }
0x111: {  	v7 =	vsel vm0, $0x1, v3  }
0x112: {  	(xrf0) =	vadd.scan.msk.s32 $0xffff, v7;
	_ =	sdelay $0x5  }
0x113: {  	v7 =	vld [tilespmem:s17+$0x3380];
	v8, _, _ =	vpop (xrf0)  }
0x114: {  	v8 =	vadd.s32 v8, v5  }
0x115: {  	p1 =	sne.s32 s21, $0x1F00;
	v8 =	vadd.s32 $0xFFFFFFFF, v8  }
.Ltmp7:
0x116: {  	_ = 	snop;
	(pc) =	sbr.rel @p1 .LBB2_16-.Ltmp7, $4  }
0x117: {  	_ = 	snop  }
0x118: {  	v9 =	vmpcnt.ones.xlane vm0;
	v7 =	vshll.u32 v7, $0xB  }
0x119: {  	[tilespmem:v6+s6+$0x0] =	vst.idx.add.f32.msk vm0, v2;
	v6 =	vadd.s32 v6, v7  }
0x11a: {  	s21 =	sadd.s32 $0x40, s21;
	v5 =	vadd.s32 v5, v9;
	[tilespmem:v8+s9+$0x0] =	vst.idx.msk vm0, v6  }
0x11b: {  	v5 =	vxor.u32 $0x80000000, v5  }
0x11c: {  	(xrf0) =	vmax.scan.msk.u32 $0xffff, v5;
	_ =	sdelay $0x5  }
0x11d: {  	v5, _, _ =	vpop (xrf0)  }
0x11e: {  	(v2sf) =	vpush v5, $0xF;
	_ =	sdelay $0xe  }
0x11f: {  	s17 =	spop (v2sf)  }
0x120: {  	s21 =	sshrl.u32 s17, $0x7  }
0x121: {  	p1 =	seq.s32 s21, $0x1000000  }
.Ltmp8:
0x122: {  	_ = 	snop;
	(pc) =	sbr.rel @p1 .LBB2_21-.Ltmp8, $1  }
0x123: {  	_ =	sdelay $0x3  }
0x124: {  	s22 =	simm.s32 $0x1;
	s23 =	simm.s32 $0x3BC0  }
.LBB2_19:
0x125: {  	v5 =	vld [tilespmem:s23+$0xFFFFFFC0];
	_ =	sdelay $0x4  }
0x126: {  	v6 =	vshrl.u32 v5, $0xB  }
0x127: {  	v5 =	vand.u32 $0x7FF, v5;
	[tilespmem:$0x8780] =	vst v6  }
0x128: {  	[tilespmem:$0x8800] =	vst v5  }
0x129: {  	v5 =	vld [tilespmem:s23+$0xFFFFFFD0];
	_ =	sdelay $0x4  }
0x12a: {  	v6 =	vshrl.u32 v5, $0xB  }
0x12b: {  	v5 =	vand.u32 $0x7FF, v5;
	[tilespmem:$0x8790] =	vst v6  }
0x12c: {  	[tilespmem:$0x8810] =	vst v5  }
0x12d: {  	v5 =	vld [tilespmem:s23+$0xFFFFFFE0];
	_ =	sdelay $0x4  }
0x12e: {  	v6 =	vshrl.u32 v5, $0xB  }
0x12f: {  	v5 =	vand.u32 $0x7FF, v5;
	[tilespmem:$0x87A0] =	vst v6  }
0x130: {  	[tilespmem:$0x8820] =	vst v5  }
0x131: {  	v5 =	vld [tilespmem:s23+$0xFFFFFFF0];
	_ =	sdelay $0x4  }
0x132: {  	v6 =	vshrl.u32 v5, $0xB  }
0x133: {  	v5 =	vand.u32 $0x7FF, v5;
	[tilespmem:$0x87B0] =	vst v6  }
0x134: {  	[tilespmem:$0x8830] =	vst v5  }
0x135: {  	v5 =	vld [tilespmem:s23+$0x0];
	_ =	sdelay $0x4  }
0x136: {  	v6 =	vshrl.u32 v5, $0xB  }
0x137: {  	v5 =	vand.u32 $0x7FF, v5;
	[tilespmem:$0x87C0] =	vst v6  }
0x138: {  	[tilespmem:$0x8840] =	vst v5  }
0x139: {  	v5 =	vld [tilespmem:s23+$0x10];
	_ =	sdelay $0x4  }
0x13a: {  	v6 =	vshrl.u32 v5, $0xB  }
0x13b: {  	v5 =	vand.u32 $0x7FF, v5;
	[tilespmem:$0x87D0] =	vst v6  }
0x13c: {  	[tilespmem:$0x8850] =	vst v5  }
0x13d: {  	v5 =	vld [tilespmem:s23+$0x20];
	_ =	sdelay $0x4  }
0x13e: {  	v6 =	vshrl.u32 v5, $0xB  }
0x13f: {  	v5 =	vand.u32 $0x7FF, v5;
	[tilespmem:$0x87E0] =	vst v6  }
0x140: {  	[tilespmem:$0x8860] =	vst v5  }
0x141: {  	v5 =	vld [tilespmem:s23+$0x30];
	_ =	sdelay $0x4  }
0x142: {  	v6 =	vshrl.u32 v5, $0xB  }
0x143: {  	v5 =	vand.u32 $0x7FF, v5;
	[tilespmem:$0x87F0] =	vst v6  }
0x144: {  	[tilespmem:$0x8870] =	vst v5  }
0x145: {  	[tilespmem:s10], [sflag:$0x1] =	stream.indirect.gather [spmem:s19], $0x80, s14, s12, $0xb8;
	[tilespmem:$0x1FAC0] =	vst v63  }
0x146: {  	s24 =	sxor.u32 s22, s21;
	_ =	swait.ge [sflag:s11], $0x4000  }
0x147: {  	p1 =	sne.s32 s24, $0x1000000;
	[sflag:s11] =	ssyncset.done $0x0  }
.Ltmp9:
0x148: {  	[sflag:s11] =	ssyncadd.s32 $0xFFFFC000;
	(pc) =	sbr.rel @p1 .LBB2_19-.Ltmp9, $4  }
0x149: {  	[spmem:s20] =	stream.indirect.scatter.add.f32 [tilespmem:s10], [sflag:$0x2], $0x80, s15, s12, $0xb8;
	[tilespmem:$0x1FAC0] =	vst v63  }
0x14a: {  	_ =	swait.ge [sflag:s3], $0x4000  }
0x14b: {  	[sflag:s3] =	ssyncset.done $0x0  }
0x14c: {  	s22 =	sadd.s32 $0x1, s22;
	s23 =	sadd.s32 $0x80, s23;
	[sflag:s3] =	ssyncadd.s32 $0xFFFFC000  }
0x14d: {  	s21 =	sshll.u32 s21, $0x9  }
0x14e: {  	s21 =	sshra.s32 s21, $0x2  }
0x14f: {  	v5 =	vld [tilespmem:s21+$0x3B80];
	_ =	sdelay $0x4  }
0x150: {  	[tilespmem:$0x3B80] =	vst v5  }
0x151: {  	v5 =	vld [tilespmem:s21+$0x3B90];
	_ =	sdelay $0x4  }
0x152: {  	[tilespmem:$0x3B90] =	vst v5  }
0x153: {  	v5 =	vld [tilespmem:s21+$0x3BA0];
	_ =	sdelay $0x4  }
0x154: {  	[tilespmem:$0x3BA0] =	vst v5  }
0x155: {  	v5 =	vld [tilespmem:s21+$0x3BB0];
	_ =	sdelay $0x4  }
0x156: {  	[tilespmem:$0x3BB0] =	vst v5  }
0x157: {  	v5 =	vld [tilespmem:s21+$0x3BC0];
	_ =	sdelay $0x4  }
0x158: {  	[tilespmem:$0x3BC0] =	vst v5  }
0x159: {  	v5 =	vld [tilespmem:s21+$0x3BD0];
	_ =	sdelay $0x4  }
0x15a: {  	[tilespmem:$0x3BD0] =	vst v5  }
0x15b: {  	v5 =	vld [tilespmem:s21+$0x3BE0];
	_ =	sdelay $0x4  }
0x15c: {  	[tilespmem:$0x3BE0] =	vst v5  }
0x15d: {  	v5 =	vld [tilespmem:s21+$0x3BF0];
	_ =	sdelay $0x4  }
0x15e: {  	[tilespmem:$0x3BF0] =	vst v5  }
.LBB2_21:
0x15f: {  	s21 =	simm.s32 $0x0;
	s22 =	rddreg [dreg:$0xf]  }
0x160: {  	[tilespmem:s7], [sflag:$0x2] =	stream.linear.gather [hbm4b:s22+s21], $0x7D0, $0x38;
	[tilespmem:$0x1FAC0] =	vst v63  }
0x161: {  	_ =	swait.ge [sflag:s3], $0x7D0  }
0x162: {  	[sflag:s3] =	ssyncset.done $0x0  }
0x163: {  	s24 =	rddreg [dreg:$0x10];
	[sflag:s3] =	ssyncadd.s32 $0xFFFFF830  }
0x164: {  	[tilespmem:s8], [sflag:$0x2] =	stream.linear.gather [hbm4b:s24+s21], $0x7D0, $0x38;
	[tilespmem:$0x1FAC0] =	vst v63  }
0x165: {  	_ =	swait.ge [sflag:s3], $0x7D0  }
0x166: {  	s17 =	sand.u32 $0x7F, s17;
	[sflag:s3] =	ssyncset.done $0x0  }
0x167: {  	v5 =	vmov s17;
	[sflag:s3] =	ssyncadd.s32 $0xFFFFF830  }
.LBB2_22:
0x168: {  	s17 =	sshra.s32 s21, $0x2  }
0x169: {  	v6 =	vld [tilespmem:s17+$0x2B80];
	_ =	sdelay $0x7  }
0x16a: {  	v6 =	vld.idx.msk [tilespmem:v6+s4+$0x0], $0xffff;
	_ =	sdelay $0x4  }
0x16b: {  	vm0 =	vgt.s32 v6, $0xFFFFFFFF  }
0x16c: {  	v7 =	vsel vm0, $0x1, v3  }
0x16d: {  	(xrf0) =	vadd.scan.msk.s32 $0xffff, v7;
	_ =	sdelay $0x5  }
0x16e: {  	v7 =	vld [tilespmem:s17+$0x3380];
	v8, _, _ =	vpop (xrf0)  }
0x16f: {  	v8 =	vadd.s32 v8, v5  }
0x170: {  	p1 =	sne.s32 s21, $0x1F00;
	v8 =	vadd.s32 $0xFFFFFFFF, v8  }
.Ltmp10:
0x171: {  	_ = 	snop;
	(pc) =	sbr.rel @p1 .LBB2_22-.Ltmp10, $4  }
0x172: {  	_ = 	snop  }
0x173: {  	v9 =	vmpcnt.ones.xlane vm0;
	v7 =	vshll.u32 v7, $0xB  }
0x174: {  	[tilespmem:v6+s6+$0x0] =	vst.idx.add.f32.msk vm0, v2;
	v6 =	vadd.s32 v6, v7  }
0x175: {  	s21 =	sadd.s32 $0x40, s21;
	v5 =	vadd.s32 v5, v9;
	[tilespmem:v8+s9+$0x0] =	vst.idx.msk vm0, v6  }
0x176: {  	v5 =	vxor.u32 $0x80000000, v5  }
0x177: {  	(xrf0) =	vmax.scan.msk.u32 $0xffff, v5;
	_ =	sdelay $0x5  }
0x178: {  	v5, _, _ =	vpop (xrf0)  }
0x179: {  	(v2sf) =	vpush v5, $0xF;
	_ =	sdelay $0xe  }
0x17a: {  	s17 =	spop (v2sf)  }
0x17b: {  	s21 =	sshrl.u32 s17, $0x7  }
0x17c: {  	p1 =	seq.s32 s21, $0x1000000  }
.Ltmp11:
0x17d: {  	_ = 	snop;
	(pc) =	sbr.rel @p1 .LBB2_27-.Ltmp11, $1  }
0x17e: {  	_ =	sdelay $0x3  }
0x17f: {  	s22 =	simm.s32 $0x1;
	s23 =	simm.s32 $0x3BC0  }
.LBB2_25:
0x180: {  	v5 =	vld [tilespmem:s23+$0xFFFFFFC0];
	_ =	sdelay $0x4  }
0x181: {  	v6 =	vshrl.u32 v5, $0xB  }
0x182: {  	v5 =	vand.u32 $0x7FF, v5;
	[tilespmem:$0x8780] =	vst v6  }
0x183: {  	[tilespmem:$0x8800] =	vst v5  }
0x184: {  	v5 =	vld [tilespmem:s23+$0xFFFFFFD0];
	_ =	sdelay $0x4  }
0x185: {  	v6 =	vshrl.u32 v5, $0xB  }
0x186: {  	v5 =	vand.u32 $0x7FF, v5;
	[tilespmem:$0x8790] =	vst v6  }
0x187: {  	[tilespmem:$0x8810] =	vst v5  }
0x188: {  	v5 =	vld [tilespmem:s23+$0xFFFFFFE0];
	_ =	sdelay $0x4  }
0x189: {  	v6 =	vshrl.u32 v5, $0xB  }
0x18a: {  	v5 =	vand.u32 $0x7FF, v5;
	[tilespmem:$0x87A0] =	vst v6  }
0x18b: {  	[tilespmem:$0x8820] =	vst v5  }
0x18c: {  	v5 =	vld [tilespmem:s23+$0xFFFFFFF0];
	_ =	sdelay $0x4  }
0x18d: {  	v6 =	vshrl.u32 v5, $0xB  }
0x18e: {  	v5 =	vand.u32 $0x7FF, v5;
	[tilespmem:$0x87B0] =	vst v6  }
0x18f: {  	[tilespmem:$0x8830] =	vst v5  }
0x190: {  	v5 =	vld [tilespmem:s23+$0x0];
	_ =	sdelay $0x4  }
0x191: {  	v6 =	vshrl.u32 v5, $0xB  }
0x192: {  	v5 =	vand.u32 $0x7FF, v5;
	[tilespmem:$0x87C0] =	vst v6  }
0x193: {  	[tilespmem:$0x8840] =	vst v5  }
0x194: {  	v5 =	vld [tilespmem:s23+$0x10];
	_ =	sdelay $0x4  }
0x195: {  	v6 =	vshrl.u32 v5, $0xB  }
0x196: {  	v5 =	vand.u32 $0x7FF, v5;
	[tilespmem:$0x87D0] =	vst v6  }
0x197: {  	[tilespmem:$0x8850] =	vst v5  }
0x198: {  	v5 =	vld [tilespmem:s23+$0x20];
	_ =	sdelay $0x4  }
0x199: {  	v6 =	vshrl.u32 v5, $0xB  }
0x19a: {  	v5 =	vand.u32 $0x7FF, v5;
	[tilespmem:$0x87E0] =	vst v6  }
0x19b: {  	[tilespmem:$0x8860] =	vst v5  }
0x19c: {  	v5 =	vld [tilespmem:s23+$0x30];
	_ =	sdelay $0x4  }
0x19d: {  	v6 =	vshrl.u32 v5, $0xB  }
0x19e: {  	v5 =	vand.u32 $0x7FF, v5;
	[tilespmem:$0x87F0] =	vst v6  }
0x19f: {  	[tilespmem:$0x8870] =	vst v5  }
0x1a0: {  	[tilespmem:s10], [sflag:$0x1] =	stream.indirect.gather [spmem:s19], $0x80, s14, s12, $0xb8;
	[tilespmem:$0x1FAC0] =	vst v63  }
0x1a1: {  	s24 =	sxor.u32 s22, s21;
	_ =	swait.ge [sflag:s11], $0x4000  }
0x1a2: {  	p1 =	sne.s32 s24, $0x1000000;
	[sflag:s11] =	ssyncset.done $0x0  }
.Ltmp12:
0x1a3: {  	[sflag:s11] =	ssyncadd.s32 $0xFFFFC000;
	(pc) =	sbr.rel @p1 .LBB2_25-.Ltmp12, $4  }
0x1a4: {  	[spmem:s20] =	stream.indirect.scatter.add.f32 [tilespmem:s10], [sflag:$0x2], $0x80, s15, s12, $0xb8;
	[tilespmem:$0x1FAC0] =	vst v63  }
0x1a5: {  	_ =	swait.ge [sflag:s3], $0x4000  }
0x1a6: {  	[sflag:s3] =	ssyncset.done $0x0  }
0x1a7: {  	s22 =	sadd.s32 $0x1, s22;
	s23 =	sadd.s32 $0x80, s23;
	[sflag:s3] =	ssyncadd.s32 $0xFFFFC000  }
0x1a8: {  	s21 =	sshll.u32 s21, $0x9  }
0x1a9: {  	s21 =	sshra.s32 s21, $0x2  }
0x1aa: {  	v5 =	vld [tilespmem:s21+$0x3B80];
	_ =	sdelay $0x4  }
0x1ab: {  	[tilespmem:$0x3B80] =	vst v5  }
0x1ac: {  	v5 =	vld [tilespmem:s21+$0x3B90];
	_ =	sdelay $0x4  }
0x1ad: {  	[tilespmem:$0x3B90] =	vst v5  }
0x1ae: {  	v5 =	vld [tilespmem:s21+$0x3BA0];
	_ =	sdelay $0x4  }
0x1af: {  	[tilespmem:$0x3BA0] =	vst v5  }
0x1b0: {  	v5 =	vld [tilespmem:s21+$0x3BB0];
	_ =	sdelay $0x4  }
0x1b1: {  	[tilespmem:$0x3BB0] =	vst v5  }
0x1b2: {  	v5 =	vld [tilespmem:s21+$0x3BC0];
	_ =	sdelay $0x4  }
0x1b3: {  	[tilespmem:$0x3BC0] =	vst v5  }
0x1b4: {  	v5 =	vld [tilespmem:s21+$0x3BD0];
	_ =	sdelay $0x4  }
0x1b5: {  	[tilespmem:$0x3BD0] =	vst v5  }
0x1b6: {  	v5 =	vld [tilespmem:s21+$0x3BE0];
	_ =	sdelay $0x4  }
0x1b7: {  	[tilespmem:$0x3BE0] =	vst v5  }
0x1b8: {  	v5 =	vld [tilespmem:s21+$0x3BF0];
	_ =	sdelay $0x4  }
0x1b9: {  	[tilespmem:$0x3BF0] =	vst v5  }
.LBB2_27:
0x1ba: {  	s21 =	simm.s32 $0x0;
	s22 =	rddreg [dreg:$0x11]  }
0x1bb: {  	[tilespmem:s7], [sflag:$0x2] =	stream.linear.gather [hbm4b:s22+s21], $0x7D0, $0x38;
	[tilespmem:$0x1FAC0] =	vst v63  }
0x1bc: {  	_ =	swait.ge [sflag:s3], $0x7D0  }
0x1bd: {  	[sflag:s3] =	ssyncset.done $0x0  }
0x1be: {  	s24 =	rddreg [dreg:$0x12];
	[sflag:s3] =	ssyncadd.s32 $0xFFFFF830  }
0x1bf: {  	[tilespmem:s8], [sflag:$0x2] =	stream.linear.gather [hbm4b:s24+s21], $0x7D0, $0x38;
	[tilespmem:$0x1FAC0] =	vst v63  }
0x1c0: {  	_ =	swait.ge [sflag:s3], $0x7D0  }
0x1c1: {  	s17 =	sand.u32 $0x7F, s17;
	[sflag:s3] =	ssyncset.done $0x0  }
0x1c2: {  	v5 =	vmov s17;
	[sflag:s3] =	ssyncadd.s32 $0xFFFFF830  }
.LBB2_28:
0x1c3: {  	s17 =	sshra.s32 s21, $0x2  }
0x1c4: {  	v6 =	vld [tilespmem:s17+$0x2B80];
	_ =	sdelay $0x7  }
0x1c5: {  	v6 =	vld.idx.msk [tilespmem:v6+s4+$0x0], $0xffff;
	_ =	sdelay $0x4  }
0x1c6: {  	vm0 =	vgt.s32 v6, $0xFFFFFFFF  }
0x1c7: {  	v7 =	vsel vm0, $0x1, v3  }
0x1c8: {  	(xrf0) =	vadd.scan.msk.s32 $0xffff, v7;
	_ =	sdelay $0x5  }
0x1c9: {  	v7 =	vld [tilespmem:s17+$0x3380];
	v8, _, _ =	vpop (xrf0)  }
0x1ca: {  	v8 =	vadd.s32 v8, v5  }
0x1cb: {  	p1 =	sne.s32 s21, $0x1F00;
	v8 =	vadd.s32 $0xFFFFFFFF, v8  }
.Ltmp13:
0x1cc: {  	_ = 	snop;
	(pc) =	sbr.rel @p1 .LBB2_28-.Ltmp13, $4  }
0x1cd: {  	_ = 	snop  }
0x1ce: {  	v9 =	vmpcnt.ones.xlane vm0;
	v7 =	vshll.u32 v7, $0xB  }
0x1cf: {  	[tilespmem:v6+s6+$0x0] =	vst.idx.add.f32.msk vm0, v2;
	v6 =	vadd.s32 v6, v7  }
0x1d0: {  	s21 =	sadd.s32 $0x40, s21;
	v5 =	vadd.s32 v5, v9;
	[tilespmem:v8+s9+$0x0] =	vst.idx.msk vm0, v6  }
0x1d1: {  	v5 =	vxor.u32 $0x80000000, v5  }
0x1d2: {  	(xrf0) =	vmax.scan.msk.u32 $0xffff, v5;
	_ =	sdelay $0x5  }
0x1d3: {  	v5, _, _ =	vpop (xrf0)  }
0x1d4: {  	(v2sf) =	vpush v5, $0xF;
	_ =	sdelay $0xe  }
0x1d5: {  	s17 =	spop (v2sf)  }
0x1d6: {  	s21 =	sshrl.u32 s17, $0x7  }
0x1d7: {  	p1 =	seq.s32 s21, $0x1000000  }
.Ltmp14:
0x1d8: {  	_ = 	snop;
	(pc) =	sbr.rel @p1 .LBB2_33-.Ltmp14, $1  }
0x1d9: {  	_ =	sdelay $0x3  }
0x1da: {  	s22 =	simm.s32 $0x1;
	s23 =	simm.s32 $0x3BC0  }
.LBB2_31:
0x1db: {  	v5 =	vld [tilespmem:s23+$0xFFFFFFC0];
	_ =	sdelay $0x4  }
0x1dc: {  	v6 =	vshrl.u32 v5, $0xB  }
0x1dd: {  	v5 =	vand.u32 $0x7FF, v5;
	[tilespmem:$0x8780] =	vst v6  }
0x1de: {  	[tilespmem:$0x8800] =	vst v5  }
0x1df: {  	v5 =	vld [tilespmem:s23+$0xFFFFFFD0];
	_ =	sdelay $0x4  }
0x1e0: {  	v6 =	vshrl.u32 v5, $0xB  }
0x1e1: {  	v5 =	vand.u32 $0x7FF, v5;
	[tilespmem:$0x8790] =	vst v6  }
0x1e2: {  	[tilespmem:$0x8810] =	vst v5  }
0x1e3: {  	v5 =	vld [tilespmem:s23+$0xFFFFFFE0];
	_ =	sdelay $0x4  }
0x1e4: {  	v6 =	vshrl.u32 v5, $0xB  }
0x1e5: {  	v5 =	vand.u32 $0x7FF, v5;
	[tilespmem:$0x87A0] =	vst v6  }
0x1e6: {  	[tilespmem:$0x8820] =	vst v5  }
0x1e7: {  	v5 =	vld [tilespmem:s23+$0xFFFFFFF0];
	_ =	sdelay $0x4  }
0x1e8: {  	v6 =	vshrl.u32 v5, $0xB  }
0x1e9: {  	v5 =	vand.u32 $0x7FF, v5;
	[tilespmem:$0x87B0] =	vst v6  }
0x1ea: {  	[tilespmem:$0x8830] =	vst v5  }
0x1eb: {  	v5 =	vld [tilespmem:s23+$0x0];
	_ =	sdelay $0x4  }
0x1ec: {  	v6 =	vshrl.u32 v5, $0xB  }
0x1ed: {  	v5 =	vand.u32 $0x7FF, v5;
	[tilespmem:$0x87C0] =	vst v6  }
0x1ee: {  	[tilespmem:$0x8840] =	vst v5  }
0x1ef: {  	v5 =	vld [tilespmem:s23+$0x10];
	_ =	sdelay $0x4  }
0x1f0: {  	v6 =	vshrl.u32 v5, $0xB  }
0x1f1: {  	v5 =	vand.u32 $0x7FF, v5;
	[tilespmem:$0x87D0] =	vst v6  }
0x1f2: {  	[tilespmem:$0x8850] =	vst v5  }
0x1f3: {  	v5 =	vld [tilespmem:s23+$0x20];
	_ =	sdelay $0x4  }
0x1f4: {  	v6 =	vshrl.u32 v5, $0xB  }
0x1f5: {  	v5 =	vand.u32 $0x7FF, v5;
	[tilespmem:$0x87E0] =	vst v6  }
0x1f6: {  	[tilespmem:$0x8860] =	vst v5  }
0x1f7: {  	v5 =	vld [tilespmem:s23+$0x30];
	_ =	sdelay $0x4  }
0x1f8: {  	v6 =	vshrl.u32 v5, $0xB  }
0x1f9: {  	v5 =	vand.u32 $0x7FF, v5;
	[tilespmem:$0x87F0] =	vst v6  }
0x1fa: {  	[tilespmem:$0x8870] =	vst v5  }
0x1fb: {  	[tilespmem:s10], [sflag:$0x1] =	stream.indirect.gather [spmem:s19], $0x80, s14, s12, $0xb8;
	[tilespmem:$0x1FAC0] =	vst v63  }
0x1fc: {  	s24 =	sxor.u32 s22, s21;
	_ =	swait.ge [sflag:s11], $0x4000  }
0x1fd: {  	p1 =	sne.s32 s24, $0x1000000;
	[sflag:s11] =	ssyncset.done $0x0  }
.Ltmp15:
0x1fe: {  	[sflag:s11] =	ssyncadd.s32 $0xFFFFC000;
	(pc) =	sbr.rel @p1 .LBB2_31-.Ltmp15, $4  }
0x1ff: {  	[spmem:s20] =	stream.indirect.scatter.add.f32 [tilespmem:s10], [sflag:$0x2], $0x80, s15, s12, $0xb8;
	[tilespmem:$0x1FAC0] =	vst v63  }
0x200: {  	_ =	swait.ge [sflag:s3], $0x4000  }
0x201: {  	[sflag:s3] =	ssyncset.done $0x0  }
0x202: {  	s22 =	sadd.s32 $0x1, s22;
	s23 =	sadd.s32 $0x80, s23;
	[sflag:s3] =	ssyncadd.s32 $0xFFFFC000  }
0x203: {  	s21 =	sshll.u32 s21, $0x9  }
0x204: {  	s21 =	sshra.s32 s21, $0x2  }
0x205: {  	v5 =	vld [tilespmem:s21+$0x3B80];
	_ =	sdelay $0x4  }
0x206: {  	[tilespmem:$0x3B80] =	vst v5  }
0x207: {  	v5 =	vld [tilespmem:s21+$0x3B90];
	_ =	sdelay $0x4  }
0x208: {  	[tilespmem:$0x3B90] =	vst v5  }
0x209: {  	v5 =	vld [tilespmem:s21+$0x3BA0];
	_ =	sdelay $0x4  }
0x20a: {  	[tilespmem:$0x3BA0] =	vst v5  }
0x20b: {  	v5 =	vld [tilespmem:s21+$0x3BB0];
	_ =	sdelay $0x4  }
0x20c: {  	[tilespmem:$0x3BB0] =	vst v5  }
0x20d: {  	v5 =	vld [tilespmem:s21+$0x3BC0];
	_ =	sdelay $0x4  }
0x20e: {  	[tilespmem:$0x3BC0] =	vst v5  }
0x20f: {  	v5 =	vld [tilespmem:s21+$0x3BD0];
	_ =	sdelay $0x4  }
0x210: {  	[tilespmem:$0x3BD0] =	vst v5  }
0x211: {  	v5 =	vld [tilespmem:s21+$0x3BE0];
	_ =	sdelay $0x4  }
0x212: {  	[tilespmem:$0x3BE0] =	vst v5  }
0x213: {  	v5 =	vld [tilespmem:s21+$0x3BF0];
	_ =	sdelay $0x4  }
0x214: {  	[tilespmem:$0x3BF0] =	vst v5  }
.LBB2_33:
0x215: {  	s17 =	sand.u32 $0x7F, s17  }
0x216: {  	v5 =	vadd.s32 s17, v1;
	s21 =	sadd.s32 $0x10, s17  }
0x217: {  	s22 =	sadd.s32 $0x20, s17;
	v6 =	vadd.s32 s21, v1  }
0x218: {  	s23 =	sadd.s32 $0x30, s17;
	v7 =	vadd.s32 s22, v1  }
0x219: {  	s24 =	sadd.s32 $0x40, s17;
	v8 =	vadd.s32 s23, v1  }
0x21a: {  	v9 =	vadd.s32 s24, v1;
	s22 =	sadd.s32 $0x50, s17  }
0x21b: {  	s23 =	sadd.s32 $0x60, s17;
	[tilespmem:v5+s9+$0x0] =	vst.idx.msk $0xffff, v4;
	v5 =	vadd.s32 s22, v1  }
0x21c: {  	s24 =	sadd.s32 $0x70, s17;
	[tilespmem:v6+s9+$0x0] =	vst.idx.msk $0xffff, v4;
	v6 =	vadd.s32 s23, v1  }
0x21d: {  	[tilespmem:v7+s9+$0x0] =	vst.idx.msk $0xffff, v4;
	v7 =	vadd.s32 s24, v1  }
0x21e: {  	[tilespmem:v8+s9+$0x0] =	vst.idx.msk $0xffff, v4  }
0x21f: {  	[tilespmem:v9+s9+$0x0] =	vst.idx.msk $0xffff, v4  }
0x220: {  	[tilespmem:v5+s9+$0x0] =	vst.idx.msk $0xffff, v4  }
0x221: {  	[tilespmem:v6+s9+$0x0] =	vst.idx.msk $0xffff, v4  }
0x222: {  	p1 =	seq.s32 s17, $0x0;
	[tilespmem:v7+s9+$0x0] =	vst.idx.msk $0xffff, v4  }
0x223: {  	v5 =	vld @!p1 [tilespmem:$0x3B80];
	_ =	sdelay $0x1  }
0x224: {  	v6 =	vld @!p1 [tilespmem:$0x3B90];
	_ =	sdelay $0x1  }
0x225: {  	v7 =	vld @!p1 [tilespmem:$0x3BA0]  }
0x226: {  	v8 =	vshrl.u32 @!p1 v5, $0xB  }
0x227: {  	v5 =	vand.u32 @!p1 $0x7FF, v5;
	[tilespmem:$0x8780] =	vst @!p1 v8;
	v8 =	vld @!p1 [tilespmem:$0x3BB0]  }
0x228: {  	[tilespmem:$0x8800] =	vst @!p1 v5;
	v5 =	vshrl.u32 @!p1 v6, $0xB  }
0x229: {  	[tilespmem:$0x8790] =	vst @!p1 v5;
	v5 =	vand.u32 @!p1 $0x7FF, v6;
	v6 =	vld @!p1 [tilespmem:$0x3BC0]  }
0x22a: {  	[tilespmem:$0x8810] =	vst @!p1 v5;
	v5 =	vshrl.u32 @!p1 v7, $0xB  }
0x22b: {  	[tilespmem:$0x87A0] =	vst @!p1 v5;
	v5 =	vand.u32 @!p1 $0x7FF, v7;
	v7 =	vld @!p1 [tilespmem:$0x3BD0]  }
0x22c: {  	[tilespmem:$0x8820] =	vst @!p1 v5;
	v5 =	vshrl.u32 @!p1 v8, $0xB  }
0x22d: {  	[tilespmem:$0x87B0] =	vst @!p1 v5;
	v5 =	vand.u32 @!p1 $0x7FF, v8;
	v8 =	vld @!p1 [tilespmem:$0x3BE0]  }
0x22e: {  	[tilespmem:$0x8830] =	vst @!p1 v5;
	v5 =	vshrl.u32 @!p1 v6, $0xB  }
0x22f: {  	[tilespmem:$0x87C0] =	vst @!p1 v5;
	v5 =	vand.u32 @!p1 $0x7FF, v6;
	v6 =	vld @!p1 [tilespmem:$0x3BF0]  }
0x230: {  	[tilespmem:$0x8840] =	vst @!p1 v5;
	v5 =	vshrl.u32 @!p1 v7, $0xB  }
0x231: {  	[tilespmem:$0x87D0] =	vst @!p1 v5;
	v5 =	vand.u32 @!p1 $0x7FF, v7  }
0x232: {  	[tilespmem:$0x8850] =	vst @!p1 v5;
	v5 =	vshrl.u32 @!p1 v8, $0xB  }
0x233: {  	[tilespmem:$0x87E0] =	vst @!p1 v5;
	v5 =	vand.u32 @!p1 $0x7FF, v8  }
0x234: {  	[tilespmem:$0x8860] =	vst @!p1 v5;
	v5 =	vshrl.u32 @!p1 v6, $0xB  }
0x235: {  	[tilespmem:$0x87F0] =	vst @!p1 v5;
	v5 =	vand.u32 @!p1 $0x7FF, v6  }
0x236: {  	s17 =	simm.s32 @!p1 $0x80;
	s21 =	simm.s32 @!p1 $0x8780;
	s22 =	simm.s32 @!p1 $0x4780;
	[tilespmem:$0x8870] =	vst @!p1 v5  }
0x237: {  	[tilespmem:s22], [sflag:$0x1] =	stream.indirect.gather @!p1 [spmem:s19], $0x80, s21, s17, $0xb8;
	[tilespmem:$0x1FAC0] =	vst v63  }
0x238: {  	s21 =	simm.s32 @!p1 $0x1  }
0x239: {  	_ =	swait.ge @!p1 [sflag:s21], $0x4000  }
0x23a: {  	[sflag:s21] =	ssyncset.done @!p1 $0x0  }
0x23b: {  	[sflag:s21] =	ssyncadd.s32 @!p1 $0xFFFFC000;
	s21 =	simm.s32 @!p1 $0x8800  }
0x23c: {  	[spmem:s20] =	stream.indirect.scatter.add.f32 @!p1 [tilespmem:s22], [sflag:$0x2], $0x80, s21, s17, $0xb8;
	[tilespmem:$0x1FAC0] =	vst v63  }
0x23d: {  	s17 =	simm.s32 @!p1 $0x2  }
0x23e: {  	_ =	swait.ge @!p1 [sflag:s17], $0x4000  }
0x23f: {  	[sflag:s17] =	ssyncset.done @!p1 $0x0  }
0x240: {  	s22 =	rddreg [dreg:$0x13];
	[sflag:s17] =	ssyncadd.s32 @!p1 $0xFFFFC000  }
0x241: {  	[spmem:s22] =	stream.linear.scatter [tilespmem:s6], [sflag:$0x2], $0x400, $0x38;
	[tilespmem:$0x1FAC0] =	vst v63  }
0x242: {  	_ =	swait.ge [sflag:s3], $0x400  }
0x243: {  	[sflag:s3] =	ssyncset.done $0x0  }
0x244: {  	s23 =	simm.s32 $0x20;
	[sflag:s3] =	ssyncadd.s32 $0xFFFFFC00  }
0x245: {  	[tilespmem:s10], [sflag:$0x1] =	stream.indirect.gather [spmem:s19], $0x80, s26, s23, $0xb8;
	[tilespmem:$0x1FAC0] =	vst v63  }
0x246: {  	_ =	swait.ge [sflag:s11], $0x1000  }
0x247: {  	[sflag:s11] =	ssyncset.done $0x0  }
0x248: {  	s24 =	simm.s32 $0x0;
	[sflag:s11] =	ssyncadd.s32 $0xFFFFF000  }
0x249: {  	[hbm4b:s28+s24] =	stream.linear.scatter [tilespmem:s10], [sflag:$0x2], $0x1000, $0x38;
	[tilespmem:$0x1FAC0] =	vst v63  }
0x24a: {  	_ =	swait.ge [sflag:s3], $0x1000  }
0x24b: {  	[sflag:s3] =	ssyncset.done $0x0  }
0x24c: {  	[sflag:s3] =	ssyncadd.s32 $0xFFFFF000  }
0x24d: {  	[bflag:$0x0] =	sbarrier.arrive $0xFFFF  }
0x24e: {  	s22 =	simm.s32 $0x400;
	s23 =	simm.s32 $0x8C80;
	s21 =	rddreg [dreg:$0x14]  }
0x24f: {  	[tilespmem:s23], [sflag:$0x2] =	stream.strided.gather [spmem:s21], $0x800, s22, s12, $0x38;
	[tilespmem:$0x1FAC0] =	vst v63  }
0x250: {  	_ =	swait.ge [sflag:s3], $0x800  }
0x251: {  	[sflag:s3] =	ssyncset.done $0x0  }
0x252: {  	s24 =	simm.s32 $0x0;
	[sflag:s3] =	ssyncadd.s32 $0xFFFFF800  }
0x253: {  	v5 =	vld.idx.msk [tilespmem:v0+s24+$0x10 ss:$0x1], $0xffff  }
0x254: {  	v7 =	vld.idx.msk [tilespmem:v0+s24+$0xFFFFFFE0 ss:$0x1], $0xffff  }
0x255: {  	v10 =	vimm.f32 $0.0e+00;
	v8 =	vld.idx.msk [tilespmem:v0+s24+$0xFFFFFFF0 ss:$0x1], $0xffff  }
0x256: {  	v11 =	vimm.f32 $0.0e+00;
	v12 =	vimm.f32 $0.0e+00;
	v6 =	vimm.f32 $0.0e+00;
	s17 =	simm.s32 $0x200;
	v9 =	vld.idx.msk [tilespmem:v0+s24+$0x0 ss:$0x1], $0xffff  }
.LBB2_34:
0x257: {  	p1 =	sne.s32 s17, $0x1E00  }
.Ltmp16:
0x258: {  	s21 =	sshra.s32 s17, $0x2;
	s17 =	sadd.s32 $0x200, s17;
	(pc) =	sbr.rel @p1 .LBB2_34-.Ltmp16, $4  }
0x259: {  	v6 =	vadd.f32 v5, v6;
	v5 =	vld.idx.msk [tilespmem:v0+s21+$0x10 ss:$0x1], $0xffff  }
0x25a: {  	v10 =	vadd.f32 v7, v10;
	v7 =	vld.idx.msk [tilespmem:v0+s21+$0xFFFFFFE0 ss:$0x1], $0xffff  }
0x25b: {  	v11 =	vadd.f32 v8, v11;
	v8 =	vld.idx.msk [tilespmem:v0+s21+$0xFFFFFFF0 ss:$0x1], $0xffff  }
0x25c: {  	v12 =	vadd.f32 v9, v12;
	v9 =	vld.idx.msk [tilespmem:v0+s21+$0x0 ss:$0x1], $0xffff  }
0x25d: {  	_ = 	snop  }
0x25e: {  	v5 =	vadd.f32 v5, v6  }
0x25f: {  	v7 =	vadd.f32 v7, v10  }
0x260: {  	v8 =	vadd.f32 v8, v11;
	[tilespmem:$0x94B0] =	vst v5  }
0x261: {  	v9 =	vadd.f32 v9, v12;
	[tilespmem:$0x9480] =	vst v7  }
0x262: {  	[tilespmem:$0x9490] =	vst v8  }
0x263: {  	s17 =	rddreg [dreg:$0x15];
	s21 =	simm.s32 $0x9480;
	[tilespmem:$0x94A0] =	vst v9  }
0x264: {  	[spmem:s17] =	stream.linear.scatter [tilespmem:s21], [sflag:$0x2], $0x40, $0x38;
	[tilespmem:$0x1FAC0] =	vst v63  }
0x265: {  	_ =	swait.ge [sflag:s3], $0x40  }
0x266: {  	[sflag:s3] =	ssyncset.done $0x0  }
0x267: {  	[sflag:s3] =	ssyncadd.s32 $0xFFFFFFC0  }
0x268: {  	[bflag:$0x0] =	sbarrier.arrive $0xFFFF  }
0x269: {  	s21 =	rddreg [dreg:$0x7]  }
0x26a: {  	[tilespmem:s13], [sflag:$0x2] =	stream.linear.gather [spmem:s21], $0x400, $0x38;
	[tilespmem:$0x1FAC0] =	vst v63  }
0x26b: {  	_ =	swait.ge [sflag:s3], $0x400  }
0x26c: {  	[sflag:s3] =	ssyncset.done $0x0  }
0x26d: {  	[sflag:s3] =	ssyncadd.s32 $0xFFFFFC00  }
0x26e: {  	v5 =	vld [tilespmem:s5+$0x2780];
	_ =	sdelay $0x7  }
0x26f: {  	v5 =	vld.idx.msk [tilespmem:v5+s4+$0x0], $0xffff;
	_ =	sdelay $0x6  }
0x270: {  	[tilespmem:$0x9900] =	vst v5  }
0x271: {  	v5 =	vld.idx.msk [tilespmem:v5+s13+$0x0], $0xffff;
	_ =	sdelay $0x4  }
0x272: {  	[tilespmem:$0x9980] =	vst v5  }
0x273: {  	v5 =	vld [tilespmem:s5+$0x2790];
	_ =	sdelay $0x7  }
0x274: {  	v5 =	vld.idx.msk [tilespmem:v5+s4+$0x0], $0xffff;
	_ =	sdelay $0x6  }
0x275: {  	[tilespmem:$0x9910] =	vst v5  }
0x276: {  	v5 =	vld.idx.msk [tilespmem:v5+s13+$0x0], $0xffff;
	_ =	sdelay $0x4  }
0x277: {  	[tilespmem:$0x9990] =	vst v5  }
0x278: {  	v5 =	vld [tilespmem:s5+$0x27A0];
	_ =	sdelay $0x7  }
0x279: {  	v5 =	vld.idx.msk [tilespmem:v5+s4+$0x0], $0xffff;
	_ =	sdelay $0x6  }
0x27a: {  	[tilespmem:$0x9920] =	vst v5  }
0x27b: {  	v5 =	vld.idx.msk [tilespmem:v5+s13+$0x0], $0xffff;
	_ =	sdelay $0x4  }
0x27c: {  	[tilespmem:$0x99A0] =	vst v5  }
0x27d: {  	v5 =	vld [tilespmem:s5+$0x27B0];
	_ =	sdelay $0x7  }
0x27e: {  	v5 =	vld.idx.msk [tilespmem:v5+s4+$0x0], $0xffff;
	_ =	sdelay $0x6  }
0x27f: {  	[tilespmem:$0x9930] =	vst v5  }
0x280: {  	v5 =	vld.idx.msk [tilespmem:v5+s13+$0x0], $0xffff;
	_ =	sdelay $0x4  }
0x281: {  	s22 =	simm.s32 $0x40;
	s23 =	simm.s32 $0x9900;
	[tilespmem:$0x99B0] =	vst v5  }
0x282: {  	[tilespmem:s10], [sflag:$0x1] =	stream.indirect.gather [spmem:s20], $0x80, s23, s22, $0xb8;
	[tilespmem:$0x1FAC0] =	vst v63  }
0x283: {  	_ =	swait.ge [sflag:s11], $0x2000  }
0x284: {  	[sflag:s11] =	ssyncset.done $0x0  }
0x285: {  	[sflag:s11] =	ssyncadd.s32 $0xFFFFE000  }
0x286: {  	[hbm4b:s29+s4] =	stream.linear.scatter [tilespmem:s10], [sflag:$0x2], $0x2000, $0x38;
	[tilespmem:$0x1FAC0] =	vst v63  }
0x287: {  	s16 =	sadd.s32 $0x1, s16;
	_ =	swait.ge [sflag:s3], $0x2000  }
0x288: {  	p1 =	sne.s32 s16, s31;
	[sflag:s3] =	ssyncset.done $0x0  }
.Ltmp17:
0x289: {  	s24 =	simm.s32 $0x9980;
	[sflag:s3] =	ssyncadd.s32 $0xFFFFE000;
	(pc) =	sbr.rel @p1 .LBB2_1-.Ltmp17, $4  }
0x28a: {  	[hbm4b:s30+s4] =	stream.linear.scatter [tilespmem:s24], [sflag:$0x2], $0x40, $0x38;
	[tilespmem:$0x1FAC0] =	vst v63  }
0x28b: {  	_ =	swait.ge [sflag:s3], $0x40  }
0x28c: {  	[sflag:s3] =	ssyncset.done $0x0  }
0x28d: {  	[sflag:s3] =	ssyncadd.s32 $0xFFFFFFC0  }
0x28e: {  	_ =	sfence.sel $0x180000  }
0x28f: {  	[bflag:$0x0] =	sbarrier.arrive $0xFFFF  }
0x290: {  	_ =	strace $0x90000047  }
0x291: {  	s0 =	stileid.u32;
	[bflag:$0x2] =	sbarrier.arrive $0xFFFF  }
0x292: {  	p0 =	sne.s32 s0, $0x0;
	s0 =	rddreg [dreg:$0x8]  }
0x293: {  	s0 =	sadd.s32 @!p0 $0x100000, s0  }
0x294: {  	[sflag:s0] =	ssyncadd.tile.s32 @!p0 $0x1;
	_ =	shalt  }
.Lfunc_end2:
_tile_overlayer_lowered:
.L_overlay_start_2:
0x295: {  	(tag) =	ssettag $0x2  }
0x296: {  	s0 =	rddreg [dreg:$0x0];
	s2 =	stileid.u32  }
0x297: {  	s1 =	rddreg [dreg:$0x1];
	p0 =	sne.s32 s2, $0x0  }
0x298: {  	s3 =	rddreg [dreg:$0x2];
	[bflag:$0x3] =	sbarrier.arrive $0xFFFF;
	s2 =	simm.s32 @!p0 $0x1C02  }
0x299: {  	[timem:s3], [sflag:s2] =	dma.local @!p0 [hbm:s0], s1  }
0x29a: {  	s0 =	simm.s32 @!p0 $0x2  }
0x29b: {  	_ =	swait.ge @!p0 [sflag:s0], s1  }
0x29c: {  	s1 =	ssub.s32 @!p0 $0x0, s1;
	[sflag:s0] =	ssyncset.done @!p0 $0x0  }
0x29d: {  	[sflag:s0] =	ssyncadd.s32 @!p0 s1  }
0x29e: {  	[bflag:$0x3] =	sbarrier.arrive $0xFFFF  }
0x29f: {  	_ =	shalt  }

</sc_bundles>
